<compile_context>
chip_gen: v7x
topology: tpu7x:2x2x1
jax: 0.10.2.dev20260603
libtpu: 0.0.44.dev20260713+nightly
codegen_flags: <defaults>
</compile_context>

<pallas_src>
import functools

import jax
import jax.numpy as jnp
from jax.experimental import pallas as pl
from jax.experimental.pallas import tpu as pltpu

N_POINTS = 2048
N_SAMPLES = 16
N_LAYER = 8


def _pdist2squared(x, y):
    xx = jnp.sum(x ** 2, axis=1)[:, :, None]
    yy = jnp.sum(y ** 2, axis=1)[:, None, :]
    d = xx + yy - 2.0 * jnp.einsum('bcn,bcp->bnp', x, y)
    d = jnp.where(jnp.isnan(d), 0.0, d)
    return jnp.clip(d, 0.0, None)


def _group_gather(feat, ind):
    return jax.vmap(lambda f, i: f[:, i])(feat, ind)


def _fps(xyz, npoint):
    B, N, _ = xyz.shape

    def body(i, state):
        idx, dists, far = state
        idx = idx.at[:, i].set(far)
        centroid = jnp.take_along_axis(xyz, far[:, None, None], axis=1)
        d = jnp.sum((xyz - centroid) ** 2, axis=-1)
        dists = jnp.minimum(dists, d)
        far = jnp.argmax(dists, axis=-1).astype(jnp.int32)
        return (idx, dists, far)

    init = (jnp.zeros((B, npoint), jnp.int32), jnp.full((B, N), 1e10, jnp.float32), jnp.zeros((B,), jnp.int32))
    idx, _, _ = jax.lax.fori_loop(0, npoint, body, init)
    return idx


def _bn_train(x, g, b, axes, eps=1e-3):
    m = jnp.mean(x, axis=axes, keepdims=True)
    v = jnp.var(x, axis=axes, keepdims=True)
    shape = [1] * x.ndim
    shape[1] = -1
    return (x - m) / jnp.sqrt(v + eps) * g.reshape(shape) + b.reshape(shape)


def _sample_k(xyz_full, xyz_sampled, num_samples):
    dist = _pdist2squared(xyz_full, xyz_sampled)
    _, ind = jax.lax.top_k(-jnp.transpose(dist, (0, 2, 1)), num_samples)
    return ind


def _pcconv(xyz_grouped, feat, ind, layer_params):
    feat_g = _group_gather(feat, ind)
    w = xyz_grouped
    for p in layer_params:
        w = jnp.einsum('bcps,oc->bops', w, p['W']) + p['b'][None, :, None, None]
        w = _bn_train(w, p['g'], p['be'], (0, 2, 3))
        w = jax.nn.relu(w)
    return jnp.einsum('bcps,bwps->bwp', feat_g, w) / w.shape[3]


def _three_nn(unknown, known):
    d = jnp.sum(unknown ** 2, -1)[:, :, None] + jnp.sum(known ** 2, -1)[:, None, :] - 2.0 * jnp.einsum('bnc,bpc->bnp', unknown, known)
    d = jnp.clip(d, 0.0, None)
    negd, ind = jax.lax.top_k(-d, 3)
    return jax.lax.stop_gradient(-negd), ind


def _linear_block(x, lin_params):
    for p in lin_params:
        x = x @ p['W'].T + p['b']
        x = _bn_train(x, p['g'], p['be'], (0,))
        x = jax.nn.relu(x)
    return x


def _feature_prop(xyz1, xyz2, feat1, feat2, fp_params):
    dist2, ind = _three_nn(jnp.transpose(xyz2, (0, 2, 1)), jnp.transpose(xyz1, (0, 2, 1)))
    inv = 1.0 / (dist2 + 1e-10)
    weights = inv / jnp.sum(inv, axis=2, keepdims=True)
    new = jnp.sum(_group_gather(feat1, ind) * weights[:, None, :, :], axis=3)
    new = jnp.concatenate([new, feat2], axis=1)
    x = new[..., None]
    for p in fp_params:
        x = jnp.einsum('bcns,oc->bons', x, p['W']) + p['b'][None, :, None, None]
        x = _bn_train(x, p['g'], p['be'], (0, 2, 3))
        x = jax.nn.relu(x)
    return x[..., 0]



def _fps_body(xyz_ref, idx_ref, dists_ref):
    B, _, NS, NL = xyz_ref.shape
    N = NS * NL
    x0 = xyz_ref[:, 0]
    x1 = xyz_ref[:, 1]
    x2 = xyz_ref[:, 2]
    i_s = jax.lax.broadcasted_iota(jnp.int32, (B, NS, NL), 1)
    i_l = jax.lax.broadcasted_iota(jnp.int32, (B, NS, NL), 2)
    n_idx = i_s * NL + i_l
    dists_ref[...] = jnp.full((B, NS, NL), 1e10, jnp.float32)

    def body(i, state):
        far, idxacc = state
        idxacc = jnp.where(n_idx == i, far, idxacc)
        onehot = n_idx == far
        c0 = jnp.sum(jnp.where(onehot, x0, 0.0), axis=(1, 2), keepdims=True)
        c1 = jnp.sum(jnp.where(onehot, x1, 0.0), axis=(1, 2), keepdims=True)
        c2 = jnp.sum(jnp.where(onehot, x2, 0.0), axis=(1, 2), keepdims=True)
        d = (x0 - c0) ** 2 + (x1 - c1) ** 2 + (x2 - c2) ** 2
        dists = jnp.minimum(dists_ref[...], d)
        dists_ref[...] = dists
        m = jnp.max(dists, axis=(1, 2), keepdims=True)
        far_new = jnp.min(jnp.where(dists == m, n_idx, N), axis=(1, 2), keepdims=True)
        return far_new, idxacc

    init = (jnp.zeros((B, 1, 1), jnp.int32), jnp.zeros((B, NS, NL), jnp.int32))
    _, idxacc = jax.lax.fori_loop(0, N, body, init)
    idx_ref[...] = idxacc.reshape(B, N)


def _fps_pallas(xyz, interpret=False):
    B, C, N = xyz.shape
    NS, NL = 8, N // 8
    xyz_r = xyz.reshape(B, C, NS, NL)
    return pl.pallas_call(
        _fps_body,
        out_shape=jax.ShapeDtypeStruct((B, N), jnp.int32),
        scratch_shapes=[pltpu.VMEM((B, NS, NL), jnp.float32)],
        interpret=interpret,
    )(xyz_r)



def _sc_gather_flat(table, idx2d):
    from jax.experimental.pallas import tpu_sc as plsc
    NROWS = idx2d.shape[0]
    NW = 32
    rpw = NROWS // NW
    assert rpw * NW == NROWS
    mesh = plsc.VectorSubcoreMesh(core_axis_name="c", subcore_axis_name="s")

    @functools.partial(
        pl.kernel, mesh=mesh,
        out_type=jax.ShapeDtypeStruct((NROWS, 128), jnp.float32),
        scratch_types=[
            pltpu.VMEM((rpw, 128), jnp.int32),
            pltpu.VMEM((rpw, 128), jnp.float32),
            pltpu.SemaphoreType.DMA,
        ],
    )
    def k(tab_hbm, idx_hbm, out_hbm, idx_v, rows_v, sem):
        wid = jax.lax.axis_index("s") * 2 + jax.lax.axis_index("c")
        base = wid * rpw
        pltpu.sync_copy(idx_hbm.at[pl.ds(base, rpw)], idx_v)

        def body(c, carry):
            pltpu.async_copy(tab_hbm.at[idx_v.at[c]], rows_v.at[c], sem).wait()
            return carry

        jax.lax.fori_loop(0, rpw, body, 0)
        pltpu.sync_copy(rows_v, out_hbm.at[pl.ds(base, rpw)])

    return k(table, idx2d)



def _y1stats_body(x_ref, a1_ref, c1_ref, m1_ref, s_ref, *, centered):
    bc = pl.program_id(0)
    t = pl.program_id(1)
    xs = x_ref[0]
    y1 = jnp.dot(a1_ref[...], xs, preferred_element_type=jnp.float32) + c1_ref[...]

    @pl.when(jnp.logical_and(bc % 4 == 0, t == 0))
    def _():
        s_ref[0] = jnp.zeros_like(s_ref[0])

    if centered:
        d = y1 - m1_ref[0]
        s_ref[0] += jnp.sum(d * d, axis=1, keepdims=True)
    else:
        s_ref[0] += jnp.sum(y1, axis=1, keepdims=True)


def _y1stats(x, A1, c1, m1, centered, n_tiles=4):
    R, C, M = x.shape
    K = A1.shape[0]
    T = M // n_tiles
    return pl.pallas_call(
        functools.partial(_y1stats_body, centered=centered),
        grid=(R, n_tiles),
        in_specs=[
            pl.BlockSpec((1, C, T), lambda bc, t: (bc, 0, t)),
            pl.BlockSpec((K, C), lambda bc, t: (0, 0)),
            pl.BlockSpec((K, 1), lambda bc, t: (0, 0)),
            pl.BlockSpec((1, K, 1), lambda bc, t: (bc // 4, 0, 0)),
        ],
        out_specs=pl.BlockSpec((1, K, 1), lambda bc, t: (bc // 4, 0, 0)),
        out_shape=jax.ShapeDtypeStruct((2, K, 1), jnp.float32),
    )(x, A1, c1, m1)


def _blockdiag_y2(z1, w2a_ref, w2b_ref, c2_ref):
    c2 = c2_ref[...]
    parts = []
    for l in range(7):
        zl = z1[l * 16:(l + 1) * 16]
        parts.append(jnp.dot(w2a_ref[l], zl, preferred_element_type=jnp.float32)
                     + c2[l * 32:(l + 1) * 32])
    parts.append(jnp.dot(w2b_ref[...], z1[112:176], preferred_element_type=jnp.float32)
                 + c2[224:352])
    return jnp.concatenate(parts, axis=0)


def _bn_apply(y, bnp):
    m = bnp[0][:, None]
    sd = bnp[1][:, None]
    g = bnp[2][:, None]
    be = bnp[3][:, None]
    return jnp.maximum((y - m) / sd * g + be, 0.0)


def _y2stats_body(x_ref, a1_ref, c1_ref, bn1_ref, w2a_ref, w2b_ref, c2_ref,
                  m2_ref, s_ref, *, centered):
    bc = pl.program_id(0)
    t = pl.program_id(1)
    xs = x_ref[0]
    y1 = jnp.dot(a1_ref[...], xs, preferred_element_type=jnp.float32) + c1_ref[...]
    z1 = _bn_apply(y1, bn1_ref[0])
    y2 = _blockdiag_y2(z1, w2a_ref, w2b_ref, c2_ref)

    @pl.when(jnp.logical_and(bc % 4 == 0, t == 0))
    def _():
        s_ref[0] = jnp.zeros_like(s_ref[0])

    if centered:
        d = y2 - m2_ref[0]
        s_ref[0] += jnp.sum(d * d, axis=1, keepdims=True)
    else:
        s_ref[0] += jnp.sum(y2, axis=1, keepdims=True)


def _y2stats(x, A1, c1, bn1, W2a, W2b, c2, m2, centered, n_tiles=4):
    R, C, M = x.shape
    K1 = A1.shape[0]
    K2 = c2.shape[0]
    T = M // n_tiles
    return pl.pallas_call(
        functools.partial(_y2stats_body, centered=centered),
        grid=(R, n_tiles),
        in_specs=[
            pl.BlockSpec((1, C, T), lambda bc, t: (bc, 0, t)),
            pl.BlockSpec((K1, C), lambda bc, t: (0, 0)),
            pl.BlockSpec((K1, 1), lambda bc, t: (0, 0)),
            pl.BlockSpec((1, 4, K1), lambda bc, t: (bc // 4, 0, 0)),
            pl.BlockSpec(W2a.shape, lambda bc, t: (0, 0, 0)),
            pl.BlockSpec(W2b.shape, lambda bc, t: (0, 0)),
            pl.BlockSpec((K2, 1), lambda bc, t: (0, 0)),
            pl.BlockSpec((1, K2, 1), lambda bc, t: (bc // 4, 0, 0)),
        ],
        out_specs=pl.BlockSpec((1, K2, 1), lambda bc, t: (bc // 4, 0, 0)),
        out_shape=jax.ShapeDtypeStruct((2, K2, 1), jnp.float32),
    )(x, A1, c1, bn1, W2a, W2b, c2, m2)



def _pcstep_body(x_ref, g_ref, f_ref, a1_ref, c1_ref, bn1_ref, w2_ref, c2_ref,
                 bn2_ref, fo_ref):
    S = x_ref.shape[2]
    a1 = a1_ref[...]
    c1 = c1_ref[...]
    w2 = w2_ref[...]
    c2 = c2_ref[...]
    bn1 = bn1_ref[0]
    bn2 = bn2_ref[0]
    C2 = w2.shape[0]
    P = x_ref.shape[3]
    delta = jnp.zeros((C2, P), jnp.float32)
    for s in range(S):
        xs = x_ref[0, :, s, :]
        y1 = jnp.dot(a1, xs, preferred_element_type=jnp.float32) + c1
        z1 = _bn_apply(y1, bn1)
        y2 = jnp.dot(w2, z1, preferred_element_type=jnp.float32) + c2
        z2 = _bn_apply(y2, bn2)
        delta = delta + z2 * g_ref[0, 0, s, :][None, :]
    fn = f_ref[0] + delta * (1.0 / S)
    fo_ref[0] = fn


def _pcconv_step(x_sm, g_sm, f_prev, A1, c1, bn1, W2, c2, bn2):
    R, _, S, P = x_sm.shape
    C1 = A1.shape[0]
    C2 = W2.shape[0]
    return pl.pallas_call(
        _pcstep_body,
        grid=(R,),
        in_specs=[
            pl.BlockSpec((1, 3, S, P), lambda bc: (bc, 0, 0, 0)),
            pl.BlockSpec((1, 1, S, P), lambda bc: (bc, 0, 0, 0)),
            pl.BlockSpec((1, C2, P), lambda bc: (bc, 0, 0)),
            pl.BlockSpec((C1, 3), lambda bc: (0, 0)),
            pl.BlockSpec((C1, 1), lambda bc: (0, 0)),
            pl.BlockSpec((1, 4, C1), lambda bc: (bc // 4, 0, 0)),
            pl.BlockSpec((C2, C1), lambda bc: (0, 0)),
            pl.BlockSpec((C2, 1), lambda bc: (0, 0)),
            pl.BlockSpec((1, 4, C2), lambda bc: (bc // 4, 0, 0)),
        ],
        out_specs=pl.BlockSpec((1, C2, P), lambda bc: (bc, 0, 0)),
        out_shape=jax.ShapeDtypeStruct((R, C2, P), jnp.float32),
    )(x_sm, g_sm, f_prev, A1, c1, bn1, W2, c2, bn2)


def _pcconv_stack(xyz_g_sm, idxT_flat, cs0, pc_params):
    R, _, S, P = xyz_g_sm.shape
    M = S * P
    x_flat = xyz_g_sm.reshape(R, 3, M)
    N4 = jnp.float32(4 * M)

    A1cat = jnp.concatenate([pc_params[l][0]['W'] for l in range(N_LAYER)], 0)
    c1cat = jnp.concatenate([pc_params[l][0]['b'] for l in range(N_LAYER)])[:, None]
    g1cat = jnp.concatenate([pc_params[l][0]['g'] for l in range(N_LAYER)])
    be1cat = jnp.concatenate([pc_params[l][0]['be'] for l in range(N_LAYER)])
    W2a = jnp.stack([pc_params[l][1]['W'] for l in range(N_LAYER - 1)])
    W2b = pc_params[N_LAYER - 1][1]['W']
    c2cat = jnp.concatenate([pc_params[l][1]['b'] for l in range(N_LAYER)])[:, None]
    g2cat = jnp.concatenate([pc_params[l][1]['g'] for l in range(N_LAYER)])
    be2cat = jnp.concatenate([pc_params[l][1]['be'] for l in range(N_LAYER)])

    K1 = A1cat.shape[0]
    K2 = c2cat.shape[0]
    zero1 = jnp.zeros((2, K1, 1), jnp.float32)
    zero2 = jnp.zeros((2, K2, 1), jnp.float32)

    m1 = _y1stats(x_flat, A1cat, c1cat, zero1, False) / N4
    v1 = _y1stats(x_flat, A1cat, c1cat, m1, True) / N4
    sd1 = jnp.sqrt(v1 + 1e-3)
    bn1 = jnp.stack([m1[:, :, 0], sd1[:, :, 0],
                     jnp.tile(g1cat, (2, 1)), jnp.tile(be1cat, (2, 1))], axis=1)

    m2 = _y2stats(x_flat, A1cat, c1cat, bn1, W2a, W2b, c2cat, zero2, False) / N4
    v2 = _y2stats(x_flat, A1cat, c1cat, bn1, W2a, W2b, c2cat, m2, True) / N4
    sd2 = jnp.sqrt(v2 + 1e-3)
    bn2 = jnp.stack([m2[:, :, 0], sd2[:, :, 0],
                     jnp.tile(g2cat, (2, 1)), jnp.tile(be2cat, (2, 1))], axis=1)

    J = M
    V = cs0.shape[1]
    row_off = (jnp.arange(R, dtype=jnp.int32) * V)[:, None]
    gidx2d = (idxT_flat + row_off).reshape(R * J // 128, 128)
    cs = cs0
    f = None
    for l in range(N_LAYER):
        C1 = pc_params[l][0]['W'].shape[0]
        C2 = pc_params[l][1]['W'].shape[0]
        o1 = 16 * l if l < N_LAYER - 1 else 112
        o2 = 32 * l if l < N_LAYER - 1 else 224
        g_flat = _sc_gather_flat(cs.reshape(-1), gidx2d)
        g_sm = g_flat.reshape(R, 1, S, P)
        if l == 0 or l == N_LAYER - 1:
            f_prev = jnp.zeros((R, C2, P), jnp.float32)
        else:
            f_prev = f
        f = _pcconv_step(
            xyz_g_sm, g_sm, f_prev,
            A1cat[o1:o1 + C1], c1cat[o1:o1 + C1], bn1[:, :, o1:o1 + C1],
            pc_params[l][1]['W'], c2cat[o2:o2 + C2], bn2[:, :, o2:o2 + C2])
        cs = jnp.sum(f, axis=1)
    return f


def _final_conv_body(x_ref, w_ref, b_ref, o_ref):
    x = x_ref[0]
    w = w_ref[...]
    o_ref[0] = jnp.dot(w, x, preferred_element_type=jnp.float32) + b_ref[...][:, None]


def _final_conv(x, W, b):
    B, C, N = x.shape
    O = W.shape[0]
    return pl.pallas_call(
        _final_conv_body,
        grid=(B,),
        in_specs=[
            pl.BlockSpec((1, C, N), lambda i: (i, 0, 0)),
            pl.BlockSpec((O, C), lambda i: (0, 0)),
            pl.BlockSpec((O,), lambda i: (0,)),
        ],
        out_specs=pl.BlockSpec((1, O, N), lambda i: (i, 0, 0)),
        out_shape=jax.ShapeDtypeStruct((B, O, N), jnp.float32),
    )(x, W, b)


def _classifier_head(x, cls_params):
    for p in cls_params[:-1]:
        x = jnp.einsum('bcn,oc->bon', x, p['W']) + p['b'][None, :, None]
        x = _bn_train(x, p['g'], p['be'], (0, 2))
        x = jax.nn.relu(x)
    p = cls_params[-1]
    return _final_conv(x, p['W'], p['b'])


def kernel(xyz1, xyz2, feat1, feat2, params):
    xyz1_ind = _fps_pallas(xyz1)
    xyz1_1 = jax.vmap(lambda p, i: p[:, i])(xyz1, xyz1_ind)
    ind1 = _sample_k(xyz1, xyz1_1, N_SAMPLES)
    ind2 = _sample_k(xyz2, xyz1_1, N_SAMPLES)
    pc = params['pcconv']
    ind1T = jnp.transpose(ind1, (0, 2, 1))
    ind2T = jnp.transpose(ind2, (0, 2, 1))
    xyz1_g_sm = jax.vmap(lambda p, i: p[:, i])(xyz1, ind1T) - xyz1_1[:, :, None, :]
    xyz2_g_sm = jax.vmap(lambda p, i: p[:, i])(xyz2, ind2T) - xyz1_1[:, :, None, :]
    x_sm = jnp.concatenate([xyz1_g_sm, xyz2_g_sm], 0)
    B = x_sm.shape[0] // 2
    idxT = jnp.concatenate([ind1T, ind2T], 0).reshape(2 * B, -1).astype(jnp.int32)
    cs0 = jnp.concatenate([feat1[:, 0, :], feat2[:, 0, :]], 0)
    fout = _pcconv_stack(x_sm, idxT, cs0, pc)
    f1, f2 = fout[:B], fout[B:]
    p1 = _linear_block(jnp.max(f1, axis=2), params['lin'])[:, :, None]
    p2 = _linear_block(jnp.max(f2, axis=2), params['lin'])[:, :, None]
    P = f1.shape[-1]
    feat_final = jnp.concatenate([jnp.repeat(p1, P, axis=2), f1, jnp.repeat(p2, P, axis=2), f2], axis=1)
    feat_final = _feature_prop(xyz1_1, xyz1, feat_final, feat1, params['fp'])
    return _classifier_head(feat_final, params['cls'])

# --- scband reference (transcript-rebuilt; emitter-appended) ---
"""Pipeline reference for scband-dpcn-28767690948915 (READ-ONLY COPY).

The authoritative reference and input builder live on the scoring server;
editing this copy changes nothing except your own understanding.
"""

import jax, jax.numpy as jnp
import numpy as np

NUM_POINTS = 2048
NUM_SAMPLES = 16
NUM_LAYER = 8


def pdist2squared(x, y):
    xx = jnp.sum(x ** 2, axis=1)[:, :, None]
    yy = jnp.sum(y ** 2, axis=1)[:, None, :]
    d = xx + yy - 2.0 * jnp.einsum('bcn,bcp->bnp', x, y)
    d = jnp.where(jnp.isnan(d), 0.0, d)
    return jnp.clip(d, 0.0, None)


def group_gather(feat, ind):
    # feat [B,C,N], ind [B,P,S] -> [B,C,P,S]  (group_gather_by_index)
    return jax.vmap(lambda f, i: f[:, i])(feat, ind)


def fps(xyz, npoint):
    # furthest_point_sampling, xyz [B,N,3] -> idx [B,npoint]
    B, N, _ = xyz.shape

    def body(i, state):
        idx, dists, far = state
        idx = idx.at[:, i].set(far)
        centroid = jnp.take_along_axis(xyz, far[:, None, None], axis=1)
        d = jnp.sum((xyz - centroid) ** 2, axis=-1)
        dists = jnp.minimum(dists, d)
        far = jnp.argmax(dists, axis=-1).astype(jnp.int32)
        return (idx, dists, far)

    init = (jnp.zeros((B, npoint), jnp.int32), jnp.full((B, N), 1e10, jnp.float32), jnp.zeros((B,), jnp.int32))
    idx, _, _ = jax.lax.fori_loop(0, npoint, body, init)
    return idx


def bn_train(x, g, b, axes, eps=1e-3):
    # BatchNorm in training mode (batch statistics, biased variance), eps=0.001 as in torch module
    m = jnp.mean(x, axis=axes, keepdims=True)
    v = jnp.var(x, axis=axes, keepdims=True)
    shape = [1] * x.ndim
    shape[1] = -1
    return (x - m) / jnp.sqrt(v + eps) * g.reshape(shape) + b.reshape(shape)


def sample_k(xyz_full, xyz_sampled, num_samples):
    # SampleK with knn=True: indices of num_samples nearest full-cloud points per sampled point
    dist = pdist2squared(xyz_full, xyz_sampled)  # [B,N,P]
    _, ind = jax.lax.top_k(-jnp.transpose(dist, (0, 2, 1)), num_samples)  # [B,P,S]
    return ind


def pcconv(xyz_grouped, feat, ind, layer_params):
    feat_g = group_gather(feat, ind)  # [B,C,P,S]
    w = xyz_grouped
    for p in layer_params:
        w = jnp.einsum('bcps,oc->bops', w, p['W']) + p['b'][None, :, None, None]
        w = bn_train(w, p['g'], p['be'], (0, 2, 3))
        w = jax.nn.relu(w)
    # sum over samples S and feature channels C, divide by S (faithful to torch broadcast-sum)
    return jnp.einsum('bcps,bwps->bwp', feat_g, w) / w.shape[3]


def three_nn(unknown, known):
    # returns SQUARED distances (torch code does dist*dist on three_nn output) and indices of 3 NN
    d = jnp.sum(unknown ** 2, -1)[:, :, None] + jnp.sum(known ** 2, -1)[:, None, :] - 2.0 * jnp.einsum('bnc,bpc->bnp', unknown, known)
    d = jnp.clip(d, 0.0, None)
    negd, ind = jax.lax.top_k(-d, 3)
    # CUDA three_nn is non-differentiable w.r.t. coordinates
    return jax.lax.stop_gradient(-negd), ind


def linear_block(x, lin_params):
    for p in lin_params:
        x = x @ p['W'].T + p['b']
        x = bn_train(x, p['g'], p['be'], (0,))
        x = jax.nn.relu(x)
    return x


def feature_prop(xyz1, xyz2, feat1, feat2, fp_params):
    dist2, ind = three_nn(jnp.transpose(xyz2, (0, 2, 1)), jnp.transpose(xyz1, (0, 2, 1)))
    inv = 1.0 / (dist2 + 1e-10)
    weights = inv / jnp.sum(inv, axis=2, keepdims=True)  # [B,N,3]
    new = jnp.sum(group_gather(feat1, ind) * weights[:, None, :, :], axis=3)  # [B,512,N]
    new = jnp.concatenate([new, feat2], axis=1)  # [B,513,N]
    x = new[..., None]
    for p in fp_params:
        x = jnp.einsum('bcns,oc->bons', x, p['W']) + p['b'][None, :, None, None]
        x = bn_train(x, p['g'], p['be'], (0, 2, 3))
        x = jax.nn.relu(x)
    return x[..., 0]


def classifier_head(x, cls_params):
    for p in cls_params:
        x = jnp.einsum('bcn,oc->bon', x, p['W']) + p['b'][None, :, None]
        if 'g' in p:
            x = bn_train(x, p['g'], p['be'], (0, 2))
            x = jax.nn.relu(x)
    return x


def dpcn_forward(xyz1, xyz2, feat1, feat2, params):
    xyz1_ind = fps(jax.lax.stop_gradient(jnp.transpose(xyz1, (0, 2, 1))), NUM_POINTS)
    xyz1_1 = jax.vmap(lambda p, i: p[:, i])(xyz1, xyz1_ind)  # fps_gather_by_index -> [B,3,P]
    ind1 = sample_k(xyz1, xyz1_1, NUM_SAMPLES)
    ind2 = sample_k(xyz2, xyz1_1, NUM_SAMPLES)
    xyz1_g = group_gather(xyz1, ind1) - xyz1_1[..., None]
    xyz2_g = group_gather(xyz2, ind2) - xyz1_1[..., None]
    pc = params['pcconv']
    f1 = pcconv(xyz1_g, feat1, ind1, pc[0])
    f2 = pcconv(xyz2_g, feat2, ind2, pc[0])
    for i in range(1, NUM_LAYER - 1):
        f1 = f1 + pcconv(xyz1_g, f1, ind1, pc[i])
        f2 = f2 + pcconv(xyz2_g, f2, ind2, pc[i])
    f1 = pcconv(xyz1_g, f1, ind1, pc[NUM_LAYER - 1])
    f2 = pcconv(xyz2_g, f2, ind2, pc[NUM_LAYER - 1])
    p1 = linear_block(jnp.max(f1, axis=2), params['lin'])[:, :, None]
    p2 = linear_block(jnp.max(f2, axis=2), params['lin'])[:, :, None]
    P = f1.shape[-1]
    feat_final = jnp.concatenate([jnp.repeat(p1, P, axis=2), f1, jnp.repeat(p2, P, axis=2), f2], axis=1)
    feat_final = feature_prop(xyz1_1, xyz1, feat_final, feat1, params['fp'])
    return classifier_head(feat_final, params['cls'])


def setup_inputs(seed: int = 0):
    key = jax.random.key(seed)
    c = [0]

    def nk():
        c[0] += 1
        return jax.random.fold_in(key, c[0])

    def conv_p(out_c, in_c, bn=True):
        p = {'W': jax.random.normal(nk(), (out_c, in_c), jnp.float32) * 0.1,
             'b': jax.random.normal(nk(), (out_c,), jnp.float32) * 0.01}
        if bn:
            p['g'] = jnp.ones((out_c,), jnp.float32)
            p['be'] = jnp.full((out_c,), 1e-4, jnp.float32)
        return p

    B, N = 4, 2048
    xyz1 = jax.random.normal(nk(), (B, 3, N), jnp.float32)
    xyz2 = jax.random.normal(nk(), (B, 3, N), jnp.float32)
    feat1 = jax.random.normal(nk(), (B, 1, N), jnp.float32)
    feat2 = jax.random.normal(nk(), (B, 1, N), jnp.float32)
    pc = []
    for i in range(NUM_LAYER):
        chs = [3, 16, 32] if i < NUM_LAYER - 1 else [3, 64, 128]
        pc.append([conv_p(chs[j + 1], chs[j]) for j in range(2)])
    params = {'pcconv': pc,
              'lin': [conv_p(256, 128), conv_p(128, 256)],
              'fp': [conv_p(256, 513), conv_p(256, 256)],
              'cls': [conv_p(256, 256), conv_p(128, 256), conv_p(3, 128, bn=False)]}
    return {'xyz1': xyz1, 'xyz2': xyz2, 'feat1': feat1, 'feat2': feat2, 'params': params}


def reference(xyz1, xyz2, feat1, feat2, params):
    return dpcn_forward(xyz1, xyz2, feat1, feat2, params)

if __name__ == "__main__":
    import jax
    _d = setup_inputs()
    print(jax.jit(kernel)(*tuple(_d.values())))

</pallas_src>

<mosaic_0001>
#map = affine_map<(d0, d1) -> (0)>
#map1 = affine_map<(d0, d1) -> (0, 0)>
module attributes {stable_mosaic.version = 14 : i64} {
  func.func @k(%arg0: i32, %arg1: i32, %arg2: memref<16384xf32, #tpu.memory_space<hbm>>, %arg3: memref<2048x128xi32, #tpu.memory_space<hbm>>, %arg4: memref<2048x128xf32, #tpu.memory_space<hbm>>, %arg5: memref<64x128xi32, #tpu.memory_space<vmem>>, %arg6: memref<64x128xf32, #tpu.memory_space<vmem>>, %arg7: memref<!tpu.dma_semaphore, #tpu.memory_space<semaphore_mem>>) attributes {dimension_semantics = [#tpu.dimension_semantics<core_parallel>, #tpu.dimension_semantics<subcore_parallel>], iteration_bounds = array<i64: 2, 16>, scalar_prefetch = 0 : i64, scratch_operands = 3 : i64, tpu.core_type = #tpu.core_type<sc_vector_subcore>, window_params = [{transform_indices = #map}, {transform_indices = #map1}, {transform_indices = #map1}]} {
    %mul3A = arith.constant 2 : i32
    %mul3A_0 = arith.muli %arg1, %mul3A : i32
    %add3A = arith.addi %mul3A_0, %arg0 : i32
    %mul3A_1 = arith.constant 64 : i32
    %mul3A_2 = arith.muli %add3A, %mul3A_1 : i32
    "tpu.region"() ({
      %run_scoped3A = tpu.sem_alloc : memref<!tpu.dma_semaphore, #tpu.memory_space<semaphore_mem>>
      %dma_start3A = arith.constant 0 : i32
      %dma_start3A_8 = tpu.memref_slice %arg3[%mul3A_2, %dma_start3A] : memref<2048x128xi32, #tpu.memory_space<hbm>> -> memref<64x128xi32, #tpu.memory_space<hbm>>
      %dma_start3A_9 = arith.constant 0 : i32
      %dma_start3A_10 = tpu.memref_slice %arg3[%mul3A_2, %dma_start3A_9] : memref<2048x128xi32, #tpu.memory_space<hbm>> -> memref<64x128xi32, #tpu.memory_space<hbm>>
      tpu.enqueue_dma source(%dma_start3A_10 : memref<64x128xi32, #tpu.memory_space<hbm>>) target(%arg5 : memref<64x128xi32, #tpu.memory_space<vmem>>) target_semaphore(%run_scoped3A : memref<!tpu.dma_semaphore, #tpu.memory_space<semaphore_mem>>)
      %dma_wait3A = arith.constant 0 : i32
      %dma_wait3A_11 = tpu.memref_slice %arg3[%mul3A_2, %dma_wait3A] : memref<2048x128xi32, #tpu.memory_space<hbm>> -> memref<64x128xi32, #tpu.memory_space<hbm>>
      %dma_wait3A_12 = arith.constant 0 : i32
      %dma_wait3A_13 = tpu.memref_slice %arg3[%mul3A_2, %dma_wait3A_12] : memref<2048x128xi32, #tpu.memory_space<hbm>> -> memref<64x128xi32, #tpu.memory_space<hbm>>
      tpu.wait_dma2 semaphore(%run_scoped3A : memref<!tpu.dma_semaphore, #tpu.memory_space<semaphore_mem>>) src(%dma_wait3A_13 : memref<64x128xi32, #tpu.memory_space<hbm>>) dst(%arg5 : memref<64x128xi32, #tpu.memory_space<vmem>>)
      tpu.yield
    }) : () -> ()
    %scan3A = arith.constant 0 : i32
    %scan3A_3 = arith.constant 0 : i32
    %scan3A_4 = arith.constant 64 : i32
    %scan3A_5 = arith.addi %scan3A_3, %scan3A_4 : i32
    %scan3A_6 = arith.constant 1 : i32
    scf.for %scan3A_8 = %scan3A_3 to %scan3A_5 step %scan3A_6  : i32 {
      %dma_start3A = arith.constant 0 : i32
      %dma_start3A_9 = tpu.memref_slice %arg6[%scan3A_8, %dma_start3A] : memref<64x128xf32, #tpu.memory_space<vmem>> -> memref<1x128xf32, #tpu.memory_space<vmem>>
      %dma_start3A_10 = tpu.memref_squeeze %dma_start3A_9 : memref<1x128xf32, #tpu.memory_space<vmem>> -> memref<128xf32, #tpu.memory_space<vmem>>
      %dma_start3A_11 = arith.constant 0 : i32
      %dma_start3A_12 = tpu.memref_slice %arg5[%scan3A_8, %dma_start3A_11] : memref<64x128xi32, #tpu.memory_space<vmem>> -> memref<1x128xi32, #tpu.memory_space<vmem>>
      %dma_start3A_13 = tpu.memref_squeeze %dma_start3A_12 : memref<1x128xi32, #tpu.memory_space<vmem>> -> memref<128xi32, #tpu.memory_space<vmem>>
      %dma_start3A_14 = arith.constant 0 : i32
      %dma_start3A_15 = tpu.memref_slice %arg2[%dma_start3A_14] : memref<16384xf32, #tpu.memory_space<hbm>> -> memref<16384xf32, #tpu.memory_space<hbm>>
      tpu.enqueue_indirect_dma source(%dma_start3A_15 : memref<16384xf32, #tpu.memory_space<hbm>>) target(%dma_start3A_10 : memref<128xf32, #tpu.memory_space<vmem>>) offsets(%dma_start3A_13 : memref<128xi32, #tpu.memory_space<vmem>>) semaphore(%arg7 : memref<!tpu.dma_semaphore, #tpu.memory_space<semaphore_mem>>)
      %dma_wait3A = arith.constant 0 : i32
      %dma_wait3A_16 = tpu.memref_slice %arg6[%scan3A_8, %dma_wait3A] : memref<64x128xf32, #tpu.memory_space<vmem>> -> memref<1x128xf32, #tpu.memory_space<vmem>>
      %dma_wait3A_17 = tpu.memref_squeeze %dma_wait3A_16 : memref<1x128xf32, #tpu.memory_space<vmem>> -> memref<128xf32, #tpu.memory_space<vmem>>
      %dma_wait3A_18 = arith.constant 0 : i32
      %dma_wait3A_19 = tpu.memref_slice %arg5[%scan3A_8, %dma_wait3A_18] : memref<64x128xi32, #tpu.memory_space<vmem>> -> memref<1x128xi32, #tpu.memory_space<vmem>>
      %dma_wait3A_20 = tpu.memref_squeeze %dma_wait3A_19 : memref<1x128xi32, #tpu.memory_space<vmem>> -> memref<128xi32, #tpu.memory_space<vmem>>
      %dma_wait3A_21 = arith.constant 0 : i32
      %dma_wait3A_22 = tpu.memref_slice %arg2[%dma_wait3A_21] : memref<16384xf32, #tpu.memory_space<hbm>> -> memref<16384xf32, #tpu.memory_space<hbm>>
      tpu.wait_indirect_dma semaphore(%arg7 : memref<!tpu.dma_semaphore, #tpu.memory_space<semaphore_mem>>) src(%dma_wait3A_22 : memref<16384xf32, #tpu.memory_space<hbm>>) dst(%dma_wait3A_17 : memref<128xf32, #tpu.memory_space<vmem>>)
    }
    %scan3A_7 = arith.constant 64 : i32
    "tpu.region"() ({
      %run_scoped3A = tpu.sem_alloc : memref<!tpu.dma_semaphore, #tpu.memory_space<semaphore_mem>>
      %dma_start3A = arith.constant 0 : i32
      %dma_start3A_8 = tpu.memref_slice %arg4[%mul3A_2, %dma_start3A] : memref<2048x128xf32, #tpu.memory_space<hbm>> -> memref<64x128xf32, #tpu.memory_space<hbm>>
      %dma_start3A_9 = arith.constant 0 : i32
      %dma_start3A_10 = tpu.memref_slice %arg4[%mul3A_2, %dma_start3A_9] : memref<2048x128xf32, #tpu.memory_space<hbm>> -> memref<64x128xf32, #tpu.memory_space<hbm>>
      tpu.enqueue_dma source(%arg6 : memref<64x128xf32, #tpu.memory_space<vmem>>) target(%dma_start3A_10 : memref<64x128xf32, #tpu.memory_space<hbm>>) target_semaphore(%run_scoped3A : memref<!tpu.dma_semaphore, #tpu.memory_space<semaphore_mem>>)
      %dma_wait3A = arith.constant 0 : i32
      %dma_wait3A_11 = tpu.memref_slice %arg4[%mul3A_2, %dma_wait3A] : memref<2048x128xf32, #tpu.memory_space<hbm>> -> memref<64x128xf32, #tpu.memory_space<hbm>>
      %dma_wait3A_12 = arith.constant 0 : i32
      %dma_wait3A_13 = tpu.memref_slice %arg4[%mul3A_2, %dma_wait3A_12] : memref<2048x128xf32, #tpu.memory_space<hbm>> -> memref<64x128xf32, #tpu.memory_space<hbm>>
      tpu.wait_dma2 semaphore(%run_scoped3A : memref<!tpu.dma_semaphore, #tpu.memory_space<semaphore_mem>>) src(%arg6 : memref<64x128xf32, #tpu.memory_space<vmem>>) dst(%dma_wait3A_13 : memref<64x128xf32, #tpu.memory_space<hbm>>)
      tpu.yield
    }) : () -> ()
    return
  }
}

#map = affine_map<(d0, d1) -> (0)>
#map1 = affine_map<(d0, d1) -> (0, 0)>
module attributes {stable_mosaic.version = 14 : i64} {
  func.func @k(%arg0: i32, %arg1: i32, %arg2: memref<16384xf32, #tpu.memory_space<hbm>>, %arg3: memref<2048x128xi32, #tpu.memory_space<hbm>>, %arg4: memref<2048x128xf32, #tpu.memory_space<hbm>>, %arg5: memref<64x128xi32, #tpu.memory_space<vmem>>, %arg6: memref<64x128xf32, #tpu.memory_space<vmem>>, %arg7: memref<!tpu.dma_semaphore, #tpu.memory_space<semaphore_mem>>) attributes {dimension_semantics = [#tpu.dimension_semantics<core_parallel>, #tpu.dimension_semantics<subcore_parallel>], iteration_bounds = array<i64: 2, 16>, scalar_prefetch = 0 : i64, scratch_operands = 3 : i64, tpu.core_type = #tpu.core_type<sc_vector_subcore>, window_params = [{transform_indices = #map}, {transform_indices = #map1}, {transform_indices = #map1}]} {
    %mul3A = arith.constant 2 : i32
    %mul3A_0 = arith.muli %arg1, %mul3A : i32
    %add3A = arith.addi %mul3A_0, %arg0 : i32
    %mul3A_1 = arith.constant 64 : i32
    %mul3A_2 = arith.muli %add3A, %mul3A_1 : i32
    "tpu.region"() ({
      %run_scoped3A = tpu.sem_alloc : memref<!tpu.dma_semaphore, #tpu.memory_space<semaphore_mem>>
      %dma_start3A = arith.constant 0 : i32
      %dma_start3A_8 = tpu.memref_slice %arg3[%mul3A_2, %dma_start3A] : memref<2048x128xi32, #tpu.memory_space<hbm>> -> memref<64x128xi32, #tpu.memory_space<hbm>>
      %dma_start3A_9 = arith.constant 0 : i32
      %dma_start3A_10 = tpu.memref_slice %arg3[%mul3A_2, %dma_start3A_9] : memref<2048x128xi32, #tpu.memory_space<hbm>> -> memref<64x128xi32, #tpu.memory_space<hbm>>
      tpu.enqueue_dma source(%dma_start3A_10 : memref<64x128xi32, #tpu.memory_space<hbm>>) target(%arg5 : memref<64x128xi32, #tpu.memory_space<vmem>>) target_semaphore(%run_scoped3A : memref<!tpu.dma_semaphore, #tpu.memory_space<semaphore_mem>>)
      %dma_wait3A = arith.constant 0 : i32
      %dma_wait3A_11 = tpu.memref_slice %arg3[%mul3A_2, %dma_wait3A] : memref<2048x128xi32, #tpu.memory_space<hbm>> -> memref<64x128xi32, #tpu.memory_space<hbm>>
      %dma_wait3A_12 = arith.constant 0 : i32
      %dma_wait3A_13 = tpu.memref_slice %arg3[%mul3A_2, %dma_wait3A_12] : memref<2048x128xi32, #tpu.memory_space<hbm>> -> memref<64x128xi32, #tpu.memory_space<hbm>>
      tpu.wait_dma2 semaphore(%run_scoped3A : memref<!tpu.dma_semaphore, #tpu.memory_space<semaphore_mem>>) src(%dma_wait3A_13 : memref<64x128xi32, #tpu.memory_space<hbm>>) dst(%arg5 : memref<64x128xi32, #tpu.memory_space<vmem>>)
      tpu.yield
    }) : () -> ()
    %scan3A = arith.constant 0 : i32
    %scan3A_3 = arith.constant 0 : i32
    %scan3A_4 = arith.constant 64 : i32
    %scan3A_5 = arith.addi %scan3A_3, %scan3A_4 : i32
    %scan3A_6 = arith.constant 1 : i32
    scf.for %scan3A_8 = %scan3A_3 to %scan3A_5 step %scan3A_6  : i32 {
      %dma_start3A = arith.constant 0 : i32
      %dma_start3A_9 = tpu.memref_slice %arg6[%scan3A_8, %dma_start3A] : memref<64x128xf32, #tpu.memory_space<vmem>> -> memref<1x128xf32, #tpu.memory_space<vmem>>
      %dma_start3A_10 = tpu.memref_squeeze %dma_start3A_9 : memref<1x128xf32, #tpu.memory_space<vmem>> -> memref<128xf32, #tpu.memory_space<vmem>>
      %dma_start3A_11 = arith.constant 0 : i32
      %dma_start3A_12 = tpu.memref_slice %arg5[%scan3A_8, %dma_start3A_11] : memref<64x128xi32, #tpu.memory_space<vmem>> -> memref<1x128xi32, #tpu.memory_space<vmem>>
      %dma_start3A_13 = tpu.memref_squeeze %dma_start3A_12 : memref<1x128xi32, #tpu.memory_space<vmem>> -> memref<128xi32, #tpu.memory_space<vmem>>
      %dma_start3A_14 = arith.constant 0 : i32
      %dma_start3A_15 = tpu.memref_slice %arg2[%dma_start3A_14] : memref<16384xf32, #tpu.memory_space<hbm>> -> memref<16384xf32, #tpu.memory_space<hbm>>
      tpu.enqueue_indirect_dma source(%dma_start3A_15 : memref<16384xf32, #tpu.memory_space<hbm>>) target(%dma_start3A_10 : memref<128xf32, #tpu.memory_space<vmem>>) offsets(%dma_start3A_13 : memref<128xi32, #tpu.memory_space<vmem>>) semaphore(%arg7 : memref<!tpu.dma_semaphore, #tpu.memory_space<semaphore_mem>>)
      %dma_wait3A = arith.constant 0 : i32
      %dma_wait3A_16 = tpu.memref_slice %arg6[%scan3A_8, %dma_wait3A] : memref<64x128xf32, #tpu.memory_space<vmem>> -> memref<1x128xf32, #tpu.memory_space<vmem>>
      %dma_wait3A_17 = tpu.memref_squeeze %dma_wait3A_16 : memref<1x128xf32, #tpu.memory_space<vmem>> -> memref<128xf32, #tpu.memory_space<vmem>>
      %dma_wait3A_18 = arith.constant 0 : i32
      %dma_wait3A_19 = tpu.memref_slice %arg5[%scan3A_8, %dma_wait3A_18] : memref<64x128xi32, #tpu.memory_space<vmem>> -> memref<1x128xi32, #tpu.memory_space<vmem>>
      %dma_wait3A_20 = tpu.memref_squeeze %dma_wait3A_19 : memref<1x128xi32, #tpu.memory_space<vmem>> -> memref<128xi32, #tpu.memory_space<vmem>>
      %dma_wait3A_21 = arith.constant 0 : i32
      %dma_wait3A_22 = tpu.memref_slice %arg2[%dma_wait3A_21] : memref<16384xf32, #tpu.memory_space<hbm>> -> memref<16384xf32, #tpu.memory_space<hbm>>
      tpu.wait_indirect_dma semaphore(%arg7 : memref<!tpu.dma_semaphore, #tpu.memory_space<semaphore_mem>>) src(%dma_wait3A_22 : memref<16384xf32, #tpu.memory_space<hbm>>) dst(%dma_wait3A_17 : memref<128xf32, #tpu.memory_space<vmem>>)
    }
    %scan3A_7 = arith.constant 64 : i32
    "tpu.region"() ({
      %run_scoped3A = tpu.sem_alloc : memref<!tpu.dma_semaphore, #tpu.memory_space<semaphore_mem>>
      %dma_start3A = arith.constant 0 : i32
      %dma_start3A_8 = tpu.memref_slice %arg4[%mul3A_2, %dma_start3A] : memref<2048x128xf32, #tpu.memory_space<hbm>> -> memref<64x128xf32, #tpu.memory_space<hbm>>
      %dma_start3A_9 = arith.constant 0 : i32
      %dma_start3A_10 = tpu.memref_slice %arg4[%mul3A_2, %dma_start3A_9] : memref<2048x128xf32, #tpu.memory_space<hbm>> -> memref<64x128xf32, #tpu.memory_space<hbm>>
      tpu.enqueue_dma source(%arg6 : memref<64x128xf32, #tpu.memory_space<vmem>>) target(%dma_start3A_10 : memref<64x128xf32, #tpu.memory_space<hbm>>) target_semaphore(%run_scoped3A : memref<!tpu.dma_semaphore, #tpu.memory_space<semaphore_mem>>)
      %dma_wait3A = arith.constant 0 : i32
      %dma_wait3A_11 = tpu.memref_slice %arg4[%mul3A_2, %dma_wait3A] : memref<2048x128xf32, #tpu.memory_space<hbm>> -> memref<64x128xf32, #tpu.memory_space<hbm>>
      %dma_wait3A_12 = arith.constant 0 : i32
      %dma_wait3A_13 = tpu.memref_slice %arg4[%mul3A_2, %dma_wait3A_12] : memref<2048x128xf32, #tpu.memory_space<hbm>> -> memref<64x128xf32, #tpu.memory_space<hbm>>
      tpu.wait_dma2 semaphore(%run_scoped3A : memref<!tpu.dma_semaphore, #tpu.memory_space<semaphore_mem>>) src(%arg6 : memref<64x128xf32, #tpu.memory_space<vmem>>) dst(%dma_wait3A_13 : memref<64x128xf32, #tpu.memory_space<hbm>>)
      tpu.yield
    }) : () -> ()
    return
  }
}

#map = affine_map<(d0, d1) -> (0)>
#map1 = affine_map<(d0, d1) -> (0, 0)>
module attributes {stable_mosaic.version = 14 : i64} {
  func.func @k(%arg0: i32, %arg1: i32, %arg2: memref<16384xf32, #tpu.memory_space<hbm>>, %arg3: memref<2048x128xi32, #tpu.memory_space<hbm>>, %arg4: memref<2048x128xf32, #tpu.memory_space<hbm>>, %arg5: memref<64x128xi32, #tpu.memory_space<vmem>>, %arg6: memref<64x128xf32, #tpu.memory_space<vmem>>, %arg7: memref<!tpu.dma_semaphore, #tpu.memory_space<semaphore_mem>>) attributes {dimension_semantics = [#tpu.dimension_semantics<core_parallel>, #tpu.dimension_semantics<subcore_parallel>], iteration_bounds = array<i64: 2, 16>, scalar_prefetch = 0 : i64, scratch_operands = 3 : i64, tpu.core_type = #tpu.core_type<sc_vector_subcore>, window_params = [{transform_indices = #map}, {transform_indices = #map1}, {transform_indices = #map1}]} {
    %mul3A = arith.constant 2 : i32
    %mul3A_0 = arith.muli %arg1, %mul3A : i32
    %add3A = arith.addi %mul3A_0, %arg0 : i32
    %mul3A_1 = arith.constant 64 : i32
    %mul3A_2 = arith.muli %add3A, %mul3A_1 : i32
    "tpu.region"() ({
      %run_scoped3A = tpu.sem_alloc : memref<!tpu.dma_semaphore, #tpu.memory_space<semaphore_mem>>
      %dma_start3A = arith.constant 0 : i32
      %dma_start3A_8 = tpu.memref_slice %arg3[%mul3A_2, %dma_start3A] : memref<2048x128xi32, #tpu.memory_space<hbm>> -> memref<64x128xi32, #tpu.memory_space<hbm>>
      %dma_start3A_9 = arith.constant 0 : i32
      %dma_start3A_10 = tpu.memref_slice %arg3[%mul3A_2, %dma_start3A_9] : memref<2048x128xi32, #tpu.memory_space<hbm>> -> memref<64x128xi32, #tpu.memory_space<hbm>>
      tpu.enqueue_dma source(%dma_start3A_10 : memref<64x128xi32, #tpu.memory_space<hbm>>) target(%arg5 : memref<64x128xi32, #tpu.memory_space<vmem>>) target_semaphore(%run_scoped3A : memref<!tpu.dma_semaphore, #tpu.memory_space<semaphore_mem>>)
      %dma_wait3A = arith.constant 0 : i32
      %dma_wait3A_11 = tpu.memref_slice %arg3[%mul3A_2, %dma_wait3A] : memref<2048x128xi32, #tpu.memory_space<hbm>> -> memref<64x128xi32, #tpu.memory_space<hbm>>
      %dma_wait3A_12 = arith.constant 0 : i32
      %dma_wait3A_13 = tpu.memref_slice %arg3[%mul3A_2, %dma_wait3A_12] : memref<2048x128xi32, #tpu.memory_space<hbm>> -> memref<64x128xi32, #tpu.memory_space<hbm>>
      tpu.wait_dma2 semaphore(%run_scoped3A : memref<!tpu.dma_semaphore, #tpu.memory_space<semaphore_mem>>) src(%dma_wait3A_13 : memref<64x128xi32, #tpu.memory_space<hbm>>) dst(%arg5 : memref<64x128xi32, #tpu.memory_space<vmem>>)
      tpu.yield
    }) : () -> ()
    %scan3A = arith.constant 0 : i32
    %scan3A_3 = arith.constant 0 : i32
    %scan3A_4 = arith.constant 64 : i32
    %scan3A_5 = arith.addi %scan3A_3, %scan3A_4 : i32
    %scan3A_6 = arith.constant 1 : i32
    scf.for %scan3A_8 = %scan3A_3 to %scan3A_5 step %scan3A_6  : i32 {
      %dma_start3A = arith.constant 0 : i32
      %dma_start3A_9 = tpu.memref_slice %arg6[%scan3A_8, %dma_start3A] : memref<64x128xf32, #tpu.memory_space<vmem>> -> memref<1x128xf32, #tpu.memory_space<vmem>>
      %dma_start3A_10 = tpu.memref_squeeze %dma_start3A_9 : memref<1x128xf32, #tpu.memory_space<vmem>> -> memref<128xf32, #tpu.memory_space<vmem>>
      %dma_start3A_11 = arith.constant 0 : i32
      %dma_start3A_12 = tpu.memref_slice %arg5[%scan3A_8, %dma_start3A_11] : memref<64x128xi32, #tpu.memory_space<vmem>> -> memref<1x128xi32, #tpu.memory_space<vmem>>
      %dma_start3A_13 = tpu.memref_squeeze %dma_start3A_12 : memref<1x128xi32, #tpu.memory_space<vmem>> -> memref<128xi32, #tpu.memory_space<vmem>>
      %dma_start3A_14 = arith.constant 0 : i32
      %dma_start3A_15 = tpu.memref_slice %arg2[%dma_start3A_14] : memref<16384xf32, #tpu.memory_space<hbm>> -> memref<16384xf32, #tpu.memory_space<hbm>>
      tpu.enqueue_indirect_dma source(%dma_start3A_15 : memref<16384xf32, #tpu.memory_space<hbm>>) target(%dma_start3A_10 : memref<128xf32, #tpu.memory_space<vmem>>) offsets(%dma_start3A_13 : memref<128xi32, #tpu.memory_space<vmem>>) semaphore(%arg7 : memref<!tpu.dma_semaphore, #tpu.memory_space<semaphore_mem>>)
      %dma_wait3A = arith.constant 0 : i32
      %dma_wait3A_16 = tpu.memref_slice %arg6[%scan3A_8, %dma_wait3A] : memref<64x128xf32, #tpu.memory_space<vmem>> -> memref<1x128xf32, #tpu.memory_space<vmem>>
      %dma_wait3A_17 = tpu.memref_squeeze %dma_wait3A_16 : memref<1x128xf32, #tpu.memory_space<vmem>> -> memref<128xf32, #tpu.memory_space<vmem>>
      %dma_wait3A_18 = arith.constant 0 : i32
      %dma_wait3A_19 = tpu.memref_slice %arg5[%scan3A_8, %dma_wait3A_18] : memref<64x128xi32, #tpu.memory_space<vmem>> -> memref<1x128xi32, #tpu.memory_space<vmem>>
      %dma_wait3A_20 = tpu.memref_squeeze %dma_wait3A_19 : memref<1x128xi32, #tpu.memory_space<vmem>> -> memref<128xi32, #tpu.memory_space<vmem>>
      %dma_wait3A_21 = arith.constant 0 : i32
      %dma_wait3A_22 = tpu.memref_slice %arg2[%dma_wait3A_21] : memref<16384xf32, #tpu.memory_space<hbm>> -> memref<16384xf32, #tpu.memory_space<hbm>>
      tpu.wait_indirect_dma semaphore(%arg7 : memref<!tpu.dma_semaphore, #tpu.memory_space<semaphore_mem>>) src(%dma_wait3A_22 : memref<16384xf32, #tpu.memory_space<hbm>>) dst(%dma_wait3A_17 : memref<128xf32, #tpu.memory_space<vmem>>)
    }
    %scan3A_7 = arith.constant 64 : i32
    "tpu.region"() ({
      %run_scoped3A = tpu.sem_alloc : memref<!tpu.dma_semaphore, #tpu.memory_space<semaphore_mem>>
      %dma_start3A = arith.constant 0 : i32
      %dma_start3A_8 = tpu.memref_slice %arg4[%mul3A_2, %dma_start3A] : memref<2048x128xf32, #tpu.memory_space<hbm>> -> memref<64x128xf32, #tpu.memory_space<hbm>>
      %dma_start3A_9 = arith.constant 0 : i32
      %dma_start3A_10 = tpu.memref_slice %arg4[%mul3A_2, %dma_start3A_9] : memref<2048x128xf32, #tpu.memory_space<hbm>> -> memref<64x128xf32, #tpu.memory_space<hbm>>
      tpu.enqueue_dma source(%arg6 : memref<64x128xf32, #tpu.memory_space<vmem>>) target(%dma_start3A_10 : memref<64x128xf32, #tpu.memory_space<hbm>>) target_semaphore(%run_scoped3A : memref<!tpu.dma_semaphore, #tpu.memory_space<semaphore_mem>>)
      %dma_wait3A = arith.constant 0 : i32
      %dma_wait3A_11 = tpu.memref_slice %arg4[%mul3A_2, %dma_wait3A] : memref<2048x128xf32, #tpu.memory_space<hbm>> -> memref<64x128xf32, #tpu.memory_space<hbm>>
      %dma_wait3A_12 = arith.constant 0 : i32
      %dma_wait3A_13 = tpu.memref_slice %arg4[%mul3A_2, %dma_wait3A_12] : memref<2048x128xf32, #tpu.memory_space<hbm>> -> memref<64x128xf32, #tpu.memory_space<hbm>>
      tpu.wait_dma2 semaphore(%run_scoped3A : memref<!tpu.dma_semaphore, #tpu.memory_space<semaphore_mem>>) src(%arg6 : memref<64x128xf32, #tpu.memory_space<vmem>>) dst(%dma_wait3A_13 : memref<64x128xf32, #tpu.memory_space<hbm>>)
      tpu.yield
    }) : () -> ()
    return
  }
}

#map = affine_map<(d0, d1) -> (0)>
#map1 = affine_map<(d0, d1) -> (0, 0)>
module attributes {stable_mosaic.version = 14 : i64} {
  func.func @k(%arg0: i32, %arg1: i32, %arg2: memref<16384xf32, #tpu.memory_space<hbm>>, %arg3: memref<2048x128xi32, #tpu.memory_space<hbm>>, %arg4: memref<2048x128xf32, #tpu.memory_space<hbm>>, %arg5: memref<64x128xi32, #tpu.memory_space<vmem>>, %arg6: memref<64x128xf32, #tpu.memory_space<vmem>>, %arg7: memref<!tpu.dma_semaphore, #tpu.memory_space<semaphore_mem>>) attributes {dimension_semantics = [#tpu.dimension_semantics<core_parallel>, #tpu.dimension_semantics<subcore_parallel>], iteration_bounds = array<i64: 2, 16>, scalar_prefetch = 0 : i64, scratch_operands = 3 : i64, tpu.core_type = #tpu.core_type<sc_vector_subcore>, window_params = [{transform_indices = #map}, {transform_indices = #map1}, {transform_indices = #map1}]} {
    %mul3A = arith.constant 2 : i32
    %mul3A_0 = arith.muli %arg1, %mul3A : i32
    %add3A = arith.addi %mul3A_0, %arg0 : i32
    %mul3A_1 = arith.constant 64 : i32
    %mul3A_2 = arith.muli %add3A, %mul3A_1 : i32
    "tpu.region"() ({
      %run_scoped3A = tpu.sem_alloc : memref<!tpu.dma_semaphore, #tpu.memory_space<semaphore_mem>>
      %dma_start3A = arith.constant 0 : i32
      %dma_start3A_8 = tpu.memref_slice %arg3[%mul3A_2, %dma_start3A] : memref<2048x128xi32, #tpu.memory_space<hbm>> -> memref<64x128xi32, #tpu.memory_space<hbm>>
      %dma_start3A_9 = arith.constant 0 : i32
      %dma_start3A_10 = tpu.memref_slice %arg3[%mul3A_2, %dma_start3A_9] : memref<2048x128xi32, #tpu.memory_space<hbm>> -> memref<64x128xi32, #tpu.memory_space<hbm>>
      tpu.enqueue_dma source(%dma_start3A_10 : memref<64x128xi32, #tpu.memory_space<hbm>>) target(%arg5 : memref<64x128xi32, #tpu.memory_space<vmem>>) target_semaphore(%run_scoped3A : memref<!tpu.dma_semaphore, #tpu.memory_space<semaphore_mem>>)
      %dma_wait3A = arith.constant 0 : i32
      %dma_wait3A_11 = tpu.memref_slice %arg3[%mul3A_2, %dma_wait3A] : memref<2048x128xi32, #tpu.memory_space<hbm>> -> memref<64x128xi32, #tpu.memory_space<hbm>>
      %dma_wait3A_12 = arith.constant 0 : i32
      %dma_wait3A_13 = tpu.memref_slice %arg3[%mul3A_2, %dma_wait3A_12] : memref<2048x128xi32, #tpu.memory_space<hbm>> -> memref<64x128xi32, #tpu.memory_space<hbm>>
      tpu.wait_dma2 semaphore(%run_scoped3A : memref<!tpu.dma_semaphore, #tpu.memory_space<semaphore_mem>>) src(%dma_wait3A_13 : memref<64x128xi32, #tpu.memory_space<hbm>>) dst(%arg5 : memref<64x128xi32, #tpu.memory_space<vmem>>)
      tpu.yield
    }) : () -> ()
    %scan3A = arith.constant 0 : i32
    %scan3A_3 = arith.constant 0 : i32
    %scan3A_4 = arith.constant 64 : i32
    %scan3A_5 = arith.addi %scan3A_3, %scan3A_4 : i32
    %scan3A_6 = arith.constant 1 : i32
    scf.for %scan3A_8 = %scan3A_3 to %scan3A_5 step %scan3A_6  : i32 {
      %dma_start3A = arith.constant 0 : i32
      %dma_start3A_9 = tpu.memref_slice %arg6[%scan3A_8, %dma_start3A] : memref<64x128xf32, #tpu.memory_space<vmem>> -> memref<1x128xf32, #tpu.memory_space<vmem>>
      %dma_start3A_10 = tpu.memref_squeeze %dma_start3A_9 : memref<1x128xf32, #tpu.memory_space<vmem>> -> memref<128xf32, #tpu.memory_space<vmem>>
      %dma_start3A_11 = arith.constant 0 : i32
      %dma_start3A_12 = tpu.memref_slice %arg5[%scan3A_8, %dma_start3A_11] : memref<64x128xi32, #tpu.memory_space<vmem>> -> memref<1x128xi32, #tpu.memory_space<vmem>>
      %dma_start3A_13 = tpu.memref_squeeze %dma_start3A_12 : memref<1x128xi32, #tpu.memory_space<vmem>> -> memref<128xi32, #tpu.memory_space<vmem>>
      %dma_start3A_14 = arith.constant 0 : i32
      %dma_start3A_15 = tpu.memref_slice %arg2[%dma_start3A_14] : memref<16384xf32, #tpu.memory_space<hbm>> -> memref<16384xf32, #tpu.memory_space<hbm>>
      tpu.enqueue_indirect_dma source(%dma_start3A_15 : memref<16384xf32, #tpu.memory_space<hbm>>) target(%dma_start3A_10 : memref<128xf32, #tpu.memory_space<vmem>>) offsets(%dma_start3A_13 : memref<128xi32, #tpu.memory_space<vmem>>) semaphore(%arg7 : memref<!tpu.dma_semaphore, #tpu.memory_space<semaphore_mem>>)
      %dma_wait3A = arith.constant 0 : i32
      %dma_wait3A_16 = tpu.memref_slice %arg6[%scan3A_8, %dma_wait3A] : memref<64x128xf32, #tpu.memory_space<vmem>> -> memref<1x128xf32, #tpu.memory_space<vmem>>
      %dma_wait3A_17 = tpu.memref_squeeze %dma_wait3A_16 : memref<1x128xf32, #tpu.memory_space<vmem>> -> memref<128xf32, #tpu.memory_space<vmem>>
      %dma_wait3A_18 = arith.constant 0 : i32
      %dma_wait3A_19 = tpu.memref_slice %arg5[%scan3A_8, %dma_wait3A_18] : memref<64x128xi32, #tpu.memory_space<vmem>> -> memref<1x128xi32, #tpu.memory_space<vmem>>
      %dma_wait3A_20 = tpu.memref_squeeze %dma_wait3A_19 : memref<1x128xi32, #tpu.memory_space<vmem>> -> memref<128xi32, #tpu.memory_space<vmem>>
      %dma_wait3A_21 = arith.constant 0 : i32
      %dma_wait3A_22 = tpu.memref_slice %arg2[%dma_wait3A_21] : memref<16384xf32, #tpu.memory_space<hbm>> -> memref<16384xf32, #tpu.memory_space<hbm>>
      tpu.wait_indirect_dma semaphore(%arg7 : memref<!tpu.dma_semaphore, #tpu.memory_space<semaphore_mem>>) src(%dma_wait3A_22 : memref<16384xf32, #tpu.memory_space<hbm>>) dst(%dma_wait3A_17 : memref<128xf32, #tpu.memory_space<vmem>>)
    }
    %scan3A_7 = arith.constant 64 : i32
    "tpu.region"() ({
      %run_scoped3A = tpu.sem_alloc : memref<!tpu.dma_semaphore, #tpu.memory_space<semaphore_mem>>
      %dma_start3A = arith.constant 0 : i32
      %dma_start3A_8 = tpu.memref_slice %arg4[%mul3A_2, %dma_start3A] : memref<2048x128xf32, #tpu.memory_space<hbm>> -> memref<64x128xf32, #tpu.memory_space<hbm>>
      %dma_start3A_9 = arith.constant 0 : i32
      %dma_start3A_10 = tpu.memref_slice %arg4[%mul3A_2, %dma_start3A_9] : memref<2048x128xf32, #tpu.memory_space<hbm>> -> memref<64x128xf32, #tpu.memory_space<hbm>>
      tpu.enqueue_dma source(%arg6 : memref<64x128xf32, #tpu.memory_space<vmem>>) target(%dma_start3A_10 : memref<64x128xf32, #tpu.memory_space<hbm>>) target_semaphore(%run_scoped3A : memref<!tpu.dma_semaphore, #tpu.memory_space<semaphore_mem>>)
      %dma_wait3A = arith.constant 0 : i32
      %dma_wait3A_11 = tpu.memref_slice %arg4[%mul3A_2, %dma_wait3A] : memref<2048x128xf32, #tpu.memory_space<hbm>> -> memref<64x128xf32, #tpu.memory_space<hbm>>
      %dma_wait3A_12 = arith.constant 0 : i32
      %dma_wait3A_13 = tpu.memref_slice %arg4[%mul3A_2, %dma_wait3A_12] : memref<2048x128xf32, #tpu.memory_space<hbm>> -> memref<64x128xf32, #tpu.memory_space<hbm>>
      tpu.wait_dma2 semaphore(%run_scoped3A : memref<!tpu.dma_semaphore, #tpu.memory_space<semaphore_mem>>) src(%arg6 : memref<64x128xf32, #tpu.memory_space<vmem>>) dst(%dma_wait3A_13 : memref<64x128xf32, #tpu.memory_space<hbm>>)
      tpu.yield
    }) : () -> ()
    return
  }
}

#map = affine_map<(d0, d1) -> (0)>
#map1 = affine_map<(d0, d1) -> (0, 0)>
module attributes {stable_mosaic.version = 14 : i64} {
  func.func @k(%arg0: i32, %arg1: i32, %arg2: memref<16384xf32, #tpu.memory_space<hbm>>, %arg3: memref<2048x128xi32, #tpu.memory_space<hbm>>, %arg4: memref<2048x128xf32, #tpu.memory_space<hbm>>, %arg5: memref<64x128xi32, #tpu.memory_space<vmem>>, %arg6: memref<64x128xf32, #tpu.memory_space<vmem>>, %arg7: memref<!tpu.dma_semaphore, #tpu.memory_space<semaphore_mem>>) attributes {dimension_semantics = [#tpu.dimension_semantics<core_parallel>, #tpu.dimension_semantics<subcore_parallel>], iteration_bounds = array<i64: 2, 16>, scalar_prefetch = 0 : i64, scratch_operands = 3 : i64, tpu.core_type = #tpu.core_type<sc_vector_subcore>, window_params = [{transform_indices = #map}, {transform_indices = #map1}, {transform_indices = #map1}]} {
    %mul3A = arith.constant 2 : i32
    %mul3A_0 = arith.muli %arg1, %mul3A : i32
    %add3A = arith.addi %mul3A_0, %arg0 : i32
    %mul3A_1 = arith.constant 64 : i32
    %mul3A_2 = arith.muli %add3A, %mul3A_1 : i32
    "tpu.region"() ({
      %run_scoped3A = tpu.sem_alloc : memref<!tpu.dma_semaphore, #tpu.memory_space<semaphore_mem>>
      %dma_start3A = arith.constant 0 : i32
      %dma_start3A_8 = tpu.memref_slice %arg3[%mul3A_2, %dma_start3A] : memref<2048x128xi32, #tpu.memory_space<hbm>> -> memref<64x128xi32, #tpu.memory_space<hbm>>
      %dma_start3A_9 = arith.constant 0 : i32
      %dma_start3A_10 = tpu.memref_slice %arg3[%mul3A_2, %dma_start3A_9] : memref<2048x128xi32, #tpu.memory_space<hbm>> -> memref<64x128xi32, #tpu.memory_space<hbm>>
      tpu.enqueue_dma source(%dma_start3A_10 : memref<64x128xi32, #tpu.memory_space<hbm>>) target(%arg5 : memref<64x128xi32, #tpu.memory_space<vmem>>) target_semaphore(%run_scoped3A : memref<!tpu.dma_semaphore, #tpu.memory_space<semaphore_mem>>)
      %dma_wait3A = arith.constant 0 : i32
      %dma_wait3A_11 = tpu.memref_slice %arg3[%mul3A_2, %dma_wait3A] : memref<2048x128xi32, #tpu.memory_space<hbm>> -> memref<64x128xi32, #tpu.memory_space<hbm>>
      %dma_wait3A_12 = arith.constant 0 : i32
      %dma_wait3A_13 = tpu.memref_slice %arg3[%mul3A_2, %dma_wait3A_12] : memref<2048x128xi32, #tpu.memory_space<hbm>> -> memref<64x128xi32, #tpu.memory_space<hbm>>
      tpu.wait_dma2 semaphore(%run_scoped3A : memref<!tpu.dma_semaphore, #tpu.memory_space<semaphore_mem>>) src(%dma_wait3A_13 : memref<64x128xi32, #tpu.memory_space<hbm>>) dst(%arg5 : memref<64x128xi32, #tpu.memory_space<vmem>>)
      tpu.yield
    }) : () -> ()
    %scan3A = arith.constant 0 : i32
    %scan3A_3 = arith.constant 0 : i32
    %scan3A_4 = arith.constant 64 : i32
    %scan3A_5 = arith.addi %scan3A_3, %scan3A_4 : i32
    %scan3A_6 = arith.constant 1 : i32
    scf.for %scan3A_8 = %scan3A_3 to %scan3A_5 step %scan3A_6  : i32 {
      %dma_start3A = arith.constant 0 : i32
      %dma_start3A_9 = tpu.memref_slice %arg6[%scan3A_8, %dma_start3A] : memref<64x128xf32, #tpu.memory_space<vmem>> -> memref<1x128xf32, #tpu.memory_space<vmem>>
      %dma_start3A_10 = tpu.memref_squeeze %dma_start3A_9 : memref<1x128xf32, #tpu.memory_space<vmem>> -> memref<128xf32, #tpu.memory_space<vmem>>
      %dma_start3A_11 = arith.constant 0 : i32
      %dma_start3A_12 = tpu.memref_slice %arg5[%scan3A_8, %dma_start3A_11] : memref<64x128xi32, #tpu.memory_space<vmem>> -> memref<1x128xi32, #tpu.memory_space<vmem>>
      %dma_start3A_13 = tpu.memref_squeeze %dma_start3A_12 : memref<1x128xi32, #tpu.memory_space<vmem>> -> memref<128xi32, #tpu.memory_space<vmem>>
      %dma_start3A_14 = arith.constant 0 : i32
      %dma_start3A_15 = tpu.memref_slice %arg2[%dma_start3A_14] : memref<16384xf32, #tpu.memory_space<hbm>> -> memref<16384xf32, #tpu.memory_space<hbm>>
      tpu.enqueue_indirect_dma source(%dma_start3A_15 : memref<16384xf32, #tpu.memory_space<hbm>>) target(%dma_start3A_10 : memref<128xf32, #tpu.memory_space<vmem>>) offsets(%dma_start3A_13 : memref<128xi32, #tpu.memory_space<vmem>>) semaphore(%arg7 : memref<!tpu.dma_semaphore, #tpu.memory_space<semaphore_mem>>)
      %dma_wait3A = arith.constant 0 : i32
      %dma_wait3A_16 = tpu.memref_slice %arg6[%scan3A_8, %dma_wait3A] : memref<64x128xf32, #tpu.memory_space<vmem>> -> memref<1x128xf32, #tpu.memory_space<vmem>>
      %dma_wait3A_17 = tpu.memref_squeeze %dma_wait3A_16 : memref<1x128xf32, #tpu.memory_space<vmem>> -> memref<128xf32, #tpu.memory_space<vmem>>
      %dma_wait3A_18 = arith.constant 0 : i32
      %dma_wait3A_19 = tpu.memref_slice %arg5[%scan3A_8, %dma_wait3A_18] : memref<64x128xi32, #tpu.memory_space<vmem>> -> memref<1x128xi32, #tpu.memory_space<vmem>>
      %dma_wait3A_20 = tpu.memref_squeeze %dma_wait3A_19 : memref<1x128xi32, #tpu.memory_space<vmem>> -> memref<128xi32, #tpu.memory_space<vmem>>
      %dma_wait3A_21 = arith.constant 0 : i32
      %dma_wait3A_22 = tpu.memref_slice %arg2[%dma_wait3A_21] : memref<16384xf32, #tpu.memory_space<hbm>> -> memref<16384xf32, #tpu.memory_space<hbm>>
      tpu.wait_indirect_dma semaphore(%arg7 : memref<!tpu.dma_semaphore, #tpu.memory_space<semaphore_mem>>) src(%dma_wait3A_22 : memref<16384xf32, #tpu.memory_space<hbm>>) dst(%dma_wait3A_17 : memref<128xf32, #tpu.memory_space<vmem>>)
    }
    %scan3A_7 = arith.constant 64 : i32
    "tpu.region"() ({
      %run_scoped3A = tpu.sem_alloc : memref<!tpu.dma_semaphore, #tpu.memory_space<semaphore_mem>>
      %dma_start3A = arith.constant 0 : i32
      %dma_start3A_8 = tpu.memref_slice %arg4[%mul3A_2, %dma_start3A] : memref<2048x128xf32, #tpu.memory_space<hbm>> -> memref<64x128xf32, #tpu.memory_space<hbm>>
      %dma_start3A_9 = arith.constant 0 : i32
      %dma_start3A_10 = tpu.memref_slice %arg4[%mul3A_2, %dma_start3A_9] : memref<2048x128xf32, #tpu.memory_space<hbm>> -> memref<64x128xf32, #tpu.memory_space<hbm>>
      tpu.enqueue_dma source(%arg6 : memref<64x128xf32, #tpu.memory_space<vmem>>) target(%dma_start3A_10 : memref<64x128xf32, #tpu.memory_space<hbm>>) target_semaphore(%run_scoped3A : memref<!tpu.dma_semaphore, #tpu.memory_space<semaphore_mem>>)
      %dma_wait3A = arith.constant 0 : i32
      %dma_wait3A_11 = tpu.memref_slice %arg4[%mul3A_2, %dma_wait3A] : memref<2048x128xf32, #tpu.memory_space<hbm>> -> memref<64x128xf32, #tpu.memory_space<hbm>>
      %dma_wait3A_12 = arith.constant 0 : i32
      %dma_wait3A_13 = tpu.memref_slice %arg4[%mul3A_2, %dma_wait3A_12] : memref<2048x128xf32, #tpu.memory_space<hbm>> -> memref<64x128xf32, #tpu.memory_space<hbm>>
      tpu.wait_dma2 semaphore(%run_scoped3A : memref<!tpu.dma_semaphore, #tpu.memory_space<semaphore_mem>>) src(%arg6 : memref<64x128xf32, #tpu.memory_space<vmem>>) dst(%dma_wait3A_13 : memref<64x128xf32, #tpu.memory_space<hbm>>)
      tpu.yield
    }) : () -> ()
    return
  }
}

#map = affine_map<(d0, d1) -> (0)>
#map1 = affine_map<(d0, d1) -> (0, 0)>
module attributes {stable_mosaic.version = 14 : i64} {
  func.func @k(%arg0: i32, %arg1: i32, %arg2: memref<16384xf32, #tpu.memory_space<hbm>>, %arg3: memref<2048x128xi32, #tpu.memory_space<hbm>>, %arg4: memref<2048x128xf32, #tpu.memory_space<hbm>>, %arg5: memref<64x128xi32, #tpu.memory_space<vmem>>, %arg6: memref<64x128xf32, #tpu.memory_space<vmem>>, %arg7: memref<!tpu.dma_semaphore, #tpu.memory_space<semaphore_mem>>) attributes {dimension_semantics = [#tpu.dimension_semantics<core_parallel>, #tpu.dimension_semantics<subcore_parallel>], iteration_bounds = array<i64: 2, 16>, scalar_prefetch = 0 : i64, scratch_operands = 3 : i64, tpu.core_type = #tpu.core_type<sc_vector_subcore>, window_params = [{transform_indices = #map}, {transform_indices = #map1}, {transform_indices = #map1}]} {
    %mul3A = arith.constant 2 : i32
    %mul3A_0 = arith.muli %arg1, %mul3A : i32
    %add3A = arith.addi %mul3A_0, %arg0 : i32
    %mul3A_1 = arith.constant 64 : i32
    %mul3A_2 = arith.muli %add3A, %mul3A_1 : i32
    "tpu.region"() ({
      %run_scoped3A = tpu.sem_alloc : memref<!tpu.dma_semaphore, #tpu.memory_space<semaphore_mem>>
      %dma_start3A = arith.constant 0 : i32
      %dma_start3A_8 = tpu.memref_slice %arg3[%mul3A_2, %dma_start3A] : memref<2048x128xi32, #tpu.memory_space<hbm>> -> memref<64x128xi32, #tpu.memory_space<hbm>>
      %dma_start3A_9 = arith.constant 0 : i32
      %dma_start3A_10 = tpu.memref_slice %arg3[%mul3A_2, %dma_start3A_9] : memref<2048x128xi32, #tpu.memory_space<hbm>> -> memref<64x128xi32, #tpu.memory_space<hbm>>
      tpu.enqueue_dma source(%dma_start3A_10 : memref<64x128xi32, #tpu.memory_space<hbm>>) target(%arg5 : memref<64x128xi32, #tpu.memory_space<vmem>>) target_semaphore(%run_scoped3A : memref<!tpu.dma_semaphore, #tpu.memory_space<semaphore_mem>>)
      %dma_wait3A = arith.constant 0 : i32
      %dma_wait3A_11 = tpu.memref_slice %arg3[%mul3A_2, %dma_wait3A] : memref<2048x128xi32, #tpu.memory_space<hbm>> -> memref<64x128xi32, #tpu.memory_space<hbm>>
      %dma_wait3A_12 = arith.constant 0 : i32
      %dma_wait3A_13 = tpu.memref_slice %arg3[%mul3A_2, %dma_wait3A_12] : memref<2048x128xi32, #tpu.memory_space<hbm>> -> memref<64x128xi32, #tpu.memory_space<hbm>>
      tpu.wait_dma2 semaphore(%run_scoped3A : memref<!tpu.dma_semaphore, #tpu.memory_space<semaphore_mem>>) src(%dma_wait3A_13 : memref<64x128xi32, #tpu.memory_space<hbm>>) dst(%arg5 : memref<64x128xi32, #tpu.memory_space<vmem>>)
      tpu.yield
    }) : () -> ()
    %scan3A = arith.constant 0 : i32
    %scan3A_3 = arith.constant 0 : i32
    %scan3A_4 = arith.constant 64 : i32
    %scan3A_5 = arith.addi %scan3A_3, %scan3A_4 : i32
    %scan3A_6 = arith.constant 1 : i32
    scf.for %scan3A_8 = %scan3A_3 to %scan3A_5 step %scan3A_6  : i32 {
      %dma_start3A = arith.constant 0 : i32
      %dma_start3A_9 = tpu.memref_slice %arg6[%scan3A_8, %dma_start3A] : memref<64x128xf32, #tpu.memory_space<vmem>> -> memref<1x128xf32, #tpu.memory_space<vmem>>
      %dma_start3A_10 = tpu.memref_squeeze %dma_start3A_9 : memref<1x128xf32, #tpu.memory_space<vmem>> -> memref<128xf32, #tpu.memory_space<vmem>>
      %dma_start3A_11 = arith.constant 0 : i32
      %dma_start3A_12 = tpu.memref_slice %arg5[%scan3A_8, %dma_start3A_11] : memref<64x128xi32, #tpu.memory_space<vmem>> -> memref<1x128xi32, #tpu.memory_space<vmem>>
      %dma_start3A_13 = tpu.memref_squeeze %dma_start3A_12 : memref<1x128xi32, #tpu.memory_space<vmem>> -> memref<128xi32, #tpu.memory_space<vmem>>
      %dma_start3A_14 = arith.constant 0 : i32
      %dma_start3A_15 = tpu.memref_slice %arg2[%dma_start3A_14] : memref<16384xf32, #tpu.memory_space<hbm>> -> memref<16384xf32, #tpu.memory_space<hbm>>
      tpu.enqueue_indirect_dma source(%dma_start3A_15 : memref<16384xf32, #tpu.memory_space<hbm>>) target(%dma_start3A_10 : memref<128xf32, #tpu.memory_space<vmem>>) offsets(%dma_start3A_13 : memref<128xi32, #tpu.memory_space<vmem>>) semaphore(%arg7 : memref<!tpu.dma_semaphore, #tpu.memory_space<semaphore_mem>>)
      %dma_wait3A = arith.constant 0 : i32
      %dma_wait3A_16 = tpu.memref_slice %arg6[%scan3A_8, %dma_wait3A] : memref<64x128xf32, #tpu.memory_space<vmem>> -> memref<1x128xf32, #tpu.memory_space<vmem>>
      %dma_wait3A_17 = tpu.memref_squeeze %dma_wait3A_16 : memref<1x128xf32, #tpu.memory_space<vmem>> -> memref<128xf32, #tpu.memory_space<vmem>>
      %dma_wait3A_18 = arith.constant 0 : i32
      %dma_wait3A_19 = tpu.memref_slice %arg5[%scan3A_8, %dma_wait3A_18] : memref<64x128xi32, #tpu.memory_space<vmem>> -> memref<1x128xi32, #tpu.memory_space<vmem>>
      %dma_wait3A_20 = tpu.memref_squeeze %dma_wait3A_19 : memref<1x128xi32, #tpu.memory_space<vmem>> -> memref<128xi32, #tpu.memory_space<vmem>>
      %dma_wait3A_21 = arith.constant 0 : i32
      %dma_wait3A_22 = tpu.memref_slice %arg2[%dma_wait3A_21] : memref<16384xf32, #tpu.memory_space<hbm>> -> memref<16384xf32, #tpu.memory_space<hbm>>
      tpu.wait_indirect_dma semaphore(%arg7 : memref<!tpu.dma_semaphore, #tpu.memory_space<semaphore_mem>>) src(%dma_wait3A_22 : memref<16384xf32, #tpu.memory_space<hbm>>) dst(%dma_wait3A_17 : memref<128xf32, #tpu.memory_space<vmem>>)
    }
    %scan3A_7 = arith.constant 64 : i32
    "tpu.region"() ({
      %run_scoped3A = tpu.sem_alloc : memref<!tpu.dma_semaphore, #tpu.memory_space<semaphore_mem>>
      %dma_start3A = arith.constant 0 : i32
      %dma_start3A_8 = tpu.memref_slice %arg4[%mul3A_2, %dma_start3A] : memref<2048x128xf32, #tpu.memory_space<hbm>> -> memref<64x128xf32, #tpu.memory_space<hbm>>
      %dma_start3A_9 = arith.constant 0 : i32
      %dma_start3A_10 = tpu.memref_slice %arg4[%mul3A_2, %dma_start3A_9] : memref<2048x128xf32, #tpu.memory_space<hbm>> -> memref<64x128xf32, #tpu.memory_space<hbm>>
      tpu.enqueue_dma source(%arg6 : memref<64x128xf32, #tpu.memory_space<vmem>>) target(%dma_start3A_10 : memref<64x128xf32, #tpu.memory_space<hbm>>) target_semaphore(%run_scoped3A : memref<!tpu.dma_semaphore, #tpu.memory_space<semaphore_mem>>)
      %dma_wait3A = arith.constant 0 : i32
      %dma_wait3A_11 = tpu.memref_slice %arg4[%mul3A_2, %dma_wait3A] : memref<2048x128xf32, #tpu.memory_space<hbm>> -> memref<64x128xf32, #tpu.memory_space<hbm>>
      %dma_wait3A_12 = arith.constant 0 : i32
      %dma_wait3A_13 = tpu.memref_slice %arg4[%mul3A_2, %dma_wait3A_12] : memref<2048x128xf32, #tpu.memory_space<hbm>> -> memref<64x128xf32, #tpu.memory_space<hbm>>
      tpu.wait_dma2 semaphore(%run_scoped3A : memref<!tpu.dma_semaphore, #tpu.memory_space<semaphore_mem>>) src(%arg6 : memref<64x128xf32, #tpu.memory_space<vmem>>) dst(%dma_wait3A_13 : memref<64x128xf32, #tpu.memory_space<hbm>>)
      tpu.yield
    }) : () -> ()
    return
  }
}

#map = affine_map<(d0, d1) -> (0)>
#map1 = affine_map<(d0, d1) -> (0, 0)>
module attributes {stable_mosaic.version = 14 : i64} {
  func.func @k(%arg0: i32, %arg1: i32, %arg2: memref<16384xf32, #tpu.memory_space<hbm>>, %arg3: memref<2048x128xi32, #tpu.memory_space<hbm>>, %arg4: memref<2048x128xf32, #tpu.memory_space<hbm>>, %arg5: memref<64x128xi32, #tpu.memory_space<vmem>>, %arg6: memref<64x128xf32, #tpu.memory_space<vmem>>, %arg7: memref<!tpu.dma_semaphore, #tpu.memory_space<semaphore_mem>>) attributes {dimension_semantics = [#tpu.dimension_semantics<core_parallel>, #tpu.dimension_semantics<subcore_parallel>], iteration_bounds = array<i64: 2, 16>, scalar_prefetch = 0 : i64, scratch_operands = 3 : i64, tpu.core_type = #tpu.core_type<sc_vector_subcore>, window_params = [{transform_indices = #map}, {transform_indices = #map1}, {transform_indices = #map1}]} {
    %mul3A = arith.constant 2 : i32
    %mul3A_0 = arith.muli %arg1, %mul3A : i32
    %add3A = arith.addi %mul3A_0, %arg0 : i32
    %mul3A_1 = arith.constant 64 : i32
    %mul3A_2 = arith.muli %add3A, %mul3A_1 : i32
    "tpu.region"() ({
      %run_scoped3A = tpu.sem_alloc : memref<!tpu.dma_semaphore, #tpu.memory_space<semaphore_mem>>
      %dma_start3A = arith.constant 0 : i32
      %dma_start3A_8 = tpu.memref_slice %arg3[%mul3A_2, %dma_start3A] : memref<2048x128xi32, #tpu.memory_space<hbm>> -> memref<64x128xi32, #tpu.memory_space<hbm>>
      %dma_start3A_9 = arith.constant 0 : i32
      %dma_start3A_10 = tpu.memref_slice %arg3[%mul3A_2, %dma_start3A_9] : memref<2048x128xi32, #tpu.memory_space<hbm>> -> memref<64x128xi32, #tpu.memory_space<hbm>>
      tpu.enqueue_dma source(%dma_start3A_10 : memref<64x128xi32, #tpu.memory_space<hbm>>) target(%arg5 : memref<64x128xi32, #tpu.memory_space<vmem>>) target_semaphore(%run_scoped3A : memref<!tpu.dma_semaphore, #tpu.memory_space<semaphore_mem>>)
      %dma_wait3A = arith.constant 0 : i32
      %dma_wait3A_11 = tpu.memref_slice %arg3[%mul3A_2, %dma_wait3A] : memref<2048x128xi32, #tpu.memory_space<hbm>> -> memref<64x128xi32, #tpu.memory_space<hbm>>
      %dma_wait3A_12 = arith.constant 0 : i32
      %dma_wait3A_13 = tpu.memref_slice %arg3[%mul3A_2, %dma_wait3A_12] : memref<2048x128xi32, #tpu.memory_space<hbm>> -> memref<64x128xi32, #tpu.memory_space<hbm>>
      tpu.wait_dma2 semaphore(%run_scoped3A : memref<!tpu.dma_semaphore, #tpu.memory_space<semaphore_mem>>) src(%dma_wait3A_13 : memref<64x128xi32, #tpu.memory_space<hbm>>) dst(%arg5 : memref<64x128xi32, #tpu.memory_space<vmem>>)
      tpu.yield
    }) : () -> ()
    %scan3A = arith.constant 0 : i32
    %scan3A_3 = arith.constant 0 : i32
    %scan3A_4 = arith.constant 64 : i32
    %scan3A_5 = arith.addi %scan3A_3, %scan3A_4 : i32
    %scan3A_6 = arith.constant 1 : i32
    scf.for %scan3A_8 = %scan3A_3 to %scan3A_5 step %scan3A_6  : i32 {
      %dma_start3A = arith.constant 0 : i32
      %dma_start3A_9 = tpu.memref_slice %arg6[%scan3A_8, %dma_start3A] : memref<64x128xf32, #tpu.memory_space<vmem>> -> memref<1x128xf32, #tpu.memory_space<vmem>>
      %dma_start3A_10 = tpu.memref_squeeze %dma_start3A_9 : memref<1x128xf32, #tpu.memory_space<vmem>> -> memref<128xf32, #tpu.memory_space<vmem>>
      %dma_start3A_11 = arith.constant 0 : i32
      %dma_start3A_12 = tpu.memref_slice %arg5[%scan3A_8, %dma_start3A_11] : memref<64x128xi32, #tpu.memory_space<vmem>> -> memref<1x128xi32, #tpu.memory_space<vmem>>
      %dma_start3A_13 = tpu.memref_squeeze %dma_start3A_12 : memref<1x128xi32, #tpu.memory_space<vmem>> -> memref<128xi32, #tpu.memory_space<vmem>>
      %dma_start3A_14 = arith.constant 0 : i32
      %dma_start3A_15 = tpu.memref_slice %arg2[%dma_start3A_14] : memref<16384xf32, #tpu.memory_space<hbm>> -> memref<16384xf32, #tpu.memory_space<hbm>>
      tpu.enqueue_indirect_dma source(%dma_start3A_15 : memref<16384xf32, #tpu.memory_space<hbm>>) target(%dma_start3A_10 : memref<128xf32, #tpu.memory_space<vmem>>) offsets(%dma_start3A_13 : memref<128xi32, #tpu.memory_space<vmem>>) semaphore(%arg7 : memref<!tpu.dma_semaphore, #tpu.memory_space<semaphore_mem>>)
      %dma_wait3A = arith.constant 0 : i32
      %dma_wait3A_16 = tpu.memref_slice %arg6[%scan3A_8, %dma_wait3A] : memref<64x128xf32, #tpu.memory_space<vmem>> -> memref<1x128xf32, #tpu.memory_space<vmem>>
      %dma_wait3A_17 = tpu.memref_squeeze %dma_wait3A_16 : memref<1x128xf32, #tpu.memory_space<vmem>> -> memref<128xf32, #tpu.memory_space<vmem>>
      %dma_wait3A_18 = arith.constant 0 : i32
      %dma_wait3A_19 = tpu.memref_slice %arg5[%scan3A_8, %dma_wait3A_18] : memref<64x128xi32, #tpu.memory_space<vmem>> -> memref<1x128xi32, #tpu.memory_space<vmem>>
      %dma_wait3A_20 = tpu.memref_squeeze %dma_wait3A_19 : memref<1x128xi32, #tpu.memory_space<vmem>> -> memref<128xi32, #tpu.memory_space<vmem>>
      %dma_wait3A_21 = arith.constant 0 : i32
      %dma_wait3A_22 = tpu.memref_slice %arg2[%dma_wait3A_21] : memref<16384xf32, #tpu.memory_space<hbm>> -> memref<16384xf32, #tpu.memory_space<hbm>>
      tpu.wait_indirect_dma semaphore(%arg7 : memref<!tpu.dma_semaphore, #tpu.memory_space<semaphore_mem>>) src(%dma_wait3A_22 : memref<16384xf32, #tpu.memory_space<hbm>>) dst(%dma_wait3A_17 : memref<128xf32, #tpu.memory_space<vmem>>)
    }
    %scan3A_7 = arith.constant 64 : i32
    "tpu.region"() ({
      %run_scoped3A = tpu.sem_alloc : memref<!tpu.dma_semaphore, #tpu.memory_space<semaphore_mem>>
      %dma_start3A = arith.constant 0 : i32
      %dma_start3A_8 = tpu.memref_slice %arg4[%mul3A_2, %dma_start3A] : memref<2048x128xf32, #tpu.memory_space<hbm>> -> memref<64x128xf32, #tpu.memory_space<hbm>>
      %dma_start3A_9 = arith.constant 0 : i32
      %dma_start3A_10 = tpu.memref_slice %arg4[%mul3A_2, %dma_start3A_9] : memref<2048x128xf32, #tpu.memory_space<hbm>> -> memref<64x128xf32, #tpu.memory_space<hbm>>
      tpu.enqueue_dma source(%arg6 : memref<64x128xf32, #tpu.memory_space<vmem>>) target(%dma_start3A_10 : memref<64x128xf32, #tpu.memory_space<hbm>>) target_semaphore(%run_scoped3A : memref<!tpu.dma_semaphore, #tpu.memory_space<semaphore_mem>>)
      %dma_wait3A = arith.constant 0 : i32
      %dma_wait3A_11 = tpu.memref_slice %arg4[%mul3A_2, %dma_wait3A] : memref<2048x128xf32, #tpu.memory_space<hbm>> -> memref<64x128xf32, #tpu.memory_space<hbm>>
      %dma_wait3A_12 = arith.constant 0 : i32
      %dma_wait3A_13 = tpu.memref_slice %arg4[%mul3A_2, %dma_wait3A_12] : memref<2048x128xf32, #tpu.memory_space<hbm>> -> memref<64x128xf32, #tpu.memory_space<hbm>>
      tpu.wait_dma2 semaphore(%run_scoped3A : memref<!tpu.dma_semaphore, #tpu.memory_space<semaphore_mem>>) src(%arg6 : memref<64x128xf32, #tpu.memory_space<vmem>>) dst(%dma_wait3A_13 : memref<64x128xf32, #tpu.memory_space<hbm>>)
      tpu.yield
    }) : () -> ()
    return
  }
}

#map = affine_map<(d0, d1) -> (0)>
#map1 = affine_map<(d0, d1) -> (0, 0)>
module attributes {stable_mosaic.version = 14 : i64} {
  func.func @k(%arg0: i32, %arg1: i32, %arg2: memref<16384xf32, #tpu.memory_space<hbm>>, %arg3: memref<2048x128xi32, #tpu.memory_space<hbm>>, %arg4: memref<2048x128xf32, #tpu.memory_space<hbm>>, %arg5: memref<64x128xi32, #tpu.memory_space<vmem>>, %arg6: memref<64x128xf32, #tpu.memory_space<vmem>>, %arg7: memref<!tpu.dma_semaphore, #tpu.memory_space<semaphore_mem>>) attributes {dimension_semantics = [#tpu.dimension_semantics<core_parallel>, #tpu.dimension_semantics<subcore_parallel>], iteration_bounds = array<i64: 2, 16>, scalar_prefetch = 0 : i64, scratch_operands = 3 : i64, tpu.core_type = #tpu.core_type<sc_vector_subcore>, window_params = [{transform_indices = #map}, {transform_indices = #map1}, {transform_indices = #map1}]} {
    %mul3A = arith.constant 2 : i32
    %mul3A_0 = arith.muli %arg1, %mul3A : i32
    %add3A = arith.addi %mul3A_0, %arg0 : i32
    %mul3A_1 = arith.constant 64 : i32
    %mul3A_2 = arith.muli %add3A, %mul3A_1 : i32
    "tpu.region"() ({
      %run_scoped3A = tpu.sem_alloc : memref<!tpu.dma_semaphore, #tpu.memory_space<semaphore_mem>>
      %dma_start3A = arith.constant 0 : i32
      %dma_start3A_8 = tpu.memref_slice %arg3[%mul3A_2, %dma_start3A] : memref<2048x128xi32, #tpu.memory_space<hbm>> -> memref<64x128xi32, #tpu.memory_space<hbm>>
      %dma_start3A_9 = arith.constant 0 : i32
      %dma_start3A_10 = tpu.memref_slice %arg3[%mul3A_2, %dma_start3A_9] : memref<2048x128xi32, #tpu.memory_space<hbm>> -> memref<64x128xi32, #tpu.memory_space<hbm>>
      tpu.enqueue_dma source(%dma_start3A_10 : memref<64x128xi32, #tpu.memory_space<hbm>>) target(%arg5 : memref<64x128xi32, #tpu.memory_space<vmem>>) target_semaphore(%run_scoped3A : memref<!tpu.dma_semaphore, #tpu.memory_space<semaphore_mem>>)
      %dma_wait3A = arith.constant 0 : i32
      %dma_wait3A_11 = tpu.memref_slice %arg3[%mul3A_2, %dma_wait3A] : memref<2048x128xi32, #tpu.memory_space<hbm>> -> memref<64x128xi32, #tpu.memory_space<hbm>>
      %dma_wait3A_12 = arith.constant 0 : i32
      %dma_wait3A_13 = tpu.memref_slice %arg3[%mul3A_2, %dma_wait3A_12] : memref<2048x128xi32, #tpu.memory_space<hbm>> -> memref<64x128xi32, #tpu.memory_space<hbm>>
      tpu.wait_dma2 semaphore(%run_scoped3A : memref<!tpu.dma_semaphore, #tpu.memory_space<semaphore_mem>>) src(%dma_wait3A_13 : memref<64x128xi32, #tpu.memory_space<hbm>>) dst(%arg5 : memref<64x128xi32, #tpu.memory_space<vmem>>)
      tpu.yield
    }) : () -> ()
    %scan3A = arith.constant 0 : i32
    %scan3A_3 = arith.constant 0 : i32
    %scan3A_4 = arith.constant 64 : i32
    %scan3A_5 = arith.addi %scan3A_3, %scan3A_4 : i32
    %scan3A_6 = arith.constant 1 : i32
    scf.for %scan3A_8 = %scan3A_3 to %scan3A_5 step %scan3A_6  : i32 {
      %dma_start3A = arith.constant 0 : i32
      %dma_start3A_9 = tpu.memref_slice %arg6[%scan3A_8, %dma_start3A] : memref<64x128xf32, #tpu.memory_space<vmem>> -> memref<1x128xf32, #tpu.memory_space<vmem>>
      %dma_start3A_10 = tpu.memref_squeeze %dma_start3A_9 : memref<1x128xf32, #tpu.memory_space<vmem>> -> memref<128xf32, #tpu.memory_space<vmem>>
      %dma_start3A_11 = arith.constant 0 : i32
      %dma_start3A_12 = tpu.memref_slice %arg5[%scan3A_8, %dma_start3A_11] : memref<64x128xi32, #tpu.memory_space<vmem>> -> memref<1x128xi32, #tpu.memory_space<vmem>>
      %dma_start3A_13 = tpu.memref_squeeze %dma_start3A_12 : memref<1x128xi32, #tpu.memory_space<vmem>> -> memref<128xi32, #tpu.memory_space<vmem>>
      %dma_start3A_14 = arith.constant 0 : i32
      %dma_start3A_15 = tpu.memref_slice %arg2[%dma_start3A_14] : memref<16384xf32, #tpu.memory_space<hbm>> -> memref<16384xf32, #tpu.memory_space<hbm>>
      tpu.enqueue_indirect_dma source(%dma_start3A_15 : memref<16384xf32, #tpu.memory_space<hbm>>) target(%dma_start3A_10 : memref<128xf32, #tpu.memory_space<vmem>>) offsets(%dma_start3A_13 : memref<128xi32, #tpu.memory_space<vmem>>) semaphore(%arg7 : memref<!tpu.dma_semaphore, #tpu.memory_space<semaphore_mem>>)
      %dma_wait3A = arith.constant 0 : i32
      %dma_wait3A_16 = tpu.memref_slice %arg6[%scan3A_8, %dma_wait3A] : memref<64x128xf32, #tpu.memory_space<vmem>> -> memref<1x128xf32, #tpu.memory_space<vmem>>
      %dma_wait3A_17 = tpu.memref_squeeze %dma_wait3A_16 : memref<1x128xf32, #tpu.memory_space<vmem>> -> memref<128xf32, #tpu.memory_space<vmem>>
      %dma_wait3A_18 = arith.constant 0 : i32
      %dma_wait3A_19 = tpu.memref_slice %arg5[%scan3A_8, %dma_wait3A_18] : memref<64x128xi32, #tpu.memory_space<vmem>> -> memref<1x128xi32, #tpu.memory_space<vmem>>
      %dma_wait3A_20 = tpu.memref_squeeze %dma_wait3A_19 : memref<1x128xi32, #tpu.memory_space<vmem>> -> memref<128xi32, #tpu.memory_space<vmem>>
      %dma_wait3A_21 = arith.constant 0 : i32
      %dma_wait3A_22 = tpu.memref_slice %arg2[%dma_wait3A_21] : memref<16384xf32, #tpu.memory_space<hbm>> -> memref<16384xf32, #tpu.memory_space<hbm>>
      tpu.wait_indirect_dma semaphore(%arg7 : memref<!tpu.dma_semaphore, #tpu.memory_space<semaphore_mem>>) src(%dma_wait3A_22 : memref<16384xf32, #tpu.memory_space<hbm>>) dst(%dma_wait3A_17 : memref<128xf32, #tpu.memory_space<vmem>>)
    }
    %scan3A_7 = arith.constant 64 : i32
    "tpu.region"() ({
      %run_scoped3A = tpu.sem_alloc : memref<!tpu.dma_semaphore, #tpu.memory_space<semaphore_mem>>
      %dma_start3A = arith.constant 0 : i32
      %dma_start3A_8 = tpu.memref_slice %arg4[%mul3A_2, %dma_start3A] : memref<2048x128xf32, #tpu.memory_space<hbm>> -> memref<64x128xf32, #tpu.memory_space<hbm>>
      %dma_start3A_9 = arith.constant 0 : i32
      %dma_start3A_10 = tpu.memref_slice %arg4[%mul3A_2, %dma_start3A_9] : memref<2048x128xf32, #tpu.memory_space<hbm>> -> memref<64x128xf32, #tpu.memory_space<hbm>>
      tpu.enqueue_dma source(%arg6 : memref<64x128xf32, #tpu.memory_space<vmem>>) target(%dma_start3A_10 : memref<64x128xf32, #tpu.memory_space<hbm>>) target_semaphore(%run_scoped3A : memref<!tpu.dma_semaphore, #tpu.memory_space<semaphore_mem>>)
      %dma_wait3A = arith.constant 0 : i32
      %dma_wait3A_11 = tpu.memref_slice %arg4[%mul3A_2, %dma_wait3A] : memref<2048x128xf32, #tpu.memory_space<hbm>> -> memref<64x128xf32, #tpu.memory_space<hbm>>
      %dma_wait3A_12 = arith.constant 0 : i32
      %dma_wait3A_13 = tpu.memref_slice %arg4[%mul3A_2, %dma_wait3A_12] : memref<2048x128xf32, #tpu.memory_space<hbm>> -> memref<64x128xf32, #tpu.memory_space<hbm>>
      tpu.wait_dma2 semaphore(%run_scoped3A : memref<!tpu.dma_semaphore, #tpu.memory_space<semaphore_mem>>) src(%arg6 : memref<64x128xf32, #tpu.memory_space<vmem>>) dst(%dma_wait3A_13 : memref<64x128xf32, #tpu.memory_space<hbm>>)
      tpu.yield
    }) : () -> ()
    return
  }
}

module attributes {stable_mosaic.version = 14 : i64} {
  func.func @_fps_body(%arg0: memref<4x3x8x256xf32, #tpu.memory_space<vmem>>, %arg1: memref<4x2048xi32, #tpu.memory_space<vmem>>, %arg2: memref<4x8x256xf32, #tpu.memory_space<vmem>>) attributes {dimension_semantics = [], scalar_prefetch = 0 : i64, scratch_operands = 1 : i64, tpu.core_type = #tpu.core_type<tc>} {
    %get3A = arith.constant 0 : index
    %get3A_0 = arith.constant 0 : index
    %get3A_1 = arith.constant 0 : index
    %get3A_2 = arith.constant 0 : index
    %get3A_3 = vector.load %arg0[%get3A, %get3A_0, %get3A_1, %get3A_2] : memref<4x3x8x256xf32, #tpu.memory_space<vmem>>, vector<4x1x8x256xf32>
    %get3A_4 = vector.shape_cast %get3A_3 : vector<4x1x8x256xf32> to vector<4x8x256xf32>
    %get3A_5 = arith.constant 0 : index
    %get3A_6 = arith.constant 1 : index
    %get3A_7 = arith.constant 0 : index
    %get3A_8 = arith.constant 0 : index
    %get3A_9 = vector.load %arg0[%get3A_5, %get3A_6, %get3A_7, %get3A_8] : memref<4x3x8x256xf32, #tpu.memory_space<vmem>>, vector<4x1x8x256xf32>
    %get3A_10 = vector.shape_cast %get3A_9 : vector<4x1x8x256xf32> to vector<4x8x256xf32>
    %get3A_11 = arith.constant 0 : index
    %get3A_12 = arith.constant 2 : index
    %get3A_13 = arith.constant 0 : index
    %get3A_14 = arith.constant 0 : index
    %get3A_15 = vector.load %arg0[%get3A_11, %get3A_12, %get3A_13, %get3A_14] : memref<4x3x8x256xf32, #tpu.memory_space<vmem>>, vector<4x1x8x256xf32>
    %get3A_16 = vector.shape_cast %get3A_15 : vector<4x1x8x256xf32> to vector<4x8x256xf32>
    %iota3A = tpu.iota {dimensions = array<i32: 1>} : vector<4x8x256xi32>
    %iota3A_17 = tpu.iota {dimensions = array<i32: 2>} : vector<4x8x256xi32>
    %mul3A = arith.constant 256 : i32
    %mul3A_18 = vector.broadcast %mul3A : i32 to vector<4x8x256xi32>
    %mul3A_19 = arith.muli %iota3A, %mul3A_18 : vector<4x8x256xi32>
    %add3A = arith.addi %mul3A_19, %iota3A_17 : vector<4x8x256xi32>
    %broadcast_in_dim3A = arith.constant 1.000000e+10 : f32
    %broadcast_in_dim3A_20 = vector.broadcast %broadcast_in_dim3A : f32 to vector<4x8x256xf32>
    %swap3A = arith.constant 0 : index
    %swap3A_21 = arith.constant 0 : index
    %swap3A_22 = arith.constant 0 : index
    %swap3A_23 = vector.load %arg2[%swap3A, %swap3A_21, %swap3A_22] : memref<4x8x256xf32, #tpu.memory_space<vmem>>, vector<4x8x256xf32>
    tpu.vector_store %arg2[%swap3A, %swap3A_21, %swap3A_22], %broadcast_in_dim3A_20 {strides = array<i32>} : memref<4x8x256xf32, #tpu.memory_space<vmem>>, vector<4x8x256xf32>,
    %broadcast_in_dim3A_24 = arith.constant 0 : i32
    %broadcast_in_dim3A_25 = vector.broadcast %broadcast_in_dim3A_24 : i32 to vector<4x1x1xi32>
    %broadcast_in_dim3A_26 = arith.constant 0 : i32
    %broadcast_in_dim3A_27 = vector.broadcast %broadcast_in_dim3A_26 : i32 to vector<4x8x256xi32>
    %scan3A = arith.constant 0 : i32
    %scan3A_28 = arith.constant 2048 : i32
    %scan3A_29 = arith.addi %scan3A, %scan3A_28 : i32
    %scan3A_30 = arith.constant 1 : i32
    %scan3A_31:2 = scf.for %scan3A_36 = %scan3A to %scan3A_29 step %scan3A_30 iter_args(%scan3A_37 = %broadcast_in_dim3A_25, %scan3A_38 = %broadcast_in_dim3A_27) -> (vector<4x1x1xi32>, vector<4x8x256xi32>)  : i32 {
      %eq3A = vector.broadcast %scan3A_36 : i32 to vector<4x8x256xi32>
      %eq3A_39 = arith.cmpi eq, %add3A, %eq3A : vector<4x8x256xi32>
      %broadcast_in_dim3A_40 = vector.shape_cast %scan3A_37 : vector<4x1x1xi32> to vector<4x1x1xi32>
      %broadcast_in_dim3A_41 = vector.broadcast %broadcast_in_dim3A_40 : vector<4x1x1xi32> to vector<4x8x256xi32>
      %select_n3A = arith.select %eq3A_39, %broadcast_in_dim3A_41, %scan3A_38 : vector<4x8x256xi1>, vector<4x8x256xi32>
      %eq3A_42 = vector.broadcast %scan3A_37 : vector<4x1x1xi32> to vector<4x8x256xi32>
      %eq3A_43 = arith.cmpi eq, %add3A, %eq3A_42 : vector<4x8x256xi32>
      %jit3A = arith.constant 0.000000e+00 : f32
      %broadcast_in_dim3A_44 = vector.broadcast %jit3A : f32 to vector<4x8x256xf32>
      %select_n3A_45 = arith.select %eq3A_43, %get3A_4, %broadcast_in_dim3A_44 : vector<4x8x256xi1>, vector<4x8x256xf32>
      %reduce_sum3A = arith.constant dense<0.000000e+00> : vector<4xf32>
      %reduce_sum3A_46 = vector.multi_reduction <add>, %select_n3A_45, %reduce_sum3A [1, 2] : vector<4x8x256xf32> to vector<4xf32>
      %broadcast_in_dim3A_47 = vector.shape_cast %reduce_sum3A_46 : vector<4xf32> to vector<4x1x1xf32>
      %jit3A_48 = arith.constant 0.000000e+00 : f32
      %broadcast_in_dim3A_49 = vector.broadcast %jit3A_48 : f32 to vector<4x8x256xf32>
      %select_n3A_50 = arith.select %eq3A_43, %get3A_10, %broadcast_in_dim3A_49 : vector<4x8x256xi1>, vector<4x8x256xf32>
      %reduce_sum3A_51 = arith.constant dense<0.000000e+00> : vector<4xf32>
      %reduce_sum3A_52 = vector.multi_reduction <add>, %select_n3A_50, %reduce_sum3A_51 [1, 2] : vector<4x8x256xf32> to vector<4xf32>
      %broadcast_in_dim3A_53 = vector.shape_cast %reduce_sum3A_52 : vector<4xf32> to vector<4x1x1xf32>
      %jit3A_54 = arith.constant 0.000000e+00 : f32
      %broadcast_in_dim3A_55 = vector.broadcast %jit3A_54 : f32 to vector<4x8x256xf32>
      %select_n3A_56 = arith.select %eq3A_43, %get3A_16, %broadcast_in_dim3A_55 : vector<4x8x256xi1>, vector<4x8x256xf32>
      %reduce_sum3A_57 = arith.constant dense<0.000000e+00> : vector<4xf32>
      %reduce_sum3A_58 = vector.multi_reduction <add>, %select_n3A_56, %reduce_sum3A_57 [1, 2] : vector<4x8x256xf32> to vector<4xf32>
      %broadcast_in_dim3A_59 = vector.shape_cast %reduce_sum3A_58 : vector<4xf32> to vector<4x1x1xf32>
      %sub3A = vector.broadcast %broadcast_in_dim3A_47 : vector<4x1x1xf32> to vector<4x8x256xf32>
      %sub3A_60 = arith.subf %get3A_4, %sub3A : vector<4x8x256xf32>
      %integer_pow3A = arith.mulf %sub3A_60, %sub3A_60 : vector<4x8x256xf32>
      %sub3A_61 = vector.broadcast %broadcast_in_dim3A_53 : vector<4x1x1xf32> to vector<4x8x256xf32>
      %sub3A_62 = arith.subf %get3A_10, %sub3A_61 : vector<4x8x256xf32>
      %integer_pow3A_63 = arith.mulf %sub3A_62, %sub3A_62 : vector<4x8x256xf32>
      %add3A_64 = arith.addf %integer_pow3A, %integer_pow3A_63 : vector<4x8x256xf32>
      %sub3A_65 = vector.broadcast %broadcast_in_dim3A_59 : vector<4x1x1xf32> to vector<4x8x256xf32>
      %sub3A_66 = arith.subf %get3A_16, %sub3A_65 : vector<4x8x256xf32>
      %integer_pow3A_67 = arith.mulf %sub3A_66, %sub3A_66 : vector<4x8x256xf32>
      %add3A_68 = arith.addf %add3A_64, %integer_pow3A_67 : vector<4x8x256xf32>
      %get3A_69 = arith.constant 0 : index
      %get3A_70 = arith.constant 0 : index
      %get3A_71 = arith.constant 0 : index
      %get3A_72 = vector.load %arg2[%get3A_69, %get3A_70, %get3A_71] : memref<4x8x256xf32, #tpu.memory_space<vmem>>, vector<4x8x256xf32>
      %min3A = arith.minimumf %get3A_72, %add3A_68 : vector<4x8x256xf32>
      %swap3A_73 = arith.constant 0 : index
      %swap3A_74 = arith.constant 0 : index
      %swap3A_75 = arith.constant 0 : index
      %swap3A_76 = vector.load %arg2[%swap3A_73, %swap3A_74, %swap3A_75] : memref<4x8x256xf32, #tpu.memory_space<vmem>>, vector<4x8x256xf32>
      tpu.vector_store %arg2[%swap3A_73, %swap3A_74, %swap3A_75], %min3A {strides = array<i32>} : memref<4x8x256xf32, #tpu.memory_space<vmem>>, vector<4x8x256xf32>,
      %reduce_max3A = arith.constant dense<0xFF800000> : vector<4xf32>
      %reduce_max3A_77 = vector.multi_reduction <maximumf>, %min3A, %reduce_max3A [1, 2] : vector<4x8x256xf32> to vector<4xf32>
      %broadcast_in_dim3A_78 = vector.shape_cast %reduce_max3A_77 : vector<4xf32> to vector<4x1x1xf32>
      %eq3A_79 = vector.broadcast %broadcast_in_dim3A_78 : vector<4x1x1xf32> to vector<4x8x256xf32>
      %eq3A_80 = arith.cmpf oeq, %min3A, %eq3A_79 : vector<4x8x256xf32>
      %jit3A_81 = arith.constant 2048 : i32
      %broadcast_in_dim3A_82 = vector.broadcast %jit3A_81 : i32 to vector<4x8x256xi32>
      %select_n3A_83 = arith.select %eq3A_80, %add3A, %broadcast_in_dim3A_82 : vector<4x8x256xi1>, vector<4x8x256xi32>
      %reduce_min3A = arith.constant dense<2147483647> : vector<4xi32>
      %reduce_min3A_84 = vector.multi_reduction <minsi>, %select_n3A_83, %reduce_min3A [1, 2] : vector<4x8x256xi32> to vector<4xi32>
      %broadcast_in_dim3A_85 = vector.shape_cast %reduce_min3A_84 : vector<4xi32> to vector<4x1x1xi32>
      scf.yield %broadcast_in_dim3A_85, %select_n3A : vector<4x1x1xi32>, vector<4x8x256xi32>
    }
    %scan3A_32 = arith.constant 2048 : i32
    %reshape3A = vector.shape_cast %scan3A_31#1 : vector<4x8x256xi32> to vector<4x2048xi32>
    %swap3A_33 = arith.constant 0 : index
    %swap3A_34 = arith.constant 0 : index
    %swap3A_35 = vector.load %arg1[%swap3A_33, %swap3A_34] : memref<4x2048xi32, #tpu.memory_space<vmem>>, vector<4x2048xi32>
    tpu.vector_store %arg1[%swap3A_33, %swap3A_34], %reshape3A {strides = array<i32>} : memref<4x2048xi32, #tpu.memory_space<vmem>>, vector<4x2048xi32>,
    return
  }
}

module attributes {stable_mosaic.version = 14 : i64} {
  func.func @_y1stats_body(%arg0: i32, %arg1: i32, %arg2: memref<1x3x8192xf32, #tpu.memory_space<vmem>>, %arg3: memref<176x3xf32, #tpu.memory_space<vmem>>, %arg4: memref<176x1xf32, #tpu.memory_space<vmem>>, %arg5: memref<1x176x1xf32, #tpu.memory_space<vmem>>, %arg6: memref<1x176x1xf32, #tpu.memory_space<vmem>>) attributes {dimension_semantics = [#tpu.dimension_semantics<arbitrary>, #tpu.dimension_semantics<arbitrary>], iteration_bounds = array<i64: 8, 4>, scalar_prefetch = 0 : i64, scratch_operands = 0 : i64, tpu.core_type = #tpu.core_type<tc>, window_params = [{transform_indices = @transform_0, window_bounds = array<i64: 1, 3, 8192>}, {pipeline_mode = #tpu.pipeline_mode<synchronous>, transform_indices = @transform_1, window_bounds = array<i64: 176, 3>}, {pipeline_mode = #tpu.pipeline_mode<synchronous>, transform_indices = @transform_2, window_bounds = array<i64: 176, 1>}, {transform_indices = @transform_3, window_bounds = array<i64: 1, 176, 1>}, {transform_indices = @transform_4, window_bounds = array<i64: 1, 176, 1>}]} {
    %get3A = arith.constant 0 : index
    %get3A_0 = arith.constant 0 : index
    %get3A_1 = arith.constant 0 : index
    %get3A_2 = vector.load %arg2[%get3A, %get3A_0, %get3A_1] : memref<1x3x8192xf32, #tpu.memory_space<vmem>>, vector<1x3x8192xf32>
    %get3A_3 = vector.shape_cast %get3A_2 : vector<1x3x8192xf32> to vector<3x8192xf32>
    %get3A_4 = arith.constant 0 : index
    %get3A_5 = arith.constant 0 : index
    %get3A_6 = vector.load %arg3[%get3A_4, %get3A_5] : memref<176x3xf32, #tpu.memory_space<vmem>>, vector<176x3xf32>
    %dot_general3A = arith.constant dense<0.000000e+00> : vector<176x8192xf32>
    %dot_general3A_7 = tpu.matmul %get3A_6, %get3A_3, %dot_general3A {dimension_numbers = #tpu.dot_dimension_numbers<[1], [0], [0], [1], [0, 0, 1, 1], [], []>, transpose_lhs_hint = false} : vector<176x3xf32>, vector<3x8192xf32>, vector<176x8192xf32> -> vector<176x8192xf32>
    %get3A_8 = arith.constant 0 : index
    %get3A_9 = arith.constant 0 : index
    %get3A_10 = vector.load %arg4[%get3A_8, %get3A_9] : memref<176x1xf32, #tpu.memory_space<vmem>>, vector<176x1xf32>
    %add3A = vector.broadcast %get3A_10 : vector<176x1xf32> to vector<176x8192xf32>
    %add3A_11 = arith.addf %dot_general3A_7, %add3A : vector<176x8192xf32>
    %jit3A = arith.constant 4 : i32
    %eq3A = arith.constant 0 : i32
    %eq3A_12 = arith.cmpi eq, %jit3A, %eq3A : i32
    %jit3A_13 = arith.constant 1 : i32
    %select_n3A = arith.select %eq3A_12, %jit3A_13, %jit3A : i32
    %rem3A = arith.remsi %arg0, %select_n3A : i32
    %ne3A = arith.constant 0 : i32
    %ne3A_14 = arith.cmpi ne, %rem3A, %ne3A : i32
    %lt3A = arith.constant 0 : i32
    %lt3A_15 = arith.cmpi slt, %rem3A, %lt3A : i32
    %lt3A_16 = arith.constant 0 : i32
    %lt3A_17 = arith.cmpi slt, %select_n3A, %lt3A_16 : i32
    %ne3A_18 = arith.xori %lt3A_15, %lt3A_17 : i1
    %and3A = arith.andi %ne3A_18, %ne3A_14 : i1
    %add3A_19 = arith.addi %rem3A, %select_n3A : i32
    %select_n3A_20 = arith.select %and3A, %add3A_19, %rem3A : i32
    %eq3A_21 = arith.constant 0 : i32
    %eq3A_22 = arith.cmpi eq, %select_n3A_20, %eq3A_21 : i32
    %eq3A_23 = arith.constant 0 : i32
    %eq3A_24 = arith.cmpi eq, %arg1, %eq3A_23 : i32
    %and3A_25 = arith.andi %eq3A_22, %eq3A_24 : i1
    %convert_element_type3A = arith.extui %and3A_25 : i1 to i32
    %cond3A = arith.constant 0 : i32
    %cond3A_26 = arith.cmpi ne, %convert_element_type3A, %cond3A : i32
    scf.if %cond3A_26 {
      %broadcast_in_dim3A_39 = arith.constant 0.000000e+00 : f32
      %broadcast_in_dim3A_40 = vector.broadcast %broadcast_in_dim3A_39 : f32 to vector<176x1xf32>
      %swap3A_41 = arith.constant 0 : index
      %swap3A_42 = arith.constant 0 : index
      %swap3A_43 = arith.constant 0 : index
      %swap3A_44 = vector.load %arg6[%swap3A_41, %swap3A_42, %swap3A_43] : memref<1x176x1xf32, #tpu.memory_space<vmem>>, vector<1x176x1xf32>
      %swap3A_45 = vector.shape_cast %swap3A_44 : vector<1x176x1xf32> to vector<176x1xf32>
      %swap3A_46 = vector.shape_cast %broadcast_in_dim3A_40 : vector<176x1xf32> to vector<1x176x1xf32>
      tpu.vector_store %arg6[%swap3A_41, %swap3A_42, %swap3A_43], %swap3A_46 {strides = array<i32>} : memref<1x176x1xf32, #tpu.memory_space<vmem>>, vector<1x176x1xf32>,
    } else {
    }
    %get3A_27 = arith.constant 0 : index
    %get3A_28 = arith.constant 0 : index
    %get3A_29 = arith.constant 0 : index
    %get3A_30 = vector.load %arg6[%get3A_27, %get3A_28, %get3A_29] : memref<1x176x1xf32, #tpu.memory_space<vmem>>, vector<1x176x1xf32>
    %get3A_31 = vector.shape_cast %get3A_30 : vector<1x176x1xf32> to vector<176x1xf32>
    %reduce_sum3A = arith.constant dense<0.000000e+00> : vector<176xf32>
    %reduce_sum3A_32 = vector.multi_reduction <add>, %add3A_11, %reduce_sum3A [1] : vector<176x8192xf32> to vector<176xf32>
    %broadcast_in_dim3A = vector.shape_cast %reduce_sum3A_32 : vector<176xf32> to vector<176x1xf32>
    %add3A_33 = arith.addf %get3A_31, %broadcast_in_dim3A : vector<176x1xf32>
    %swap3A = arith.constant 0 : index
    %swap3A_34 = arith.constant 0 : index
    %swap3A_35 = arith.constant 0 : index
    %swap3A_36 = vector.load %arg6[%swap3A, %swap3A_34, %swap3A_35] : memref<1x176x1xf32, #tpu.memory_space<vmem>>, vector<1x176x1xf32>
    %swap3A_37 = vector.shape_cast %swap3A_36 : vector<1x176x1xf32> to vector<176x1xf32>
    %swap3A_38 = vector.shape_cast %add3A_33 : vector<176x1xf32> to vector<1x176x1xf32>
    tpu.vector_store %arg6[%swap3A, %swap3A_34, %swap3A_35], %swap3A_38 {strides = array<i32>} : memref<1x176x1xf32, #tpu.memory_space<vmem>>, vector<1x176x1xf32>,
    return
  }
  func.func @transform_0(%arg0: i32, %arg1: i32) -> (i32, i32, i32) {
    %c0_i32 = arith.constant 0 : i32
    %c0_i32_0 = arith.constant 0 : i32
    return %arg0, %c0_i32, %arg1 : i32, i32, i32
  }
  func.func @transform_1(%arg0: i32, %arg1: i32) -> (i32, i32) {
    %c0_i32 = arith.constant 0 : i32
    %c0_i32_0 = arith.constant 0 : i32
    %c0_i32_1 = arith.constant 0 : i32
    return %c0_i32, %c0_i32_0 : i32, i32
  }
  func.func @transform_2(%arg0: i32, %arg1: i32) -> (i32, i32) {
    %c0_i32 = arith.constant 0 : i32
    %c0_i32_0 = arith.constant 0 : i32
    %c0_i32_1 = arith.constant 0 : i32
    return %c0_i32, %c0_i32_0 : i32, i32
  }
  func.func @transform_3(%arg0: i32, %arg1: i32) -> (i32, i32, i32) {
    %jit3A = arith.constant 4 : i32
    %div3A = arith.divsi %arg0, %jit3A : i32
    %sign3A = arith.constant 0 : i32
    %sign3A_0 = arith.cmpi sgt, %arg0, %sign3A : i32
    %sign3A_1 = arith.extui %sign3A_0 : i1 to i32
    %sign3A_2 = arith.constant 0 : i32
    %sign3A_3 = arith.cmpi slt, %arg0, %sign3A_2 : i32
    %sign3A_4 = arith.extui %sign3A_3 : i1 to i32
    %sign3A_5 = arith.subi %sign3A_1, %sign3A_4 : i32
    %sign3A_6 = arith.constant 0 : i32
    %sign3A_7 = arith.cmpi sgt, %jit3A, %sign3A_6 : i32
    %sign3A_8 = arith.extui %sign3A_7 : i1 to i32
    %sign3A_9 = arith.constant 0 : i32
    %sign3A_10 = arith.cmpi slt, %jit3A, %sign3A_9 : i32
    %sign3A_11 = arith.extui %sign3A_10 : i1 to i32
    %sign3A_12 = arith.subi %sign3A_8, %sign3A_11 : i32
    %ne3A = arith.cmpi ne, %sign3A_5, %sign3A_12 : i32
    %rem3A = arith.remsi %arg0, %jit3A : i32
    %ne3A_13 = arith.constant 0 : i32
    %ne3A_14 = arith.cmpi ne, %rem3A, %ne3A_13 : i32
    %and3A = arith.andi %ne3A, %ne3A_14 : i1
    %sub3A = arith.constant 1 : i32
    %sub3A_15 = arith.subi %div3A, %sub3A : i32
    %select_n3A = arith.select %and3A, %sub3A_15, %div3A : i32
    %c0_i32 = arith.constant 0 : i32
    %c0_i32_16 = arith.constant 0 : i32
    %c0_i32_17 = arith.constant 0 : i32
    return %select_n3A, %c0_i32, %c0_i32_16 : i32, i32, i32
  }
  func.func @transform_4(%arg0: i32, %arg1: i32) -> (i32, i32, i32) {
    %jit3A = arith.constant 4 : i32
    %div3A = arith.divsi %arg0, %jit3A : i32
    %sign3A = arith.constant 0 : i32
    %sign3A_0 = arith.cmpi sgt, %arg0, %sign3A : i32
    %sign3A_1 = arith.extui %sign3A_0 : i1 to i32
    %sign3A_2 = arith.constant 0 : i32
    %sign3A_3 = arith.cmpi slt, %arg0, %sign3A_2 : i32
    %sign3A_4 = arith.extui %sign3A_3 : i1 to i32
    %sign3A_5 = arith.subi %sign3A_1, %sign3A_4 : i32
    %sign3A_6 = arith.constant 0 : i32
    %sign3A_7 = arith.cmpi sgt, %jit3A, %sign3A_6 : i32
    %sign3A_8 = arith.extui %sign3A_7 : i1 to i32
    %sign3A_9 = arith.constant 0 : i32
    %sign3A_10 = arith.cmpi slt, %jit3A, %sign3A_9 : i32
    %sign3A_11 = arith.extui %sign3A_10 : i1 to i32
    %sign3A_12 = arith.subi %sign3A_8, %sign3A_11 : i32
    %ne3A = arith.cmpi ne, %sign3A_5, %sign3A_12 : i32
    %rem3A = arith.remsi %arg0, %jit3A : i32
    %ne3A_13 = arith.constant 0 : i32
    %ne3A_14 = arith.cmpi ne, %rem3A, %ne3A_13 : i32
    %and3A = arith.andi %ne3A, %ne3A_14 : i1
    %sub3A = arith.constant 1 : i32
    %sub3A_15 = arith.subi %div3A, %sub3A : i32
    %select_n3A = arith.select %and3A, %sub3A_15, %div3A : i32
    %c0_i32 = arith.constant 0 : i32
    %c0_i32_16 = arith.constant 0 : i32
    %c0_i32_17 = arith.constant 0 : i32
    return %select_n3A, %c0_i32, %c0_i32_16 : i32, i32, i32
  }
}

module attributes {stable_mosaic.version = 14 : i64} {
  func.func @_y1stats_body(%arg0: i32, %arg1: i32, %arg2: memref<1x3x8192xf32, #tpu.memory_space<vmem>>, %arg3: memref<176x3xf32, #tpu.memory_space<vmem>>, %arg4: memref<176x1xf32, #tpu.memory_space<vmem>>, %arg5: memref<1x176x1xf32, #tpu.memory_space<vmem>>, %arg6: memref<1x176x1xf32, #tpu.memory_space<vmem>>) attributes {dimension_semantics = [#tpu.dimension_semantics<arbitrary>, #tpu.dimension_semantics<arbitrary>], iteration_bounds = array<i64: 8, 4>, scalar_prefetch = 0 : i64, scratch_operands = 0 : i64, tpu.core_type = #tpu.core_type<tc>, window_params = [{transform_indices = @transform_0, window_bounds = array<i64: 1, 3, 8192>}, {pipeline_mode = #tpu.pipeline_mode<synchronous>, transform_indices = @transform_1, window_bounds = array<i64: 176, 3>}, {pipeline_mode = #tpu.pipeline_mode<synchronous>, transform_indices = @transform_2, window_bounds = array<i64: 176, 1>}, {transform_indices = @transform_3, window_bounds = array<i64: 1, 176, 1>}, {transform_indices = @transform_4, window_bounds = array<i64: 1, 176, 1>}]} {
    %get3A = arith.constant 0 : index
    %get3A_0 = arith.constant 0 : index
    %get3A_1 = arith.constant 0 : index
    %get3A_2 = vector.load %arg2[%get3A, %get3A_0, %get3A_1] : memref<1x3x8192xf32, #tpu.memory_space<vmem>>, vector<1x3x8192xf32>
    %get3A_3 = vector.shape_cast %get3A_2 : vector<1x3x8192xf32> to vector<3x8192xf32>
    %get3A_4 = arith.constant 0 : index
    %get3A_5 = arith.constant 0 : index
    %get3A_6 = vector.load %arg3[%get3A_4, %get3A_5] : memref<176x3xf32, #tpu.memory_space<vmem>>, vector<176x3xf32>
    %dot_general3A = arith.constant dense<0.000000e+00> : vector<176x8192xf32>
    %dot_general3A_7 = tpu.matmul %get3A_6, %get3A_3, %dot_general3A {dimension_numbers = #tpu.dot_dimension_numbers<[1], [0], [0], [1], [0, 0, 1, 1], [], []>, transpose_lhs_hint = false} : vector<176x3xf32>, vector<3x8192xf32>, vector<176x8192xf32> -> vector<176x8192xf32>
    %get3A_8 = arith.constant 0 : index
    %get3A_9 = arith.constant 0 : index
    %get3A_10 = vector.load %arg4[%get3A_8, %get3A_9] : memref<176x1xf32, #tpu.memory_space<vmem>>, vector<176x1xf32>
    %add3A = vector.broadcast %get3A_10 : vector<176x1xf32> to vector<176x8192xf32>
    %add3A_11 = arith.addf %dot_general3A_7, %add3A : vector<176x8192xf32>
    %jit3A = arith.constant 4 : i32
    %eq3A = arith.constant 0 : i32
    %eq3A_12 = arith.cmpi eq, %jit3A, %eq3A : i32
    %jit3A_13 = arith.constant 1 : i32
    %select_n3A = arith.select %eq3A_12, %jit3A_13, %jit3A : i32
    %rem3A = arith.remsi %arg0, %select_n3A : i32
    %ne3A = arith.constant 0 : i32
    %ne3A_14 = arith.cmpi ne, %rem3A, %ne3A : i32
    %lt3A = arith.constant 0 : i32
    %lt3A_15 = arith.cmpi slt, %rem3A, %lt3A : i32
    %lt3A_16 = arith.constant 0 : i32
    %lt3A_17 = arith.cmpi slt, %select_n3A, %lt3A_16 : i32
    %ne3A_18 = arith.xori %lt3A_15, %lt3A_17 : i1
    %and3A = arith.andi %ne3A_18, %ne3A_14 : i1
    %add3A_19 = arith.addi %rem3A, %select_n3A : i32
    %select_n3A_20 = arith.select %and3A, %add3A_19, %rem3A : i32
    %eq3A_21 = arith.constant 0 : i32
    %eq3A_22 = arith.cmpi eq, %select_n3A_20, %eq3A_21 : i32
    %eq3A_23 = arith.constant 0 : i32
    %eq3A_24 = arith.cmpi eq, %arg1, %eq3A_23 : i32
    %and3A_25 = arith.andi %eq3A_22, %eq3A_24 : i1
    %convert_element_type3A = arith.extui %and3A_25 : i1 to i32
    %cond3A = arith.constant 0 : i32
    %cond3A_26 = arith.cmpi ne, %convert_element_type3A, %cond3A : i32
    scf.if %cond3A_26 {
      %broadcast_in_dim3A_45 = arith.constant 0.000000e+00 : f32
      %broadcast_in_dim3A_46 = vector.broadcast %broadcast_in_dim3A_45 : f32 to vector<176x1xf32>
      %swap3A_47 = arith.constant 0 : index
      %swap3A_48 = arith.constant 0 : index
      %swap3A_49 = arith.constant 0 : index
      %swap3A_50 = vector.load %arg6[%swap3A_47, %swap3A_48, %swap3A_49] : memref<1x176x1xf32, #tpu.memory_space<vmem>>, vector<1x176x1xf32>
      %swap3A_51 = vector.shape_cast %swap3A_50 : vector<1x176x1xf32> to vector<176x1xf32>
      %swap3A_52 = vector.shape_cast %broadcast_in_dim3A_46 : vector<176x1xf32> to vector<1x176x1xf32>
      tpu.vector_store %arg6[%swap3A_47, %swap3A_48, %swap3A_49], %swap3A_52 {strides = array<i32>} : memref<1x176x1xf32, #tpu.memory_space<vmem>>, vector<1x176x1xf32>,
    } else {
    }
    %get3A_27 = arith.constant 0 : index
    %get3A_28 = arith.constant 0 : index
    %get3A_29 = arith.constant 0 : index
    %get3A_30 = vector.load %arg5[%get3A_27, %get3A_28, %get3A_29] : memref<1x176x1xf32, #tpu.memory_space<vmem>>, vector<1x176x1xf32>
    %get3A_31 = vector.shape_cast %get3A_30 : vector<1x176x1xf32> to vector<176x1xf32>
    %sub3A = vector.broadcast %get3A_31 : vector<176x1xf32> to vector<176x8192xf32>
    %sub3A_32 = arith.subf %add3A_11, %sub3A : vector<176x8192xf32>
    %get3A_33 = arith.constant 0 : index
    %get3A_34 = arith.constant 0 : index
    %get3A_35 = arith.constant 0 : index
    %get3A_36 = vector.load %arg6[%get3A_33, %get3A_34, %get3A_35] : memref<1x176x1xf32, #tpu.memory_space<vmem>>, vector<1x176x1xf32>
    %get3A_37 = vector.shape_cast %get3A_36 : vector<1x176x1xf32> to vector<176x1xf32>
    %mul3A = arith.mulf %sub3A_32, %sub3A_32 : vector<176x8192xf32>
    %reduce_sum3A = arith.constant dense<0.000000e+00> : vector<176xf32>
    %reduce_sum3A_38 = vector.multi_reduction <add>, %mul3A, %reduce_sum3A [1] : vector<176x8192xf32> to vector<176xf32>
    %broadcast_in_dim3A = vector.shape_cast %reduce_sum3A_38 : vector<176xf32> to vector<176x1xf32>
    %add3A_39 = arith.addf %get3A_37, %broadcast_in_dim3A : vector<176x1xf32>
    %swap3A = arith.constant 0 : index
    %swap3A_40 = arith.constant 0 : index
    %swap3A_41 = arith.constant 0 : index
    %swap3A_42 = vector.load %arg6[%swap3A, %swap3A_40, %swap3A_41] : memref<1x176x1xf32, #tpu.memory_space<vmem>>, vector<1x176x1xf32>
    %swap3A_43 = vector.shape_cast %swap3A_42 : vector<1x176x1xf32> to vector<176x1xf32>
    %swap3A_44 = vector.shape_cast %add3A_39 : vector<176x1xf32> to vector<1x176x1xf32>
    tpu.vector_store %arg6[%swap3A, %swap3A_40, %swap3A_41], %swap3A_44 {strides = array<i32>} : memref<1x176x1xf32, #tpu.memory_space<vmem>>, vector<1x176x1xf32>,
    return
  }
  func.func @transform_0(%arg0: i32, %arg1: i32) -> (i32, i32, i32) {
    %c0_i32 = arith.constant 0 : i32
    %c0_i32_0 = arith.constant 0 : i32
    return %arg0, %c0_i32, %arg1 : i32, i32, i32
  }
  func.func @transform_1(%arg0: i32, %arg1: i32) -> (i32, i32) {
    %c0_i32 = arith.constant 0 : i32
    %c0_i32_0 = arith.constant 0 : i32
    %c0_i32_1 = arith.constant 0 : i32
    return %c0_i32, %c0_i32_0 : i32, i32
  }
  func.func @transform_2(%arg0: i32, %arg1: i32) -> (i32, i32) {
    %c0_i32 = arith.constant 0 : i32
    %c0_i32_0 = arith.constant 0 : i32
    %c0_i32_1 = arith.constant 0 : i32
    return %c0_i32, %c0_i32_0 : i32, i32
  }
  func.func @transform_3(%arg0: i32, %arg1: i32) -> (i32, i32, i32) {
    %jit3A = arith.constant 4 : i32
    %div3A = arith.divsi %arg0, %jit3A : i32
    %sign3A = arith.constant 0 : i32
    %sign3A_0 = arith.cmpi sgt, %arg0, %sign3A : i32
    %sign3A_1 = arith.extui %sign3A_0 : i1 to i32
    %sign3A_2 = arith.constant 0 : i32
    %sign3A_3 = arith.cmpi slt, %arg0, %sign3A_2 : i32
    %sign3A_4 = arith.extui %sign3A_3 : i1 to i32
    %sign3A_5 = arith.subi %sign3A_1, %sign3A_4 : i32
    %sign3A_6 = arith.constant 0 : i32
    %sign3A_7 = arith.cmpi sgt, %jit3A, %sign3A_6 : i32
    %sign3A_8 = arith.extui %sign3A_7 : i1 to i32
    %sign3A_9 = arith.constant 0 : i32
    %sign3A_10 = arith.cmpi slt, %jit3A, %sign3A_9 : i32
    %sign3A_11 = arith.extui %sign3A_10 : i1 to i32
    %sign3A_12 = arith.subi %sign3A_8, %sign3A_11 : i32
    %ne3A = arith.cmpi ne, %sign3A_5, %sign3A_12 : i32
    %rem3A = arith.remsi %arg0, %jit3A : i32
    %ne3A_13 = arith.constant 0 : i32
    %ne3A_14 = arith.cmpi ne, %rem3A, %ne3A_13 : i32
    %and3A = arith.andi %ne3A, %ne3A_14 : i1
    %sub3A = arith.constant 1 : i32
    %sub3A_15 = arith.subi %div3A, %sub3A : i32
    %select_n3A = arith.select %and3A, %sub3A_15, %div3A : i32
    %c0_i32 = arith.constant 0 : i32
    %c0_i32_16 = arith.constant 0 : i32
    %c0_i32_17 = arith.constant 0 : i32
    return %select_n3A, %c0_i32, %c0_i32_16 : i32, i32, i32
  }
  func.func @transform_4(%arg0: i32, %arg1: i32) -> (i32, i32, i32) {
    %jit3A = arith.constant 4 : i32
    %div3A = arith.divsi %arg0, %jit3A : i32
    %sign3A = arith.constant 0 : i32
    %sign3A_0 = arith.cmpi sgt, %arg0, %sign3A : i32
    %sign3A_1 = arith.extui %sign3A_0 : i1 to i32
    %sign3A_2 = arith.constant 0 : i32
    %sign3A_3 = arith.cmpi slt, %arg0, %sign3A_2 : i32
    %sign3A_4 = arith.extui %sign3A_3 : i1 to i32
    %sign3A_5 = arith.subi %sign3A_1, %sign3A_4 : i32
    %sign3A_6 = arith.constant 0 : i32
    %sign3A_7 = arith.cmpi sgt, %jit3A, %sign3A_6 : i32
    %sign3A_8 = arith.extui %sign3A_7 : i1 to i32
    %sign3A_9 = arith.constant 0 : i32
    %sign3A_10 = arith.cmpi slt, %jit3A, %sign3A_9 : i32
    %sign3A_11 = arith.extui %sign3A_10 : i1 to i32
    %sign3A_12 = arith.subi %sign3A_8, %sign3A_11 : i32
    %ne3A = arith.cmpi ne, %sign3A_5, %sign3A_12 : i32
    %rem3A = arith.remsi %arg0, %jit3A : i32
    %ne3A_13 = arith.constant 0 : i32
    %ne3A_14 = arith.cmpi ne, %rem3A, %ne3A_13 : i32
    %and3A = arith.andi %ne3A, %ne3A_14 : i1
    %sub3A = arith.constant 1 : i32
    %sub3A_15 = arith.subi %div3A, %sub3A : i32
    %select_n3A = arith.select %and3A, %sub3A_15, %div3A : i32
    %c0_i32 = arith.constant 0 : i32
    %c0_i32_16 = arith.constant 0 : i32
    %c0_i32_17 = arith.constant 0 : i32
    return %select_n3A, %c0_i32, %c0_i32_16 : i32, i32, i32
  }
}

module attributes {stable_mosaic.version = 14 : i64} {
  func.func @_y2stats_body(%arg0: i32, %arg1: i32, %arg2: memref<1x3x8192xf32, #tpu.memory_space<vmem>>, %arg3: memref<176x3xf32, #tpu.memory_space<vmem>>, %arg4: memref<176x1xf32, #tpu.memory_space<vmem>>, %arg5: memref<1x4x176xf32, #tpu.memory_space<vmem>>, %arg6: memref<7x32x16xf32, #tpu.memory_space<vmem>>, %arg7: memref<128x64xf32, #tpu.memory_space<vmem>>, %arg8: memref<352x1xf32, #tpu.memory_space<vmem>>, %arg9: memref<1x352x1xf32, #tpu.memory_space<vmem>>, %arg10: memref<1x352x1xf32, #tpu.memory_space<vmem>>) attributes {dimension_semantics = [#tpu.dimension_semantics<arbitrary>, #tpu.dimension_semantics<arbitrary>], iteration_bounds = array<i64: 8, 4>, scalar_prefetch = 0 : i64, scratch_operands = 0 : i64, tpu.core_type = #tpu.core_type<tc>, window_params = [{transform_indices = @transform_0, window_bounds = array<i64: 1, 3, 8192>}, {pipeline_mode = #tpu.pipeline_mode<synchronous>, transform_indices = @transform_1, window_bounds = array<i64: 176, 3>}, {pipeline_mode = #tpu.pipeline_mode<synchronous>, transform_indices = @transform_2, window_bounds = array<i64: 176, 1>}, {transform_indices = @transform_3, window_bounds = array<i64: 1, 4, 176>}, {pipeline_mode = #tpu.pipeline_mode<synchronous>, transform_indices = @transform_4, window_bounds = array<i64: 7, 32, 16>}, {pipeline_mode = #tpu.pipeline_mode<synchronous>, transform_indices = @transform_5, window_bounds = array<i64: 128, 64>}, {pipeline_mode = #tpu.pipeline_mode<synchronous>, transform_indices = @transform_6, window_bounds = array<i64: 352, 1>}, {transform_indices = @transform_7, window_bounds = array<i64: 1, 352, 1>}, {transform_indices = @transform_8, window_bounds = array<i64: 1, 352, 1>}]} {
    %get3A = arith.constant 0 : index
    %get3A_0 = arith.constant 0 : index
    %get3A_1 = arith.constant 0 : index
    %get3A_2 = vector.load %arg2[%get3A, %get3A_0, %get3A_1] : memref<1x3x8192xf32, #tpu.memory_space<vmem>>, vector<1x3x8192xf32>
    %get3A_3 = vector.shape_cast %get3A_2 : vector<1x3x8192xf32> to vector<3x8192xf32>
    %get3A_4 = arith.constant 0 : index
    %get3A_5 = arith.constant 0 : index
    %get3A_6 = vector.load %arg3[%get3A_4, %get3A_5] : memref<176x3xf32, #tpu.memory_space<vmem>>, vector<176x3xf32>
    %dot_general3A = arith.constant dense<0.000000e+00> : vector<176x8192xf32>
    %dot_general3A_7 = tpu.matmul %get3A_6, %get3A_3, %dot_general3A {dimension_numbers = #tpu.dot_dimension_numbers<[1], [0], [0], [1], [0, 0, 1, 1], [], []>, transpose_lhs_hint = false} : vector<176x3xf32>, vector<3x8192xf32>, vector<176x8192xf32> -> vector<176x8192xf32>
    %get3A_8 = arith.constant 0 : index
    %get3A_9 = arith.constant 0 : index
    %get3A_10 = vector.load %arg4[%get3A_8, %get3A_9] : memref<176x1xf32, #tpu.memory_space<vmem>>, vector<176x1xf32>
    %add3A = vector.broadcast %get3A_10 : vector<176x1xf32> to vector<176x8192xf32>
    %add3A_11 = arith.addf %dot_general3A_7, %add3A : vector<176x8192xf32>
    %get3A_12 = arith.constant 0 : index
    %get3A_13 = arith.constant 0 : index
    %get3A_14 = arith.constant 0 : index
    %get3A_15 = vector.load %arg5[%get3A_12, %get3A_13, %get3A_14] : memref<1x4x176xf32, #tpu.memory_space<vmem>>, vector<1x4x176xf32>
    %get3A_16 = vector.shape_cast %get3A_15 : vector<1x4x176xf32> to vector<4x176xf32>
    %slice3A = vector.extract_strided_slice %get3A_16 {offsets = [0, 0], sizes = [1, 176], strides = [1, 1]} : vector<4x176xf32> to vector<1x176xf32>
    %squeeze3A = vector.shape_cast %slice3A : vector<1x176xf32> to vector<176xf32>
    %broadcast_in_dim3A = vector.shape_cast %squeeze3A : vector<176xf32> to vector<176x1xf32>
    %slice3A_17 = vector.extract_strided_slice %get3A_16 {offsets = [1, 0], sizes = [1, 176], strides = [1, 1]} : vector<4x176xf32> to vector<1x176xf32>
    %squeeze3A_18 = vector.shape_cast %slice3A_17 : vector<1x176xf32> to vector<176xf32>
    %broadcast_in_dim3A_19 = vector.shape_cast %squeeze3A_18 : vector<176xf32> to vector<176x1xf32>
    %slice3A_20 = vector.extract_strided_slice %get3A_16 {offsets = [2, 0], sizes = [1, 176], strides = [1, 1]} : vector<4x176xf32> to vector<1x176xf32>
    %squeeze3A_21 = vector.shape_cast %slice3A_20 : vector<1x176xf32> to vector<176xf32>
    %broadcast_in_dim3A_22 = vector.shape_cast %squeeze3A_21 : vector<176xf32> to vector<176x1xf32>
    %slice3A_23 = vector.extract_strided_slice %get3A_16 {offsets = [3, 0], sizes = [1, 176], strides = [1, 1]} : vector<4x176xf32> to vector<1x176xf32>
    %squeeze3A_24 = vector.shape_cast %slice3A_23 : vector<1x176xf32> to vector<176xf32>
    %broadcast_in_dim3A_25 = vector.shape_cast %squeeze3A_24 : vector<176xf32> to vector<176x1xf32>
    %sub3A = vector.broadcast %broadcast_in_dim3A : vector<176x1xf32> to vector<176x8192xf32>
    %sub3A_26 = arith.subf %add3A_11, %sub3A : vector<176x8192xf32>
    %div3A = vector.broadcast %broadcast_in_dim3A_19 : vector<176x1xf32> to vector<176x8192xf32>
    %div3A_27 = arith.divf %sub3A_26, %div3A : vector<176x8192xf32>
    %mul3A = vector.broadcast %broadcast_in_dim3A_22 : vector<176x1xf32> to vector<176x8192xf32>
    %mul3A_28 = arith.mulf %div3A_27, %mul3A : vector<176x8192xf32>
    %add3A_29 = vector.broadcast %broadcast_in_dim3A_25 : vector<176x1xf32> to vector<176x8192xf32>
    %add3A_30 = arith.addf %mul3A_28, %add3A_29 : vector<176x8192xf32>
    %max3A = arith.constant 0.000000e+00 : f32
    %max3A_31 = vector.broadcast %max3A : f32 to vector<176x8192xf32>
    %max3A_32 = arith.maximumf %add3A_30, %max3A_31 : vector<176x8192xf32>
    %get3A_33 = arith.constant 0 : index
    %get3A_34 = arith.constant 0 : index
    %get3A_35 = vector.load %arg8[%get3A_33, %get3A_34] : memref<352x1xf32, #tpu.memory_space<vmem>>, vector<352x1xf32>
    %slice3A_36 = vector.extract_strided_slice %max3A_32 {offsets = [0, 0], sizes = [16, 8192], strides = [1, 1]} : vector<176x8192xf32> to vector<16x8192xf32>
    %get3A_37 = arith.constant 0 : index
    %get3A_38 = arith.constant 0 : index
    %get3A_39 = arith.constant 0 : index
    %get3A_40 = vector.load %arg6[%get3A_37, %get3A_38, %get3A_39] : memref<7x32x16xf32, #tpu.memory_space<vmem>>, vector<1x32x16xf32>
    %get3A_41 = vector.shape_cast %get3A_40 : vector<1x32x16xf32> to vector<32x16xf32>
    %dot_general3A_42 = arith.constant dense<0.000000e+00> : vector<32x8192xf32>
    %dot_general3A_43 = tpu.matmul %get3A_41, %slice3A_36, %dot_general3A_42 {dimension_numbers = #tpu.dot_dimension_numbers<[1], [0], [0], [1], [0, 0, 1, 1], [], []>, transpose_lhs_hint = false} : vector<32x16xf32>, vector<16x8192xf32>, vector<32x8192xf32> -> vector<32x8192xf32>
    %slice3A_44 = vector.extract_strided_slice %get3A_35 {offsets = [0, 0], sizes = [32, 1], strides = [1, 1]} : vector<352x1xf32> to vector<32x1xf32>
    %add3A_45 = vector.broadcast %slice3A_44 : vector<32x1xf32> to vector<32x8192xf32>
    %add3A_46 = arith.addf %dot_general3A_43, %add3A_45 : vector<32x8192xf32>
    %slice3A_47 = vector.extract_strided_slice %max3A_32 {offsets = [16, 0], sizes = [16, 8192], strides = [1, 1]} : vector<176x8192xf32> to vector<16x8192xf32>
    %get3A_48 = arith.constant 1 : index
    %get3A_49 = arith.constant 0 : index
    %get3A_50 = arith.constant 0 : index
    %get3A_51 = vector.load %arg6[%get3A_48, %get3A_49, %get3A_50] : memref<7x32x16xf32, #tpu.memory_space<vmem>>, vector<1x32x16xf32>
    %get3A_52 = vector.shape_cast %get3A_51 : vector<1x32x16xf32> to vector<32x16xf32>
    %dot_general3A_53 = arith.constant dense<0.000000e+00> : vector<32x8192xf32>
    %dot_general3A_54 = tpu.matmul %get3A_52, %slice3A_47, %dot_general3A_53 {dimension_numbers = #tpu.dot_dimension_numbers<[1], [0], [0], [1], [0, 0, 1, 1], [], []>, transpose_lhs_hint = false} : vector<32x16xf32>, vector<16x8192xf32>, vector<32x8192xf32> -> vector<32x8192xf32>
    %slice3A_55 = vector.extract_strided_slice %get3A_35 {offsets = [32, 0], sizes = [32, 1], strides = [1, 1]} : vector<352x1xf32> to vector<32x1xf32>
    %add3A_56 = vector.broadcast %slice3A_55 : vector<32x1xf32> to vector<32x8192xf32>
    %add3A_57 = arith.addf %dot_general3A_54, %add3A_56 : vector<32x8192xf32>
    %slice3A_58 = vector.extract_strided_slice %max3A_32 {offsets = [32, 0], sizes = [16, 8192], strides = [1, 1]} : vector<176x8192xf32> to vector<16x8192xf32>
    %get3A_59 = arith.constant 2 : index
    %get3A_60 = arith.constant 0 : index
    %get3A_61 = arith.constant 0 : index
    %get3A_62 = vector.load %arg6[%get3A_59, %get3A_60, %get3A_61] : memref<7x32x16xf32, #tpu.memory_space<vmem>>, vector<1x32x16xf32>
    %get3A_63 = vector.shape_cast %get3A_62 : vector<1x32x16xf32> to vector<32x16xf32>
    %dot_general3A_64 = arith.constant dense<0.000000e+00> : vector<32x8192xf32>
    %dot_general3A_65 = tpu.matmul %get3A_63, %slice3A_58, %dot_general3A_64 {dimension_numbers = #tpu.dot_dimension_numbers<[1], [0], [0], [1], [0, 0, 1, 1], [], []>, transpose_lhs_hint = false} : vector<32x16xf32>, vector<16x8192xf32>, vector<32x8192xf32> -> vector<32x8192xf32>
    %slice3A_66 = vector.extract_strided_slice %get3A_35 {offsets = [64, 0], sizes = [32, 1], strides = [1, 1]} : vector<352x1xf32> to vector<32x1xf32>
    %add3A_67 = vector.broadcast %slice3A_66 : vector<32x1xf32> to vector<32x8192xf32>
    %add3A_68 = arith.addf %dot_general3A_65, %add3A_67 : vector<32x8192xf32>
    %slice3A_69 = vector.extract_strided_slice %max3A_32 {offsets = [48, 0], sizes = [16, 8192], strides = [1, 1]} : vector<176x8192xf32> to vector<16x8192xf32>
    %get3A_70 = arith.constant 3 : index
    %get3A_71 = arith.constant 0 : index
    %get3A_72 = arith.constant 0 : index
    %get3A_73 = vector.load %arg6[%get3A_70, %get3A_71, %get3A_72] : memref<7x32x16xf32, #tpu.memory_space<vmem>>, vector<1x32x16xf32>
    %get3A_74 = vector.shape_cast %get3A_73 : vector<1x32x16xf32> to vector<32x16xf32>
    %dot_general3A_75 = arith.constant dense<0.000000e+00> : vector<32x8192xf32>
    %dot_general3A_76 = tpu.matmul %get3A_74, %slice3A_69, %dot_general3A_75 {dimension_numbers = #tpu.dot_dimension_numbers<[1], [0], [0], [1], [0, 0, 1, 1], [], []>, transpose_lhs_hint = false} : vector<32x16xf32>, vector<16x8192xf32>, vector<32x8192xf32> -> vector<32x8192xf32>
    %slice3A_77 = vector.extract_strided_slice %get3A_35 {offsets = [96, 0], sizes = [32, 1], strides = [1, 1]} : vector<352x1xf32> to vector<32x1xf32>
    %add3A_78 = vector.broadcast %slice3A_77 : vector<32x1xf32> to vector<32x8192xf32>
    %add3A_79 = arith.addf %dot_general3A_76, %add3A_78 : vector<32x8192xf32>
    %slice3A_80 = vector.extract_strided_slice %max3A_32 {offsets = [64, 0], sizes = [16, 8192], strides = [1, 1]} : vector<176x8192xf32> to vector<16x8192xf32>
    %get3A_81 = arith.constant 4 : index
    %get3A_82 = arith.constant 0 : index
    %get3A_83 = arith.constant 0 : index
    %get3A_84 = vector.load %arg6[%get3A_81, %get3A_82, %get3A_83] : memref<7x32x16xf32, #tpu.memory_space<vmem>>, vector<1x32x16xf32>
    %get3A_85 = vector.shape_cast %get3A_84 : vector<1x32x16xf32> to vector<32x16xf32>
    %dot_general3A_86 = arith.constant dense<0.000000e+00> : vector<32x8192xf32>
    %dot_general3A_87 = tpu.matmul %get3A_85, %slice3A_80, %dot_general3A_86 {dimension_numbers = #tpu.dot_dimension_numbers<[1], [0], [0], [1], [0, 0, 1, 1], [], []>, transpose_lhs_hint = false} : vector<32x16xf32>, vector<16x8192xf32>, vector<32x8192xf32> -> vector<32x8192xf32>
    %slice3A_88 = vector.extract_strided_slice %get3A_35 {offsets = [128, 0], sizes = [32, 1], strides = [1, 1]} : vector<352x1xf32> to vector<32x1xf32>
    %add3A_89 = vector.broadcast %slice3A_88 : vector<32x1xf32> to vector<32x8192xf32>
    %add3A_90 = arith.addf %dot_general3A_87, %add3A_89 : vector<32x8192xf32>
    %slice3A_91 = vector.extract_strided_slice %max3A_32 {offsets = [80, 0], sizes = [16, 8192], strides = [1, 1]} : vector<176x8192xf32> to vector<16x8192xf32>
    %get3A_92 = arith.constant 5 : index
    %get3A_93 = arith.constant 0 : index
    %get3A_94 = arith.constant 0 : index
    %get3A_95 = vector.load %arg6[%get3A_92, %get3A_93, %get3A_94] : memref<7x32x16xf32, #tpu.memory_space<vmem>>, vector<1x32x16xf32>
    %get3A_96 = vector.shape_cast %get3A_95 : vector<1x32x16xf32> to vector<32x16xf32>
    %dot_general3A_97 = arith.constant dense<0.000000e+00> : vector<32x8192xf32>
    %dot_general3A_98 = tpu.matmul %get3A_96, %slice3A_91, %dot_general3A_97 {dimension_numbers = #tpu.dot_dimension_numbers<[1], [0], [0], [1], [0, 0, 1, 1], [], []>, transpose_lhs_hint = false} : vector<32x16xf32>, vector<16x8192xf32>, vector<32x8192xf32> -> vector<32x8192xf32>
    %slice3A_99 = vector.extract_strided_slice %get3A_35 {offsets = [160, 0], sizes = [32, 1], strides = [1, 1]} : vector<352x1xf32> to vector<32x1xf32>
    %add3A_100 = vector.broadcast %slice3A_99 : vector<32x1xf32> to vector<32x8192xf32>
    %add3A_101 = arith.addf %dot_general3A_98, %add3A_100 : vector<32x8192xf32>
    %slice3A_102 = vector.extract_strided_slice %max3A_32 {offsets = [96, 0], sizes = [16, 8192], strides = [1, 1]} : vector<176x8192xf32> to vector<16x8192xf32>
    %get3A_103 = arith.constant 6 : index
    %get3A_104 = arith.constant 0 : index
    %get3A_105 = arith.constant 0 : index
    %get3A_106 = vector.load %arg6[%get3A_103, %get3A_104, %get3A_105] : memref<7x32x16xf32, #tpu.memory_space<vmem>>, vector<1x32x16xf32>
    %get3A_107 = vector.shape_cast %get3A_106 : vector<1x32x16xf32> to vector<32x16xf32>
    %dot_general3A_108 = arith.constant dense<0.000000e+00> : vector<32x8192xf32>
    %dot_general3A_109 = tpu.matmul %get3A_107, %slice3A_102, %dot_general3A_108 {dimension_numbers = #tpu.dot_dimension_numbers<[1], [0], [0], [1], [0, 0, 1, 1], [], []>, transpose_lhs_hint = false} : vector<32x16xf32>, vector<16x8192xf32>, vector<32x8192xf32> -> vector<32x8192xf32>
    %slice3A_110 = vector.extract_strided_slice %get3A_35 {offsets = [192, 0], sizes = [32, 1], strides = [1, 1]} : vector<352x1xf32> to vector<32x1xf32>
    %add3A_111 = vector.broadcast %slice3A_110 : vector<32x1xf32> to vector<32x8192xf32>
    %add3A_112 = arith.addf %dot_general3A_109, %add3A_111 : vector<32x8192xf32>
    %get3A_113 = arith.constant 0 : index
    %get3A_114 = arith.constant 0 : index
    %get3A_115 = vector.load %arg7[%get3A_113, %get3A_114] : memref<128x64xf32, #tpu.memory_space<vmem>>, vector<128x64xf32>
    %slice3A_116 = vector.extract_strided_slice %max3A_32 {offsets = [112, 0], sizes = [64, 8192], strides = [1, 1]} : vector<176x8192xf32> to vector<64x8192xf32>
    %dot_general3A_117 = arith.constant dense<0.000000e+00> : vector<128x8192xf32>
    %dot_general3A_118 = tpu.matmul %get3A_115, %slice3A_116, %dot_general3A_117 {dimension_numbers = #tpu.dot_dimension_numbers<[1], [0], [0], [1], [0, 0, 1, 1], [], []>, transpose_lhs_hint = false} : vector<128x64xf32>, vector<64x8192xf32>, vector<128x8192xf32> -> vector<128x8192xf32>
    %slice3A_119 = vector.extract_strided_slice %get3A_35 {offsets = [224, 0], sizes = [128, 1], strides = [1, 1]} : vector<352x1xf32> to vector<128x1xf32>
    %add3A_120 = vector.broadcast %slice3A_119 : vector<128x1xf32> to vector<128x8192xf32>
    %add3A_121 = arith.addf %dot_general3A_118, %add3A_120 : vector<128x8192xf32>
    %concatenate3A = tpu.concatenate %add3A_46, %add3A_57, %add3A_68, %add3A_79, %add3A_90, %add3A_101, %add3A_112, %add3A_121 in 0 : vector<32x8192xf32>, vector<32x8192xf32>, vector<32x8192xf32>, vector<32x8192xf32>, vector<32x8192xf32>, vector<32x8192xf32>, vector<32x8192xf32>, vector<128x8192xf32> -> vector<352x8192xf32>
    %jit3A = arith.constant 4 : i32
    %eq3A = arith.constant 0 : i32
    %eq3A_122 = arith.cmpi eq, %jit3A, %eq3A : i32
    %jit3A_123 = arith.constant 1 : i32
    %select_n3A = arith.select %eq3A_122, %jit3A_123, %jit3A : i32
    %rem3A = arith.remsi %arg0, %select_n3A : i32
    %ne3A = arith.constant 0 : i32
    %ne3A_124 = arith.cmpi ne, %rem3A, %ne3A : i32
    %lt3A = arith.constant 0 : i32
    %lt3A_125 = arith.cmpi slt, %rem3A, %lt3A : i32
    %lt3A_126 = arith.constant 0 : i32
    %lt3A_127 = arith.cmpi slt, %select_n3A, %lt3A_126 : i32
    %ne3A_128 = arith.xori %lt3A_125, %lt3A_127 : i1
    %and3A = arith.andi %ne3A_128, %ne3A_124 : i1
    %add3A_129 = arith.addi %rem3A, %select_n3A : i32
    %select_n3A_130 = arith.select %and3A, %add3A_129, %rem3A : i32
    %eq3A_131 = arith.constant 0 : i32
    %eq3A_132 = arith.cmpi eq, %select_n3A_130, %eq3A_131 : i32
    %eq3A_133 = arith.constant 0 : i32
    %eq3A_134 = arith.cmpi eq, %arg1, %eq3A_133 : i32
    %and3A_135 = arith.andi %eq3A_132, %eq3A_134 : i1
    %convert_element_type3A = arith.extui %and3A_135 : i1 to i32
    %cond3A = arith.constant 0 : i32
    %cond3A_136 = arith.cmpi ne, %convert_element_type3A, %cond3A : i32
    scf.if %cond3A_136 {
      %broadcast_in_dim3A_150 = arith.constant 0.000000e+00 : f32
      %broadcast_in_dim3A_151 = vector.broadcast %broadcast_in_dim3A_150 : f32 to vector<352x1xf32>
      %swap3A_152 = arith.constant 0 : index
      %swap3A_153 = arith.constant 0 : index
      %swap3A_154 = arith.constant 0 : index
      %swap3A_155 = vector.load %arg10[%swap3A_152, %swap3A_153, %swap3A_154] : memref<1x352x1xf32, #tpu.memory_space<vmem>>, vector<1x352x1xf32>
      %swap3A_156 = vector.shape_cast %swap3A_155 : vector<1x352x1xf32> to vector<352x1xf32>
      %swap3A_157 = vector.shape_cast %broadcast_in_dim3A_151 : vector<352x1xf32> to vector<1x352x1xf32>
      tpu.vector_store %arg10[%swap3A_152, %swap3A_153, %swap3A_154], %swap3A_157 {strides = array<i32>} : memref<1x352x1xf32, #tpu.memory_space<vmem>>, vector<1x352x1xf32>,
    } else {
    }
    %get3A_137 = arith.constant 0 : index
    %get3A_138 = arith.constant 0 : index
    %get3A_139 = arith.constant 0 : index
    %get3A_140 = vector.load %arg10[%get3A_137, %get3A_138, %get3A_139] : memref<1x352x1xf32, #tpu.memory_space<vmem>>, vector<1x352x1xf32>
    %get3A_141 = vector.shape_cast %get3A_140 : vector<1x352x1xf32> to vector<352x1xf32>
    %reduce_sum3A = arith.constant dense<0.000000e+00> : vector<352xf32>
    %reduce_sum3A_142 = vector.multi_reduction <add>, %concatenate3A, %reduce_sum3A [1] : vector<352x8192xf32> to vector<352xf32>
    %broadcast_in_dim3A_143 = vector.shape_cast %reduce_sum3A_142 : vector<352xf32> to vector<352x1xf32>
    %add3A_144 = arith.addf %get3A_141, %broadcast_in_dim3A_143 : vector<352x1xf32>
    %swap3A = arith.constant 0 : index
    %swap3A_145 = arith.constant 0 : index
    %swap3A_146 = arith.constant 0 : index
    %swap3A_147 = vector.load %arg10[%swap3A, %swap3A_145, %swap3A_146] : memref<1x352x1xf32, #tpu.memory_space<vmem>>, vector<1x352x1xf32>
    %swap3A_148 = vector.shape_cast %swap3A_147 : vector<1x352x1xf32> to vector<352x1xf32>
    %swap3A_149 = vector.shape_cast %add3A_144 : vector<352x1xf32> to vector<1x352x1xf32>
    tpu.vector_store %arg10[%swap3A, %swap3A_145, %swap3A_146], %swap3A_149 {strides = array<i32>} : memref<1x352x1xf32, #tpu.memory_space<vmem>>, vector<1x352x1xf32>,
    return
  }
  func.func @transform_0(%arg0: i32, %arg1: i32) -> (i32, i32, i32) {
    %c0_i32 = arith.constant 0 : i32
    %c0_i32_0 = arith.constant 0 : i32
    return %arg0, %c0_i32, %arg1 : i32, i32, i32
  }
  func.func @transform_1(%arg0: i32, %arg1: i32) -> (i32, i32) {
    %c0_i32 = arith.constant 0 : i32
    %c0_i32_0 = arith.constant 0 : i32
    %c0_i32_1 = arith.constant 0 : i32
    return %c0_i32, %c0_i32_0 : i32, i32
  }
  func.func @transform_2(%arg0: i32, %arg1: i32) -> (i32, i32) {
    %c0_i32 = arith.constant 0 : i32
    %c0_i32_0 = arith.constant 0 : i32
    %c0_i32_1 = arith.constant 0 : i32
    return %c0_i32, %c0_i32_0 : i32, i32
  }
  func.func @transform_3(%arg0: i32, %arg1: i32) -> (i32, i32, i32) {
    %jit3A = arith.constant 4 : i32
    %div3A = arith.divsi %arg0, %jit3A : i32
    %sign3A = arith.constant 0 : i32
    %sign3A_0 = arith.cmpi sgt, %arg0, %sign3A : i32
    %sign3A_1 = arith.extui %sign3A_0 : i1 to i32
    %sign3A_2 = arith.constant 0 : i32
    %sign3A_3 = arith.cmpi slt, %arg0, %sign3A_2 : i32
    %sign3A_4 = arith.extui %sign3A_3 : i1 to i32
    %sign3A_5 = arith.subi %sign3A_1, %sign3A_4 : i32
    %sign3A_6 = arith.constant 0 : i32
    %sign3A_7 = arith.cmpi sgt, %jit3A, %sign3A_6 : i32
    %sign3A_8 = arith.extui %sign3A_7 : i1 to i32
    %sign3A_9 = arith.constant 0 : i32
    %sign3A_10 = arith.cmpi slt, %jit3A, %sign3A_9 : i32
    %sign3A_11 = arith.extui %sign3A_10 : i1 to i32
    %sign3A_12 = arith.subi %sign3A_8, %sign3A_11 : i32
    %ne3A = arith.cmpi ne, %sign3A_5, %sign3A_12 : i32
    %rem3A = arith.remsi %arg0, %jit3A : i32
    %ne3A_13 = arith.constant 0 : i32
    %ne3A_14 = arith.cmpi ne, %rem3A, %ne3A_13 : i32
    %and3A = arith.andi %ne3A, %ne3A_14 : i1
    %sub3A = arith.constant 1 : i32
    %sub3A_15 = arith.subi %div3A, %sub3A : i32
    %select_n3A = arith.select %and3A, %sub3A_15, %div3A : i32
    %c0_i32 = arith.constant 0 : i32
    %c0_i32_16 = arith.constant 0 : i32
    %c0_i32_17 = arith.constant 0 : i32
    return %select_n3A, %c0_i32, %c0_i32_16 : i32, i32, i32
  }
  func.func @transform_4(%arg0: i32, %arg1: i32) -> (i32, i32, i32) {
    %c0_i32 = arith.constant 0 : i32
    %c0_i32_0 = arith.constant 0 : i32
    %c0_i32_1 = arith.constant 0 : i32
    %c0_i32_2 = arith.constant 0 : i32
    return %c0_i32, %c0_i32_0, %c0_i32_1 : i32, i32, i32
  }
  func.func @transform_5(%arg0: i32, %arg1: i32) -> (i32, i32) {
    %c0_i32 = arith.constant 0 : i32
    %c0_i32_0 = arith.constant 0 : i32
    %c0_i32_1 = arith.constant 0 : i32
    return %c0_i32, %c0_i32_0 : i32, i32
  }
  func.func @transform_6(%arg0: i32, %arg1: i32) -> (i32, i32) {
    %c0_i32 = arith.constant 0 : i32
    %c0_i32_0 = arith.constant 0 : i32
    %c0_i32_1 = arith.constant 0 : i32
    return %c0_i32, %c0_i32_0 : i32, i32
  }
  func.func @transform_7(%arg0: i32, %arg1: i32) -> (i32, i32, i32) {
    %jit3A = arith.constant 4 : i32
    %div3A = arith.divsi %arg0, %jit3A : i32
    %sign3A = arith.constant 0 : i32
    %sign3A_0 = arith.cmpi sgt, %arg0, %sign3A : i32
    %sign3A_1 = arith.extui %sign3A_0 : i1 to i32
    %sign3A_2 = arith.constant 0 : i32
    %sign3A_3 = arith.cmpi slt, %arg0, %sign3A_2 : i32
    %sign3A_4 = arith.extui %sign3A_3 : i1 to i32
    %sign3A_5 = arith.subi %sign3A_1, %sign3A_4 : i32
    %sign3A_6 = arith.constant 0 : i32
    %sign3A_7 = arith.cmpi sgt, %jit3A, %sign3A_6 : i32
    %sign3A_8 = arith.extui %sign3A_7 : i1 to i32
    %sign3A_9 = arith.constant 0 : i32
    %sign3A_10 = arith.cmpi slt, %jit3A, %sign3A_9 : i32
    %sign3A_11 = arith.extui %sign3A_10 : i1 to i32
    %sign3A_12 = arith.subi %sign3A_8, %sign3A_11 : i32
    %ne3A = arith.cmpi ne, %sign3A_5, %sign3A_12 : i32
    %rem3A = arith.remsi %arg0, %jit3A : i32
    %ne3A_13 = arith.constant 0 : i32
    %ne3A_14 = arith.cmpi ne, %rem3A, %ne3A_13 : i32
    %and3A = arith.andi %ne3A, %ne3A_14 : i1
    %sub3A = arith.constant 1 : i32
    %sub3A_15 = arith.subi %div3A, %sub3A : i32
    %select_n3A = arith.select %and3A, %sub3A_15, %div3A : i32
    %c0_i32 = arith.constant 0 : i32
    %c0_i32_16 = arith.constant 0 : i32
    %c0_i32_17 = arith.constant 0 : i32
    return %select_n3A, %c0_i32, %c0_i32_16 : i32, i32, i32
  }
  func.func @transform_8(%arg0: i32, %arg1: i32) -> (i32, i32, i32) {
    %jit3A = arith.constant 4 : i32
    %div3A = arith.divsi %arg0, %jit3A : i32
    %sign3A = arith.constant 0 : i32
    %sign3A_0 = arith.cmpi sgt, %arg0, %sign3A : i32
    %sign3A_1 = arith.extui %sign3A_0 : i1 to i32
    %sign3A_2 = arith.constant 0 : i32
    %sign3A_3 = arith.cmpi slt, %arg0, %sign3A_2 : i32
    %sign3A_4 = arith.extui %sign3A_3 : i1 to i32
    %sign3A_5 = arith.subi %sign3A_1, %sign3A_4 : i32
    %sign3A_6 = arith.constant 0 : i32
    %sign3A_7 = arith.cmpi sgt, %jit3A, %sign3A_6 : i32
    %sign3A_8 = arith.extui %sign3A_7 : i1 to i32
    %sign3A_9 = arith.constant 0 : i32
    %sign3A_10 = arith.cmpi slt, %jit3A, %sign3A_9 : i32
    %sign3A_11 = arith.extui %sign3A_10 : i1 to i32
    %sign3A_12 = arith.subi %sign3A_8, %sign3A_11 : i32
    %ne3A = arith.cmpi ne, %sign3A_5, %sign3A_12 : i32
    %rem3A = arith.remsi %arg0, %jit3A : i32
    %ne3A_13 = arith.constant 0 : i32
    %ne3A_14 = arith.cmpi ne, %rem3A, %ne3A_13 : i32
    %and3A = arith.andi %ne3A, %ne3A_14 : i1
    %sub3A = arith.constant 1 : i32
    %sub3A_15 = arith.subi %div3A, %sub3A : i32
    %select_n3A = arith.select %and3A, %sub3A_15, %div3A : i32
    %c0_i32 = arith.constant 0 : i32
    %c0_i32_16 = arith.constant 0 : i32
    %c0_i32_17 = arith.constant 0 : i32
    return %select_n3A, %c0_i32, %c0_i32_16 : i32, i32, i32
  }
}

module attributes {stable_mosaic.version = 14 : i64} {
  func.func @_y2stats_body(%arg0: i32, %arg1: i32, %arg2: memref<1x3x8192xf32, #tpu.memory_space<vmem>>, %arg3: memref<176x3xf32, #tpu.memory_space<vmem>>, %arg4: memref<176x1xf32, #tpu.memory_space<vmem>>, %arg5: memref<1x4x176xf32, #tpu.memory_space<vmem>>, %arg6: memref<7x32x16xf32, #tpu.memory_space<vmem>>, %arg7: memref<128x64xf32, #tpu.memory_space<vmem>>, %arg8: memref<352x1xf32, #tpu.memory_space<vmem>>, %arg9: memref<1x352x1xf32, #tpu.memory_space<vmem>>, %arg10: memref<1x352x1xf32, #tpu.memory_space<vmem>>) attributes {dimension_semantics = [#tpu.dimension_semantics<arbitrary>, #tpu.dimension_semantics<arbitrary>], iteration_bounds = array<i64: 8, 4>, scalar_prefetch = 0 : i64, scratch_operands = 0 : i64, tpu.core_type = #tpu.core_type<tc>, window_params = [{transform_indices = @transform_0, window_bounds = array<i64: 1, 3, 8192>}, {pipeline_mode = #tpu.pipeline_mode<synchronous>, transform_indices = @transform_1, window_bounds = array<i64: 176, 3>}, {pipeline_mode = #tpu.pipeline_mode<synchronous>, transform_indices = @transform_2, window_bounds = array<i64: 176, 1>}, {transform_indices = @transform_3, window_bounds = array<i64: 1, 4, 176>}, {pipeline_mode = #tpu.pipeline_mode<synchronous>, transform_indices = @transform_4, window_bounds = array<i64: 7, 32, 16>}, {pipeline_mode = #tpu.pipeline_mode<synchronous>, transform_indices = @transform_5, window_bounds = array<i64: 128, 64>}, {pipeline_mode = #tpu.pipeline_mode<synchronous>, transform_indices = @transform_6, window_bounds = array<i64: 352, 1>}, {transform_indices = @transform_7, window_bounds = array<i64: 1, 352, 1>}, {transform_indices = @transform_8, window_bounds = array<i64: 1, 352, 1>}]} {
    %get3A = arith.constant 0 : index
    %get3A_0 = arith.constant 0 : index
    %get3A_1 = arith.constant 0 : index
    %get3A_2 = vector.load %arg2[%get3A, %get3A_0, %get3A_1] : memref<1x3x8192xf32, #tpu.memory_space<vmem>>, vector<1x3x8192xf32>
    %get3A_3 = vector.shape_cast %get3A_2 : vector<1x3x8192xf32> to vector<3x8192xf32>
    %get3A_4 = arith.constant 0 : index
    %get3A_5 = arith.constant 0 : index
    %get3A_6 = vector.load %arg3[%get3A_4, %get3A_5] : memref<176x3xf32, #tpu.memory_space<vmem>>, vector<176x3xf32>
    %dot_general3A = arith.constant dense<0.000000e+00> : vector<176x8192xf32>
    %dot_general3A_7 = tpu.matmul %get3A_6, %get3A_3, %dot_general3A {dimension_numbers = #tpu.dot_dimension_numbers<[1], [0], [0], [1], [0, 0, 1, 1], [], []>, transpose_lhs_hint = false} : vector<176x3xf32>, vector<3x8192xf32>, vector<176x8192xf32> -> vector<176x8192xf32>
    %get3A_8 = arith.constant 0 : index
    %get3A_9 = arith.constant 0 : index
    %get3A_10 = vector.load %arg4[%get3A_8, %get3A_9] : memref<176x1xf32, #tpu.memory_space<vmem>>, vector<176x1xf32>
    %add3A = vector.broadcast %get3A_10 : vector<176x1xf32> to vector<176x8192xf32>
    %add3A_11 = arith.addf %dot_general3A_7, %add3A : vector<176x8192xf32>
    %get3A_12 = arith.constant 0 : index
    %get3A_13 = arith.constant 0 : index
    %get3A_14 = arith.constant 0 : index
    %get3A_15 = vector.load %arg5[%get3A_12, %get3A_13, %get3A_14] : memref<1x4x176xf32, #tpu.memory_space<vmem>>, vector<1x4x176xf32>
    %get3A_16 = vector.shape_cast %get3A_15 : vector<1x4x176xf32> to vector<4x176xf32>
    %slice3A = vector.extract_strided_slice %get3A_16 {offsets = [0, 0], sizes = [1, 176], strides = [1, 1]} : vector<4x176xf32> to vector<1x176xf32>
    %squeeze3A = vector.shape_cast %slice3A : vector<1x176xf32> to vector<176xf32>
    %broadcast_in_dim3A = vector.shape_cast %squeeze3A : vector<176xf32> to vector<176x1xf32>
    %slice3A_17 = vector.extract_strided_slice %get3A_16 {offsets = [1, 0], sizes = [1, 176], strides = [1, 1]} : vector<4x176xf32> to vector<1x176xf32>
    %squeeze3A_18 = vector.shape_cast %slice3A_17 : vector<1x176xf32> to vector<176xf32>
    %broadcast_in_dim3A_19 = vector.shape_cast %squeeze3A_18 : vector<176xf32> to vector<176x1xf32>
    %slice3A_20 = vector.extract_strided_slice %get3A_16 {offsets = [2, 0], sizes = [1, 176], strides = [1, 1]} : vector<4x176xf32> to vector<1x176xf32>
    %squeeze3A_21 = vector.shape_cast %slice3A_20 : vector<1x176xf32> to vector<176xf32>
    %broadcast_in_dim3A_22 = vector.shape_cast %squeeze3A_21 : vector<176xf32> to vector<176x1xf32>
    %slice3A_23 = vector.extract_strided_slice %get3A_16 {offsets = [3, 0], sizes = [1, 176], strides = [1, 1]} : vector<4x176xf32> to vector<1x176xf32>
    %squeeze3A_24 = vector.shape_cast %slice3A_23 : vector<1x176xf32> to vector<176xf32>
    %broadcast_in_dim3A_25 = vector.shape_cast %squeeze3A_24 : vector<176xf32> to vector<176x1xf32>
    %sub3A = vector.broadcast %broadcast_in_dim3A : vector<176x1xf32> to vector<176x8192xf32>
    %sub3A_26 = arith.subf %add3A_11, %sub3A : vector<176x8192xf32>
    %div3A = vector.broadcast %broadcast_in_dim3A_19 : vector<176x1xf32> to vector<176x8192xf32>
    %div3A_27 = arith.divf %sub3A_26, %div3A : vector<176x8192xf32>
    %mul3A = vector.broadcast %broadcast_in_dim3A_22 : vector<176x1xf32> to vector<176x8192xf32>
    %mul3A_28 = arith.mulf %div3A_27, %mul3A : vector<176x8192xf32>
    %add3A_29 = vector.broadcast %broadcast_in_dim3A_25 : vector<176x1xf32> to vector<176x8192xf32>
    %add3A_30 = arith.addf %mul3A_28, %add3A_29 : vector<176x8192xf32>
    %max3A = arith.constant 0.000000e+00 : f32
    %max3A_31 = vector.broadcast %max3A : f32 to vector<176x8192xf32>
    %max3A_32 = arith.maximumf %add3A_30, %max3A_31 : vector<176x8192xf32>
    %get3A_33 = arith.constant 0 : index
    %get3A_34 = arith.constant 0 : index
    %get3A_35 = vector.load %arg8[%get3A_33, %get3A_34] : memref<352x1xf32, #tpu.memory_space<vmem>>, vector<352x1xf32>
    %slice3A_36 = vector.extract_strided_slice %max3A_32 {offsets = [0, 0], sizes = [16, 8192], strides = [1, 1]} : vector<176x8192xf32> to vector<16x8192xf32>
    %get3A_37 = arith.constant 0 : index
    %get3A_38 = arith.constant 0 : index
    %get3A_39 = arith.constant 0 : index
    %get3A_40 = vector.load %arg6[%get3A_37, %get3A_38, %get3A_39] : memref<7x32x16xf32, #tpu.memory_space<vmem>>, vector<1x32x16xf32>
    %get3A_41 = vector.shape_cast %get3A_40 : vector<1x32x16xf32> to vector<32x16xf32>
    %dot_general3A_42 = arith.constant dense<0.000000e+00> : vector<32x8192xf32>
    %dot_general3A_43 = tpu.matmul %get3A_41, %slice3A_36, %dot_general3A_42 {dimension_numbers = #tpu.dot_dimension_numbers<[1], [0], [0], [1], [0, 0, 1, 1], [], []>, transpose_lhs_hint = false} : vector<32x16xf32>, vector<16x8192xf32>, vector<32x8192xf32> -> vector<32x8192xf32>
    %slice3A_44 = vector.extract_strided_slice %get3A_35 {offsets = [0, 0], sizes = [32, 1], strides = [1, 1]} : vector<352x1xf32> to vector<32x1xf32>
    %add3A_45 = vector.broadcast %slice3A_44 : vector<32x1xf32> to vector<32x8192xf32>
    %add3A_46 = arith.addf %dot_general3A_43, %add3A_45 : vector<32x8192xf32>
    %slice3A_47 = vector.extract_strided_slice %max3A_32 {offsets = [16, 0], sizes = [16, 8192], strides = [1, 1]} : vector<176x8192xf32> to vector<16x8192xf32>
    %get3A_48 = arith.constant 1 : index
    %get3A_49 = arith.constant 0 : index
    %get3A_50 = arith.constant 0 : index
    %get3A_51 = vector.load %arg6[%get3A_48, %get3A_49, %get3A_50] : memref<7x32x16xf32, #tpu.memory_space<vmem>>, vector<1x32x16xf32>
    %get3A_52 = vector.shape_cast %get3A_51 : vector<1x32x16xf32> to vector<32x16xf32>
    %dot_general3A_53 = arith.constant dense<0.000000e+00> : vector<32x8192xf32>
    %dot_general3A_54 = tpu.matmul %get3A_52, %slice3A_47, %dot_general3A_53 {dimension_numbers = #tpu.dot_dimension_numbers<[1], [0], [0], [1], [0, 0, 1, 1], [], []>, transpose_lhs_hint = false} : vector<32x16xf32>, vector<16x8192xf32>, vector<32x8192xf32> -> vector<32x8192xf32>
    %slice3A_55 = vector.extract_strided_slice %get3A_35 {offsets = [32, 0], sizes = [32, 1], strides = [1, 1]} : vector<352x1xf32> to vector<32x1xf32>
    %add3A_56 = vector.broadcast %slice3A_55 : vector<32x1xf32> to vector<32x8192xf32>
    %add3A_57 = arith.addf %dot_general3A_54, %add3A_56 : vector<32x8192xf32>
    %slice3A_58 = vector.extract_strided_slice %max3A_32 {offsets = [32, 0], sizes = [16, 8192], strides = [1, 1]} : vector<176x8192xf32> to vector<16x8192xf32>
    %get3A_59 = arith.constant 2 : index
    %get3A_60 = arith.constant 0 : index
    %get3A_61 = arith.constant 0 : index
    %get3A_62 = vector.load %arg6[%get3A_59, %get3A_60, %get3A_61] : memref<7x32x16xf32, #tpu.memory_space<vmem>>, vector<1x32x16xf32>
    %get3A_63 = vector.shape_cast %get3A_62 : vector<1x32x16xf32> to vector<32x16xf32>
    %dot_general3A_64 = arith.constant dense<0.000000e+00> : vector<32x8192xf32>
    %dot_general3A_65 = tpu.matmul %get3A_63, %slice3A_58, %dot_general3A_64 {dimension_numbers = #tpu.dot_dimension_numbers<[1], [0], [0], [1], [0, 0, 1, 1], [], []>, transpose_lhs_hint = false} : vector<32x16xf32>, vector<16x8192xf32>, vector<32x8192xf32> -> vector<32x8192xf32>
    %slice3A_66 = vector.extract_strided_slice %get3A_35 {offsets = [64, 0], sizes = [32, 1], strides = [1, 1]} : vector<352x1xf32> to vector<32x1xf32>
    %add3A_67 = vector.broadcast %slice3A_66 : vector<32x1xf32> to vector<32x8192xf32>
    %add3A_68 = arith.addf %dot_general3A_65, %add3A_67 : vector<32x8192xf32>
    %slice3A_69 = vector.extract_strided_slice %max3A_32 {offsets = [48, 0], sizes = [16, 8192], strides = [1, 1]} : vector<176x8192xf32> to vector<16x8192xf32>
    %get3A_70 = arith.constant 3 : index
    %get3A_71 = arith.constant 0 : index
    %get3A_72 = arith.constant 0 : index
    %get3A_73 = vector.load %arg6[%get3A_70, %get3A_71, %get3A_72] : memref<7x32x16xf32, #tpu.memory_space<vmem>>, vector<1x32x16xf32>
    %get3A_74 = vector.shape_cast %get3A_73 : vector<1x32x16xf32> to vector<32x16xf32>
    %dot_general3A_75 = arith.constant dense<0.000000e+00> : vector<32x8192xf32>
    %dot_general3A_76 = tpu.matmul %get3A_74, %slice3A_69, %dot_general3A_75 {dimension_numbers = #tpu.dot_dimension_numbers<[1], [0], [0], [1], [0, 0, 1, 1], [], []>, transpose_lhs_hint = false} : vector<32x16xf32>, vector<16x8192xf32>, vector<32x8192xf32> -> vector<32x8192xf32>
    %slice3A_77 = vector.extract_strided_slice %get3A_35 {offsets = [96, 0], sizes = [32, 1], strides = [1, 1]} : vector<352x1xf32> to vector<32x1xf32>
    %add3A_78 = vector.broadcast %slice3A_77 : vector<32x1xf32> to vector<32x8192xf32>
    %add3A_79 = arith.addf %dot_general3A_76, %add3A_78 : vector<32x8192xf32>
    %slice3A_80 = vector.extract_strided_slice %max3A_32 {offsets = [64, 0], sizes = [16, 8192], strides = [1, 1]} : vector<176x8192xf32> to vector<16x8192xf32>
    %get3A_81 = arith.constant 4 : index
    %get3A_82 = arith.constant 0 : index
    %get3A_83 = arith.constant 0 : index
    %get3A_84 = vector.load %arg6[%get3A_81, %get3A_82, %get3A_83] : memref<7x32x16xf32, #tpu.memory_space<vmem>>, vector<1x32x16xf32>
    %get3A_85 = vector.shape_cast %get3A_84 : vector<1x32x16xf32> to vector<32x16xf32>
    %dot_general3A_86 = arith.constant dense<0.000000e+00> : vector<32x8192xf32>
    %dot_general3A_87 = tpu.matmul %get3A_85, %slice3A_80, %dot_general3A_86 {dimension_numbers = #tpu.dot_dimension_numbers<[1], [0], [0], [1], [0, 0, 1, 1], [], []>, transpose_lhs_hint = false} : vector<32x16xf32>, vector<16x8192xf32>, vector<32x8192xf32> -> vector<32x8192xf32>
    %slice3A_88 = vector.extract_strided_slice %get3A_35 {offsets = [128, 0], sizes = [32, 1], strides = [1, 1]} : vector<352x1xf32> to vector<32x1xf32>
    %add3A_89 = vector.broadcast %slice3A_88 : vector<32x1xf32> to vector<32x8192xf32>
    %add3A_90 = arith.addf %dot_general3A_87, %add3A_89 : vector<32x8192xf32>
    %slice3A_91 = vector.extract_strided_slice %max3A_32 {offsets = [80, 0], sizes = [16, 8192], strides = [1, 1]} : vector<176x8192xf32> to vector<16x8192xf32>
    %get3A_92 = arith.constant 5 : index
    %get3A_93 = arith.constant 0 : index
    %get3A_94 = arith.constant 0 : index
    %get3A_95 = vector.load %arg6[%get3A_92, %get3A_93, %get3A_94] : memref<7x32x16xf32, #tpu.memory_space<vmem>>, vector<1x32x16xf32>
    %get3A_96 = vector.shape_cast %get3A_95 : vector<1x32x16xf32> to vector<32x16xf32>
    %dot_general3A_97 = arith.constant dense<0.000000e+00> : vector<32x8192xf32>
    %dot_general3A_98 = tpu.matmul %get3A_96, %slice3A_91, %dot_general3A_97 {dimension_numbers = #tpu.dot_dimension_numbers<[1], [0], [0], [1], [0, 0, 1, 1], [], []>, transpose_lhs_hint = false} : vector<32x16xf32>, vector<16x8192xf32>, vector<32x8192xf32> -> vector<32x8192xf32>
    %slice3A_99 = vector.extract_strided_slice %get3A_35 {offsets = [160, 0], sizes = [32, 1], strides = [1, 1]} : vector<352x1xf32> to vector<32x1xf32>
    %add3A_100 = vector.broadcast %slice3A_99 : vector<32x1xf32> to vector<32x8192xf32>
    %add3A_101 = arith.addf %dot_general3A_98, %add3A_100 : vector<32x8192xf32>
    %slice3A_102 = vector.extract_strided_slice %max3A_32 {offsets = [96, 0], sizes = [16, 8192], strides = [1, 1]} : vector<176x8192xf32> to vector<16x8192xf32>
    %get3A_103 = arith.constant 6 : index
    %get3A_104 = arith.constant 0 : index
    %get3A_105 = arith.constant 0 : index
    %get3A_106 = vector.load %arg6[%get3A_103, %get3A_104, %get3A_105] : memref<7x32x16xf32, #tpu.memory_space<vmem>>, vector<1x32x16xf32>
    %get3A_107 = vector.shape_cast %get3A_106 : vector<1x32x16xf32> to vector<32x16xf32>
    %dot_general3A_108 = arith.constant dense<0.000000e+00> : vector<32x8192xf32>
    %dot_general3A_109 = tpu.matmul %get3A_107, %slice3A_102, %dot_general3A_108 {dimension_numbers = #tpu.dot_dimension_numbers<[1], [0], [0], [1], [0, 0, 1, 1], [], []>, transpose_lhs_hint = false} : vector<32x16xf32>, vector<16x8192xf32>, vector<32x8192xf32> -> vector<32x8192xf32>
    %slice3A_110 = vector.extract_strided_slice %get3A_35 {offsets = [192, 0], sizes = [32, 1], strides = [1, 1]} : vector<352x1xf32> to vector<32x1xf32>
    %add3A_111 = vector.broadcast %slice3A_110 : vector<32x1xf32> to vector<32x8192xf32>
    %add3A_112 = arith.addf %dot_general3A_109, %add3A_111 : vector<32x8192xf32>
    %get3A_113 = arith.constant 0 : index
    %get3A_114 = arith.constant 0 : index
    %get3A_115 = vector.load %arg7[%get3A_113, %get3A_114] : memref<128x64xf32, #tpu.memory_space<vmem>>, vector<128x64xf32>
    %slice3A_116 = vector.extract_strided_slice %max3A_32 {offsets = [112, 0], sizes = [64, 8192], strides = [1, 1]} : vector<176x8192xf32> to vector<64x8192xf32>
    %dot_general3A_117 = arith.constant dense<0.000000e+00> : vector<128x8192xf32>
    %dot_general3A_118 = tpu.matmul %get3A_115, %slice3A_116, %dot_general3A_117 {dimension_numbers = #tpu.dot_dimension_numbers<[1], [0], [0], [1], [0, 0, 1, 1], [], []>, transpose_lhs_hint = false} : vector<128x64xf32>, vector<64x8192xf32>, vector<128x8192xf32> -> vector<128x8192xf32>
    %slice3A_119 = vector.extract_strided_slice %get3A_35 {offsets = [224, 0], sizes = [128, 1], strides = [1, 1]} : vector<352x1xf32> to vector<128x1xf32>
    %add3A_120 = vector.broadcast %slice3A_119 : vector<128x1xf32> to vector<128x8192xf32>
    %add3A_121 = arith.addf %dot_general3A_118, %add3A_120 : vector<128x8192xf32>
    %concatenate3A = tpu.concatenate %add3A_46, %add3A_57, %add3A_68, %add3A_79, %add3A_90, %add3A_101, %add3A_112, %add3A_121 in 0 : vector<32x8192xf32>, vector<32x8192xf32>, vector<32x8192xf32>, vector<32x8192xf32>, vector<32x8192xf32>, vector<32x8192xf32>, vector<32x8192xf32>, vector<128x8192xf32> -> vector<352x8192xf32>
    %jit3A = arith.constant 4 : i32
    %eq3A = arith.constant 0 : i32
    %eq3A_122 = arith.cmpi eq, %jit3A, %eq3A : i32
    %jit3A_123 = arith.constant 1 : i32
    %select_n3A = arith.select %eq3A_122, %jit3A_123, %jit3A : i32
    %rem3A = arith.remsi %arg0, %select_n3A : i32
    %ne3A = arith.constant 0 : i32
    %ne3A_124 = arith.cmpi ne, %rem3A, %ne3A : i32
    %lt3A = arith.constant 0 : i32
    %lt3A_125 = arith.cmpi slt, %rem3A, %lt3A : i32
    %lt3A_126 = arith.constant 0 : i32
    %lt3A_127 = arith.cmpi slt, %select_n3A, %lt3A_126 : i32
    %ne3A_128 = arith.xori %lt3A_125, %lt3A_127 : i1
    %and3A = arith.andi %ne3A_128, %ne3A_124 : i1
    %add3A_129 = arith.addi %rem3A, %select_n3A : i32
    %select_n3A_130 = arith.select %and3A, %add3A_129, %rem3A : i32
    %eq3A_131 = arith.constant 0 : i32
    %eq3A_132 = arith.cmpi eq, %select_n3A_130, %eq3A_131 : i32
    %eq3A_133 = arith.constant 0 : i32
    %eq3A_134 = arith.cmpi eq, %arg1, %eq3A_133 : i32
    %and3A_135 = arith.andi %eq3A_132, %eq3A_134 : i1
    %convert_element_type3A = arith.extui %and3A_135 : i1 to i32
    %cond3A = arith.constant 0 : i32
    %cond3A_136 = arith.cmpi ne, %convert_element_type3A, %cond3A : i32
    scf.if %cond3A_136 {
      %broadcast_in_dim3A_158 = arith.constant 0.000000e+00 : f32
      %broadcast_in_dim3A_159 = vector.broadcast %broadcast_in_dim3A_158 : f32 to vector<352x1xf32>
      %swap3A_160 = arith.constant 0 : index
      %swap3A_161 = arith.constant 0 : index
      %swap3A_162 = arith.constant 0 : index
      %swap3A_163 = vector.load %arg10[%swap3A_160, %swap3A_161, %swap3A_162] : memref<1x352x1xf32, #tpu.memory_space<vmem>>, vector<1x352x1xf32>
      %swap3A_164 = vector.shape_cast %swap3A_163 : vector<1x352x1xf32> to vector<352x1xf32>
      %swap3A_165 = vector.shape_cast %broadcast_in_dim3A_159 : vector<352x1xf32> to vector<1x352x1xf32>
      tpu.vector_store %arg10[%swap3A_160, %swap3A_161, %swap3A_162], %swap3A_165 {strides = array<i32>} : memref<1x352x1xf32, #tpu.memory_space<vmem>>, vector<1x352x1xf32>,
    } else {
    }
    %get3A_137 = arith.constant 0 : index
    %get3A_138 = arith.constant 0 : index
    %get3A_139 = arith.constant 0 : index
    %get3A_140 = vector.load %arg9[%get3A_137, %get3A_138, %get3A_139] : memref<1x352x1xf32, #tpu.memory_space<vmem>>, vector<1x352x1xf32>
    %get3A_141 = vector.shape_cast %get3A_140 : vector<1x352x1xf32> to vector<352x1xf32>
    %sub3A_142 = vector.broadcast %get3A_141 : vector<352x1xf32> to vector<352x8192xf32>
    %sub3A_143 = arith.subf %concatenate3A, %sub3A_142 : vector<352x8192xf32>
    %get3A_144 = arith.constant 0 : index
    %get3A_145 = arith.constant 0 : index
    %get3A_146 = arith.constant 0 : index
    %get3A_147 = vector.load %arg10[%get3A_144, %get3A_145, %get3A_146] : memref<1x352x1xf32, #tpu.memory_space<vmem>>, vector<1x352x1xf32>
    %get3A_148 = vector.shape_cast %get3A_147 : vector<1x352x1xf32> to vector<352x1xf32>
    %mul3A_149 = arith.mulf %sub3A_143, %sub3A_143 : vector<352x8192xf32>
    %reduce_sum3A = arith.constant dense<0.000000e+00> : vector<352xf32>
    %reduce_sum3A_150 = vector.multi_reduction <add>, %mul3A_149, %reduce_sum3A [1] : vector<352x8192xf32> to vector<352xf32>
    %broadcast_in_dim3A_151 = vector.shape_cast %reduce_sum3A_150 : vector<352xf32> to vector<352x1xf32>
    %add3A_152 = arith.addf %get3A_148, %broadcast_in_dim3A_151 : vector<352x1xf32>
    %swap3A = arith.constant 0 : index
    %swap3A_153 = arith.constant 0 : index
    %swap3A_154 = arith.constant 0 : index
    %swap3A_155 = vector.load %arg10[%swap3A, %swap3A_153, %swap3A_154] : memref<1x352x1xf32, #tpu.memory_space<vmem>>, vector<1x352x1xf32>
    %swap3A_156 = vector.shape_cast %swap3A_155 : vector<1x352x1xf32> to vector<352x1xf32>
    %swap3A_157 = vector.shape_cast %add3A_152 : vector<352x1xf32> to vector<1x352x1xf32>
    tpu.vector_store %arg10[%swap3A, %swap3A_153, %swap3A_154], %swap3A_157 {strides = array<i32>} : memref<1x352x1xf32, #tpu.memory_space<vmem>>, vector<1x352x1xf32>,
    return
  }
  func.func @transform_0(%arg0: i32, %arg1: i32) -> (i32, i32, i32) {
    %c0_i32 = arith.constant 0 : i32
    %c0_i32_0 = arith.constant 0 : i32
    return %arg0, %c0_i32, %arg1 : i32, i32, i32
  }
  func.func @transform_1(%arg0: i32, %arg1: i32) -> (i32, i32) {
    %c0_i32 = arith.constant 0 : i32
    %c0_i32_0 = arith.constant 0 : i32
    %c0_i32_1 = arith.constant 0 : i32
    return %c0_i32, %c0_i32_0 : i32, i32
  }
  func.func @transform_2(%arg0: i32, %arg1: i32) -> (i32, i32) {
    %c0_i32 = arith.constant 0 : i32
    %c0_i32_0 = arith.constant 0 : i32
    %c0_i32_1 = arith.constant 0 : i32
    return %c0_i32, %c0_i32_0 : i32, i32
  }
  func.func @transform_3(%arg0: i32, %arg1: i32) -> (i32, i32, i32) {
    %jit3A = arith.constant 4 : i32
    %div3A = arith.divsi %arg0, %jit3A : i32
    %sign3A = arith.constant 0 : i32
    %sign3A_0 = arith.cmpi sgt, %arg0, %sign3A : i32
    %sign3A_1 = arith.extui %sign3A_0 : i1 to i32
    %sign3A_2 = arith.constant 0 : i32
    %sign3A_3 = arith.cmpi slt, %arg0, %sign3A_2 : i32
    %sign3A_4 = arith.extui %sign3A_3 : i1 to i32
    %sign3A_5 = arith.subi %sign3A_1, %sign3A_4 : i32
    %sign3A_6 = arith.constant 0 : i32
    %sign3A_7 = arith.cmpi sgt, %jit3A, %sign3A_6 : i32
    %sign3A_8 = arith.extui %sign3A_7 : i1 to i32
    %sign3A_9 = arith.constant 0 : i32
    %sign3A_10 = arith.cmpi slt, %jit3A, %sign3A_9 : i32
    %sign3A_11 = arith.extui %sign3A_10 : i1 to i32
    %sign3A_12 = arith.subi %sign3A_8, %sign3A_11 : i32
    %ne3A = arith.cmpi ne, %sign3A_5, %sign3A_12 : i32
    %rem3A = arith.remsi %arg0, %jit3A : i32
    %ne3A_13 = arith.constant 0 : i32
    %ne3A_14 = arith.cmpi ne, %rem3A, %ne3A_13 : i32
    %and3A = arith.andi %ne3A, %ne3A_14 : i1
    %sub3A = arith.constant 1 : i32
    %sub3A_15 = arith.subi %div3A, %sub3A : i32
    %select_n3A = arith.select %and3A, %sub3A_15, %div3A : i32
    %c0_i32 = arith.constant 0 : i32
    %c0_i32_16 = arith.constant 0 : i32
    %c0_i32_17 = arith.constant 0 : i32
    return %select_n3A, %c0_i32, %c0_i32_16 : i32, i32, i32
  }
  func.func @transform_4(%arg0: i32, %arg1: i32) -> (i32, i32, i32) {
    %c0_i32 = arith.constant 0 : i32
    %c0_i32_0 = arith.constant 0 : i32
    %c0_i32_1 = arith.constant 0 : i32
    %c0_i32_2 = arith.constant 0 : i32
    return %c0_i32, %c0_i32_0, %c0_i32_1 : i32, i32, i32
  }
  func.func @transform_5(%arg0: i32, %arg1: i32) -> (i32, i32) {
    %c0_i32 = arith.constant 0 : i32
    %c0_i32_0 = arith.constant 0 : i32
    %c0_i32_1 = arith.constant 0 : i32
    return %c0_i32, %c0_i32_0 : i32, i32
  }
  func.func @transform_6(%arg0: i32, %arg1: i32) -> (i32, i32) {
    %c0_i32 = arith.constant 0 : i32
    %c0_i32_0 = arith.constant 0 : i32
    %c0_i32_1 = arith.constant 0 : i32
    return %c0_i32, %c0_i32_0 : i32, i32
  }
  func.func @transform_7(%arg0: i32, %arg1: i32) -> (i32, i32, i32) {
    %jit3A = arith.constant 4 : i32
    %div3A = arith.divsi %arg0, %jit3A : i32
    %sign3A = arith.constant 0 : i32
    %sign3A_0 = arith.cmpi sgt, %arg0, %sign3A : i32
    %sign3A_1 = arith.extui %sign3A_0 : i1 to i32
    %sign3A_2 = arith.constant 0 : i32
    %sign3A_3 = arith.cmpi slt, %arg0, %sign3A_2 : i32
    %sign3A_4 = arith.extui %sign3A_3 : i1 to i32
    %sign3A_5 = arith.subi %sign3A_1, %sign3A_4 : i32
    %sign3A_6 = arith.constant 0 : i32
    %sign3A_7 = arith.cmpi sgt, %jit3A, %sign3A_6 : i32
    %sign3A_8 = arith.extui %sign3A_7 : i1 to i32
    %sign3A_9 = arith.constant 0 : i32
    %sign3A_10 = arith.cmpi slt, %jit3A, %sign3A_9 : i32
    %sign3A_11 = arith.extui %sign3A_10 : i1 to i32
    %sign3A_12 = arith.subi %sign3A_8, %sign3A_11 : i32
    %ne3A = arith.cmpi ne, %sign3A_5, %sign3A_12 : i32
    %rem3A = arith.remsi %arg0, %jit3A : i32
    %ne3A_13 = arith.constant 0 : i32
    %ne3A_14 = arith.cmpi ne, %rem3A, %ne3A_13 : i32
    %and3A = arith.andi %ne3A, %ne3A_14 : i1
    %sub3A = arith.constant 1 : i32
    %sub3A_15 = arith.subi %div3A, %sub3A : i32
    %select_n3A = arith.select %and3A, %sub3A_15, %div3A : i32
    %c0_i32 = arith.constant 0 : i32
    %c0_i32_16 = arith.constant 0 : i32
    %c0_i32_17 = arith.constant 0 : i32
    return %select_n3A, %c0_i32, %c0_i32_16 : i32, i32, i32
  }
  func.func @transform_8(%arg0: i32, %arg1: i32) -> (i32, i32, i32) {
    %jit3A = arith.constant 4 : i32
    %div3A = arith.divsi %arg0, %jit3A : i32
    %sign3A = arith.constant 0 : i32
    %sign3A_0 = arith.cmpi sgt, %arg0, %sign3A : i32
    %sign3A_1 = arith.extui %sign3A_0 : i1 to i32
    %sign3A_2 = arith.constant 0 : i32
    %sign3A_3 = arith.cmpi slt, %arg0, %sign3A_2 : i32
    %sign3A_4 = arith.extui %sign3A_3 : i1 to i32
    %sign3A_5 = arith.subi %sign3A_1, %sign3A_4 : i32
    %sign3A_6 = arith.constant 0 : i32
    %sign3A_7 = arith.cmpi sgt, %jit3A, %sign3A_6 : i32
    %sign3A_8 = arith.extui %sign3A_7 : i1 to i32
    %sign3A_9 = arith.constant 0 : i32
    %sign3A_10 = arith.cmpi slt, %jit3A, %sign3A_9 : i32
    %sign3A_11 = arith.extui %sign3A_10 : i1 to i32
    %sign3A_12 = arith.subi %sign3A_8, %sign3A_11 : i32
    %ne3A = arith.cmpi ne, %sign3A_5, %sign3A_12 : i32
    %rem3A = arith.remsi %arg0, %jit3A : i32
    %ne3A_13 = arith.constant 0 : i32
    %ne3A_14 = arith.cmpi ne, %rem3A, %ne3A_13 : i32
    %and3A = arith.andi %ne3A, %ne3A_14 : i1
    %sub3A = arith.constant 1 : i32
    %sub3A_15 = arith.subi %div3A, %sub3A : i32
    %select_n3A = arith.select %and3A, %sub3A_15, %div3A : i32
    %c0_i32 = arith.constant 0 : i32
    %c0_i32_16 = arith.constant 0 : i32
    %c0_i32_17 = arith.constant 0 : i32
    return %select_n3A, %c0_i32, %c0_i32_16 : i32, i32, i32
  }
}

module attributes {stable_mosaic.version = 14 : i64} {
  func.func @_pcstep_body(%arg0: i32, %arg1: memref<1x3x16x2048xf32, #tpu.memory_space<vmem>>, %arg2: memref<1x1x16x2048xf32, #tpu.memory_space<vmem>>, %arg3: memref<1x32x2048xf32, #tpu.memory_space<vmem>>, %arg4: memref<16x3xf32, #tpu.memory_space<vmem>>, %arg5: memref<16x1xf32, #tpu.memory_space<vmem>>, %arg6: memref<1x4x16xf32, #tpu.memory_space<vmem>>, %arg7: memref<32x16xf32, #tpu.memory_space<vmem>>, %arg8: memref<32x1xf32, #tpu.memory_space<vmem>>, %arg9: memref<1x4x32xf32, #tpu.memory_space<vmem>>, %arg10: memref<1x32x2048xf32, #tpu.memory_space<vmem>>) attributes {dimension_semantics = [#tpu.dimension_semantics<arbitrary>], iteration_bounds = array<i64: 8>, scalar_prefetch = 0 : i64, scratch_operands = 0 : i64, tpu.core_type = #tpu.core_type<tc>, window_params = [{transform_indices = @transform_0, window_bounds = array<i64: 1, 3, 16, 2048>}, {transform_indices = @transform_1, window_bounds = array<i64: 1, 1, 16, 2048>}, {transform_indices = @transform_2, window_bounds = array<i64: 1, 32, 2048>}, {pipeline_mode = #tpu.pipeline_mode<synchronous>, transform_indices = @transform_3, window_bounds = array<i64: 16, 3>}, {pipeline_mode = #tpu.pipeline_mode<synchronous>, transform_indices = @transform_4, window_bounds = array<i64: 16, 1>}, {transform_indices = @transform_5, window_bounds = array<i64: 1, 4, 16>}, {pipeline_mode = #tpu.pipeline_mode<synchronous>, transform_indices = @transform_6, window_bounds = array<i64: 32, 16>}, {pipeline_mode = #tpu.pipeline_mode<synchronous>, transform_indices = @transform_7, window_bounds = array<i64: 32, 1>}, {transform_indices = @transform_8, window_bounds = array<i64: 1, 4, 32>}, {transform_indices = @transform_9, window_bounds = array<i64: 1, 32, 2048>}]} {
    %get3A = arith.constant 0 : index
    %get3A_0 = arith.constant 0 : index
    %get3A_1 = vector.load %arg4[%get3A, %get3A_0] : memref<16x3xf32, #tpu.memory_space<vmem>>, vector<16x3xf32>
    %get3A_2 = arith.constant 0 : index
    %get3A_3 = arith.constant 0 : index
    %get3A_4 = vector.load %arg5[%get3A_2, %get3A_3] : memref<16x1xf32, #tpu.memory_space<vmem>>, vector<16x1xf32>
    %get3A_5 = arith.constant 0 : index
    %get3A_6 = arith.constant 0 : index
    %get3A_7 = vector.load %arg7[%get3A_5, %get3A_6] : memref<32x16xf32, #tpu.memory_space<vmem>>, vector<32x16xf32>
    %get3A_8 = arith.constant 0 : index
    %get3A_9 = arith.constant 0 : index
    %get3A_10 = vector.load %arg8[%get3A_8, %get3A_9] : memref<32x1xf32, #tpu.memory_space<vmem>>, vector<32x1xf32>
    %get3A_11 = arith.constant 0 : index
    %get3A_12 = arith.constant 0 : index
    %get3A_13 = arith.constant 0 : index
    %get3A_14 = vector.load %arg6[%get3A_11, %get3A_12, %get3A_13] : memref<1x4x16xf32, #tpu.memory_space<vmem>>, vector<1x4x16xf32>
    %get3A_15 = vector.shape_cast %get3A_14 : vector<1x4x16xf32> to vector<4x16xf32>
    %get3A_16 = arith.constant 0 : index
    %get3A_17 = arith.constant 0 : index
    %get3A_18 = arith.constant 0 : index
    %get3A_19 = vector.load %arg9[%get3A_16, %get3A_17, %get3A_18] : memref<1x4x32xf32, #tpu.memory_space<vmem>>, vector<1x4x32xf32>
    %get3A_20 = vector.shape_cast %get3A_19 : vector<1x4x32xf32> to vector<4x32xf32>
    %broadcast_in_dim3A = arith.constant 0.000000e+00 : f32
    %broadcast_in_dim3A_21 = vector.broadcast %broadcast_in_dim3A : f32 to vector<32x2048xf32>
    %get3A_22 = arith.constant 0 : index
    %get3A_23 = arith.constant 0 : index
    %get3A_24 = arith.constant 0 : index
    %get3A_25 = arith.constant 0 : index
    %get3A_26 = vector.load %arg1[%get3A_22, %get3A_23, %get3A_24, %get3A_25] : memref<1x3x16x2048xf32, #tpu.memory_space<vmem>>, vector<1x3x1x2048xf32>
    %get3A_27 = vector.shape_cast %get3A_26 : vector<1x3x1x2048xf32> to vector<3x2048xf32>
    %dot_general3A = arith.constant dense<0.000000e+00> : vector<16x2048xf32>
    %dot_general3A_28 = tpu.matmul %get3A_1, %get3A_27, %dot_general3A {dimension_numbers = #tpu.dot_dimension_numbers<[1], [0], [0], [1], [0, 0, 1, 1], [], []>, transpose_lhs_hint = false} : vector<16x3xf32>, vector<3x2048xf32>, vector<16x2048xf32> -> vector<16x2048xf32>
    %add3A = vector.broadcast %get3A_4 : vector<16x1xf32> to vector<16x2048xf32>
    %add3A_29 = arith.addf %dot_general3A_28, %add3A : vector<16x2048xf32>
    %slice3A = vector.extract_strided_slice %get3A_15 {offsets = [0, 0], sizes = [1, 16], strides = [1, 1]} : vector<4x16xf32> to vector<1x16xf32>
    %squeeze3A = vector.shape_cast %slice3A : vector<1x16xf32> to vector<16xf32>
    %broadcast_in_dim3A_30 = vector.shape_cast %squeeze3A : vector<16xf32> to vector<16x1xf32>
    %slice3A_31 = vector.extract_strided_slice %get3A_15 {offsets = [1, 0], sizes = [1, 16], strides = [1, 1]} : vector<4x16xf32> to vector<1x16xf32>
    %squeeze3A_32 = vector.shape_cast %slice3A_31 : vector<1x16xf32> to vector<16xf32>
    %broadcast_in_dim3A_33 = vector.shape_cast %squeeze3A_32 : vector<16xf32> to vector<16x1xf32>
    %slice3A_34 = vector.extract_strided_slice %get3A_15 {offsets = [2, 0], sizes = [1, 16], strides = [1, 1]} : vector<4x16xf32> to vector<1x16xf32>
    %squeeze3A_35 = vector.shape_cast %slice3A_34 : vector<1x16xf32> to vector<16xf32>
    %broadcast_in_dim3A_36 = vector.shape_cast %squeeze3A_35 : vector<16xf32> to vector<16x1xf32>
    %slice3A_37 = vector.extract_strided_slice %get3A_15 {offsets = [3, 0], sizes = [1, 16], strides = [1, 1]} : vector<4x16xf32> to vector<1x16xf32>
    %squeeze3A_38 = vector.shape_cast %slice3A_37 : vector<1x16xf32> to vector<16xf32>
    %broadcast_in_dim3A_39 = vector.shape_cast %squeeze3A_38 : vector<16xf32> to vector<16x1xf32>
    %sub3A = vector.broadcast %broadcast_in_dim3A_30 : vector<16x1xf32> to vector<16x2048xf32>
    %sub3A_40 = arith.subf %add3A_29, %sub3A : vector<16x2048xf32>
    %div3A = vector.broadcast %broadcast_in_dim3A_33 : vector<16x1xf32> to vector<16x2048xf32>
    %div3A_41 = arith.divf %sub3A_40, %div3A : vector<16x2048xf32>
    %mul3A = vector.broadcast %broadcast_in_dim3A_36 : vector<16x1xf32> to vector<16x2048xf32>
    %mul3A_42 = arith.mulf %div3A_41, %mul3A : vector<16x2048xf32>
    %add3A_43 = vector.broadcast %broadcast_in_dim3A_39 : vector<16x1xf32> to vector<16x2048xf32>
    %add3A_44 = arith.addf %mul3A_42, %add3A_43 : vector<16x2048xf32>
    %max3A = arith.constant 0.000000e+00 : f32
    %max3A_45 = vector.broadcast %max3A : f32 to vector<16x2048xf32>
    %max3A_46 = arith.maximumf %add3A_44, %max3A_45 : vector<16x2048xf32>
    %dot_general3A_47 = arith.constant dense<0.000000e+00> : vector<32x2048xf32>
    %dot_general3A_48 = tpu.matmul %get3A_7, %max3A_46, %dot_general3A_47 {dimension_numbers = #tpu.dot_dimension_numbers<[1], [0], [0], [1], [0, 0, 1, 1], [], []>, transpose_lhs_hint = false} : vector<32x16xf32>, vector<16x2048xf32>, vector<32x2048xf32> -> vector<32x2048xf32>
    %add3A_49 = vector.broadcast %get3A_10 : vector<32x1xf32> to vector<32x2048xf32>
    %add3A_50 = arith.addf %dot_general3A_48, %add3A_49 : vector<32x2048xf32>
    %slice3A_51 = vector.extract_strided_slice %get3A_20 {offsets = [0, 0], sizes = [1, 32], strides = [1, 1]} : vector<4x32xf32> to vector<1x32xf32>
    %squeeze3A_52 = vector.shape_cast %slice3A_51 : vector<1x32xf32> to vector<32xf32>
    %broadcast_in_dim3A_53 = vector.shape_cast %squeeze3A_52 : vector<32xf32> to vector<32x1xf32>
    %slice3A_54 = vector.extract_strided_slice %get3A_20 {offsets = [1, 0], sizes = [1, 32], strides = [1, 1]} : vector<4x32xf32> to vector<1x32xf32>
    %squeeze3A_55 = vector.shape_cast %slice3A_54 : vector<1x32xf32> to vector<32xf32>
    %broadcast_in_dim3A_56 = vector.shape_cast %squeeze3A_55 : vector<32xf32> to vector<32x1xf32>
    %slice3A_57 = vector.extract_strided_slice %get3A_20 {offsets = [2, 0], sizes = [1, 32], strides = [1, 1]} : vector<4x32xf32> to vector<1x32xf32>
    %squeeze3A_58 = vector.shape_cast %slice3A_57 : vector<1x32xf32> to vector<32xf32>
    %broadcast_in_dim3A_59 = vector.shape_cast %squeeze3A_58 : vector<32xf32> to vector<32x1xf32>
    %slice3A_60 = vector.extract_strided_slice %get3A_20 {offsets = [3, 0], sizes = [1, 32], strides = [1, 1]} : vector<4x32xf32> to vector<1x32xf32>
    %squeeze3A_61 = vector.shape_cast %slice3A_60 : vector<1x32xf32> to vector<32xf32>
    %broadcast_in_dim3A_62 = vector.shape_cast %squeeze3A_61 : vector<32xf32> to vector<32x1xf32>
    %sub3A_63 = vector.broadcast %broadcast_in_dim3A_53 : vector<32x1xf32> to vector<32x2048xf32>
    %sub3A_64 = arith.subf %add3A_50, %sub3A_63 : vector<32x2048xf32>
    %div3A_65 = vector.broadcast %broadcast_in_dim3A_56 : vector<32x1xf32> to vector<32x2048xf32>
    %div3A_66 = arith.divf %sub3A_64, %div3A_65 : vector<32x2048xf32>
    %mul3A_67 = vector.broadcast %broadcast_in_dim3A_59 : vector<32x1xf32> to vector<32x2048xf32>
    %mul3A_68 = arith.mulf %div3A_66, %mul3A_67 : vector<32x2048xf32>
    %add3A_69 = vector.broadcast %broadcast_in_dim3A_62 : vector<32x1xf32> to vector<32x2048xf32>
    %add3A_70 = arith.addf %mul3A_68, %add3A_69 : vector<32x2048xf32>
    %max3A_71 = arith.constant 0.000000e+00 : f32
    %max3A_72 = vector.broadcast %max3A_71 : f32 to vector<32x2048xf32>
    %max3A_73 = arith.maximumf %add3A_70, %max3A_72 : vector<32x2048xf32>
    %get3A_74 = arith.constant 0 : index
    %get3A_75 = arith.constant 0 : index
    %get3A_76 = arith.constant 0 : index
    %get3A_77 = arith.constant 0 : index
    %get3A_78 = vector.load %arg2[%get3A_74, %get3A_75, %get3A_76, %get3A_77] : memref<1x1x16x2048xf32, #tpu.memory_space<vmem>>, vector<1x1x1x2048xf32>
    %get3A_79 = vector.shape_cast %get3A_78 : vector<1x1x1x2048xf32> to vector<2048xf32>
    %broadcast_in_dim3A_80 = vector.shape_cast %get3A_79 : vector<2048xf32> to vector<1x2048xf32>
    %mul3A_81 = vector.broadcast %broadcast_in_dim3A_80 : vector<1x2048xf32> to vector<32x2048xf32>
    %mul3A_82 = arith.mulf %max3A_73, %mul3A_81 : vector<32x2048xf32>
    %add3A_83 = arith.addf %broadcast_in_dim3A_21, %mul3A_82 : vector<32x2048xf32>
    %get3A_84 = arith.constant 0 : index
    %get3A_85 = arith.constant 0 : index
    %get3A_86 = arith.constant 1 : index
    %get3A_87 = arith.constant 0 : index
    %get3A_88 = vector.load %arg1[%get3A_84, %get3A_85, %get3A_86, %get3A_87] : memref<1x3x16x2048xf32, #tpu.memory_space<vmem>>, vector<1x3x1x2048xf32>
    %get3A_89 = vector.shape_cast %get3A_88 : vector<1x3x1x2048xf32> to vector<3x2048xf32>
    %dot_general3A_90 = arith.constant dense<0.000000e+00> : vector<16x2048xf32>
    %dot_general3A_91 = tpu.matmul %get3A_1, %get3A_89, %dot_general3A_90 {dimension_numbers = #tpu.dot_dimension_numbers<[1], [0], [0], [1], [0, 0, 1, 1], [], []>, transpose_lhs_hint = false} : vector<16x3xf32>, vector<3x2048xf32>, vector<16x2048xf32> -> vector<16x2048xf32>
    %add3A_92 = vector.broadcast %get3A_4 : vector<16x1xf32> to vector<16x2048xf32>
    %add3A_93 = arith.addf %dot_general3A_91, %add3A_92 : vector<16x2048xf32>
    %slice3A_94 = vector.extract_strided_slice %get3A_15 {offsets = [0, 0], sizes = [1, 16], strides = [1, 1]} : vector<4x16xf32> to vector<1x16xf32>
    %squeeze3A_95 = vector.shape_cast %slice3A_94 : vector<1x16xf32> to vector<16xf32>
    %broadcast_in_dim3A_96 = vector.shape_cast %squeeze3A_95 : vector<16xf32> to vector<16x1xf32>
    %slice3A_97 = vector.extract_strided_slice %get3A_15 {offsets = [1, 0], sizes = [1, 16], strides = [1, 1]} : vector<4x16xf32> to vector<1x16xf32>
    %squeeze3A_98 = vector.shape_cast %slice3A_97 : vector<1x16xf32> to vector<16xf32>
    %broadcast_in_dim3A_99 = vector.shape_cast %squeeze3A_98 : vector<16xf32> to vector<16x1xf32>
    %slice3A_100 = vector.extract_strided_slice %get3A_15 {offsets = [2, 0], sizes = [1, 16], strides = [1, 1]} : vector<4x16xf32> to vector<1x16xf32>
    %squeeze3A_101 = vector.shape_cast %slice3A_100 : vector<1x16xf32> to vector<16xf32>
    %broadcast_in_dim3A_102 = vector.shape_cast %squeeze3A_101 : vector<16xf32> to vector<16x1xf32>
    %slice3A_103 = vector.extract_strided_slice %get3A_15 {offsets = [3, 0], sizes = [1, 16], strides = [1, 1]} : vector<4x16xf32> to vector<1x16xf32>
    %squeeze3A_104 = vector.shape_cast %slice3A_103 : vector<1x16xf32> to vector<16xf32>
    %broadcast_in_dim3A_105 = vector.shape_cast %squeeze3A_104 : vector<16xf32> to vector<16x1xf32>
    %sub3A_106 = vector.broadcast %broadcast_in_dim3A_96 : vector<16x1xf32> to vector<16x2048xf32>
    %sub3A_107 = arith.subf %add3A_93, %sub3A_106 : vector<16x2048xf32>
    %div3A_108 = vector.broadcast %broadcast_in_dim3A_99 : vector<16x1xf32> to vector<16x2048xf32>
    %div3A_109 = arith.divf %sub3A_107, %div3A_108 : vector<16x2048xf32>
    %mul3A_110 = vector.broadcast %broadcast_in_dim3A_102 : vector<16x1xf32> to vector<16x2048xf32>
    %mul3A_111 = arith.mulf %div3A_109, %mul3A_110 : vector<16x2048xf32>
    %add3A_112 = vector.broadcast %broadcast_in_dim3A_105 : vector<16x1xf32> to vector<16x2048xf32>
    %add3A_113 = arith.addf %mul3A_111, %add3A_112 : vector<16x2048xf32>
    %max3A_114 = arith.constant 0.000000e+00 : f32
    %max3A_115 = vector.broadcast %max3A_114 : f32 to vector<16x2048xf32>
    %max3A_116 = arith.maximumf %add3A_113, %max3A_115 : vector<16x2048xf32>
    %dot_general3A_117 = arith.constant dense<0.000000e+00> : vector<32x2048xf32>
    %dot_general3A_118 = tpu.matmul %get3A_7, %max3A_116, %dot_general3A_117 {dimension_numbers = #tpu.dot_dimension_numbers<[1], [0], [0], [1], [0, 0, 1, 1], [], []>, transpose_lhs_hint = false} : vector<32x16xf32>, vector<16x2048xf32>, vector<32x2048xf32> -> vector<32x2048xf32>
    %add3A_119 = vector.broadcast %get3A_10 : vector<32x1xf32> to vector<32x2048xf32>
    %add3A_120 = arith.addf %dot_general3A_118, %add3A_119 : vector<32x2048xf32>
    %slice3A_121 = vector.extract_strided_slice %get3A_20 {offsets = [0, 0], sizes = [1, 32], strides = [1, 1]} : vector<4x32xf32> to vector<1x32xf32>
    %squeeze3A_122 = vector.shape_cast %slice3A_121 : vector<1x32xf32> to vector<32xf32>
    %broadcast_in_dim3A_123 = vector.shape_cast %squeeze3A_122 : vector<32xf32> to vector<32x1xf32>
    %slice3A_124 = vector.extract_strided_slice %get3A_20 {offsets = [1, 0], sizes = [1, 32], strides = [1, 1]} : vector<4x32xf32> to vector<1x32xf32>
    %squeeze3A_125 = vector.shape_cast %slice3A_124 : vector<1x32xf32> to vector<32xf32>
    %broadcast_in_dim3A_126 = vector.shape_cast %squeeze3A_125 : vector<32xf32> to vector<32x1xf32>
    %slice3A_127 = vector.extract_strided_slice %get3A_20 {offsets = [2, 0], sizes = [1, 32], strides = [1, 1]} : vector<4x32xf32> to vector<1x32xf32>
    %squeeze3A_128 = vector.shape_cast %slice3A_127 : vector<1x32xf32> to vector<32xf32>
    %broadcast_in_dim3A_129 = vector.shape_cast %squeeze3A_128 : vector<32xf32> to vector<32x1xf32>
    %slice3A_130 = vector.extract_strided_slice %get3A_20 {offsets = [3, 0], sizes = [1, 32], strides = [1, 1]} : vector<4x32xf32> to vector<1x32xf32>
    %squeeze3A_131 = vector.shape_cast %slice3A_130 : vector<1x32xf32> to vector<32xf32>
    %broadcast_in_dim3A_132 = vector.shape_cast %squeeze3A_131 : vector<32xf32> to vector<32x1xf32>
    %sub3A_133 = vector.broadcast %broadcast_in_dim3A_123 : vector<32x1xf32> to vector<32x2048xf32>
    %sub3A_134 = arith.subf %add3A_120, %sub3A_133 : vector<32x2048xf32>
    %div3A_135 = vector.broadcast %broadcast_in_dim3A_126 : vector<32x1xf32> to vector<32x2048xf32>
    %div3A_136 = arith.divf %sub3A_134, %div3A_135 : vector<32x2048xf32>
    %mul3A_137 = vector.broadcast %broadcast_in_dim3A_129 : vector<32x1xf32> to vector<32x2048xf32>
    %mul3A_138 = arith.mulf %div3A_136, %mul3A_137 : vector<32x2048xf32>
    %add3A_139 = vector.broadcast %broadcast_in_dim3A_132 : vector<32x1xf32> to vector<32x2048xf32>
    %add3A_140 = arith.addf %mul3A_138, %add3A_139 : vector<32x2048xf32>
    %max3A_141 = arith.constant 0.000000e+00 : f32
    %max3A_142 = vector.broadcast %max3A_141 : f32 to vector<32x2048xf32>
    %max3A_143 = arith.maximumf %add3A_140, %max3A_142 : vector<32x2048xf32>
    %get3A_144 = arith.constant 0 : index
    %get3A_145 = arith.constant 0 : index
    %get3A_146 = arith.constant 1 : index
    %get3A_147 = arith.constant 0 : index
    %get3A_148 = vector.load %arg2[%get3A_144, %get3A_145, %get3A_146, %get3A_147] : memref<1x1x16x2048xf32, #tpu.memory_space<vmem>>, vector<1x1x1x2048xf32>
    %get3A_149 = vector.shape_cast %get3A_148 : vector<1x1x1x2048xf32> to vector<2048xf32>
    %broadcast_in_dim3A_150 = vector.shape_cast %get3A_149 : vector<2048xf32> to vector<1x2048xf32>
    %mul3A_151 = vector.broadcast %broadcast_in_dim3A_150 : vector<1x2048xf32> to vector<32x2048xf32>
    %mul3A_152 = arith.mulf %max3A_143, %mul3A_151 : vector<32x2048xf32>
    %add3A_153 = arith.addf %add3A_83, %mul3A_152 : vector<32x2048xf32>
    %get3A_154 = arith.constant 0 : index
    %get3A_155 = arith.constant 0 : index
    %get3A_156 = arith.constant 2 : index
    %get3A_157 = arith.constant 0 : index
    %get3A_158 = vector.load %arg1[%get3A_154, %get3A_155, %get3A_156, %get3A_157] : memref<1x3x16x2048xf32, #tpu.memory_space<vmem>>, vector<1x3x1x2048xf32>
    %get3A_159 = vector.shape_cast %get3A_158 : vector<1x3x1x2048xf32> to vector<3x2048xf32>
    %dot_general3A_160 = arith.constant dense<0.000000e+00> : vector<16x2048xf32>
    %dot_general3A_161 = tpu.matmul %get3A_1, %get3A_159, %dot_general3A_160 {dimension_numbers = #tpu.dot_dimension_numbers<[1], [0], [0], [1], [0, 0, 1, 1], [], []>, transpose_lhs_hint = false} : vector<16x3xf32>, vector<3x2048xf32>, vector<16x2048xf32> -> vector<16x2048xf32>
    %add3A_162 = vector.broadcast %get3A_4 : vector<16x1xf32> to vector<16x2048xf32>
    %add3A_163 = arith.addf %dot_general3A_161, %add3A_162 : vector<16x2048xf32>
    %slice3A_164 = vector.extract_strided_slice %get3A_15 {offsets = [0, 0], sizes = [1, 16], strides = [1, 1]} : vector<4x16xf32> to vector<1x16xf32>
    %squeeze3A_165 = vector.shape_cast %slice3A_164 : vector<1x16xf32> to vector<16xf32>
    %broadcast_in_dim3A_166 = vector.shape_cast %squeeze3A_165 : vector<16xf32> to vector<16x1xf32>
    %slice3A_167 = vector.extract_strided_slice %get3A_15 {offsets = [1, 0], sizes = [1, 16], strides = [1, 1]} : vector<4x16xf32> to vector<1x16xf32>
    %squeeze3A_168 = vector.shape_cast %slice3A_167 : vector<1x16xf32> to vector<16xf32>
    %broadcast_in_dim3A_169 = vector.shape_cast %squeeze3A_168 : vector<16xf32> to vector<16x1xf32>
    %slice3A_170 = vector.extract_strided_slice %get3A_15 {offsets = [2, 0], sizes = [1, 16], strides = [1, 1]} : vector<4x16xf32> to vector<1x16xf32>
    %squeeze3A_171 = vector.shape_cast %slice3A_170 : vector<1x16xf32> to vector<16xf32>
    %broadcast_in_dim3A_172 = vector.shape_cast %squeeze3A_171 : vector<16xf32> to vector<16x1xf32>
    %slice3A_173 = vector.extract_strided_slice %get3A_15 {offsets = [3, 0], sizes = [1, 16], strides = [1, 1]} : vector<4x16xf32> to vector<1x16xf32>
    %squeeze3A_174 = vector.shape_cast %slice3A_173 : vector<1x16xf32> to vector<16xf32>
    %broadcast_in_dim3A_175 = vector.shape_cast %squeeze3A_174 : vector<16xf32> to vector<16x1xf32>
    %sub3A_176 = vector.broadcast %broadcast_in_dim3A_166 : vector<16x1xf32> to vector<16x2048xf32>
    %sub3A_177 = arith.subf %add3A_163, %sub3A_176 : vector<16x2048xf32>
    %div3A_178 = vector.broadcast %broadcast_in_dim3A_169 : vector<16x1xf32> to vector<16x2048xf32>
    %div3A_179 = arith.divf %sub3A_177, %div3A_178 : vector<16x2048xf32>
    %mul3A_180 = vector.broadcast %broadcast_in_dim3A_172 : vector<16x1xf32> to vector<16x2048xf32>
    %mul3A_181 = arith.mulf %div3A_179, %mul3A_180 : vector<16x2048xf32>
    %add3A_182 = vector.broadcast %broadcast_in_dim3A_175 : vector<16x1xf32> to vector<16x2048xf32>
    %add3A_183 = arith.addf %mul3A_181, %add3A_182 : vector<16x2048xf32>
    %max3A_184 = arith.constant 0.000000e+00 : f32
    %max3A_185 = vector.broadcast %max3A_184 : f32 to vector<16x2048xf32>
    %max3A_186 = arith.maximumf %add3A_183, %max3A_185 : vector<16x2048xf32>
    %dot_general3A_187 = arith.constant dense<0.000000e+00> : vector<32x2048xf32>
    %dot_general3A_188 = tpu.matmul %get3A_7, %max3A_186, %dot_general3A_187 {dimension_numbers = #tpu.dot_dimension_numbers<[1], [0], [0], [1], [0, 0, 1, 1], [], []>, transpose_lhs_hint = false} : vector<32x16xf32>, vector<16x2048xf32>, vector<32x2048xf32> -> vector<32x2048xf32>
    %add3A_189 = vector.broadcast %get3A_10 : vector<32x1xf32> to vector<32x2048xf32>
    %add3A_190 = arith.addf %dot_general3A_188, %add3A_189 : vector<32x2048xf32>
    %slice3A_191 = vector.extract_strided_slice %get3A_20 {offsets = [0, 0], sizes = [1, 32], strides = [1, 1]} : vector<4x32xf32> to vector<1x32xf32>
    %squeeze3A_192 = vector.shape_cast %slice3A_191 : vector<1x32xf32> to vector<32xf32>
    %broadcast_in_dim3A_193 = vector.shape_cast %squeeze3A_192 : vector<32xf32> to vector<32x1xf32>
    %slice3A_194 = vector.extract_strided_slice %get3A_20 {offsets = [1, 0], sizes = [1, 32], strides = [1, 1]} : vector<4x32xf32> to vector<1x32xf32>
    %squeeze3A_195 = vector.shape_cast %slice3A_194 : vector<1x32xf32> to vector<32xf32>
    %broadcast_in_dim3A_196 = vector.shape_cast %squeeze3A_195 : vector<32xf32> to vector<32x1xf32>
    %slice3A_197 = vector.extract_strided_slice %get3A_20 {offsets = [2, 0], sizes = [1, 32], strides = [1, 1]} : vector<4x32xf32> to vector<1x32xf32>
    %squeeze3A_198 = vector.shape_cast %slice3A_197 : vector<1x32xf32> to vector<32xf32>
    %broadcast_in_dim3A_199 = vector.shape_cast %squeeze3A_198 : vector<32xf32> to vector<32x1xf32>
    %slice3A_200 = vector.extract_strided_slice %get3A_20 {offsets = [3, 0], sizes = [1, 32], strides = [1, 1]} : vector<4x32xf32> to vector<1x32xf32>
    %squeeze3A_201 = vector.shape_cast %slice3A_200 : vector<1x32xf32> to vector<32xf32>
    %broadcast_in_dim3A_202 = vector.shape_cast %squeeze3A_201 : vector<32xf32> to vector<32x1xf32>
    %sub3A_203 = vector.broadcast %broadcast_in_dim3A_193 : vector<32x1xf32> to vector<32x2048xf32>
    %sub3A_204 = arith.subf %add3A_190, %sub3A_203 : vector<32x2048xf32>
    %div3A_205 = vector.broadcast %broadcast_in_dim3A_196 : vector<32x1xf32> to vector<32x2048xf32>
    %div3A_206 = arith.divf %sub3A_204, %div3A_205 : vector<32x2048xf32>
    %mul3A_207 = vector.broadcast %broadcast_in_dim3A_199 : vector<32x1xf32> to vector<32x2048xf32>
    %mul3A_208 = arith.mulf %div3A_206, %mul3A_207 : vector<32x2048xf32>
    %add3A_209 = vector.broadcast %broadcast_in_dim3A_202 : vector<32x1xf32> to vector<32x2048xf32>
    %add3A_210 = arith.addf %mul3A_208, %add3A_209 : vector<32x2048xf32>
    %max3A_211 = arith.constant 0.000000e+00 : f32
    %max3A_212 = vector.broadcast %max3A_211 : f32 to vector<32x2048xf32>
    %max3A_213 = arith.maximumf %add3A_210, %max3A_212 : vector<32x2048xf32>
    %get3A_214 = arith.constant 0 : index
    %get3A_215 = arith.constant 0 : index
    %get3A_216 = arith.constant 2 : index
    %get3A_217 = arith.constant 0 : index
    %get3A_218 = vector.load %arg2[%get3A_214, %get3A_215, %get3A_216, %get3A_217] : memref<1x1x16x2048xf32, #tpu.memory_space<vmem>>, vector<1x1x1x2048xf32>
    %get3A_219 = vector.shape_cast %get3A_218 : vector<1x1x1x2048xf32> to vector<2048xf32>
    %broadcast_in_dim3A_220 = vector.shape_cast %get3A_219 : vector<2048xf32> to vector<1x2048xf32>
    %mul3A_221 = vector.broadcast %broadcast_in_dim3A_220 : vector<1x2048xf32> to vector<32x2048xf32>
    %mul3A_222 = arith.mulf %max3A_213, %mul3A_221 : vector<32x2048xf32>
    %add3A_223 = arith.addf %add3A_153, %mul3A_222 : vector<32x2048xf32>
    %get3A_224 = arith.constant 0 : index
    %get3A_225 = arith.constant 0 : index
    %get3A_226 = arith.constant 3 : index
    %get3A_227 = arith.constant 0 : index
    %get3A_228 = vector.load %arg1[%get3A_224, %get3A_225, %get3A_226, %get3A_227] : memref<1x3x16x2048xf32, #tpu.memory_space<vmem>>, vector<1x3x1x2048xf32>
    %get3A_229 = vector.shape_cast %get3A_228 : vector<1x3x1x2048xf32> to vector<3x2048xf32>
    %dot_general3A_230 = arith.constant dense<0.000000e+00> : vector<16x2048xf32>
    %dot_general3A_231 = tpu.matmul %get3A_1, %get3A_229, %dot_general3A_230 {dimension_numbers = #tpu.dot_dimension_numbers<[1], [0], [0], [1], [0, 0, 1, 1], [], []>, transpose_lhs_hint = false} : vector<16x3xf32>, vector<3x2048xf32>, vector<16x2048xf32> -> vector<16x2048xf32>
    %add3A_232 = vector.broadcast %get3A_4 : vector<16x1xf32> to vector<16x2048xf32>
    %add3A_233 = arith.addf %dot_general3A_231, %add3A_232 : vector<16x2048xf32>
    %slice3A_234 = vector.extract_strided_slice %get3A_15 {offsets = [0, 0], sizes = [1, 16], strides = [1, 1]} : vector<4x16xf32> to vector<1x16xf32>
    %squeeze3A_235 = vector.shape_cast %slice3A_234 : vector<1x16xf32> to vector<16xf32>
    %broadcast_in_dim3A_236 = vector.shape_cast %squeeze3A_235 : vector<16xf32> to vector<16x1xf32>
    %slice3A_237 = vector.extract_strided_slice %get3A_15 {offsets = [1, 0], sizes = [1, 16], strides = [1, 1]} : vector<4x16xf32> to vector<1x16xf32>
    %squeeze3A_238 = vector.shape_cast %slice3A_237 : vector<1x16xf32> to vector<16xf32>
    %broadcast_in_dim3A_239 = vector.shape_cast %squeeze3A_238 : vector<16xf32> to vector<16x1xf32>
    %slice3A_240 = vector.extract_strided_slice %get3A_15 {offsets = [2, 0], sizes = [1, 16], strides = [1, 1]} : vector<4x16xf32> to vector<1x16xf32>
    %squeeze3A_241 = vector.shape_cast %slice3A_240 : vector<1x16xf32> to vector<16xf32>
    %broadcast_in_dim3A_242 = vector.shape_cast %squeeze3A_241 : vector<16xf32> to vector<16x1xf32>
    %slice3A_243 = vector.extract_strided_slice %get3A_15 {offsets = [3, 0], sizes = [1, 16], strides = [1, 1]} : vector<4x16xf32> to vector<1x16xf32>
    %squeeze3A_244 = vector.shape_cast %slice3A_243 : vector<1x16xf32> to vector<16xf32>
    %broadcast_in_dim3A_245 = vector.shape_cast %squeeze3A_244 : vector<16xf32> to vector<16x1xf32>
    %sub3A_246 = vector.broadcast %broadcast_in_dim3A_236 : vector<16x1xf32> to vector<16x2048xf32>
    %sub3A_247 = arith.subf %add3A_233, %sub3A_246 : vector<16x2048xf32>
    %div3A_248 = vector.broadcast %broadcast_in_dim3A_239 : vector<16x1xf32> to vector<16x2048xf32>
    %div3A_249 = arith.divf %sub3A_247, %div3A_248 : vector<16x2048xf32>
    %mul3A_250 = vector.broadcast %broadcast_in_dim3A_242 : vector<16x1xf32> to vector<16x2048xf32>
    %mul3A_251 = arith.mulf %div3A_249, %mul3A_250 : vector<16x2048xf32>
    %add3A_252 = vector.broadcast %broadcast_in_dim3A_245 : vector<16x1xf32> to vector<16x2048xf32>
    %add3A_253 = arith.addf %mul3A_251, %add3A_252 : vector<16x2048xf32>
    %max3A_254 = arith.constant 0.000000e+00 : f32
    %max3A_255 = vector.broadcast %max3A_254 : f32 to vector<16x2048xf32>
    %max3A_256 = arith.maximumf %add3A_253, %max3A_255 : vector<16x2048xf32>
    %dot_general3A_257 = arith.constant dense<0.000000e+00> : vector<32x2048xf32>
    %dot_general3A_258 = tpu.matmul %get3A_7, %max3A_256, %dot_general3A_257 {dimension_numbers = #tpu.dot_dimension_numbers<[1], [0], [0], [1], [0, 0, 1, 1], [], []>, transpose_lhs_hint = false} : vector<32x16xf32>, vector<16x2048xf32>, vector<32x2048xf32> -> vector<32x2048xf32>
    %add3A_259 = vector.broadcast %get3A_10 : vector<32x1xf32> to vector<32x2048xf32>
    %add3A_260 = arith.addf %dot_general3A_258, %add3A_259 : vector<32x2048xf32>
    %slice3A_261 = vector.extract_strided_slice %get3A_20 {offsets = [0, 0], sizes = [1, 32], strides = [1, 1]} : vector<4x32xf32> to vector<1x32xf32>
    %squeeze3A_262 = vector.shape_cast %slice3A_261 : vector<1x32xf32> to vector<32xf32>
    %broadcast_in_dim3A_263 = vector.shape_cast %squeeze3A_262 : vector<32xf32> to vector<32x1xf32>
    %slice3A_264 = vector.extract_strided_slice %get3A_20 {offsets = [1, 0], sizes = [1, 32], strides = [1, 1]} : vector<4x32xf32> to vector<1x32xf32>
    %squeeze3A_265 = vector.shape_cast %slice3A_264 : vector<1x32xf32> to vector<32xf32>
    %broadcast_in_dim3A_266 = vector.shape_cast %squeeze3A_265 : vector<32xf32> to vector<32x1xf32>
    %slice3A_267 = vector.extract_strided_slice %get3A_20 {offsets = [2, 0], sizes = [1, 32], strides = [1, 1]} : vector<4x32xf32> to vector<1x32xf32>
    %squeeze3A_268 = vector.shape_cast %slice3A_267 : vector<1x32xf32> to vector<32xf32>
    %broadcast_in_dim3A_269 = vector.shape_cast %squeeze3A_268 : vector<32xf32> to vector<32x1xf32>
    %slice3A_270 = vector.extract_strided_slice %get3A_20 {offsets = [3, 0], sizes = [1, 32], strides = [1, 1]} : vector<4x32xf32> to vector<1x32xf32>
    %squeeze3A_271 = vector.shape_cast %slice3A_270 : vector<1x32xf32> to vector<32xf32>
    %broadcast_in_dim3A_272 = vector.shape_cast %squeeze3A_271 : vector<32xf32> to vector<32x1xf32>
    %sub3A_273 = vector.broadcast %broadcast_in_dim3A_263 : vector<32x1xf32> to vector<32x2048xf32>
    %sub3A_274 = arith.subf %add3A_260, %sub3A_273 : vector<32x2048xf32>
    %div3A_275 = vector.broadcast %broadcast_in_dim3A_266 : vector<32x1xf32> to vector<32x2048xf32>
    %div3A_276 = arith.divf %sub3A_274, %div3A_275 : vector<32x2048xf32>
    %mul3A_277 = vector.broadcast %broadcast_in_dim3A_269 : vector<32x1xf32> to vector<32x2048xf32>
    %mul3A_278 = arith.mulf %div3A_276, %mul3A_277 : vector<32x2048xf32>
    %add3A_279 = vector.broadcast %broadcast_in_dim3A_272 : vector<32x1xf32> to vector<32x2048xf32>
    %add3A_280 = arith.addf %mul3A_278, %add3A_279 : vector<32x2048xf32>
    %max3A_281 = arith.constant 0.000000e+00 : f32
    %max3A_282 = vector.broadcast %max3A_281 : f32 to vector<32x2048xf32>
    %max3A_283 = arith.maximumf %add3A_280, %max3A_282 : vector<32x2048xf32>
    %get3A_284 = arith.constant 0 : index
    %get3A_285 = arith.constant 0 : index
    %get3A_286 = arith.constant 3 : index
    %get3A_287 = arith.constant 0 : index
    %get3A_288 = vector.load %arg2[%get3A_284, %get3A_285, %get3A_286, %get3A_287] : memref<1x1x16x2048xf32, #tpu.memory_space<vmem>>, vector<1x1x1x2048xf32>
    %get3A_289 = vector.shape_cast %get3A_288 : vector<1x1x1x2048xf32> to vector<2048xf32>
    %broadcast_in_dim3A_290 = vector.shape_cast %get3A_289 : vector<2048xf32> to vector<1x2048xf32>
    %mul3A_291 = vector.broadcast %broadcast_in_dim3A_290 : vector<1x2048xf32> to vector<32x2048xf32>
    %mul3A_292 = arith.mulf %max3A_283, %mul3A_291 : vector<32x2048xf32>
    %add3A_293 = arith.addf %add3A_223, %mul3A_292 : vector<32x2048xf32>
    %get3A_294 = arith.constant 0 : index
    %get3A_295 = arith.constant 0 : index
    %get3A_296 = arith.constant 4 : index
    %get3A_297 = arith.constant 0 : index
    %get3A_298 = vector.load %arg1[%get3A_294, %get3A_295, %get3A_296, %get3A_297] : memref<1x3x16x2048xf32, #tpu.memory_space<vmem>>, vector<1x3x1x2048xf32>
    %get3A_299 = vector.shape_cast %get3A_298 : vector<1x3x1x2048xf32> to vector<3x2048xf32>
    %dot_general3A_300 = arith.constant dense<0.000000e+00> : vector<16x2048xf32>
    %dot_general3A_301 = tpu.matmul %get3A_1, %get3A_299, %dot_general3A_300 {dimension_numbers = #tpu.dot_dimension_numbers<[1], [0], [0], [1], [0, 0, 1, 1], [], []>, transpose_lhs_hint = false} : vector<16x3xf32>, vector<3x2048xf32>, vector<16x2048xf32> -> vector<16x2048xf32>
    %add3A_302 = vector.broadcast %get3A_4 : vector<16x1xf32> to vector<16x2048xf32>
    %add3A_303 = arith.addf %dot_general3A_301, %add3A_302 : vector<16x2048xf32>
    %slice3A_304 = vector.extract_strided_slice %get3A_15 {offsets = [0, 0], sizes = [1, 16], strides = [1, 1]} : vector<4x16xf32> to vector<1x16xf32>
    %squeeze3A_305 = vector.shape_cast %slice3A_304 : vector<1x16xf32> to vector<16xf32>
    %broadcast_in_dim3A_306 = vector.shape_cast %squeeze3A_305 : vector<16xf32> to vector<16x1xf32>
    %slice3A_307 = vector.extract_strided_slice %get3A_15 {offsets = [1, 0], sizes = [1, 16], strides = [1, 1]} : vector<4x16xf32> to vector<1x16xf32>
    %squeeze3A_308 = vector.shape_cast %slice3A_307 : vector<1x16xf32> to vector<16xf32>
    %broadcast_in_dim3A_309 = vector.shape_cast %squeeze3A_308 : vector<16xf32> to vector<16x1xf32>
    %slice3A_310 = vector.extract_strided_slice %get3A_15 {offsets = [2, 0], sizes = [1, 16], strides = [1, 1]} : vector<4x16xf32> to vector<1x16xf32>
    %squeeze3A_311 = vector.shape_cast %slice3A_310 : vector<1x16xf32> to vector<16xf32>
    %broadcast_in_dim3A_312 = vector.shape_cast %squeeze3A_311 : vector<16xf32> to vector<16x1xf32>
    %slice3A_313 = vector.extract_strided_slice %get3A_15 {offsets = [3, 0], sizes = [1, 16], strides = [1, 1]} : vector<4x16xf32> to vector<1x16xf32>
    %squeeze3A_314 = vector.shape_cast %slice3A_313 : vector<1x16xf32> to vector<16xf32>
    %broadcast_in_dim3A_315 = vector.shape_cast %squeeze3A_314 : vector<16xf32> to vector<16x1xf32>
    %sub3A_316 = vector.broadcast %broadcast_in_dim3A_306 : vector<16x1xf32> to vector<16x2048xf32>
    %sub3A_317 = arith.subf %add3A_303, %sub3A_316 : vector<16x2048xf32>
    %div3A_318 = vector.broadcast %broadcast_in_dim3A_309 : vector<16x1xf32> to vector<16x2048xf32>
    %div3A_319 = arith.divf %sub3A_317, %div3A_318 : vector<16x2048xf32>
    %mul3A_320 = vector.broadcast %broadcast_in_dim3A_312 : vector<16x1xf32> to vector<16x2048xf32>
    %mul3A_321 = arith.mulf %div3A_319, %mul3A_320 : vector<16x2048xf32>
    %add3A_322 = vector.broadcast %broadcast_in_dim3A_315 : vector<16x1xf32> to vector<16x2048xf32>
    %add3A_323 = arith.addf %mul3A_321, %add3A_322 : vector<16x2048xf32>
    %max3A_324 = arith.constant 0.000000e+00 : f32
    %max3A_325 = vector.broadcast %max3A_324 : f32 to vector<16x2048xf32>
    %max3A_326 = arith.maximumf %add3A_323, %max3A_325 : vector<16x2048xf32>
    %dot_general3A_327 = arith.constant dense<0.000000e+00> : vector<32x2048xf32>
    %dot_general3A_328 = tpu.matmul %get3A_7, %max3A_326, %dot_general3A_327 {dimension_numbers = #tpu.dot_dimension_numbers<[1], [0], [0], [1], [0, 0, 1, 1], [], []>, transpose_lhs_hint = false} : vector<32x16xf32>, vector<16x2048xf32>, vector<32x2048xf32> -> vector<32x2048xf32>
    %add3A_329 = vector.broadcast %get3A_10 : vector<32x1xf32> to vector<32x2048xf32>
    %add3A_330 = arith.addf %dot_general3A_328, %add3A_329 : vector<32x2048xf32>
    %slice3A_331 = vector.extract_strided_slice %get3A_20 {offsets = [0, 0], sizes = [1, 32], strides = [1, 1]} : vector<4x32xf32> to vector<1x32xf32>
    %squeeze3A_332 = vector.shape_cast %slice3A_331 : vector<1x32xf32> to vector<32xf32>
    %broadcast_in_dim3A_333 = vector.shape_cast %squeeze3A_332 : vector<32xf32> to vector<32x1xf32>
    %slice3A_334 = vector.extract_strided_slice %get3A_20 {offsets = [1, 0], sizes = [1, 32], strides = [1, 1]} : vector<4x32xf32> to vector<1x32xf32>
    %squeeze3A_335 = vector.shape_cast %slice3A_334 : vector<1x32xf32> to vector<32xf32>
    %broadcast_in_dim3A_336 = vector.shape_cast %squeeze3A_335 : vector<32xf32> to vector<32x1xf32>
    %slice3A_337 = vector.extract_strided_slice %get3A_20 {offsets = [2, 0], sizes = [1, 32], strides = [1, 1]} : vector<4x32xf32> to vector<1x32xf32>
    %squeeze3A_338 = vector.shape_cast %slice3A_337 : vector<1x32xf32> to vector<32xf32>
    %broadcast_in_dim3A_339 = vector.shape_cast %squeeze3A_338 : vector<32xf32> to vector<32x1xf32>
    %slice3A_340 = vector.extract_strided_slice %get3A_20 {offsets = [3, 0], sizes = [1, 32], strides = [1, 1]} : vector<4x32xf32> to vector<1x32xf32>
    %squeeze3A_341 = vector.shape_cast %slice3A_340 : vector<1x32xf32> to vector<32xf32>
    %broadcast_in_dim3A_342 = vector.shape_cast %squeeze3A_341 : vector<32xf32> to vector<32x1xf32>
    %sub3A_343 = vector.broadcast %broadcast_in_dim3A_333 : vector<32x1xf32> to vector<32x2048xf32>
    %sub3A_344 = arith.subf %add3A_330, %sub3A_343 : vector<32x2048xf32>
    %div3A_345 = vector.broadcast %broadcast_in_dim3A_336 : vector<32x1xf32> to vector<32x2048xf32>
    %div3A_346 = arith.divf %sub3A_344, %div3A_345 : vector<32x2048xf32>
    %mul3A_347 = vector.broadcast %broadcast_in_dim3A_339 : vector<32x1xf32> to vector<32x2048xf32>
    %mul3A_348 = arith.mulf %div3A_346, %mul3A_347 : vector<32x2048xf32>
    %add3A_349 = vector.broadcast %broadcast_in_dim3A_342 : vector<32x1xf32> to vector<32x2048xf32>
    %add3A_350 = arith.addf %mul3A_348, %add3A_349 : vector<32x2048xf32>
    %max3A_351 = arith.constant 0.000000e+00 : f32
    %max3A_352 = vector.broadcast %max3A_351 : f32 to vector<32x2048xf32>
    %max3A_353 = arith.maximumf %add3A_350, %max3A_352 : vector<32x2048xf32>
    %get3A_354 = arith.constant 0 : index
    %get3A_355 = arith.constant 0 : index
    %get3A_356 = arith.constant 4 : index
    %get3A_357 = arith.constant 0 : index
    %get3A_358 = vector.load %arg2[%get3A_354, %get3A_355, %get3A_356, %get3A_357] : memref<1x1x16x2048xf32, #tpu.memory_space<vmem>>, vector<1x1x1x2048xf32>
    %get3A_359 = vector.shape_cast %get3A_358 : vector<1x1x1x2048xf32> to vector<2048xf32>
    %broadcast_in_dim3A_360 = vector.shape_cast %get3A_359 : vector<2048xf32> to vector<1x2048xf32>
    %mul3A_361 = vector.broadcast %broadcast_in_dim3A_360 : vector<1x2048xf32> to vector<32x2048xf32>
    %mul3A_362 = arith.mulf %max3A_353, %mul3A_361 : vector<32x2048xf32>
    %add3A_363 = arith.addf %add3A_293, %mul3A_362 : vector<32x2048xf32>
    %get3A_364 = arith.constant 0 : index
    %get3A_365 = arith.constant 0 : index
    %get3A_366 = arith.constant 5 : index
    %get3A_367 = arith.constant 0 : index
    %get3A_368 = vector.load %arg1[%get3A_364, %get3A_365, %get3A_366, %get3A_367] : memref<1x3x16x2048xf32, #tpu.memory_space<vmem>>, vector<1x3x1x2048xf32>
    %get3A_369 = vector.shape_cast %get3A_368 : vector<1x3x1x2048xf32> to vector<3x2048xf32>
    %dot_general3A_370 = arith.constant dense<0.000000e+00> : vector<16x2048xf32>
    %dot_general3A_371 = tpu.matmul %get3A_1, %get3A_369, %dot_general3A_370 {dimension_numbers = #tpu.dot_dimension_numbers<[1], [0], [0], [1], [0, 0, 1, 1], [], []>, transpose_lhs_hint = false} : vector<16x3xf32>, vector<3x2048xf32>, vector<16x2048xf32> -> vector<16x2048xf32>
    %add3A_372 = vector.broadcast %get3A_4 : vector<16x1xf32> to vector<16x2048xf32>
    %add3A_373 = arith.addf %dot_general3A_371, %add3A_372 : vector<16x2048xf32>
    %slice3A_374 = vector.extract_strided_slice %get3A_15 {offsets = [0, 0], sizes = [1, 16], strides = [1, 1]} : vector<4x16xf32> to vector<1x16xf32>
    %squeeze3A_375 = vector.shape_cast %slice3A_374 : vector<1x16xf32> to vector<16xf32>
    %broadcast_in_dim3A_376 = vector.shape_cast %squeeze3A_375 : vector<16xf32> to vector<16x1xf32>
    %slice3A_377 = vector.extract_strided_slice %get3A_15 {offsets = [1, 0], sizes = [1, 16], strides = [1, 1]} : vector<4x16xf32> to vector<1x16xf32>
    %squeeze3A_378 = vector.shape_cast %slice3A_377 : vector<1x16xf32> to vector<16xf32>
    %broadcast_in_dim3A_379 = vector.shape_cast %squeeze3A_378 : vector<16xf32> to vector<16x1xf32>
    %slice3A_380 = vector.extract_strided_slice %get3A_15 {offsets = [2, 0], sizes = [1, 16], strides = [1, 1]} : vector<4x16xf32> to vector<1x16xf32>
    %squeeze3A_381 = vector.shape_cast %slice3A_380 : vector<1x16xf32> to vector<16xf32>
    %broadcast_in_dim3A_382 = vector.shape_cast %squeeze3A_381 : vector<16xf32> to vector<16x1xf32>
    %slice3A_383 = vector.extract_strided_slice %get3A_15 {offsets = [3, 0], sizes = [1, 16], strides = [1, 1]} : vector<4x16xf32> to vector<1x16xf32>
    %squeeze3A_384 = vector.shape_cast %slice3A_383 : vector<1x16xf32> to vector<16xf32>
    %broadcast_in_dim3A_385 = vector.shape_cast %squeeze3A_384 : vector<16xf32> to vector<16x1xf32>
    %sub3A_386 = vector.broadcast %broadcast_in_dim3A_376 : vector<16x1xf32> to vector<16x2048xf32>
    %sub3A_387 = arith.subf %add3A_373, %sub3A_386 : vector<16x2048xf32>
    %div3A_388 = vector.broadcast %broadcast_in_dim3A_379 : vector<16x1xf32> to vector<16x2048xf32>
    %div3A_389 = arith.divf %sub3A_387, %div3A_388 : vector<16x2048xf32>
    %mul3A_390 = vector.broadcast %broadcast_in_dim3A_382 : vector<16x1xf32> to vector<16x2048xf32>
    %mul3A_391 = arith.mulf %div3A_389, %mul3A_390 : vector<16x2048xf32>
    %add3A_392 = vector.broadcast %broadcast_in_dim3A_385 : vector<16x1xf32> to vector<16x2048xf32>
    %add3A_393 = arith.addf %mul3A_391, %add3A_392 : vector<16x2048xf32>
    %max3A_394 = arith.constant 0.000000e+00 : f32
    %max3A_395 = vector.broadcast %max3A_394 : f32 to vector<16x2048xf32>
    %max3A_396 = arith.maximumf %add3A_393, %max3A_395 : vector<16x2048xf32>
    %dot_general3A_397 = arith.constant dense<0.000000e+00> : vector<32x2048xf32>
    %dot_general3A_398 = tpu.matmul %get3A_7, %max3A_396, %dot_general3A_397 {dimension_numbers = #tpu.dot_dimension_numbers<[1], [0], [0], [1], [0, 0, 1, 1], [], []>, transpose_lhs_hint = false} : vector<32x16xf32>, vector<16x2048xf32>, vector<32x2048xf32> -> vector<32x2048xf32>
    %add3A_399 = vector.broadcast %get3A_10 : vector<32x1xf32> to vector<32x2048xf32>
    %add3A_400 = arith.addf %dot_general3A_398, %add3A_399 : vector<32x2048xf32>
    %slice3A_401 = vector.extract_strided_slice %get3A_20 {offsets = [0, 0], sizes = [1, 32], strides = [1, 1]} : vector<4x32xf32> to vector<1x32xf32>
    %squeeze3A_402 = vector.shape_cast %slice3A_401 : vector<1x32xf32> to vector<32xf32>
    %broadcast_in_dim3A_403 = vector.shape_cast %squeeze3A_402 : vector<32xf32> to vector<32x1xf32>
    %slice3A_404 = vector.extract_strided_slice %get3A_20 {offsets = [1, 0], sizes = [1, 32], strides = [1, 1]} : vector<4x32xf32> to vector<1x32xf32>
    %squeeze3A_405 = vector.shape_cast %slice3A_404 : vector<1x32xf32> to vector<32xf32>
    %broadcast_in_dim3A_406 = vector.shape_cast %squeeze3A_405 : vector<32xf32> to vector<32x1xf32>
    %slice3A_407 = vector.extract_strided_slice %get3A_20 {offsets = [2, 0], sizes = [1, 32], strides = [1, 1]} : vector<4x32xf32> to vector<1x32xf32>
    %squeeze3A_408 = vector.shape_cast %slice3A_407 : vector<1x32xf32> to vector<32xf32>
    %broadcast_in_dim3A_409 = vector.shape_cast %squeeze3A_408 : vector<32xf32> to vector<32x1xf32>
    %slice3A_410 = vector.extract_strided_slice %get3A_20 {offsets = [3, 0], sizes = [1, 32], strides = [1, 1]} : vector<4x32xf32> to vector<1x32xf32>
    %squeeze3A_411 = vector.shape_cast %slice3A_410 : vector<1x32xf32> to vector<32xf32>
    %broadcast_in_dim3A_412 = vector.shape_cast %squeeze3A_411 : vector<32xf32> to vector<32x1xf32>
    %sub3A_413 = vector.broadcast %broadcast_in_dim3A_403 : vector<32x1xf32> to vector<32x2048xf32>
    %sub3A_414 = arith.subf %add3A_400, %sub3A_413 : vector<32x2048xf32>
    %div3A_415 = vector.broadcast %broadcast_in_dim3A_406 : vector<32x1xf32> to vector<32x2048xf32>
    %div3A_416 = arith.divf %sub3A_414, %div3A_415 : vector<32x2048xf32>
    %mul3A_417 = vector.broadcast %broadcast_in_dim3A_409 : vector<32x1xf32> to vector<32x2048xf32>
    %mul3A_418 = arith.mulf %div3A_416, %mul3A_417 : vector<32x2048xf32>
    %add3A_419 = vector.broadcast %broadcast_in_dim3A_412 : vector<32x1xf32> to vector<32x2048xf32>
    %add3A_420 = arith.addf %mul3A_418, %add3A_419 : vector<32x2048xf32>
    %max3A_421 = arith.constant 0.000000e+00 : f32
    %max3A_422 = vector.broadcast %max3A_421 : f32 to vector<32x2048xf32>
    %max3A_423 = arith.maximumf %add3A_420, %max3A_422 : vector<32x2048xf32>
    %get3A_424 = arith.constant 0 : index
    %get3A_425 = arith.constant 0 : index
    %get3A_426 = arith.constant 5 : index
    %get3A_427 = arith.constant 0 : index
    %get3A_428 = vector.load %arg2[%get3A_424, %get3A_425, %get3A_426, %get3A_427] : memref<1x1x16x2048xf32, #tpu.memory_space<vmem>>, vector<1x1x1x2048xf32>
    %get3A_429 = vector.shape_cast %get3A_428 : vector<1x1x1x2048xf32> to vector<2048xf32>
    %broadcast_in_dim3A_430 = vector.shape_cast %get3A_429 : vector<2048xf32> to vector<1x2048xf32>
    %mul3A_431 = vector.broadcast %broadcast_in_dim3A_430 : vector<1x2048xf32> to vector<32x2048xf32>
    %mul3A_432 = arith.mulf %max3A_423, %mul3A_431 : vector<32x2048xf32>
    %add3A_433 = arith.addf %add3A_363, %mul3A_432 : vector<32x2048xf32>
    %get3A_434 = arith.constant 0 : index
    %get3A_435 = arith.constant 0 : index
    %get3A_436 = arith.constant 6 : index
    %get3A_437 = arith.constant 0 : index
    %get3A_438 = vector.load %arg1[%get3A_434, %get3A_435, %get3A_436, %get3A_437] : memref<1x3x16x2048xf32, #tpu.memory_space<vmem>>, vector<1x3x1x2048xf32>
    %get3A_439 = vector.shape_cast %get3A_438 : vector<1x3x1x2048xf32> to vector<3x2048xf32>
    %dot_general3A_440 = arith.constant dense<0.000000e+00> : vector<16x2048xf32>
    %dot_general3A_441 = tpu.matmul %get3A_1, %get3A_439, %dot_general3A_440 {dimension_numbers = #tpu.dot_dimension_numbers<[1], [0], [0], [1], [0, 0, 1, 1], [], []>, transpose_lhs_hint = false} : vector<16x3xf32>, vector<3x2048xf32>, vector<16x2048xf32> -> vector<16x2048xf32>
    %add3A_442 = vector.broadcast %get3A_4 : vector<16x1xf32> to vector<16x2048xf32>
    %add3A_443 = arith.addf %dot_general3A_441, %add3A_442 : vector<16x2048xf32>
    %slice3A_444 = vector.extract_strided_slice %get3A_15 {offsets = [0, 0], sizes = [1, 16], strides = [1, 1]} : vector<4x16xf32> to vector<1x16xf32>
    %squeeze3A_445 = vector.shape_cast %slice3A_444 : vector<1x16xf32> to vector<16xf32>
    %broadcast_in_dim3A_446 = vector.shape_cast %squeeze3A_445 : vector<16xf32> to vector<16x1xf32>
    %slice3A_447 = vector.extract_strided_slice %get3A_15 {offsets = [1, 0], sizes = [1, 16], strides = [1, 1]} : vector<4x16xf32> to vector<1x16xf32>
    %squeeze3A_448 = vector.shape_cast %slice3A_447 : vector<1x16xf32> to vector<16xf32>
    %broadcast_in_dim3A_449 = vector.shape_cast %squeeze3A_448 : vector<16xf32> to vector<16x1xf32>
    %slice3A_450 = vector.extract_strided_slice %get3A_15 {offsets = [2, 0], sizes = [1, 16], strides = [1, 1]} : vector<4x16xf32> to vector<1x16xf32>
    %squeeze3A_451 = vector.shape_cast %slice3A_450 : vector<1x16xf32> to vector<16xf32>
    %broadcast_in_dim3A_452 = vector.shape_cast %squeeze3A_451 : vector<16xf32> to vector<16x1xf32>
    %slice3A_453 = vector.extract_strided_slice %get3A_15 {offsets = [3, 0], sizes = [1, 16], strides = [1, 1]} : vector<4x16xf32> to vector<1x16xf32>
    %squeeze3A_454 = vector.shape_cast %slice3A_453 : vector<1x16xf32> to vector<16xf32>
    %broadcast_in_dim3A_455 = vector.shape_cast %squeeze3A_454 : vector<16xf32> to vector<16x1xf32>
    %sub3A_456 = vector.broadcast %broadcast_in_dim3A_446 : vector<16x1xf32> to vector<16x2048xf32>
    %sub3A_457 = arith.subf %add3A_443, %sub3A_456 : vector<16x2048xf32>
    %div3A_458 = vector.broadcast %broadcast_in_dim3A_449 : vector<16x1xf32> to vector<16x2048xf32>
    %div3A_459 = arith.divf %sub3A_457, %div3A_458 : vector<16x2048xf32>
    %mul3A_460 = vector.broadcast %broadcast_in_dim3A_452 : vector<16x1xf32> to vector<16x2048xf32>
    %mul3A_461 = arith.mulf %div3A_459, %mul3A_460 : vector<16x2048xf32>
    %add3A_462 = vector.broadcast %broadcast_in_dim3A_455 : vector<16x1xf32> to vector<16x2048xf32>
    %add3A_463 = arith.addf %mul3A_461, %add3A_462 : vector<16x2048xf32>
    %max3A_464 = arith.constant 0.000000e+00 : f32
    %max3A_465 = vector.broadcast %max3A_464 : f32 to vector<16x2048xf32>
    %max3A_466 = arith.maximumf %add3A_463, %max3A_465 : vector<16x2048xf32>
    %dot_general3A_467 = arith.constant dense<0.000000e+00> : vector<32x2048xf32>
    %dot_general3A_468 = tpu.matmul %get3A_7, %max3A_466, %dot_general3A_467 {dimension_numbers = #tpu.dot_dimension_numbers<[1], [0], [0], [1], [0, 0, 1, 1], [], []>, transpose_lhs_hint = false} : vector<32x16xf32>, vector<16x2048xf32>, vector<32x2048xf32> -> vector<32x2048xf32>
    %add3A_469 = vector.broadcast %get3A_10 : vector<32x1xf32> to vector<32x2048xf32>
    %add3A_470 = arith.addf %dot_general3A_468, %add3A_469 : vector<32x2048xf32>
    %slice3A_471 = vector.extract_strided_slice %get3A_20 {offsets = [0, 0], sizes = [1, 32], strides = [1, 1]} : vector<4x32xf32> to vector<1x32xf32>
    %squeeze3A_472 = vector.shape_cast %slice3A_471 : vector<1x32xf32> to vector<32xf32>
    %broadcast_in_dim3A_473 = vector.shape_cast %squeeze3A_472 : vector<32xf32> to vector<32x1xf32>
    %slice3A_474 = vector.extract_strided_slice %get3A_20 {offsets = [1, 0], sizes = [1, 32], strides = [1, 1]} : vector<4x32xf32> to vector<1x32xf32>
    %squeeze3A_475 = vector.shape_cast %slice3A_474 : vector<1x32xf32> to vector<32xf32>
    %broadcast_in_dim3A_476 = vector.shape_cast %squeeze3A_475 : vector<32xf32> to vector<32x1xf32>
    %slice3A_477 = vector.extract_strided_slice %get3A_20 {offsets = [2, 0], sizes = [1, 32], strides = [1, 1]} : vector<4x32xf32> to vector<1x32xf32>
    %squeeze3A_478 = vector.shape_cast %slice3A_477 : vector<1x32xf32> to vector<32xf32>
    %broadcast_in_dim3A_479 = vector.shape_cast %squeeze3A_478 : vector<32xf32> to vector<32x1xf32>
    %slice3A_480 = vector.extract_strided_slice %get3A_20 {offsets = [3, 0], sizes = [1, 32], strides = [1, 1]} : vector<4x32xf32> to vector<1x32xf32>
    %squeeze3A_481 = vector.shape_cast %slice3A_480 : vector<1x32xf32> to vector<32xf32>
    %broadcast_in_dim3A_482 = vector.shape_cast %squeeze3A_481 : vector<32xf32> to vector<32x1xf32>
    %sub3A_483 = vector.broadcast %broadcast_in_dim3A_473 : vector<32x1xf32> to vector<32x2048xf32>
    %sub3A_484 = arith.subf %add3A_470, %sub3A_483 : vector<32x2048xf32>
    %div3A_485 = vector.broadcast %broadcast_in_dim3A_476 : vector<32x1xf32> to vector<32x2048xf32>
    %div3A_486 = arith.divf %sub3A_484, %div3A_485 : vector<32x2048xf32>
    %mul3A_487 = vector.broadcast %broadcast_in_dim3A_479 : vector<32x1xf32> to vector<32x2048xf32>
    %mul3A_488 = arith.mulf %div3A_486, %mul3A_487 : vector<32x2048xf32>
    %add3A_489 = vector.broadcast %broadcast_in_dim3A_482 : vector<32x1xf32> to vector<32x2048xf32>
    %add3A_490 = arith.addf %mul3A_488, %add3A_489 : vector<32x2048xf32>
    %max3A_491 = arith.constant 0.000000e+00 : f32
    %max3A_492 = vector.broadcast %max3A_491 : f32 to vector<32x2048xf32>
    %max3A_493 = arith.maximumf %add3A_490, %max3A_492 : vector<32x2048xf32>
    %get3A_494 = arith.constant 0 : index
    %get3A_495 = arith.constant 0 : index
    %get3A_496 = arith.constant 6 : index
    %get3A_497 = arith.constant 0 : index
    %get3A_498 = vector.load %arg2[%get3A_494, %get3A_495, %get3A_496, %get3A_497] : memref<1x1x16x2048xf32, #tpu.memory_space<vmem>>, vector<1x1x1x2048xf32>
    %get3A_499 = vector.shape_cast %get3A_498 : vector<1x1x1x2048xf32> to vector<2048xf32>
    %broadcast_in_dim3A_500 = vector.shape_cast %get3A_499 : vector<2048xf32> to vector<1x2048xf32>
    %mul3A_501 = vector.broadcast %broadcast_in_dim3A_500 : vector<1x2048xf32> to vector<32x2048xf32>
    %mul3A_502 = arith.mulf %max3A_493, %mul3A_501 : vector<32x2048xf32>
    %add3A_503 = arith.addf %add3A_433, %mul3A_502 : vector<32x2048xf32>
    %get3A_504 = arith.constant 0 : index
    %get3A_505 = arith.constant 0 : index
    %get3A_506 = arith.constant 7 : index
    %get3A_507 = arith.constant 0 : index
    %get3A_508 = vector.load %arg1[%get3A_504, %get3A_505, %get3A_506, %get3A_507] : memref<1x3x16x2048xf32, #tpu.memory_space<vmem>>, vector<1x3x1x2048xf32>
    %get3A_509 = vector.shape_cast %get3A_508 : vector<1x3x1x2048xf32> to vector<3x2048xf32>
    %dot_general3A_510 = arith.constant dense<0.000000e+00> : vector<16x2048xf32>
    %dot_general3A_511 = tpu.matmul %get3A_1, %get3A_509, %dot_general3A_510 {dimension_numbers = #tpu.dot_dimension_numbers<[1], [0], [0], [1], [0, 0, 1, 1], [], []>, transpose_lhs_hint = false} : vector<16x3xf32>, vector<3x2048xf32>, vector<16x2048xf32> -> vector<16x2048xf32>
    %add3A_512 = vector.broadcast %get3A_4 : vector<16x1xf32> to vector<16x2048xf32>
    %add3A_513 = arith.addf %dot_general3A_511, %add3A_512 : vector<16x2048xf32>
    %slice3A_514 = vector.extract_strided_slice %get3A_15 {offsets = [0, 0], sizes = [1, 16], strides = [1, 1]} : vector<4x16xf32> to vector<1x16xf32>
    %squeeze3A_515 = vector.shape_cast %slice3A_514 : vector<1x16xf32> to vector<16xf32>
    %broadcast_in_dim3A_516 = vector.shape_cast %squeeze3A_515 : vector<16xf32> to vector<16x1xf32>
    %slice3A_517 = vector.extract_strided_slice %get3A_15 {offsets = [1, 0], sizes = [1, 16], strides = [1, 1]} : vector<4x16xf32> to vector<1x16xf32>
    %squeeze3A_518 = vector.shape_cast %slice3A_517 : vector<1x16xf32> to vector<16xf32>
    %broadcast_in_dim3A_519 = vector.shape_cast %squeeze3A_518 : vector<16xf32> to vector<16x1xf32>
    %slice3A_520 = vector.extract_strided_slice %get3A_15 {offsets = [2, 0], sizes = [1, 16], strides = [1, 1]} : vector<4x16xf32> to vector<1x16xf32>
    %squeeze3A_521 = vector.shape_cast %slice3A_520 : vector<1x16xf32> to vector<16xf32>
    %broadcast_in_dim3A_522 = vector.shape_cast %squeeze3A_521 : vector<16xf32> to vector<16x1xf32>
    %slice3A_523 = vector.extract_strided_slice %get3A_15 {offsets = [3, 0], sizes = [1, 16], strides = [1, 1]} : vector<4x16xf32> to vector<1x16xf32>
    %squeeze3A_524 = vector.shape_cast %slice3A_523 : vector<1x16xf32> to vector<16xf32>
    %broadcast_in_dim3A_525 = vector.shape_cast %squeeze3A_524 : vector<16xf32> to vector<16x1xf32>
    %sub3A_526 = vector.broadcast %broadcast_in_dim3A_516 : vector<16x1xf32> to vector<16x2048xf32>
    %sub3A_527 = arith.subf %add3A_513, %sub3A_526 : vector<16x2048xf32>
    %div3A_528 = vector.broadcast %broadcast_in_dim3A_519 : vector<16x1xf32> to vector<16x2048xf32>
    %div3A_529 = arith.divf %sub3A_527, %div3A_528 : vector<16x2048xf32>
    %mul3A_530 = vector.broadcast %broadcast_in_dim3A_522 : vector<16x1xf32> to vector<16x2048xf32>
    %mul3A_531 = arith.mulf %div3A_529, %mul3A_530 : vector<16x2048xf32>
    %add3A_532 = vector.broadcast %broadcast_in_dim3A_525 : vector<16x1xf32> to vector<16x2048xf32>
    %add3A_533 = arith.addf %mul3A_531, %add3A_532 : vector<16x2048xf32>
    %max3A_534 = arith.constant 0.000000e+00 : f32
    %max3A_535 = vector.broadcast %max3A_534 : f32 to vector<16x2048xf32>
    %max3A_536 = arith.maximumf %add3A_533, %max3A_535 : vector<16x2048xf32>
    %dot_general3A_537 = arith.constant dense<0.000000e+00> : vector<32x2048xf32>
    %dot_general3A_538 = tpu.matmul %get3A_7, %max3A_536, %dot_general3A_537 {dimension_numbers = #tpu.dot_dimension_numbers<[1], [0], [0], [1], [0, 0, 1, 1], [], []>, transpose_lhs_hint = false} : vector<32x16xf32>, vector<16x2048xf32>, vector<32x2048xf32> -> vector<32x2048xf32>
    %add3A_539 = vector.broadcast %get3A_10 : vector<32x1xf32> to vector<32x2048xf32>
    %add3A_540 = arith.addf %dot_general3A_538, %add3A_539 : vector<32x2048xf32>
    %slice3A_541 = vector.extract_strided_slice %get3A_20 {offsets = [0, 0], sizes = [1, 32], strides = [1, 1]} : vector<4x32xf32> to vector<1x32xf32>
    %squeeze3A_542 = vector.shape_cast %slice3A_541 : vector<1x32xf32> to vector<32xf32>
    %broadcast_in_dim3A_543 = vector.shape_cast %squeeze3A_542 : vector<32xf32> to vector<32x1xf32>
    %slice3A_544 = vector.extract_strided_slice %get3A_20 {offsets = [1, 0], sizes = [1, 32], strides = [1, 1]} : vector<4x32xf32> to vector<1x32xf32>
    %squeeze3A_545 = vector.shape_cast %slice3A_544 : vector<1x32xf32> to vector<32xf32>
    %broadcast_in_dim3A_546 = vector.shape_cast %squeeze3A_545 : vector<32xf32> to vector<32x1xf32>
    %slice3A_547 = vector.extract_strided_slice %get3A_20 {offsets = [2, 0], sizes = [1, 32], strides = [1, 1]} : vector<4x32xf32> to vector<1x32xf32>
    %squeeze3A_548 = vector.shape_cast %slice3A_547 : vector<1x32xf32> to vector<32xf32>
    %broadcast_in_dim3A_549 = vector.shape_cast %squeeze3A_548 : vector<32xf32> to vector<32x1xf32>
    %slice3A_550 = vector.extract_strided_slice %get3A_20 {offsets = [3, 0], sizes = [1, 32], strides = [1, 1]} : vector<4x32xf32> to vector<1x32xf32>
    %squeeze3A_551 = vector.shape_cast %slice3A_550 : vector<1x32xf32> to vector<32xf32>
    %broadcast_in_dim3A_552 = vector.shape_cast %squeeze3A_551 : vector<32xf32> to vector<32x1xf32>
    %sub3A_553 = vector.broadcast %broadcast_in_dim3A_543 : vector<32x1xf32> to vector<32x2048xf32>
    %sub3A_554 = arith.subf %add3A_540, %sub3A_553 : vector<32x2048xf32>
    %div3A_555 = vector.broadcast %broadcast_in_dim3A_546 : vector<32x1xf32> to vector<32x2048xf32>
    %div3A_556 = arith.divf %sub3A_554, %div3A_555 : vector<32x2048xf32>
    %mul3A_557 = vector.broadcast %broadcast_in_dim3A_549 : vector<32x1xf32> to vector<32x2048xf32>
    %mul3A_558 = arith.mulf %div3A_556, %mul3A_557 : vector<32x2048xf32>
    %add3A_559 = vector.broadcast %broadcast_in_dim3A_552 : vector<32x1xf32> to vector<32x2048xf32>
    %add3A_560 = arith.addf %mul3A_558, %add3A_559 : vector<32x2048xf32>
    %max3A_561 = arith.constant 0.000000e+00 : f32
    %max3A_562 = vector.broadcast %max3A_561 : f32 to vector<32x2048xf32>
    %max3A_563 = arith.maximumf %add3A_560, %max3A_562 : vector<32x2048xf32>
    %get3A_564 = arith.constant 0 : index
    %get3A_565 = arith.constant 0 : index
    %get3A_566 = arith.constant 7 : index
    %get3A_567 = arith.constant 0 : index
    %get3A_568 = vector.load %arg2[%get3A_564, %get3A_565, %get3A_566, %get3A_567] : memref<1x1x16x2048xf32, #tpu.memory_space<vmem>>, vector<1x1x1x2048xf32>
    %get3A_569 = vector.shape_cast %get3A_568 : vector<1x1x1x2048xf32> to vector<2048xf32>
    %broadcast_in_dim3A_570 = vector.shape_cast %get3A_569 : vector<2048xf32> to vector<1x2048xf32>
    %mul3A_571 = vector.broadcast %broadcast_in_dim3A_570 : vector<1x2048xf32> to vector<32x2048xf32>
    %mul3A_572 = arith.mulf %max3A_563, %mul3A_571 : vector<32x2048xf32>
    %add3A_573 = arith.addf %add3A_503, %mul3A_572 : vector<32x2048xf32>
    %get3A_574 = arith.constant 0 : index
    %get3A_575 = arith.constant 0 : index
    %get3A_576 = arith.constant 8 : index
    %get3A_577 = arith.constant 0 : index
    %get3A_578 = vector.load %arg1[%get3A_574, %get3A_575, %get3A_576, %get3A_577] : memref<1x3x16x2048xf32, #tpu.memory_space<vmem>>, vector<1x3x1x2048xf32>
    %get3A_579 = vector.shape_cast %get3A_578 : vector<1x3x1x2048xf32> to vector<3x2048xf32>
    %dot_general3A_580 = arith.constant dense<0.000000e+00> : vector<16x2048xf32>
    %dot_general3A_581 = tpu.matmul %get3A_1, %get3A_579, %dot_general3A_580 {dimension_numbers = #tpu.dot_dimension_numbers<[1], [0], [0], [1], [0, 0, 1, 1], [], []>, transpose_lhs_hint = false} : vector<16x3xf32>, vector<3x2048xf32>, vector<16x2048xf32> -> vector<16x2048xf32>
    %add3A_582 = vector.broadcast %get3A_4 : vector<16x1xf32> to vector<16x2048xf32>
    %add3A_583 = arith.addf %dot_general3A_581, %add3A_582 : vector<16x2048xf32>
    %slice3A_584 = vector.extract_strided_slice %get3A_15 {offsets = [0, 0], sizes = [1, 16], strides = [1, 1]} : vector<4x16xf32> to vector<1x16xf32>
    %squeeze3A_585 = vector.shape_cast %slice3A_584 : vector<1x16xf32> to vector<16xf32>
    %broadcast_in_dim3A_586 = vector.shape_cast %squeeze3A_585 : vector<16xf32> to vector<16x1xf32>
    %slice3A_587 = vector.extract_strided_slice %get3A_15 {offsets = [1, 0], sizes = [1, 16], strides = [1, 1]} : vector<4x16xf32> to vector<1x16xf32>
    %squeeze3A_588 = vector.shape_cast %slice3A_587 : vector<1x16xf32> to vector<16xf32>
    %broadcast_in_dim3A_589 = vector.shape_cast %squeeze3A_588 : vector<16xf32> to vector<16x1xf32>
    %slice3A_590 = vector.extract_strided_slice %get3A_15 {offsets = [2, 0], sizes = [1, 16], strides = [1, 1]} : vector<4x16xf32> to vector<1x16xf32>
    %squeeze3A_591 = vector.shape_cast %slice3A_590 : vector<1x16xf32> to vector<16xf32>
    %broadcast_in_dim3A_592 = vector.shape_cast %squeeze3A_591 : vector<16xf32> to vector<16x1xf32>
    %slice3A_593 = vector.extract_strided_slice %get3A_15 {offsets = [3, 0], sizes = [1, 16], strides = [1, 1]} : vector<4x16xf32> to vector<1x16xf32>
    %squeeze3A_594 = vector.shape_cast %slice3A_593 : vector<1x16xf32> to vector<16xf32>
    %broadcast_in_dim3A_595 = vector.shape_cast %squeeze3A_594 : vector<16xf32> to vector<16x1xf32>
    %sub3A_596 = vector.broadcast %broadcast_in_dim3A_586 : vector<16x1xf32> to vector<16x2048xf32>
    %sub3A_597 = arith.subf %add3A_583, %sub3A_596 : vector<16x2048xf32>
    %div3A_598 = vector.broadcast %broadcast_in_dim3A_589 : vector<16x1xf32> to vector<16x2048xf32>
    %div3A_599 = arith.divf %sub3A_597, %div3A_598 : vector<16x2048xf32>
    %mul3A_600 = vector.broadcast %broadcast_in_dim3A_592 : vector<16x1xf32> to vector<16x2048xf32>
    %mul3A_601 = arith.mulf %div3A_599, %mul3A_600 : vector<16x2048xf32>
    %add3A_602 = vector.broadcast %broadcast_in_dim3A_595 : vector<16x1xf32> to vector<16x2048xf32>
    %add3A_603 = arith.addf %mul3A_601, %add3A_602 : vector<16x2048xf32>
    %max3A_604 = arith.constant 0.000000e+00 : f32
    %max3A_605 = vector.broadcast %max3A_604 : f32 to vector<16x2048xf32>
    %max3A_606 = arith.maximumf %add3A_603, %max3A_605 : vector<16x2048xf32>
    %dot_general3A_607 = arith.constant dense<0.000000e+00> : vector<32x2048xf32>
    %dot_general3A_608 = tpu.matmul %get3A_7, %max3A_606, %dot_general3A_607 {dimension_numbers = #tpu.dot_dimension_numbers<[1], [0], [0], [1], [0, 0, 1, 1], [], []>, transpose_lhs_hint = false} : vector<32x16xf32>, vector<16x2048xf32>, vector<32x2048xf32> -> vector<32x2048xf32>
    %add3A_609 = vector.broadcast %get3A_10 : vector<32x1xf32> to vector<32x2048xf32>
    %add3A_610 = arith.addf %dot_general3A_608, %add3A_609 : vector<32x2048xf32>
    %slice3A_611 = vector.extract_strided_slice %get3A_20 {offsets = [0, 0], sizes = [1, 32], strides = [1, 1]} : vector<4x32xf32> to vector<1x32xf32>
    %squeeze3A_612 = vector.shape_cast %slice3A_611 : vector<1x32xf32> to vector<32xf32>
    %broadcast_in_dim3A_613 = vector.shape_cast %squeeze3A_612 : vector<32xf32> to vector<32x1xf32>
    %slice3A_614 = vector.extract_strided_slice %get3A_20 {offsets = [1, 0], sizes = [1, 32], strides = [1, 1]} : vector<4x32xf32> to vector<1x32xf32>
    %squeeze3A_615 = vector.shape_cast %slice3A_614 : vector<1x32xf32> to vector<32xf32>
    %broadcast_in_dim3A_616 = vector.shape_cast %squeeze3A_615 : vector<32xf32> to vector<32x1xf32>
    %slice3A_617 = vector.extract_strided_slice %get3A_20 {offsets = [2, 0], sizes = [1, 32], strides = [1, 1]} : vector<4x32xf32> to vector<1x32xf32>
    %squeeze3A_618 = vector.shape_cast %slice3A_617 : vector<1x32xf32> to vector<32xf32>
    %broadcast_in_dim3A_619 = vector.shape_cast %squeeze3A_618 : vector<32xf32> to vector<32x1xf32>
    %slice3A_620 = vector.extract_strided_slice %get3A_20 {offsets = [3, 0], sizes = [1, 32], strides = [1, 1]} : vector<4x32xf32> to vector<1x32xf32>
    %squeeze3A_621 = vector.shape_cast %slice3A_620 : vector<1x32xf32> to vector<32xf32>
    %broadcast_in_dim3A_622 = vector.shape_cast %squeeze3A_621 : vector<32xf32> to vector<32x1xf32>
    %sub3A_623 = vector.broadcast %broadcast_in_dim3A_613 : vector<32x1xf32> to vector<32x2048xf32>
    %sub3A_624 = arith.subf %add3A_610, %sub3A_623 : vector<32x2048xf32>
    %div3A_625 = vector.broadcast %broadcast_in_dim3A_616 : vector<32x1xf32> to vector<32x2048xf32>
    %div3A_626 = arith.divf %sub3A_624, %div3A_625 : vector<32x2048xf32>
    %mul3A_627 = vector.broadcast %broadcast_in_dim3A_619 : vector<32x1xf32> to vector<32x2048xf32>
    %mul3A_628 = arith.mulf %div3A_626, %mul3A_627 : vector<32x2048xf32>
    %add3A_629 = vector.broadcast %broadcast_in_dim3A_622 : vector<32x1xf32> to vector<32x2048xf32>
    %add3A_630 = arith.addf %mul3A_628, %add3A_629 : vector<32x2048xf32>
    %max3A_631 = arith.constant 0.000000e+00 : f32
    %max3A_632 = vector.broadcast %max3A_631 : f32 to vector<32x2048xf32>
    %max3A_633 = arith.maximumf %add3A_630, %max3A_632 : vector<32x2048xf32>
    %get3A_634 = arith.constant 0 : index
    %get3A_635 = arith.constant 0 : index
    %get3A_636 = arith.constant 8 : index
    %get3A_637 = arith.constant 0 : index
    %get3A_638 = vector.load %arg2[%get3A_634, %get3A_635, %get3A_636, %get3A_637] : memref<1x1x16x2048xf32, #tpu.memory_space<vmem>>, vector<1x1x1x2048xf32>
    %get3A_639 = vector.shape_cast %get3A_638 : vector<1x1x1x2048xf32> to vector<2048xf32>
    %broadcast_in_dim3A_640 = vector.shape_cast %get3A_639 : vector<2048xf32> to vector<1x2048xf32>
    %mul3A_641 = vector.broadcast %broadcast_in_dim3A_640 : vector<1x2048xf32> to vector<32x2048xf32>
    %mul3A_642 = arith.mulf %max3A_633, %mul3A_641 : vector<32x2048xf32>
    %add3A_643 = arith.addf %add3A_573, %mul3A_642 : vector<32x2048xf32>
    %get3A_644 = arith.constant 0 : index
    %get3A_645 = arith.constant 0 : index
    %get3A_646 = arith.constant 9 : index
    %get3A_647 = arith.constant 0 : index
    %get3A_648 = vector.load %arg1[%get3A_644, %get3A_645, %get3A_646, %get3A_647] : memref<1x3x16x2048xf32, #tpu.memory_space<vmem>>, vector<1x3x1x2048xf32>
    %get3A_649 = vector.shape_cast %get3A_648 : vector<1x3x1x2048xf32> to vector<3x2048xf32>
    %dot_general3A_650 = arith.constant dense<0.000000e+00> : vector<16x2048xf32>
    %dot_general3A_651 = tpu.matmul %get3A_1, %get3A_649, %dot_general3A_650 {dimension_numbers = #tpu.dot_dimension_numbers<[1], [0], [0], [1], [0, 0, 1, 1], [], []>, transpose_lhs_hint = false} : vector<16x3xf32>, vector<3x2048xf32>, vector<16x2048xf32> -> vector<16x2048xf32>
    %add3A_652 = vector.broadcast %get3A_4 : vector<16x1xf32> to vector<16x2048xf32>
    %add3A_653 = arith.addf %dot_general3A_651, %add3A_652 : vector<16x2048xf32>
    %slice3A_654 = vector.extract_strided_slice %get3A_15 {offsets = [0, 0], sizes = [1, 16], strides = [1, 1]} : vector<4x16xf32> to vector<1x16xf32>
    %squeeze3A_655 = vector.shape_cast %slice3A_654 : vector<1x16xf32> to vector<16xf32>
    %broadcast_in_dim3A_656 = vector.shape_cast %squeeze3A_655 : vector<16xf32> to vector<16x1xf32>
    %slice3A_657 = vector.extract_strided_slice %get3A_15 {offsets = [1, 0], sizes = [1, 16], strides = [1, 1]} : vector<4x16xf32> to vector<1x16xf32>
    %squeeze3A_658 = vector.shape_cast %slice3A_657 : vector<1x16xf32> to vector<16xf32>
    %broadcast_in_dim3A_659 = vector.shape_cast %squeeze3A_658 : vector<16xf32> to vector<16x1xf32>
    %slice3A_660 = vector.extract_strided_slice %get3A_15 {offsets = [2, 0], sizes = [1, 16], strides = [1, 1]} : vector<4x16xf32> to vector<1x16xf32>
    %squeeze3A_661 = vector.shape_cast %slice3A_660 : vector<1x16xf32> to vector<16xf32>
    %broadcast_in_dim3A_662 = vector.shape_cast %squeeze3A_661 : vector<16xf32> to vector<16x1xf32>
    %slice3A_663 = vector.extract_strided_slice %get3A_15 {offsets = [3, 0], sizes = [1, 16], strides = [1, 1]} : vector<4x16xf32> to vector<1x16xf32>
    %squeeze3A_664 = vector.shape_cast %slice3A_663 : vector<1x16xf32> to vector<16xf32>
    %broadcast_in_dim3A_665 = vector.shape_cast %squeeze3A_664 : vector<16xf32> to vector<16x1xf32>
    %sub3A_666 = vector.broadcast %broadcast_in_dim3A_656 : vector<16x1xf32> to vector<16x2048xf32>
    %sub3A_667 = arith.subf %add3A_653, %sub3A_666 : vector<16x2048xf32>
    %div3A_668 = vector.broadcast %broadcast_in_dim3A_659 : vector<16x1xf32> to vector<16x2048xf32>
    %div3A_669 = arith.divf %sub3A_667, %div3A_668 : vector<16x2048xf32>
    %mul3A_670 = vector.broadcast %broadcast_in_dim3A_662 : vector<16x1xf32> to vector<16x2048xf32>
    %mul3A_671 = arith.mulf %div3A_669, %mul3A_670 : vector<16x2048xf32>
    %add3A_672 = vector.broadcast %broadcast_in_dim3A_665 : vector<16x1xf32> to vector<16x2048xf32>
    %add3A_673 = arith.addf %mul3A_671, %add3A_672 : vector<16x2048xf32>
    %max3A_674 = arith.constant 0.000000e+00 : f32
    %max3A_675 = vector.broadcast %max3A_674 : f32 to vector<16x2048xf32>
    %max3A_676 = arith.maximumf %add3A_673, %max3A_675 : vector<16x2048xf32>
    %dot_general3A_677 = arith.constant dense<0.000000e+00> : vector<32x2048xf32>
    %dot_general3A_678 = tpu.matmul %get3A_7, %max3A_676, %dot_general3A_677 {dimension_numbers = #tpu.dot_dimension_numbers<[1], [0], [0], [1], [0, 0, 1, 1], [], []>, transpose_lhs_hint = false} : vector<32x16xf32>, vector<16x2048xf32>, vector<32x2048xf32> -> vector<32x2048xf32>
    %add3A_679 = vector.broadcast %get3A_10 : vector<32x1xf32> to vector<32x2048xf32>
    %add3A_680 = arith.addf %dot_general3A_678, %add3A_679 : vector<32x2048xf32>
    %slice3A_681 = vector.extract_strided_slice %get3A_20 {offsets = [0, 0], sizes = [1, 32], strides = [1, 1]} : vector<4x32xf32> to vector<1x32xf32>
    %squeeze3A_682 = vector.shape_cast %slice3A_681 : vector<1x32xf32> to vector<32xf32>
    %broadcast_in_dim3A_683 = vector.shape_cast %squeeze3A_682 : vector<32xf32> to vector<32x1xf32>
    %slice3A_684 = vector.extract_strided_slice %get3A_20 {offsets = [1, 0], sizes = [1, 32], strides = [1, 1]} : vector<4x32xf32> to vector<1x32xf32>
    %squeeze3A_685 = vector.shape_cast %slice3A_684 : vector<1x32xf32> to vector<32xf32>
    %broadcast_in_dim3A_686 = vector.shape_cast %squeeze3A_685 : vector<32xf32> to vector<32x1xf32>
    %slice3A_687 = vector.extract_strided_slice %get3A_20 {offsets = [2, 0], sizes = [1, 32], strides = [1, 1]} : vector<4x32xf32> to vector<1x32xf32>
    %squeeze3A_688 = vector.shape_cast %slice3A_687 : vector<1x32xf32> to vector<32xf32>
    %broadcast_in_dim3A_689 = vector.shape_cast %squeeze3A_688 : vector<32xf32> to vector<32x1xf32>
    %slice3A_690 = vector.extract_strided_slice %get3A_20 {offsets = [3, 0], sizes = [1, 32], strides = [1, 1]} : vector<4x32xf32> to vector<1x32xf32>
    %squeeze3A_691 = vector.shape_cast %slice3A_690 : vector<1x32xf32> to vector<32xf32>
    %broadcast_in_dim3A_692 = vector.shape_cast %squeeze3A_691 : vector<32xf32> to vector<32x1xf32>
    %sub3A_693 = vector.broadcast %broadcast_in_dim3A_683 : vector<32x1xf32> to vector<32x2048xf32>
    %sub3A_694 = arith.subf %add3A_680, %sub3A_693 : vector<32x2048xf32>
    %div3A_695 = vector.broadcast %broadcast_in_dim3A_686 : vector<32x1xf32> to vector<32x2048xf32>
    %div3A_696 = arith.divf %sub3A_694, %div3A_695 : vector<32x2048xf32>
    %mul3A_697 = vector.broadcast %broadcast_in_dim3A_689 : vector<32x1xf32> to vector<32x2048xf32>
    %mul3A_698 = arith.mulf %div3A_696, %mul3A_697 : vector<32x2048xf32>
    %add3A_699 = vector.broadcast %broadcast_in_dim3A_692 : vector<32x1xf32> to vector<32x2048xf32>
    %add3A_700 = arith.addf %mul3A_698, %add3A_699 : vector<32x2048xf32>
    %max3A_701 = arith.constant 0.000000e+00 : f32
    %max3A_702 = vector.broadcast %max3A_701 : f32 to vector<32x2048xf32>
    %max3A_703 = arith.maximumf %add3A_700, %max3A_702 : vector<32x2048xf32>
    %get3A_704 = arith.constant 0 : index
    %get3A_705 = arith.constant 0 : index
    %get3A_706 = arith.constant 9 : index
    %get3A_707 = arith.constant 0 : index
    %get3A_708 = vector.load %arg2[%get3A_704, %get3A_705, %get3A_706, %get3A_707] : memref<1x1x16x2048xf32, #tpu.memory_space<vmem>>, vector<1x1x1x2048xf32>
    %get3A_709 = vector.shape_cast %get3A_708 : vector<1x1x1x2048xf32> to vector<2048xf32>
    %broadcast_in_dim3A_710 = vector.shape_cast %get3A_709 : vector<2048xf32> to vector<1x2048xf32>
    %mul3A_711 = vector.broadcast %broadcast_in_dim3A_710 : vector<1x2048xf32> to vector<32x2048xf32>
    %mul3A_712 = arith.mulf %max3A_703, %mul3A_711 : vector<32x2048xf32>
    %add3A_713 = arith.addf %add3A_643, %mul3A_712 : vector<32x2048xf32>
    %get3A_714 = arith.constant 0 : index
    %get3A_715 = arith.constant 0 : index
    %get3A_716 = arith.constant 10 : index
    %get3A_717 = arith.constant 0 : index
    %get3A_718 = vector.load %arg1[%get3A_714, %get3A_715, %get3A_716, %get3A_717] : memref<1x3x16x2048xf32, #tpu.memory_space<vmem>>, vector<1x3x1x2048xf32>
    %get3A_719 = vector.shape_cast %get3A_718 : vector<1x3x1x2048xf32> to vector<3x2048xf32>
    %dot_general3A_720 = arith.constant dense<0.000000e+00> : vector<16x2048xf32>
    %dot_general3A_721 = tpu.matmul %get3A_1, %get3A_719, %dot_general3A_720 {dimension_numbers = #tpu.dot_dimension_numbers<[1], [0], [0], [1], [0, 0, 1, 1], [], []>, transpose_lhs_hint = false} : vector<16x3xf32>, vector<3x2048xf32>, vector<16x2048xf32> -> vector<16x2048xf32>
    %add3A_722 = vector.broadcast %get3A_4 : vector<16x1xf32> to vector<16x2048xf32>
    %add3A_723 = arith.addf %dot_general3A_721, %add3A_722 : vector<16x2048xf32>
    %slice3A_724 = vector.extract_strided_slice %get3A_15 {offsets = [0, 0], sizes = [1, 16], strides = [1, 1]} : vector<4x16xf32> to vector<1x16xf32>
    %squeeze3A_725 = vector.shape_cast %slice3A_724 : vector<1x16xf32> to vector<16xf32>
    %broadcast_in_dim3A_726 = vector.shape_cast %squeeze3A_725 : vector<16xf32> to vector<16x1xf32>
    %slice3A_727 = vector.extract_strided_slice %get3A_15 {offsets = [1, 0], sizes = [1, 16], strides = [1, 1]} : vector<4x16xf32> to vector<1x16xf32>
    %squeeze3A_728 = vector.shape_cast %slice3A_727 : vector<1x16xf32> to vector<16xf32>
    %broadcast_in_dim3A_729 = vector.shape_cast %squeeze3A_728 : vector<16xf32> to vector<16x1xf32>
    %slice3A_730 = vector.extract_strided_slice %get3A_15 {offsets = [2, 0], sizes = [1, 16], strides = [1, 1]} : vector<4x16xf32> to vector<1x16xf32>
    %squeeze3A_731 = vector.shape_cast %slice3A_730 : vector<1x16xf32> to vector<16xf32>
    %broadcast_in_dim3A_732 = vector.shape_cast %squeeze3A_731 : vector<16xf32> to vector<16x1xf32>
    %slice3A_733 = vector.extract_strided_slice %get3A_15 {offsets = [3, 0], sizes = [1, 16], strides = [1, 1]} : vector<4x16xf32> to vector<1x16xf32>
    %squeeze3A_734 = vector.shape_cast %slice3A_733 : vector<1x16xf32> to vector<16xf32>
    %broadcast_in_dim3A_735 = vector.shape_cast %squeeze3A_734 : vector<16xf32> to vector<16x1xf32>
    %sub3A_736 = vector.broadcast %broadcast_in_dim3A_726 : vector<16x1xf32> to vector<16x2048xf32>
    %sub3A_737 = arith.subf %add3A_723, %sub3A_736 : vector<16x2048xf32>
    %div3A_738 = vector.broadcast %broadcast_in_dim3A_729 : vector<16x1xf32> to vector<16x2048xf32>
    %div3A_739 = arith.divf %sub3A_737, %div3A_738 : vector<16x2048xf32>
    %mul3A_740 = vector.broadcast %broadcast_in_dim3A_732 : vector<16x1xf32> to vector<16x2048xf32>
    %mul3A_741 = arith.mulf %div3A_739, %mul3A_740 : vector<16x2048xf32>
    %add3A_742 = vector.broadcast %broadcast_in_dim3A_735 : vector<16x1xf32> to vector<16x2048xf32>
    %add3A_743 = arith.addf %mul3A_741, %add3A_742 : vector<16x2048xf32>
    %max3A_744 = arith.constant 0.000000e+00 : f32
    %max3A_745 = vector.broadcast %max3A_744 : f32 to vector<16x2048xf32>
    %max3A_746 = arith.maximumf %add3A_743, %max3A_745 : vector<16x2048xf32>
    %dot_general3A_747 = arith.constant dense<0.000000e+00> : vector<32x2048xf32>
    %dot_general3A_748 = tpu.matmul %get3A_7, %max3A_746, %dot_general3A_747 {dimension_numbers = #tpu.dot_dimension_numbers<[1], [0], [0], [1], [0, 0, 1, 1], [], []>, transpose_lhs_hint = false} : vector<32x16xf32>, vector<16x2048xf32>, vector<32x2048xf32> -> vector<32x2048xf32>
    %add3A_749 = vector.broadcast %get3A_10 : vector<32x1xf32> to vector<32x2048xf32>
    %add3A_750 = arith.addf %dot_general3A_748, %add3A_749 : vector<32x2048xf32>
    %slice3A_751 = vector.extract_strided_slice %get3A_20 {offsets = [0, 0], sizes = [1, 32], strides = [1, 1]} : vector<4x32xf32> to vector<1x32xf32>
    %squeeze3A_752 = vector.shape_cast %slice3A_751 : vector<1x32xf32> to vector<32xf32>
    %broadcast_in_dim3A_753 = vector.shape_cast %squeeze3A_752 : vector<32xf32> to vector<32x1xf32>
    %slice3A_754 = vector.extract_strided_slice %get3A_20 {offsets = [1, 0], sizes = [1, 32], strides = [1, 1]} : vector<4x32xf32> to vector<1x32xf32>
    %squeeze3A_755 = vector.shape_cast %slice3A_754 : vector<1x32xf32> to vector<32xf32>
    %broadcast_in_dim3A_756 = vector.shape_cast %squeeze3A_755 : vector<32xf32> to vector<32x1xf32>
    %slice3A_757 = vector.extract_strided_slice %get3A_20 {offsets = [2, 0], sizes = [1, 32], strides = [1, 1]} : vector<4x32xf32> to vector<1x32xf32>
    %squeeze3A_758 = vector.shape_cast %slice3A_757 : vector<1x32xf32> to vector<32xf32>
    %broadcast_in_dim3A_759 = vector.shape_cast %squeeze3A_758 : vector<32xf32> to vector<32x1xf32>
    %slice3A_760 = vector.extract_strided_slice %get3A_20 {offsets = [3, 0], sizes = [1, 32], strides = [1, 1]} : vector<4x32xf32> to vector<1x32xf32>
    %squeeze3A_761 = vector.shape_cast %slice3A_760 : vector<1x32xf32> to vector<32xf32>
    %broadcast_in_dim3A_762 = vector.shape_cast %squeeze3A_761 : vector<32xf32> to vector<32x1xf32>
    %sub3A_763 = vector.broadcast %broadcast_in_dim3A_753 : vector<32x1xf32> to vector<32x2048xf32>
    %sub3A_764 = arith.subf %add3A_750, %sub3A_763 : vector<32x2048xf32>
    %div3A_765 = vector.broadcast %broadcast_in_dim3A_756 : vector<32x1xf32> to vector<32x2048xf32>
    %div3A_766 = arith.divf %sub3A_764, %div3A_765 : vector<32x2048xf32>
    %mul3A_767 = vector.broadcast %broadcast_in_dim3A_759 : vector<32x1xf32> to vector<32x2048xf32>
    %mul3A_768 = arith.mulf %div3A_766, %mul3A_767 : vector<32x2048xf32>
    %add3A_769 = vector.broadcast %broadcast_in_dim3A_762 : vector<32x1xf32> to vector<32x2048xf32>
    %add3A_770 = arith.addf %mul3A_768, %add3A_769 : vector<32x2048xf32>
    %max3A_771 = arith.constant 0.000000e+00 : f32
    %max3A_772 = vector.broadcast %max3A_771 : f32 to vector<32x2048xf32>
    %max3A_773 = arith.maximumf %add3A_770, %max3A_772 : vector<32x2048xf32>
    %get3A_774 = arith.constant 0 : index
    %get3A_775 = arith.constant 0 : index
    %get3A_776 = arith.constant 10 : index
    %get3A_777 = arith.constant 0 : index
    %get3A_778 = vector.load %arg2[%get3A_774, %get3A_775, %get3A_776, %get3A_777] : memref<1x1x16x2048xf32, #tpu.memory_space<vmem>>, vector<1x1x1x2048xf32>
    %get3A_779 = vector.shape_cast %get3A_778 : vector<1x1x1x2048xf32> to vector<2048xf32>
    %broadcast_in_dim3A_780 = vector.shape_cast %get3A_779 : vector<2048xf32> to vector<1x2048xf32>
    %mul3A_781 = vector.broadcast %broadcast_in_dim3A_780 : vector<1x2048xf32> to vector<32x2048xf32>
    %mul3A_782 = arith.mulf %max3A_773, %mul3A_781 : vector<32x2048xf32>
    %add3A_783 = arith.addf %add3A_713, %mul3A_782 : vector<32x2048xf32>
    %get3A_784 = arith.constant 0 : index
    %get3A_785 = arith.constant 0 : index
    %get3A_786 = arith.constant 11 : index
    %get3A_787 = arith.constant 0 : index
    %get3A_788 = vector.load %arg1[%get3A_784, %get3A_785, %get3A_786, %get3A_787] : memref<1x3x16x2048xf32, #tpu.memory_space<vmem>>, vector<1x3x1x2048xf32>
    %get3A_789 = vector.shape_cast %get3A_788 : vector<1x3x1x2048xf32> to vector<3x2048xf32>
    %dot_general3A_790 = arith.constant dense<0.000000e+00> : vector<16x2048xf32>
    %dot_general3A_791 = tpu.matmul %get3A_1, %get3A_789, %dot_general3A_790 {dimension_numbers = #tpu.dot_dimension_numbers<[1], [0], [0], [1], [0, 0, 1, 1], [], []>, transpose_lhs_hint = false} : vector<16x3xf32>, vector<3x2048xf32>, vector<16x2048xf32> -> vector<16x2048xf32>
    %add3A_792 = vector.broadcast %get3A_4 : vector<16x1xf32> to vector<16x2048xf32>
    %add3A_793 = arith.addf %dot_general3A_791, %add3A_792 : vector<16x2048xf32>
    %slice3A_794 = vector.extract_strided_slice %get3A_15 {offsets = [0, 0], sizes = [1, 16], strides = [1, 1]} : vector<4x16xf32> to vector<1x16xf32>
    %squeeze3A_795 = vector.shape_cast %slice3A_794 : vector<1x16xf32> to vector<16xf32>
    %broadcast_in_dim3A_796 = vector.shape_cast %squeeze3A_795 : vector<16xf32> to vector<16x1xf32>
    %slice3A_797 = vector.extract_strided_slice %get3A_15 {offsets = [1, 0], sizes = [1, 16], strides = [1, 1]} : vector<4x16xf32> to vector<1x16xf32>
    %squeeze3A_798 = vector.shape_cast %slice3A_797 : vector<1x16xf32> to vector<16xf32>
    %broadcast_in_dim3A_799 = vector.shape_cast %squeeze3A_798 : vector<16xf32> to vector<16x1xf32>
    %slice3A_800 = vector.extract_strided_slice %get3A_15 {offsets = [2, 0], sizes = [1, 16], strides = [1, 1]} : vector<4x16xf32> to vector<1x16xf32>
    %squeeze3A_801 = vector.shape_cast %slice3A_800 : vector<1x16xf32> to vector<16xf32>
    %broadcast_in_dim3A_802 = vector.shape_cast %squeeze3A_801 : vector<16xf32> to vector<16x1xf32>
    %slice3A_803 = vector.extract_strided_slice %get3A_15 {offsets = [3, 0], sizes = [1, 16], strides = [1, 1]} : vector<4x16xf32> to vector<1x16xf32>
    %squeeze3A_804 = vector.shape_cast %slice3A_803 : vector<1x16xf32> to vector<16xf32>
    %broadcast_in_dim3A_805 = vector.shape_cast %squeeze3A_804 : vector<16xf32> to vector<16x1xf32>
    %sub3A_806 = vector.broadcast %broadcast_in_dim3A_796 : vector<16x1xf32> to vector<16x2048xf32>
    %sub3A_807 = arith.subf %add3A_793, %sub3A_806 : vector<16x2048xf32>
    %div3A_808 = vector.broadcast %broadcast_in_dim3A_799 : vector<16x1xf32> to vector<16x2048xf32>
    %div3A_809 = arith.divf %sub3A_807, %div3A_808 : vector<16x2048xf32>
    %mul3A_810 = vector.broadcast %broadcast_in_dim3A_802 : vector<16x1xf32> to vector<16x2048xf32>
    %mul3A_811 = arith.mulf %div3A_809, %mul3A_810 : vector<16x2048xf32>
    %add3A_812 = vector.broadcast %broadcast_in_dim3A_805 : vector<16x1xf32> to vector<16x2048xf32>
    %add3A_813 = arith.addf %mul3A_811, %add3A_812 : vector<16x2048xf32>
    %max3A_814 = arith.constant 0.000000e+00 : f32
    %max3A_815 = vector.broadcast %max3A_814 : f32 to vector<16x2048xf32>
    %max3A_816 = arith.maximumf %add3A_813, %max3A_815 : vector<16x2048xf32>
    %dot_general3A_817 = arith.constant dense<0.000000e+00> : vector<32x2048xf32>
    %dot_general3A_818 = tpu.matmul %get3A_7, %max3A_816, %dot_general3A_817 {dimension_numbers = #tpu.dot_dimension_numbers<[1], [0], [0], [1], [0, 0, 1, 1], [], []>, transpose_lhs_hint = false} : vector<32x16xf32>, vector<16x2048xf32>, vector<32x2048xf32> -> vector<32x2048xf32>
    %add3A_819 = vector.broadcast %get3A_10 : vector<32x1xf32> to vector<32x2048xf32>
    %add3A_820 = arith.addf %dot_general3A_818, %add3A_819 : vector<32x2048xf32>
    %slice3A_821 = vector.extract_strided_slice %get3A_20 {offsets = [0, 0], sizes = [1, 32], strides = [1, 1]} : vector<4x32xf32> to vector<1x32xf32>
    %squeeze3A_822 = vector.shape_cast %slice3A_821 : vector<1x32xf32> to vector<32xf32>
    %broadcast_in_dim3A_823 = vector.shape_cast %squeeze3A_822 : vector<32xf32> to vector<32x1xf32>
    %slice3A_824 = vector.extract_strided_slice %get3A_20 {offsets = [1, 0], sizes = [1, 32], strides = [1, 1]} : vector<4x32xf32> to vector<1x32xf32>
    %squeeze3A_825 = vector.shape_cast %slice3A_824 : vector<1x32xf32> to vector<32xf32>
    %broadcast_in_dim3A_826 = vector.shape_cast %squeeze3A_825 : vector<32xf32> to vector<32x1xf32>
    %slice3A_827 = vector.extract_strided_slice %get3A_20 {offsets = [2, 0], sizes = [1, 32], strides = [1, 1]} : vector<4x32xf32> to vector<1x32xf32>
    %squeeze3A_828 = vector.shape_cast %slice3A_827 : vector<1x32xf32> to vector<32xf32>
    %broadcast_in_dim3A_829 = vector.shape_cast %squeeze3A_828 : vector<32xf32> to vector<32x1xf32>
    %slice3A_830 = vector.extract_strided_slice %get3A_20 {offsets = [3, 0], sizes = [1, 32], strides = [1, 1]} : vector<4x32xf32> to vector<1x32xf32>
    %squeeze3A_831 = vector.shape_cast %slice3A_830 : vector<1x32xf32> to vector<32xf32>
    %broadcast_in_dim3A_832 = vector.shape_cast %squeeze3A_831 : vector<32xf32> to vector<32x1xf32>
    %sub3A_833 = vector.broadcast %broadcast_in_dim3A_823 : vector<32x1xf32> to vector<32x2048xf32>
    %sub3A_834 = arith.subf %add3A_820, %sub3A_833 : vector<32x2048xf32>
    %div3A_835 = vector.broadcast %broadcast_in_dim3A_826 : vector<32x1xf32> to vector<32x2048xf32>
    %div3A_836 = arith.divf %sub3A_834, %div3A_835 : vector<32x2048xf32>
    %mul3A_837 = vector.broadcast %broadcast_in_dim3A_829 : vector<32x1xf32> to vector<32x2048xf32>
    %mul3A_838 = arith.mulf %div3A_836, %mul3A_837 : vector<32x2048xf32>
    %add3A_839 = vector.broadcast %broadcast_in_dim3A_832 : vector<32x1xf32> to vector<32x2048xf32>
    %add3A_840 = arith.addf %mul3A_838, %add3A_839 : vector<32x2048xf32>
    %max3A_841 = arith.constant 0.000000e+00 : f32
    %max3A_842 = vector.broadcast %max3A_841 : f32 to vector<32x2048xf32>
    %max3A_843 = arith.maximumf %add3A_840, %max3A_842 : vector<32x2048xf32>
    %get3A_844 = arith.constant 0 : index
    %get3A_845 = arith.constant 0 : index
    %get3A_846 = arith.constant 11 : index
    %get3A_847 = arith.constant 0 : index
    %get3A_848 = vector.load %arg2[%get3A_844, %get3A_845, %get3A_846, %get3A_847] : memref<1x1x16x2048xf32, #tpu.memory_space<vmem>>, vector<1x1x1x2048xf32>
    %get3A_849 = vector.shape_cast %get3A_848 : vector<1x1x1x2048xf32> to vector<2048xf32>
    %broadcast_in_dim3A_850 = vector.shape_cast %get3A_849 : vector<2048xf32> to vector<1x2048xf32>
    %mul3A_851 = vector.broadcast %broadcast_in_dim3A_850 : vector<1x2048xf32> to vector<32x2048xf32>
    %mul3A_852 = arith.mulf %max3A_843, %mul3A_851 : vector<32x2048xf32>
    %add3A_853 = arith.addf %add3A_783, %mul3A_852 : vector<32x2048xf32>
    %get3A_854 = arith.constant 0 : index
    %get3A_855 = arith.constant 0 : index
    %get3A_856 = arith.constant 12 : index
    %get3A_857 = arith.constant 0 : index
    %get3A_858 = vector.load %arg1[%get3A_854, %get3A_855, %get3A_856, %get3A_857] : memref<1x3x16x2048xf32, #tpu.memory_space<vmem>>, vector<1x3x1x2048xf32>
    %get3A_859 = vector.shape_cast %get3A_858 : vector<1x3x1x2048xf32> to vector<3x2048xf32>
    %dot_general3A_860 = arith.constant dense<0.000000e+00> : vector<16x2048xf32>
    %dot_general3A_861 = tpu.matmul %get3A_1, %get3A_859, %dot_general3A_860 {dimension_numbers = #tpu.dot_dimension_numbers<[1], [0], [0], [1], [0, 0, 1, 1], [], []>, transpose_lhs_hint = false} : vector<16x3xf32>, vector<3x2048xf32>, vector<16x2048xf32> -> vector<16x2048xf32>
    %add3A_862 = vector.broadcast %get3A_4 : vector<16x1xf32> to vector<16x2048xf32>
    %add3A_863 = arith.addf %dot_general3A_861, %add3A_862 : vector<16x2048xf32>
    %slice3A_864 = vector.extract_strided_slice %get3A_15 {offsets = [0, 0], sizes = [1, 16], strides = [1, 1]} : vector<4x16xf32> to vector<1x16xf32>
    %squeeze3A_865 = vector.shape_cast %slice3A_864 : vector<1x16xf32> to vector<16xf32>
    %broadcast_in_dim3A_866 = vector.shape_cast %squeeze3A_865 : vector<16xf32> to vector<16x1xf32>
    %slice3A_867 = vector.extract_strided_slice %get3A_15 {offsets = [1, 0], sizes = [1, 16], strides = [1, 1]} : vector<4x16xf32> to vector<1x16xf32>
    %squeeze3A_868 = vector.shape_cast %slice3A_867 : vector<1x16xf32> to vector<16xf32>
    %broadcast_in_dim3A_869 = vector.shape_cast %squeeze3A_868 : vector<16xf32> to vector<16x1xf32>
    %slice3A_870 = vector.extract_strided_slice %get3A_15 {offsets = [2, 0], sizes = [1, 16], strides = [1, 1]} : vector<4x16xf32> to vector<1x16xf32>
    %squeeze3A_871 = vector.shape_cast %slice3A_870 : vector<1x16xf32> to vector<16xf32>
    %broadcast_in_dim3A_872 = vector.shape_cast %squeeze3A_871 : vector<16xf32> to vector<16x1xf32>
    %slice3A_873 = vector.extract_strided_slice %get3A_15 {offsets = [3, 0], sizes = [1, 16], strides = [1, 1]} : vector<4x16xf32> to vector<1x16xf32>
    %squeeze3A_874 = vector.shape_cast %slice3A_873 : vector<1x16xf32> to vector<16xf32>
    %broadcast_in_dim3A_875 = vector.shape_cast %squeeze3A_874 : vector<16xf32> to vector<16x1xf32>
    %sub3A_876 = vector.broadcast %broadcast_in_dim3A_866 : vector<16x1xf32> to vector<16x2048xf32>
    %sub3A_877 = arith.subf %add3A_863, %sub3A_876 : vector<16x2048xf32>
    %div3A_878 = vector.broadcast %broadcast_in_dim3A_869 : vector<16x1xf32> to vector<16x2048xf32>
    %div3A_879 = arith.divf %sub3A_877, %div3A_878 : vector<16x2048xf32>
    %mul3A_880 = vector.broadcast %broadcast_in_dim3A_872 : vector<16x1xf32> to vector<16x2048xf32>
    %mul3A_881 = arith.mulf %div3A_879, %mul3A_880 : vector<16x2048xf32>
    %add3A_882 = vector.broadcast %broadcast_in_dim3A_875 : vector<16x1xf32> to vector<16x2048xf32>
    %add3A_883 = arith.addf %mul3A_881, %add3A_882 : vector<16x2048xf32>
    %max3A_884 = arith.constant 0.000000e+00 : f32
    %max3A_885 = vector.broadcast %max3A_884 : f32 to vector<16x2048xf32>
    %max3A_886 = arith.maximumf %add3A_883, %max3A_885 : vector<16x2048xf32>
    %dot_general3A_887 = arith.constant dense<0.000000e+00> : vector<32x2048xf32>
    %dot_general3A_888 = tpu.matmul %get3A_7, %max3A_886, %dot_general3A_887 {dimension_numbers = #tpu.dot_dimension_numbers<[1], [0], [0], [1], [0, 0, 1, 1], [], []>, transpose_lhs_hint = false} : vector<32x16xf32>, vector<16x2048xf32>, vector<32x2048xf32> -> vector<32x2048xf32>
    %add3A_889 = vector.broadcast %get3A_10 : vector<32x1xf32> to vector<32x2048xf32>
    %add3A_890 = arith.addf %dot_general3A_888, %add3A_889 : vector<32x2048xf32>
    %slice3A_891 = vector.extract_strided_slice %get3A_20 {offsets = [0, 0], sizes = [1, 32], strides = [1, 1]} : vector<4x32xf32> to vector<1x32xf32>
    %squeeze3A_892 = vector.shape_cast %slice3A_891 : vector<1x32xf32> to vector<32xf32>
    %broadcast_in_dim3A_893 = vector.shape_cast %squeeze3A_892 : vector<32xf32> to vector<32x1xf32>
    %slice3A_894 = vector.extract_strided_slice %get3A_20 {offsets = [1, 0], sizes = [1, 32], strides = [1, 1]} : vector<4x32xf32> to vector<1x32xf32>
    %squeeze3A_895 = vector.shape_cast %slice3A_894 : vector<1x32xf32> to vector<32xf32>
    %broadcast_in_dim3A_896 = vector.shape_cast %squeeze3A_895 : vector<32xf32> to vector<32x1xf32>
    %slice3A_897 = vector.extract_strided_slice %get3A_20 {offsets = [2, 0], sizes = [1, 32], strides = [1, 1]} : vector<4x32xf32> to vector<1x32xf32>
    %squeeze3A_898 = vector.shape_cast %slice3A_897 : vector<1x32xf32> to vector<32xf32>
    %broadcast_in_dim3A_899 = vector.shape_cast %squeeze3A_898 : vector<32xf32> to vector<32x1xf32>
    %slice3A_900 = vector.extract_strided_slice %get3A_20 {offsets = [3, 0], sizes = [1, 32], strides = [1, 1]} : vector<4x32xf32> to vector<1x32xf32>
    %squeeze3A_901 = vector.shape_cast %slice3A_900 : vector<1x32xf32> to vector<32xf32>
    %broadcast_in_dim3A_902 = vector.shape_cast %squeeze3A_901 : vector<32xf32> to vector<32x1xf32>
    %sub3A_903 = vector.broadcast %broadcast_in_dim3A_893 : vector<32x1xf32> to vector<32x2048xf32>
    %sub3A_904 = arith.subf %add3A_890, %sub3A_903 : vector<32x2048xf32>
    %div3A_905 = vector.broadcast %broadcast_in_dim3A_896 : vector<32x1xf32> to vector<32x2048xf32>
    %div3A_906 = arith.divf %sub3A_904, %div3A_905 : vector<32x2048xf32>
    %mul3A_907 = vector.broadcast %broadcast_in_dim3A_899 : vector<32x1xf32> to vector<32x2048xf32>
    %mul3A_908 = arith.mulf %div3A_906, %mul3A_907 : vector<32x2048xf32>
    %add3A_909 = vector.broadcast %broadcast_in_dim3A_902 : vector<32x1xf32> to vector<32x2048xf32>
    %add3A_910 = arith.addf %mul3A_908, %add3A_909 : vector<32x2048xf32>
    %max3A_911 = arith.constant 0.000000e+00 : f32
    %max3A_912 = vector.broadcast %max3A_911 : f32 to vector<32x2048xf32>
    %max3A_913 = arith.maximumf %add3A_910, %max3A_912 : vector<32x2048xf32>
    %get3A_914 = arith.constant 0 : index
    %get3A_915 = arith.constant 0 : index
    %get3A_916 = arith.constant 12 : index
    %get3A_917 = arith.constant 0 : index
    %get3A_918 = vector.load %arg2[%get3A_914, %get3A_915, %get3A_916, %get3A_917] : memref<1x1x16x2048xf32, #tpu.memory_space<vmem>>, vector<1x1x1x2048xf32>
    %get3A_919 = vector.shape_cast %get3A_918 : vector<1x1x1x2048xf32> to vector<2048xf32>
    %broadcast_in_dim3A_920 = vector.shape_cast %get3A_919 : vector<2048xf32> to vector<1x2048xf32>
    %mul3A_921 = vector.broadcast %broadcast_in_dim3A_920 : vector<1x2048xf32> to vector<32x2048xf32>
    %mul3A_922 = arith.mulf %max3A_913, %mul3A_921 : vector<32x2048xf32>
    %add3A_923 = arith.addf %add3A_853, %mul3A_922 : vector<32x2048xf32>
    %get3A_924 = arith.constant 0 : index
    %get3A_925 = arith.constant 0 : index
    %get3A_926 = arith.constant 13 : index
    %get3A_927 = arith.constant 0 : index
    %get3A_928 = vector.load %arg1[%get3A_924, %get3A_925, %get3A_926, %get3A_927] : memref<1x3x16x2048xf32, #tpu.memory_space<vmem>>, vector<1x3x1x2048xf32>
    %get3A_929 = vector.shape_cast %get3A_928 : vector<1x3x1x2048xf32> to vector<3x2048xf32>
    %dot_general3A_930 = arith.constant dense<0.000000e+00> : vector<16x2048xf32>
    %dot_general3A_931 = tpu.matmul %get3A_1, %get3A_929, %dot_general3A_930 {dimension_numbers = #tpu.dot_dimension_numbers<[1], [0], [0], [1], [0, 0, 1, 1], [], []>, transpose_lhs_hint = false} : vector<16x3xf32>, vector<3x2048xf32>, vector<16x2048xf32> -> vector<16x2048xf32>
    %add3A_932 = vector.broadcast %get3A_4 : vector<16x1xf32> to vector<16x2048xf32>
    %add3A_933 = arith.addf %dot_general3A_931, %add3A_932 : vector<16x2048xf32>
    %slice3A_934 = vector.extract_strided_slice %get3A_15 {offsets = [0, 0], sizes = [1, 16], strides = [1, 1]} : vector<4x16xf32> to vector<1x16xf32>
    %squeeze3A_935 = vector.shape_cast %slice3A_934 : vector<1x16xf32> to vector<16xf32>
    %broadcast_in_dim3A_936 = vector.shape_cast %squeeze3A_935 : vector<16xf32> to vector<16x1xf32>
    %slice3A_937 = vector.extract_strided_slice %get3A_15 {offsets = [1, 0], sizes = [1, 16], strides = [1, 1]} : vector<4x16xf32> to vector<1x16xf32>
    %squeeze3A_938 = vector.shape_cast %slice3A_937 : vector<1x16xf32> to vector<16xf32>
    %broadcast_in_dim3A_939 = vector.shape_cast %squeeze3A_938 : vector<16xf32> to vector<16x1xf32>
    %slice3A_940 = vector.extract_strided_slice %get3A_15 {offsets = [2, 0], sizes = [1, 16], strides = [1, 1]} : vector<4x16xf32> to vector<1x16xf32>
    %squeeze3A_941 = vector.shape_cast %slice3A_940 : vector<1x16xf32> to vector<16xf32>
    %broadcast_in_dim3A_942 = vector.shape_cast %squeeze3A_941 : vector<16xf32> to vector<16x1xf32>
    %slice3A_943 = vector.extract_strided_slice %get3A_15 {offsets = [3, 0], sizes = [1, 16], strides = [1, 1]} : vector<4x16xf32> to vector<1x16xf32>
    %squeeze3A_944 = vector.shape_cast %slice3A_943 : vector<1x16xf32> to vector<16xf32>
    %broadcast_in_dim3A_945 = vector.shape_cast %squeeze3A_944 : vector<16xf32> to vector<16x1xf32>
    %sub3A_946 = vector.broadcast %broadcast_in_dim3A_936 : vector<16x1xf32> to vector<16x2048xf32>
    %sub3A_947 = arith.subf %add3A_933, %sub3A_946 : vector<16x2048xf32>
    %div3A_948 = vector.broadcast %broadcast_in_dim3A_939 : vector<16x1xf32> to vector<16x2048xf32>
    %div3A_949 = arith.divf %sub3A_947, %div3A_948 : vector<16x2048xf32>
    %mul3A_950 = vector.broadcast %broadcast_in_dim3A_942 : vector<16x1xf32> to vector<16x2048xf32>
    %mul3A_951 = arith.mulf %div3A_949, %mul3A_950 : vector<16x2048xf32>
    %add3A_952 = vector.broadcast %broadcast_in_dim3A_945 : vector<16x1xf32> to vector<16x2048xf32>
    %add3A_953 = arith.addf %mul3A_951, %add3A_952 : vector<16x2048xf32>
    %max3A_954 = arith.constant 0.000000e+00 : f32
    %max3A_955 = vector.broadcast %max3A_954 : f32 to vector<16x2048xf32>
    %max3A_956 = arith.maximumf %add3A_953, %max3A_955 : vector<16x2048xf32>
    %dot_general3A_957 = arith.constant dense<0.000000e+00> : vector<32x2048xf32>
    %dot_general3A_958 = tpu.matmul %get3A_7, %max3A_956, %dot_general3A_957 {dimension_numbers = #tpu.dot_dimension_numbers<[1], [0], [0], [1], [0, 0, 1, 1], [], []>, transpose_lhs_hint = false} : vector<32x16xf32>, vector<16x2048xf32>, vector<32x2048xf32> -> vector<32x2048xf32>
    %add3A_959 = vector.broadcast %get3A_10 : vector<32x1xf32> to vector<32x2048xf32>
    %add3A_960 = arith.addf %dot_general3A_958, %add3A_959 : vector<32x2048xf32>
    %slice3A_961 = vector.extract_strided_slice %get3A_20 {offsets = [0, 0], sizes = [1, 32], strides = [1, 1]} : vector<4x32xf32> to vector<1x32xf32>
    %squeeze3A_962 = vector.shape_cast %slice3A_961 : vector<1x32xf32> to vector<32xf32>
    %broadcast_in_dim3A_963 = vector.shape_cast %squeeze3A_962 : vector<32xf32> to vector<32x1xf32>
    %slice3A_964 = vector.extract_strided_slice %get3A_20 {offsets = [1, 0], sizes = [1, 32], strides = [1, 1]} : vector<4x32xf32> to vector<1x32xf32>
    %squeeze3A_965 = vector.shape_cast %slice3A_964 : vector<1x32xf32> to vector<32xf32>
    %broadcast_in_dim3A_966 = vector.shape_cast %squeeze3A_965 : vector<32xf32> to vector<32x1xf32>
    %slice3A_967 = vector.extract_strided_slice %get3A_20 {offsets = [2, 0], sizes = [1, 32], strides = [1, 1]} : vector<4x32xf32> to vector<1x32xf32>
    %squeeze3A_968 = vector.shape_cast %slice3A_967 : vector<1x32xf32> to vector<32xf32>
    %broadcast_in_dim3A_969 = vector.shape_cast %squeeze3A_968 : vector<32xf32> to vector<32x1xf32>
    %slice3A_970 = vector.extract_strided_slice %get3A_20 {offsets = [3, 0], sizes = [1, 32], strides = [1, 1]} : vector<4x32xf32> to vector<1x32xf32>
    %squeeze3A_971 = vector.shape_cast %slice3A_970 : vector<1x32xf32> to vector<32xf32>
    %broadcast_in_dim3A_972 = vector.shape_cast %squeeze3A_971 : vector<32xf32> to vector<32x1xf32>
    %sub3A_973 = vector.broadcast %broadcast_in_dim3A_963 : vector<32x1xf32> to vector<32x2048xf32>
    %sub3A_974 = arith.subf %add3A_960, %sub3A_973 : vector<32x2048xf32>
    %div3A_975 = vector.broadcast %broadcast_in_dim3A_966 : vector<32x1xf32> to vector<32x2048xf32>
    %div3A_976 = arith.divf %sub3A_974, %div3A_975 : vector<32x2048xf32>
    %mul3A_977 = vector.broadcast %broadcast_in_dim3A_969 : vector<32x1xf32> to vector<32x2048xf32>
    %mul3A_978 = arith.mulf %div3A_976, %mul3A_977 : vector<32x2048xf32>
    %add3A_979 = vector.broadcast %broadcast_in_dim3A_972 : vector<32x1xf32> to vector<32x2048xf32>
    %add3A_980 = arith.addf %mul3A_978, %add3A_979 : vector<32x2048xf32>
    %max3A_981 = arith.constant 0.000000e+00 : f32
    %max3A_982 = vector.broadcast %max3A_981 : f32 to vector<32x2048xf32>
    %max3A_983 = arith.maximumf %add3A_980, %max3A_982 : vector<32x2048xf32>
    %get3A_984 = arith.constant 0 : index
    %get3A_985 = arith.constant 0 : index
    %get3A_986 = arith.constant 13 : index
    %get3A_987 = arith.constant 0 : index
    %get3A_988 = vector.load %arg2[%get3A_984, %get3A_985, %get3A_986, %get3A_987] : memref<1x1x16x2048xf32, #tpu.memory_space<vmem>>, vector<1x1x1x2048xf32>
    %get3A_989 = vector.shape_cast %get3A_988 : vector<1x1x1x2048xf32> to vector<2048xf32>
    %broadcast_in_dim3A_990 = vector.shape_cast %get3A_989 : vector<2048xf32> to vector<1x2048xf32>
    %mul3A_991 = vector.broadcast %broadcast_in_dim3A_990 : vector<1x2048xf32> to vector<32x2048xf32>
    %mul3A_992 = arith.mulf %max3A_983, %mul3A_991 : vector<32x2048xf32>
    %add3A_993 = arith.addf %add3A_923, %mul3A_992 : vector<32x2048xf32>
    %get3A_994 = arith.constant 0 : index
    %get3A_995 = arith.constant 0 : index
    %get3A_996 = arith.constant 14 : index
    %get3A_997 = arith.constant 0 : index
    %get3A_998 = vector.load %arg1[%get3A_994, %get3A_995, %get3A_996, %get3A_997] : memref<1x3x16x2048xf32, #tpu.memory_space<vmem>>, vector<1x3x1x2048xf32>
    %get3A_999 = vector.shape_cast %get3A_998 : vector<1x3x1x2048xf32> to vector<3x2048xf32>
    %dot_general3A_1000 = arith.constant dense<0.000000e+00> : vector<16x2048xf32>
    %dot_general3A_1001 = tpu.matmul %get3A_1, %get3A_999, %dot_general3A_1000 {dimension_numbers = #tpu.dot_dimension_numbers<[1], [0], [0], [1], [0, 0, 1, 1], [], []>, transpose_lhs_hint = false} : vector<16x3xf32>, vector<3x2048xf32>, vector<16x2048xf32> -> vector<16x2048xf32>
    %add3A_1002 = vector.broadcast %get3A_4 : vector<16x1xf32> to vector<16x2048xf32>
    %add3A_1003 = arith.addf %dot_general3A_1001, %add3A_1002 : vector<16x2048xf32>
    %slice3A_1004 = vector.extract_strided_slice %get3A_15 {offsets = [0, 0], sizes = [1, 16], strides = [1, 1]} : vector<4x16xf32> to vector<1x16xf32>
    %squeeze3A_1005 = vector.shape_cast %slice3A_1004 : vector<1x16xf32> to vector<16xf32>
    %broadcast_in_dim3A_1006 = vector.shape_cast %squeeze3A_1005 : vector<16xf32> to vector<16x1xf32>
    %slice3A_1007 = vector.extract_strided_slice %get3A_15 {offsets = [1, 0], sizes = [1, 16], strides = [1, 1]} : vector<4x16xf32> to vector<1x16xf32>
    %squeeze3A_1008 = vector.shape_cast %slice3A_1007 : vector<1x16xf32> to vector<16xf32>
    %broadcast_in_dim3A_1009 = vector.shape_cast %squeeze3A_1008 : vector<16xf32> to vector<16x1xf32>
    %slice3A_1010 = vector.extract_strided_slice %get3A_15 {offsets = [2, 0], sizes = [1, 16], strides = [1, 1]} : vector<4x16xf32> to vector<1x16xf32>
    %squeeze3A_1011 = vector.shape_cast %slice3A_1010 : vector<1x16xf32> to vector<16xf32>
    %broadcast_in_dim3A_1012 = vector.shape_cast %squeeze3A_1011 : vector<16xf32> to vector<16x1xf32>
    %slice3A_1013 = vector.extract_strided_slice %get3A_15 {offsets = [3, 0], sizes = [1, 16], strides = [1, 1]} : vector<4x16xf32> to vector<1x16xf32>
    %squeeze3A_1014 = vector.shape_cast %slice3A_1013 : vector<1x16xf32> to vector<16xf32>
    %broadcast_in_dim3A_1015 = vector.shape_cast %squeeze3A_1014 : vector<16xf32> to vector<16x1xf32>
    %sub3A_1016 = vector.broadcast %broadcast_in_dim3A_1006 : vector<16x1xf32> to vector<16x2048xf32>
    %sub3A_1017 = arith.subf %add3A_1003, %sub3A_1016 : vector<16x2048xf32>
    %div3A_1018 = vector.broadcast %broadcast_in_dim3A_1009 : vector<16x1xf32> to vector<16x2048xf32>
    %div3A_1019 = arith.divf %sub3A_1017, %div3A_1018 : vector<16x2048xf32>
    %mul3A_1020 = vector.broadcast %broadcast_in_dim3A_1012 : vector<16x1xf32> to vector<16x2048xf32>
    %mul3A_1021 = arith.mulf %div3A_1019, %mul3A_1020 : vector<16x2048xf32>
    %add3A_1022 = vector.broadcast %broadcast_in_dim3A_1015 : vector<16x1xf32> to vector<16x2048xf32>
    %add3A_1023 = arith.addf %mul3A_1021, %add3A_1022 : vector<16x2048xf32>
    %max3A_1024 = arith.constant 0.000000e+00 : f32
    %max3A_1025 = vector.broadcast %max3A_1024 : f32 to vector<16x2048xf32>
    %max3A_1026 = arith.maximumf %add3A_1023, %max3A_1025 : vector<16x2048xf32>
    %dot_general3A_1027 = arith.constant dense<0.000000e+00> : vector<32x2048xf32>
    %dot_general3A_1028 = tpu.matmul %get3A_7, %max3A_1026, %dot_general3A_1027 {dimension_numbers = #tpu.dot_dimension_numbers<[1], [0], [0], [1], [0, 0, 1, 1], [], []>, transpose_lhs_hint = false} : vector<32x16xf32>, vector<16x2048xf32>, vector<32x2048xf32> -> vector<32x2048xf32>
    %add3A_1029 = vector.broadcast %get3A_10 : vector<32x1xf32> to vector<32x2048xf32>
    %add3A_1030 = arith.addf %dot_general3A_1028, %add3A_1029 : vector<32x2048xf32>
    %slice3A_1031 = vector.extract_strided_slice %get3A_20 {offsets = [0, 0], sizes = [1, 32], strides = [1, 1]} : vector<4x32xf32> to vector<1x32xf32>
    %squeeze3A_1032 = vector.shape_cast %slice3A_1031 : vector<1x32xf32> to vector<32xf32>
    %broadcast_in_dim3A_1033 = vector.shape_cast %squeeze3A_1032 : vector<32xf32> to vector<32x1xf32>
    %slice3A_1034 = vector.extract_strided_slice %get3A_20 {offsets = [1, 0], sizes = [1, 32], strides = [1, 1]} : vector<4x32xf32> to vector<1x32xf32>
    %squeeze3A_1035 = vector.shape_cast %slice3A_1034 : vector<1x32xf32> to vector<32xf32>
    %broadcast_in_dim3A_1036 = vector.shape_cast %squeeze3A_1035 : vector<32xf32> to vector<32x1xf32>
    %slice3A_1037 = vector.extract_strided_slice %get3A_20 {offsets = [2, 0], sizes = [1, 32], strides = [1, 1]} : vector<4x32xf32> to vector<1x32xf32>
    %squeeze3A_1038 = vector.shape_cast %slice3A_1037 : vector<1x32xf32> to vector<32xf32>
    %broadcast_in_dim3A_1039 = vector.shape_cast %squeeze3A_1038 : vector<32xf32> to vector<32x1xf32>
    %slice3A_1040 = vector.extract_strided_slice %get3A_20 {offsets = [3, 0], sizes = [1, 32], strides = [1, 1]} : vector<4x32xf32> to vector<1x32xf32>
    %squeeze3A_1041 = vector.shape_cast %slice3A_1040 : vector<1x32xf32> to vector<32xf32>
    %broadcast_in_dim3A_1042 = vector.shape_cast %squeeze3A_1041 : vector<32xf32> to vector<32x1xf32>
    %sub3A_1043 = vector.broadcast %broadcast_in_dim3A_1033 : vector<32x1xf32> to vector<32x2048xf32>
    %sub3A_1044 = arith.subf %add3A_1030, %sub3A_1043 : vector<32x2048xf32>
    %div3A_1045 = vector.broadcast %broadcast_in_dim3A_1036 : vector<32x1xf32> to vector<32x2048xf32>
    %div3A_1046 = arith.divf %sub3A_1044, %div3A_1045 : vector<32x2048xf32>
    %mul3A_1047 = vector.broadcast %broadcast_in_dim3A_1039 : vector<32x1xf32> to vector<32x2048xf32>
    %mul3A_1048 = arith.mulf %div3A_1046, %mul3A_1047 : vector<32x2048xf32>
    %add3A_1049 = vector.broadcast %broadcast_in_dim3A_1042 : vector<32x1xf32> to vector<32x2048xf32>
    %add3A_1050 = arith.addf %mul3A_1048, %add3A_1049 : vector<32x2048xf32>
    %max3A_1051 = arith.constant 0.000000e+00 : f32
    %max3A_1052 = vector.broadcast %max3A_1051 : f32 to vector<32x2048xf32>
    %max3A_1053 = arith.maximumf %add3A_1050, %max3A_1052 : vector<32x2048xf32>
    %get3A_1054 = arith.constant 0 : index
    %get3A_1055 = arith.constant 0 : index
    %get3A_1056 = arith.constant 14 : index
    %get3A_1057 = arith.constant 0 : index
    %get3A_1058 = vector.load %arg2[%get3A_1054, %get3A_1055, %get3A_1056, %get3A_1057] : memref<1x1x16x2048xf32, #tpu.memory_space<vmem>>, vector<1x1x1x2048xf32>
    %get3A_1059 = vector.shape_cast %get3A_1058 : vector<1x1x1x2048xf32> to vector<2048xf32>
    %broadcast_in_dim3A_1060 = vector.shape_cast %get3A_1059 : vector<2048xf32> to vector<1x2048xf32>
    %mul3A_1061 = vector.broadcast %broadcast_in_dim3A_1060 : vector<1x2048xf32> to vector<32x2048xf32>
    %mul3A_1062 = arith.mulf %max3A_1053, %mul3A_1061 : vector<32x2048xf32>
    %add3A_1063 = arith.addf %add3A_993, %mul3A_1062 : vector<32x2048xf32>
    %get3A_1064 = arith.constant 0 : index
    %get3A_1065 = arith.constant 0 : index
    %get3A_1066 = arith.constant 15 : index
    %get3A_1067 = arith.constant 0 : index
    %get3A_1068 = vector.load %arg1[%get3A_1064, %get3A_1065, %get3A_1066, %get3A_1067] : memref<1x3x16x2048xf32, #tpu.memory_space<vmem>>, vector<1x3x1x2048xf32>
    %get3A_1069 = vector.shape_cast %get3A_1068 : vector<1x3x1x2048xf32> to vector<3x2048xf32>
    %dot_general3A_1070 = arith.constant dense<0.000000e+00> : vector<16x2048xf32>
    %dot_general3A_1071 = tpu.matmul %get3A_1, %get3A_1069, %dot_general3A_1070 {dimension_numbers = #tpu.dot_dimension_numbers<[1], [0], [0], [1], [0, 0, 1, 1], [], []>, transpose_lhs_hint = false} : vector<16x3xf32>, vector<3x2048xf32>, vector<16x2048xf32> -> vector<16x2048xf32>
    %add3A_1072 = vector.broadcast %get3A_4 : vector<16x1xf32> to vector<16x2048xf32>
    %add3A_1073 = arith.addf %dot_general3A_1071, %add3A_1072 : vector<16x2048xf32>
    %slice3A_1074 = vector.extract_strided_slice %get3A_15 {offsets = [0, 0], sizes = [1, 16], strides = [1, 1]} : vector<4x16xf32> to vector<1x16xf32>
    %squeeze3A_1075 = vector.shape_cast %slice3A_1074 : vector<1x16xf32> to vector<16xf32>
    %broadcast_in_dim3A_1076 = vector.shape_cast %squeeze3A_1075 : vector<16xf32> to vector<16x1xf32>
    %slice3A_1077 = vector.extract_strided_slice %get3A_15 {offsets = [1, 0], sizes = [1, 16], strides = [1, 1]} : vector<4x16xf32> to vector<1x16xf32>
    %squeeze3A_1078 = vector.shape_cast %slice3A_1077 : vector<1x16xf32> to vector<16xf32>
    %broadcast_in_dim3A_1079 = vector.shape_cast %squeeze3A_1078 : vector<16xf32> to vector<16x1xf32>
    %slice3A_1080 = vector.extract_strided_slice %get3A_15 {offsets = [2, 0], sizes = [1, 16], strides = [1, 1]} : vector<4x16xf32> to vector<1x16xf32>
    %squeeze3A_1081 = vector.shape_cast %slice3A_1080 : vector<1x16xf32> to vector<16xf32>
    %broadcast_in_dim3A_1082 = vector.shape_cast %squeeze3A_1081 : vector<16xf32> to vector<16x1xf32>
    %slice3A_1083 = vector.extract_strided_slice %get3A_15 {offsets = [3, 0], sizes = [1, 16], strides = [1, 1]} : vector<4x16xf32> to vector<1x16xf32>
    %squeeze3A_1084 = vector.shape_cast %slice3A_1083 : vector<1x16xf32> to vector<16xf32>
    %broadcast_in_dim3A_1085 = vector.shape_cast %squeeze3A_1084 : vector<16xf32> to vector<16x1xf32>
    %sub3A_1086 = vector.broadcast %broadcast_in_dim3A_1076 : vector<16x1xf32> to vector<16x2048xf32>
    %sub3A_1087 = arith.subf %add3A_1073, %sub3A_1086 : vector<16x2048xf32>
    %div3A_1088 = vector.broadcast %broadcast_in_dim3A_1079 : vector<16x1xf32> to vector<16x2048xf32>
    %div3A_1089 = arith.divf %sub3A_1087, %div3A_1088 : vector<16x2048xf32>
    %mul3A_1090 = vector.broadcast %broadcast_in_dim3A_1082 : vector<16x1xf32> to vector<16x2048xf32>
    %mul3A_1091 = arith.mulf %div3A_1089, %mul3A_1090 : vector<16x2048xf32>
    %add3A_1092 = vector.broadcast %broadcast_in_dim3A_1085 : vector<16x1xf32> to vector<16x2048xf32>
    %add3A_1093 = arith.addf %mul3A_1091, %add3A_1092 : vector<16x2048xf32>
    %max3A_1094 = arith.constant 0.000000e+00 : f32
    %max3A_1095 = vector.broadcast %max3A_1094 : f32 to vector<16x2048xf32>
    %max3A_1096 = arith.maximumf %add3A_1093, %max3A_1095 : vector<16x2048xf32>
    %dot_general3A_1097 = arith.constant dense<0.000000e+00> : vector<32x2048xf32>
    %dot_general3A_1098 = tpu.matmul %get3A_7, %max3A_1096, %dot_general3A_1097 {dimension_numbers = #tpu.dot_dimension_numbers<[1], [0], [0], [1], [0, 0, 1, 1], [], []>, transpose_lhs_hint = false} : vector<32x16xf32>, vector<16x2048xf32>, vector<32x2048xf32> -> vector<32x2048xf32>
    %add3A_1099 = vector.broadcast %get3A_10 : vector<32x1xf32> to vector<32x2048xf32>
    %add3A_1100 = arith.addf %dot_general3A_1098, %add3A_1099 : vector<32x2048xf32>
    %slice3A_1101 = vector.extract_strided_slice %get3A_20 {offsets = [0, 0], sizes = [1, 32], strides = [1, 1]} : vector<4x32xf32> to vector<1x32xf32>
    %squeeze3A_1102 = vector.shape_cast %slice3A_1101 : vector<1x32xf32> to vector<32xf32>
    %broadcast_in_dim3A_1103 = vector.shape_cast %squeeze3A_1102 : vector<32xf32> to vector<32x1xf32>
    %slice3A_1104 = vector.extract_strided_slice %get3A_20 {offsets = [1, 0], sizes = [1, 32], strides = [1, 1]} : vector<4x32xf32> to vector<1x32xf32>
    %squeeze3A_1105 = vector.shape_cast %slice3A_1104 : vector<1x32xf32> to vector<32xf32>
    %broadcast_in_dim3A_1106 = vector.shape_cast %squeeze3A_1105 : vector<32xf32> to vector<32x1xf32>
    %slice3A_1107 = vector.extract_strided_slice %get3A_20 {offsets = [2, 0], sizes = [1, 32], strides = [1, 1]} : vector<4x32xf32> to vector<1x32xf32>
    %squeeze3A_1108 = vector.shape_cast %slice3A_1107 : vector<1x32xf32> to vector<32xf32>
    %broadcast_in_dim3A_1109 = vector.shape_cast %squeeze3A_1108 : vector<32xf32> to vector<32x1xf32>
    %slice3A_1110 = vector.extract_strided_slice %get3A_20 {offsets = [3, 0], sizes = [1, 32], strides = [1, 1]} : vector<4x32xf32> to vector<1x32xf32>
    %squeeze3A_1111 = vector.shape_cast %slice3A_1110 : vector<1x32xf32> to vector<32xf32>
    %broadcast_in_dim3A_1112 = vector.shape_cast %squeeze3A_1111 : vector<32xf32> to vector<32x1xf32>
    %sub3A_1113 = vector.broadcast %broadcast_in_dim3A_1103 : vector<32x1xf32> to vector<32x2048xf32>
    %sub3A_1114 = arith.subf %add3A_1100, %sub3A_1113 : vector<32x2048xf32>
    %div3A_1115 = vector.broadcast %broadcast_in_dim3A_1106 : vector<32x1xf32> to vector<32x2048xf32>
    %div3A_1116 = arith.divf %sub3A_1114, %div3A_1115 : vector<32x2048xf32>
    %mul3A_1117 = vector.broadcast %broadcast_in_dim3A_1109 : vector<32x1xf32> to vector<32x2048xf32>
    %mul3A_1118 = arith.mulf %div3A_1116, %mul3A_1117 : vector<32x2048xf32>
    %add3A_1119 = vector.broadcast %broadcast_in_dim3A_1112 : vector<32x1xf32> to vector<32x2048xf32>
    %add3A_1120 = arith.addf %mul3A_1118, %add3A_1119 : vector<32x2048xf32>
    %max3A_1121 = arith.constant 0.000000e+00 : f32
    %max3A_1122 = vector.broadcast %max3A_1121 : f32 to vector<32x2048xf32>
    %max3A_1123 = arith.maximumf %add3A_1120, %max3A_1122 : vector<32x2048xf32>
    %get3A_1124 = arith.constant 0 : index
    %get3A_1125 = arith.constant 0 : index
    %get3A_1126 = arith.constant 15 : index
    %get3A_1127 = arith.constant 0 : index
    %get3A_1128 = vector.load %arg2[%get3A_1124, %get3A_1125, %get3A_1126, %get3A_1127] : memref<1x1x16x2048xf32, #tpu.memory_space<vmem>>, vector<1x1x1x2048xf32>
    %get3A_1129 = vector.shape_cast %get3A_1128 : vector<1x1x1x2048xf32> to vector<2048xf32>
    %broadcast_in_dim3A_1130 = vector.shape_cast %get3A_1129 : vector<2048xf32> to vector<1x2048xf32>
    %mul3A_1131 = vector.broadcast %broadcast_in_dim3A_1130 : vector<1x2048xf32> to vector<32x2048xf32>
    %mul3A_1132 = arith.mulf %max3A_1123, %mul3A_1131 : vector<32x2048xf32>
    %add3A_1133 = arith.addf %add3A_1063, %mul3A_1132 : vector<32x2048xf32>
    %get3A_1134 = arith.constant 0 : index
    %get3A_1135 = arith.constant 0 : index
    %get3A_1136 = arith.constant 0 : index
    %get3A_1137 = vector.load %arg3[%get3A_1134, %get3A_1135, %get3A_1136] : memref<1x32x2048xf32, #tpu.memory_space<vmem>>, vector<1x32x2048xf32>
    %get3A_1138 = vector.shape_cast %get3A_1137 : vector<1x32x2048xf32> to vector<32x2048xf32>
    %mul3A_1139 = arith.constant 6.250000e-02 : f32
    %mul3A_1140 = vector.broadcast %mul3A_1139 : f32 to vector<32x2048xf32>
    %mul3A_1141 = arith.mulf %add3A_1133, %mul3A_1140 : vector<32x2048xf32>
    %add3A_1142 = arith.addf %get3A_1138, %mul3A_1141 : vector<32x2048xf32>
    %swap3A = arith.constant 0 : index
    %swap3A_1143 = arith.constant 0 : index
    %swap3A_1144 = arith.constant 0 : index
    %swap3A_1145 = vector.load %arg10[%swap3A, %swap3A_1143, %swap3A_1144] : memref<1x32x2048xf32, #tpu.memory_space<vmem>>, vector<1x32x2048xf32>
    %swap3A_1146 = vector.shape_cast %swap3A_1145 : vector<1x32x2048xf32> to vector<32x2048xf32>
    %swap3A_1147 = vector.shape_cast %add3A_1142 : vector<32x2048xf32> to vector<1x32x2048xf32>
    tpu.vector_store %arg10[%swap3A, %swap3A_1143, %swap3A_1144], %swap3A_1147 {strides = array<i32>} : memref<1x32x2048xf32, #tpu.memory_space<vmem>>, vector<1x32x2048xf32>,
    return
  }
  func.func @transform_0(%arg0: i32) -> (i32, i32, i32, i32) {
    %c0_i32 = arith.constant 0 : i32
    %c0_i32_0 = arith.constant 0 : i32
    %c0_i32_1 = arith.constant 0 : i32
    %c0_i32_2 = arith.constant 0 : i32
    return %arg0, %c0_i32, %c0_i32_0, %c0_i32_1 : i32, i32, i32, i32
  }
  func.func @transform_1(%arg0: i32) -> (i32, i32, i32, i32) {
    %c0_i32 = arith.constant 0 : i32
    %c0_i32_0 = arith.constant 0 : i32
    %c0_i32_1 = arith.constant 0 : i32
    %c0_i32_2 = arith.constant 0 : i32
    return %arg0, %c0_i32, %c0_i32_0, %c0_i32_1 : i32, i32, i32, i32
  }
  func.func @transform_2(%arg0: i32) -> (i32, i32, i32) {
    %c0_i32 = arith.constant 0 : i32
    %c0_i32_0 = arith.constant 0 : i32
    %c0_i32_1 = arith.constant 0 : i32
    return %arg0, %c0_i32, %c0_i32_0 : i32, i32, i32
  }
  func.func @transform_3(%arg0: i32) -> (i32, i32) {
    %c0_i32 = arith.constant 0 : i32
    %c0_i32_0 = arith.constant 0 : i32
    %c0_i32_1 = arith.constant 0 : i32
    return %c0_i32, %c0_i32_0 : i32, i32
  }
  func.func @transform_4(%arg0: i32) -> (i32, i32) {
    %c0_i32 = arith.constant 0 : i32
    %c0_i32_0 = arith.constant 0 : i32
    %c0_i32_1 = arith.constant 0 : i32
    return %c0_i32, %c0_i32_0 : i32, i32
  }
  func.func @transform_5(%arg0: i32) -> (i32, i32, i32) {
    %jit3A = arith.constant 4 : i32
    %div3A = arith.divsi %arg0, %jit3A : i32
    %sign3A = arith.constant 0 : i32
    %sign3A_0 = arith.cmpi sgt, %arg0, %sign3A : i32
    %sign3A_1 = arith.extui %sign3A_0 : i1 to i32
    %sign3A_2 = arith.constant 0 : i32
    %sign3A_3 = arith.cmpi slt, %arg0, %sign3A_2 : i32
    %sign3A_4 = arith.extui %sign3A_3 : i1 to i32
    %sign3A_5 = arith.subi %sign3A_1, %sign3A_4 : i32
    %sign3A_6 = arith.constant 0 : i32
    %sign3A_7 = arith.cmpi sgt, %jit3A, %sign3A_6 : i32
    %sign3A_8 = arith.extui %sign3A_7 : i1 to i32
    %sign3A_9 = arith.constant 0 : i32
    %sign3A_10 = arith.cmpi slt, %jit3A, %sign3A_9 : i32
    %sign3A_11 = arith.extui %sign3A_10 : i1 to i32
    %sign3A_12 = arith.subi %sign3A_8, %sign3A_11 : i32
    %ne3A = arith.cmpi ne, %sign3A_5, %sign3A_12 : i32
    %rem3A = arith.remsi %arg0, %jit3A : i32
    %ne3A_13 = arith.constant 0 : i32
    %ne3A_14 = arith.cmpi ne, %rem3A, %ne3A_13 : i32
    %and3A = arith.andi %ne3A, %ne3A_14 : i1
    %sub3A = arith.constant 1 : i32
    %sub3A_15 = arith.subi %div3A, %sub3A : i32
    %select_n3A = arith.select %and3A, %sub3A_15, %div3A : i32
    %c0_i32 = arith.constant 0 : i32
    %c0_i32_16 = arith.constant 0 : i32
    %c0_i32_17 = arith.constant 0 : i32
    return %select_n3A, %c0_i32, %c0_i32_16 : i32, i32, i32
  }
  func.func @transform_6(%arg0: i32) -> (i32, i32) {
    %c0_i32 = arith.constant 0 : i32
    %c0_i32_0 = arith.constant 0 : i32
    %c0_i32_1 = arith.constant 0 : i32
    return %c0_i32, %c0_i32_0 : i32, i32
  }
  func.func @transform_7(%arg0: i32) -> (i32, i32) {
    %c0_i32 = arith.constant 0 : i32
    %c0_i32_0 = arith.constant 0 : i32
    %c0_i32_1 = arith.constant 0 : i32
    return %c0_i32, %c0_i32_0 : i32, i32
  }
  func.func @transform_8(%arg0: i32) -> (i32, i32, i32) {
    %jit3A = arith.constant 4 : i32
    %div3A = arith.divsi %arg0, %jit3A : i32
    %sign3A = arith.constant 0 : i32
    %sign3A_0 = arith.cmpi sgt, %arg0, %sign3A : i32
    %sign3A_1 = arith.extui %sign3A_0 : i1 to i32
    %sign3A_2 = arith.constant 0 : i32
    %sign3A_3 = arith.cmpi slt, %arg0, %sign3A_2 : i32
    %sign3A_4 = arith.extui %sign3A_3 : i1 to i32
    %sign3A_5 = arith.subi %sign3A_1, %sign3A_4 : i32
    %sign3A_6 = arith.constant 0 : i32
    %sign3A_7 = arith.cmpi sgt, %jit3A, %sign3A_6 : i32
    %sign3A_8 = arith.extui %sign3A_7 : i1 to i32
    %sign3A_9 = arith.constant 0 : i32
    %sign3A_10 = arith.cmpi slt, %jit3A, %sign3A_9 : i32
    %sign3A_11 = arith.extui %sign3A_10 : i1 to i32
    %sign3A_12 = arith.subi %sign3A_8, %sign3A_11 : i32
    %ne3A = arith.cmpi ne, %sign3A_5, %sign3A_12 : i32
    %rem3A = arith.remsi %arg0, %jit3A : i32
    %ne3A_13 = arith.constant 0 : i32
    %ne3A_14 = arith.cmpi ne, %rem3A, %ne3A_13 : i32
    %and3A = arith.andi %ne3A, %ne3A_14 : i1
    %sub3A = arith.constant 1 : i32
    %sub3A_15 = arith.subi %div3A, %sub3A : i32
    %select_n3A = arith.select %and3A, %sub3A_15, %div3A : i32
    %c0_i32 = arith.constant 0 : i32
    %c0_i32_16 = arith.constant 0 : i32
    %c0_i32_17 = arith.constant 0 : i32
    return %select_n3A, %c0_i32, %c0_i32_16 : i32, i32, i32
  }
  func.func @transform_9(%arg0: i32) -> (i32, i32, i32) {
    %c0_i32 = arith.constant 0 : i32
    %c0_i32_0 = arith.constant 0 : i32
    %c0_i32_1 = arith.constant 0 : i32
    return %arg0, %c0_i32, %c0_i32_0 : i32, i32, i32
  }
}

module attributes {stable_mosaic.version = 14 : i64} {
  func.func @_pcstep_body(%arg0: i32, %arg1: memref<1x3x16x2048xf32, #tpu.memory_space<vmem>>, %arg2: memref<1x1x16x2048xf32, #tpu.memory_space<vmem>>, %arg3: memref<1x128x2048xf32, #tpu.memory_space<vmem>>, %arg4: memref<64x3xf32, #tpu.memory_space<vmem>>, %arg5: memref<64x1xf32, #tpu.memory_space<vmem>>, %arg6: memref<1x4x64xf32, #tpu.memory_space<vmem>>, %arg7: memref<128x64xf32, #tpu.memory_space<vmem>>, %arg8: memref<128x1xf32, #tpu.memory_space<vmem>>, %arg9: memref<1x4x128xf32, #tpu.memory_space<vmem>>, %arg10: memref<1x128x2048xf32, #tpu.memory_space<vmem>>) attributes {dimension_semantics = [#tpu.dimension_semantics<arbitrary>], iteration_bounds = array<i64: 8>, scalar_prefetch = 0 : i64, scratch_operands = 0 : i64, tpu.core_type = #tpu.core_type<tc>, window_params = [{transform_indices = @transform_0, window_bounds = array<i64: 1, 3, 16, 2048>}, {transform_indices = @transform_1, window_bounds = array<i64: 1, 1, 16, 2048>}, {transform_indices = @transform_2, window_bounds = array<i64: 1, 128, 2048>}, {pipeline_mode = #tpu.pipeline_mode<synchronous>, transform_indices = @transform_3, window_bounds = array<i64: 64, 3>}, {pipeline_mode = #tpu.pipeline_mode<synchronous>, transform_indices = @transform_4, window_bounds = array<i64: 64, 1>}, {transform_indices = @transform_5, window_bounds = array<i64: 1, 4, 64>}, {pipeline_mode = #tpu.pipeline_mode<synchronous>, transform_indices = @transform_6, window_bounds = array<i64: 128, 64>}, {pipeline_mode = #tpu.pipeline_mode<synchronous>, transform_indices = @transform_7, window_bounds = array<i64: 128, 1>}, {transform_indices = @transform_8, window_bounds = array<i64: 1, 4, 128>}, {transform_indices = @transform_9, window_bounds = array<i64: 1, 128, 2048>}]} {
    %get3A = arith.constant 0 : index
    %get3A_0 = arith.constant 0 : index
    %get3A_1 = vector.load %arg4[%get3A, %get3A_0] : memref<64x3xf32, #tpu.memory_space<vmem>>, vector<64x3xf32>
    %get3A_2 = arith.constant 0 : index
    %get3A_3 = arith.constant 0 : index
    %get3A_4 = vector.load %arg5[%get3A_2, %get3A_3] : memref<64x1xf32, #tpu.memory_space<vmem>>, vector<64x1xf32>
    %get3A_5 = arith.constant 0 : index
    %get3A_6 = arith.constant 0 : index
    %get3A_7 = vector.load %arg7[%get3A_5, %get3A_6] : memref<128x64xf32, #tpu.memory_space<vmem>>, vector<128x64xf32>
    %get3A_8 = arith.constant 0 : index
    %get3A_9 = arith.constant 0 : index
    %get3A_10 = vector.load %arg8[%get3A_8, %get3A_9] : memref<128x1xf32, #tpu.memory_space<vmem>>, vector<128x1xf32>
    %get3A_11 = arith.constant 0 : index
    %get3A_12 = arith.constant 0 : index
    %get3A_13 = arith.constant 0 : index
    %get3A_14 = vector.load %arg6[%get3A_11, %get3A_12, %get3A_13] : memref<1x4x64xf32, #tpu.memory_space<vmem>>, vector<1x4x64xf32>
    %get3A_15 = vector.shape_cast %get3A_14 : vector<1x4x64xf32> to vector<4x64xf32>
    %get3A_16 = arith.constant 0 : index
    %get3A_17 = arith.constant 0 : index
    %get3A_18 = arith.constant 0 : index
    %get3A_19 = vector.load %arg9[%get3A_16, %get3A_17, %get3A_18] : memref<1x4x128xf32, #tpu.memory_space<vmem>>, vector<1x4x128xf32>
    %get3A_20 = vector.shape_cast %get3A_19 : vector<1x4x128xf32> to vector<4x128xf32>
    %broadcast_in_dim3A = arith.constant 0.000000e+00 : f32
    %broadcast_in_dim3A_21 = vector.broadcast %broadcast_in_dim3A : f32 to vector<128x2048xf32>
    %get3A_22 = arith.constant 0 : index
    %get3A_23 = arith.constant 0 : index
    %get3A_24 = arith.constant 0 : index
    %get3A_25 = arith.constant 0 : index
    %get3A_26 = vector.load %arg1[%get3A_22, %get3A_23, %get3A_24, %get3A_25] : memref<1x3x16x2048xf32, #tpu.memory_space<vmem>>, vector<1x3x1x2048xf32>
    %get3A_27 = vector.shape_cast %get3A_26 : vector<1x3x1x2048xf32> to vector<3x2048xf32>
    %dot_general3A = arith.constant dense<0.000000e+00> : vector<64x2048xf32>
    %dot_general3A_28 = tpu.matmul %get3A_1, %get3A_27, %dot_general3A {dimension_numbers = #tpu.dot_dimension_numbers<[1], [0], [0], [1], [0, 0, 1, 1], [], []>, transpose_lhs_hint = false} : vector<64x3xf32>, vector<3x2048xf32>, vector<64x2048xf32> -> vector<64x2048xf32>
    %add3A = vector.broadcast %get3A_4 : vector<64x1xf32> to vector<64x2048xf32>
    %add3A_29 = arith.addf %dot_general3A_28, %add3A : vector<64x2048xf32>
    %slice3A = vector.extract_strided_slice %get3A_15 {offsets = [0, 0], sizes = [1, 64], strides = [1, 1]} : vector<4x64xf32> to vector<1x64xf32>
    %squeeze3A = vector.shape_cast %slice3A : vector<1x64xf32> to vector<64xf32>
    %broadcast_in_dim3A_30 = vector.shape_cast %squeeze3A : vector<64xf32> to vector<64x1xf32>
    %slice3A_31 = vector.extract_strided_slice %get3A_15 {offsets = [1, 0], sizes = [1, 64], strides = [1, 1]} : vector<4x64xf32> to vector<1x64xf32>
    %squeeze3A_32 = vector.shape_cast %slice3A_31 : vector<1x64xf32> to vector<64xf32>
    %broadcast_in_dim3A_33 = vector.shape_cast %squeeze3A_32 : vector<64xf32> to vector<64x1xf32>
    %slice3A_34 = vector.extract_strided_slice %get3A_15 {offsets = [2, 0], sizes = [1, 64], strides = [1, 1]} : vector<4x64xf32> to vector<1x64xf32>
    %squeeze3A_35 = vector.shape_cast %slice3A_34 : vector<1x64xf32> to vector<64xf32>
    %broadcast_in_dim3A_36 = vector.shape_cast %squeeze3A_35 : vector<64xf32> to vector<64x1xf32>
    %slice3A_37 = vector.extract_strided_slice %get3A_15 {offsets = [3, 0], sizes = [1, 64], strides = [1, 1]} : vector<4x64xf32> to vector<1x64xf32>
    %squeeze3A_38 = vector.shape_cast %slice3A_37 : vector<1x64xf32> to vector<64xf32>
    %broadcast_in_dim3A_39 = vector.shape_cast %squeeze3A_38 : vector<64xf32> to vector<64x1xf32>
    %sub3A = vector.broadcast %broadcast_in_dim3A_30 : vector<64x1xf32> to vector<64x2048xf32>
    %sub3A_40 = arith.subf %add3A_29, %sub3A : vector<64x2048xf32>
    %div3A = vector.broadcast %broadcast_in_dim3A_33 : vector<64x1xf32> to vector<64x2048xf32>
    %div3A_41 = arith.divf %sub3A_40, %div3A : vector<64x2048xf32>
    %mul3A = vector.broadcast %broadcast_in_dim3A_36 : vector<64x1xf32> to vector<64x2048xf32>
    %mul3A_42 = arith.mulf %div3A_41, %mul3A : vector<64x2048xf32>
    %add3A_43 = vector.broadcast %broadcast_in_dim3A_39 : vector<64x1xf32> to vector<64x2048xf32>
    %add3A_44 = arith.addf %mul3A_42, %add3A_43 : vector<64x2048xf32>
    %max3A = arith.constant 0.000000e+00 : f32
    %max3A_45 = vector.broadcast %max3A : f32 to vector<64x2048xf32>
    %max3A_46 = arith.maximumf %add3A_44, %max3A_45 : vector<64x2048xf32>
    %dot_general3A_47 = arith.constant dense<0.000000e+00> : vector<128x2048xf32>
    %dot_general3A_48 = tpu.matmul %get3A_7, %max3A_46, %dot_general3A_47 {dimension_numbers = #tpu.dot_dimension_numbers<[1], [0], [0], [1], [0, 0, 1, 1], [], []>, transpose_lhs_hint = false} : vector<128x64xf32>, vector<64x2048xf32>, vector<128x2048xf32> -> vector<128x2048xf32>
    %add3A_49 = vector.broadcast %get3A_10 : vector<128x1xf32> to vector<128x2048xf32>
    %add3A_50 = arith.addf %dot_general3A_48, %add3A_49 : vector<128x2048xf32>
    %slice3A_51 = vector.extract_strided_slice %get3A_20 {offsets = [0, 0], sizes = [1, 128], strides = [1, 1]} : vector<4x128xf32> to vector<1x128xf32>
    %squeeze3A_52 = vector.shape_cast %slice3A_51 : vector<1x128xf32> to vector<128xf32>
    %broadcast_in_dim3A_53 = vector.shape_cast %squeeze3A_52 : vector<128xf32> to vector<128x1xf32>
    %slice3A_54 = vector.extract_strided_slice %get3A_20 {offsets = [1, 0], sizes = [1, 128], strides = [1, 1]} : vector<4x128xf32> to vector<1x128xf32>
    %squeeze3A_55 = vector.shape_cast %slice3A_54 : vector<1x128xf32> to vector<128xf32>
    %broadcast_in_dim3A_56 = vector.shape_cast %squeeze3A_55 : vector<128xf32> to vector<128x1xf32>
    %slice3A_57 = vector.extract_strided_slice %get3A_20 {offsets = [2, 0], sizes = [1, 128], strides = [1, 1]} : vector<4x128xf32> to vector<1x128xf32>
    %squeeze3A_58 = vector.shape_cast %slice3A_57 : vector<1x128xf32> to vector<128xf32>
    %broadcast_in_dim3A_59 = vector.shape_cast %squeeze3A_58 : vector<128xf32> to vector<128x1xf32>
    %slice3A_60 = vector.extract_strided_slice %get3A_20 {offsets = [3, 0], sizes = [1, 128], strides = [1, 1]} : vector<4x128xf32> to vector<1x128xf32>
    %squeeze3A_61 = vector.shape_cast %slice3A_60 : vector<1x128xf32> to vector<128xf32>
    %broadcast_in_dim3A_62 = vector.shape_cast %squeeze3A_61 : vector<128xf32> to vector<128x1xf32>
    %sub3A_63 = vector.broadcast %broadcast_in_dim3A_53 : vector<128x1xf32> to vector<128x2048xf32>
    %sub3A_64 = arith.subf %add3A_50, %sub3A_63 : vector<128x2048xf32>
    %div3A_65 = vector.broadcast %broadcast_in_dim3A_56 : vector<128x1xf32> to vector<128x2048xf32>
    %div3A_66 = arith.divf %sub3A_64, %div3A_65 : vector<128x2048xf32>
    %mul3A_67 = vector.broadcast %broadcast_in_dim3A_59 : vector<128x1xf32> to vector<128x2048xf32>
    %mul3A_68 = arith.mulf %div3A_66, %mul3A_67 : vector<128x2048xf32>
    %add3A_69 = vector.broadcast %broadcast_in_dim3A_62 : vector<128x1xf32> to vector<128x2048xf32>
    %add3A_70 = arith.addf %mul3A_68, %add3A_69 : vector<128x2048xf32>
    %max3A_71 = arith.constant 0.000000e+00 : f32
    %max3A_72 = vector.broadcast %max3A_71 : f32 to vector<128x2048xf32>
    %max3A_73 = arith.maximumf %add3A_70, %max3A_72 : vector<128x2048xf32>
    %get3A_74 = arith.constant 0 : index
    %get3A_75 = arith.constant 0 : index
    %get3A_76 = arith.constant 0 : index
    %get3A_77 = arith.constant 0 : index
    %get3A_78 = vector.load %arg2[%get3A_74, %get3A_75, %get3A_76, %get3A_77] : memref<1x1x16x2048xf32, #tpu.memory_space<vmem>>, vector<1x1x1x2048xf32>
    %get3A_79 = vector.shape_cast %get3A_78 : vector<1x1x1x2048xf32> to vector<2048xf32>
    %broadcast_in_dim3A_80 = vector.shape_cast %get3A_79 : vector<2048xf32> to vector<1x2048xf32>
    %mul3A_81 = vector.broadcast %broadcast_in_dim3A_80 : vector<1x2048xf32> to vector<128x2048xf32>
    %mul3A_82 = arith.mulf %max3A_73, %mul3A_81 : vector<128x2048xf32>
    %add3A_83 = arith.addf %broadcast_in_dim3A_21, %mul3A_82 : vector<128x2048xf32>
    %get3A_84 = arith.constant 0 : index
    %get3A_85 = arith.constant 0 : index
    %get3A_86 = arith.constant 1 : index
    %get3A_87 = arith.constant 0 : index
    %get3A_88 = vector.load %arg1[%get3A_84, %get3A_85, %get3A_86, %get3A_87] : memref<1x3x16x2048xf32, #tpu.memory_space<vmem>>, vector<1x3x1x2048xf32>
    %get3A_89 = vector.shape_cast %get3A_88 : vector<1x3x1x2048xf32> to vector<3x2048xf32>
    %dot_general3A_90 = arith.constant dense<0.000000e+00> : vector<64x2048xf32>
    %dot_general3A_91 = tpu.matmul %get3A_1, %get3A_89, %dot_general3A_90 {dimension_numbers = #tpu.dot_dimension_numbers<[1], [0], [0], [1], [0, 0, 1, 1], [], []>, transpose_lhs_hint = false} : vector<64x3xf32>, vector<3x2048xf32>, vector<64x2048xf32> -> vector<64x2048xf32>
    %add3A_92 = vector.broadcast %get3A_4 : vector<64x1xf32> to vector<64x2048xf32>
    %add3A_93 = arith.addf %dot_general3A_91, %add3A_92 : vector<64x2048xf32>
    %slice3A_94 = vector.extract_strided_slice %get3A_15 {offsets = [0, 0], sizes = [1, 64], strides = [1, 1]} : vector<4x64xf32> to vector<1x64xf32>
    %squeeze3A_95 = vector.shape_cast %slice3A_94 : vector<1x64xf32> to vector<64xf32>
    %broadcast_in_dim3A_96 = vector.shape_cast %squeeze3A_95 : vector<64xf32> to vector<64x1xf32>
    %slice3A_97 = vector.extract_strided_slice %get3A_15 {offsets = [1, 0], sizes = [1, 64], strides = [1, 1]} : vector<4x64xf32> to vector<1x64xf32>
    %squeeze3A_98 = vector.shape_cast %slice3A_97 : vector<1x64xf32> to vector<64xf32>
    %broadcast_in_dim3A_99 = vector.shape_cast %squeeze3A_98 : vector<64xf32> to vector<64x1xf32>
    %slice3A_100 = vector.extract_strided_slice %get3A_15 {offsets = [2, 0], sizes = [1, 64], strides = [1, 1]} : vector<4x64xf32> to vector<1x64xf32>
    %squeeze3A_101 = vector.shape_cast %slice3A_100 : vector<1x64xf32> to vector<64xf32>
    %broadcast_in_dim3A_102 = vector.shape_cast %squeeze3A_101 : vector<64xf32> to vector<64x1xf32>
    %slice3A_103 = vector.extract_strided_slice %get3A_15 {offsets = [3, 0], sizes = [1, 64], strides = [1, 1]} : vector<4x64xf32> to vector<1x64xf32>
    %squeeze3A_104 = vector.shape_cast %slice3A_103 : vector<1x64xf32> to vector<64xf32>
    %broadcast_in_dim3A_105 = vector.shape_cast %squeeze3A_104 : vector<64xf32> to vector<64x1xf32>
    %sub3A_106 = vector.broadcast %broadcast_in_dim3A_96 : vector<64x1xf32> to vector<64x2048xf32>
    %sub3A_107 = arith.subf %add3A_93, %sub3A_106 : vector<64x2048xf32>
    %div3A_108 = vector.broadcast %broadcast_in_dim3A_99 : vector<64x1xf32> to vector<64x2048xf32>
    %div3A_109 = arith.divf %sub3A_107, %div3A_108 : vector<64x2048xf32>
    %mul3A_110 = vector.broadcast %broadcast_in_dim3A_102 : vector<64x1xf32> to vector<64x2048xf32>
    %mul3A_111 = arith.mulf %div3A_109, %mul3A_110 : vector<64x2048xf32>
    %add3A_112 = vector.broadcast %broadcast_in_dim3A_105 : vector<64x1xf32> to vector<64x2048xf32>
    %add3A_113 = arith.addf %mul3A_111, %add3A_112 : vector<64x2048xf32>
    %max3A_114 = arith.constant 0.000000e+00 : f32
    %max3A_115 = vector.broadcast %max3A_114 : f32 to vector<64x2048xf32>
    %max3A_116 = arith.maximumf %add3A_113, %max3A_115 : vector<64x2048xf32>
    %dot_general3A_117 = arith.constant dense<0.000000e+00> : vector<128x2048xf32>
    %dot_general3A_118 = tpu.matmul %get3A_7, %max3A_116, %dot_general3A_117 {dimension_numbers = #tpu.dot_dimension_numbers<[1], [0], [0], [1], [0, 0, 1, 1], [], []>, transpose_lhs_hint = false} : vector<128x64xf32>, vector<64x2048xf32>, vector<128x2048xf32> -> vector<128x2048xf32>
    %add3A_119 = vector.broadcast %get3A_10 : vector<128x1xf32> to vector<128x2048xf32>
    %add3A_120 = arith.addf %dot_general3A_118, %add3A_119 : vector<128x2048xf32>
    %slice3A_121 = vector.extract_strided_slice %get3A_20 {offsets = [0, 0], sizes = [1, 128], strides = [1, 1]} : vector<4x128xf32> to vector<1x128xf32>
    %squeeze3A_122 = vector.shape_cast %slice3A_121 : vector<1x128xf32> to vector<128xf32>
    %broadcast_in_dim3A_123 = vector.shape_cast %squeeze3A_122 : vector<128xf32> to vector<128x1xf32>
    %slice3A_124 = vector.extract_strided_slice %get3A_20 {offsets = [1, 0], sizes = [1, 128], strides = [1, 1]} : vector<4x128xf32> to vector<1x128xf32>
    %squeeze3A_125 = vector.shape_cast %slice3A_124 : vector<1x128xf32> to vector<128xf32>
    %broadcast_in_dim3A_126 = vector.shape_cast %squeeze3A_125 : vector<128xf32> to vector<128x1xf32>
    %slice3A_127 = vector.extract_strided_slice %get3A_20 {offsets = [2, 0], sizes = [1, 128], strides = [1, 1]} : vector<4x128xf32> to vector<1x128xf32>
    %squeeze3A_128 = vector.shape_cast %slice3A_127 : vector<1x128xf32> to vector<128xf32>
    %broadcast_in_dim3A_129 = vector.shape_cast %squeeze3A_128 : vector<128xf32> to vector<128x1xf32>
    %slice3A_130 = vector.extract_strided_slice %get3A_20 {offsets = [3, 0], sizes = [1, 128], strides = [1, 1]} : vector<4x128xf32> to vector<1x128xf32>
    %squeeze3A_131 = vector.shape_cast %slice3A_130 : vector<1x128xf32> to vector<128xf32>
    %broadcast_in_dim3A_132 = vector.shape_cast %squeeze3A_131 : vector<128xf32> to vector<128x1xf32>
    %sub3A_133 = vector.broadcast %broadcast_in_dim3A_123 : vector<128x1xf32> to vector<128x2048xf32>
    %sub3A_134 = arith.subf %add3A_120, %sub3A_133 : vector<128x2048xf32>
    %div3A_135 = vector.broadcast %broadcast_in_dim3A_126 : vector<128x1xf32> to vector<128x2048xf32>
    %div3A_136 = arith.divf %sub3A_134, %div3A_135 : vector<128x2048xf32>
    %mul3A_137 = vector.broadcast %broadcast_in_dim3A_129 : vector<128x1xf32> to vector<128x2048xf32>
    %mul3A_138 = arith.mulf %div3A_136, %mul3A_137 : vector<128x2048xf32>
    %add3A_139 = vector.broadcast %broadcast_in_dim3A_132 : vector<128x1xf32> to vector<128x2048xf32>
    %add3A_140 = arith.addf %mul3A_138, %add3A_139 : vector<128x2048xf32>
    %max3A_141 = arith.constant 0.000000e+00 : f32
    %max3A_142 = vector.broadcast %max3A_141 : f32 to vector<128x2048xf32>
    %max3A_143 = arith.maximumf %add3A_140, %max3A_142 : vector<128x2048xf32>
    %get3A_144 = arith.constant 0 : index
    %get3A_145 = arith.constant 0 : index
    %get3A_146 = arith.constant 1 : index
    %get3A_147 = arith.constant 0 : index
    %get3A_148 = vector.load %arg2[%get3A_144, %get3A_145, %get3A_146, %get3A_147] : memref<1x1x16x2048xf32, #tpu.memory_space<vmem>>, vector<1x1x1x2048xf32>
    %get3A_149 = vector.shape_cast %get3A_148 : vector<1x1x1x2048xf32> to vector<2048xf32>
    %broadcast_in_dim3A_150 = vector.shape_cast %get3A_149 : vector<2048xf32> to vector<1x2048xf32>
    %mul3A_151 = vector.broadcast %broadcast_in_dim3A_150 : vector<1x2048xf32> to vector<128x2048xf32>
    %mul3A_152 = arith.mulf %max3A_143, %mul3A_151 : vector<128x2048xf32>
    %add3A_153 = arith.addf %add3A_83, %mul3A_152 : vector<128x2048xf32>
    %get3A_154 = arith.constant 0 : index
    %get3A_155 = arith.constant 0 : index
    %get3A_156 = arith.constant 2 : index
    %get3A_157 = arith.constant 0 : index
    %get3A_158 = vector.load %arg1[%get3A_154, %get3A_155, %get3A_156, %get3A_157] : memref<1x3x16x2048xf32, #tpu.memory_space<vmem>>, vector<1x3x1x2048xf32>
    %get3A_159 = vector.shape_cast %get3A_158 : vector<1x3x1x2048xf32> to vector<3x2048xf32>
    %dot_general3A_160 = arith.constant dense<0.000000e+00> : vector<64x2048xf32>
    %dot_general3A_161 = tpu.matmul %get3A_1, %get3A_159, %dot_general3A_160 {dimension_numbers = #tpu.dot_dimension_numbers<[1], [0], [0], [1], [0, 0, 1, 1], [], []>, transpose_lhs_hint = false} : vector<64x3xf32>, vector<3x2048xf32>, vector<64x2048xf32> -> vector<64x2048xf32>
    %add3A_162 = vector.broadcast %get3A_4 : vector<64x1xf32> to vector<64x2048xf32>
    %add3A_163 = arith.addf %dot_general3A_161, %add3A_162 : vector<64x2048xf32>
    %slice3A_164 = vector.extract_strided_slice %get3A_15 {offsets = [0, 0], sizes = [1, 64], strides = [1, 1]} : vector<4x64xf32> to vector<1x64xf32>
    %squeeze3A_165 = vector.shape_cast %slice3A_164 : vector<1x64xf32> to vector<64xf32>
    %broadcast_in_dim3A_166 = vector.shape_cast %squeeze3A_165 : vector<64xf32> to vector<64x1xf32>
    %slice3A_167 = vector.extract_strided_slice %get3A_15 {offsets = [1, 0], sizes = [1, 64], strides = [1, 1]} : vector<4x64xf32> to vector<1x64xf32>
    %squeeze3A_168 = vector.shape_cast %slice3A_167 : vector<1x64xf32> to vector<64xf32>
    %broadcast_in_dim3A_169 = vector.shape_cast %squeeze3A_168 : vector<64xf32> to vector<64x1xf32>
    %slice3A_170 = vector.extract_strided_slice %get3A_15 {offsets = [2, 0], sizes = [1, 64], strides = [1, 1]} : vector<4x64xf32> to vector<1x64xf32>
    %squeeze3A_171 = vector.shape_cast %slice3A_170 : vector<1x64xf32> to vector<64xf32>
    %broadcast_in_dim3A_172 = vector.shape_cast %squeeze3A_171 : vector<64xf32> to vector<64x1xf32>
    %slice3A_173 = vector.extract_strided_slice %get3A_15 {offsets = [3, 0], sizes = [1, 64], strides = [1, 1]} : vector<4x64xf32> to vector<1x64xf32>
    %squeeze3A_174 = vector.shape_cast %slice3A_173 : vector<1x64xf32> to vector<64xf32>
    %broadcast_in_dim3A_175 = vector.shape_cast %squeeze3A_174 : vector<64xf32> to vector<64x1xf32>
    %sub3A_176 = vector.broadcast %broadcast_in_dim3A_166 : vector<64x1xf32> to vector<64x2048xf32>
    %sub3A_177 = arith.subf %add3A_163, %sub3A_176 : vector<64x2048xf32>
    %div3A_178 = vector.broadcast %broadcast_in_dim3A_169 : vector<64x1xf32> to vector<64x2048xf32>
    %div3A_179 = arith.divf %sub3A_177, %div3A_178 : vector<64x2048xf32>
    %mul3A_180 = vector.broadcast %broadcast_in_dim3A_172 : vector<64x1xf32> to vector<64x2048xf32>
    %mul3A_181 = arith.mulf %div3A_179, %mul3A_180 : vector<64x2048xf32>
    %add3A_182 = vector.broadcast %broadcast_in_dim3A_175 : vector<64x1xf32> to vector<64x2048xf32>
    %add3A_183 = arith.addf %mul3A_181, %add3A_182 : vector<64x2048xf32>
    %max3A_184 = arith.constant 0.000000e+00 : f32
    %max3A_185 = vector.broadcast %max3A_184 : f32 to vector<64x2048xf32>
    %max3A_186 = arith.maximumf %add3A_183, %max3A_185 : vector<64x2048xf32>
    %dot_general3A_187 = arith.constant dense<0.000000e+00> : vector<128x2048xf32>
    %dot_general3A_188 = tpu.matmul %get3A_7, %max3A_186, %dot_general3A_187 {dimension_numbers = #tpu.dot_dimension_numbers<[1], [0], [0], [1], [0, 0, 1, 1], [], []>, transpose_lhs_hint = false} : vector<128x64xf32>, vector<64x2048xf32>, vector<128x2048xf32> -> vector<128x2048xf32>
    %add3A_189 = vector.broadcast %get3A_10 : vector<128x1xf32> to vector<128x2048xf32>
    %add3A_190 = arith.addf %dot_general3A_188, %add3A_189 : vector<128x2048xf32>
    %slice3A_191 = vector.extract_strided_slice %get3A_20 {offsets = [0, 0], sizes = [1, 128], strides = [1, 1]} : vector<4x128xf32> to vector<1x128xf32>
    %squeeze3A_192 = vector.shape_cast %slice3A_191 : vector<1x128xf32> to vector<128xf32>
    %broadcast_in_dim3A_193 = vector.shape_cast %squeeze3A_192 : vector<128xf32> to vector<128x1xf32>
    %slice3A_194 = vector.extract_strided_slice %get3A_20 {offsets = [1, 0], sizes = [1, 128], strides = [1, 1]} : vector<4x128xf32> to vector<1x128xf32>
    %squeeze3A_195 = vector.shape_cast %slice3A_194 : vector<1x128xf32> to vector<128xf32>
    %broadcast_in_dim3A_196 = vector.shape_cast %squeeze3A_195 : vector<128xf32> to vector<128x1xf32>
    %slice3A_197 = vector.extract_strided_slice %get3A_20 {offsets = [2, 0], sizes = [1, 128], strides = [1, 1]} : vector<4x128xf32> to vector<1x128xf32>
    %squeeze3A_198 = vector.shape_cast %slice3A_197 : vector<1x128xf32> to vector<128xf32>
    %broadcast_in_dim3A_199 = vector.shape_cast %squeeze3A_198 : vector<128xf32> to vector<128x1xf32>
    %slice3A_200 = vector.extract_strided_slice %get3A_20 {offsets = [3, 0], sizes = [1, 128], strides = [1, 1]} : vector<4x128xf32> to vector<1x128xf32>
    %squeeze3A_201 = vector.shape_cast %slice3A_200 : vector<1x128xf32> to vector<128xf32>
    %broadcast_in_dim3A_202 = vector.shape_cast %squeeze3A_201 : vector<128xf32> to vector<128x1xf32>
    %sub3A_203 = vector.broadcast %broadcast_in_dim3A_193 : vector<128x1xf32> to vector<128x2048xf32>
    %sub3A_204 = arith.subf %add3A_190, %sub3A_203 : vector<128x2048xf32>
    %div3A_205 = vector.broadcast %broadcast_in_dim3A_196 : vector<128x1xf32> to vector<128x2048xf32>
    %div3A_206 = arith.divf %sub3A_204, %div3A_205 : vector<128x2048xf32>
    %mul3A_207 = vector.broadcast %broadcast_in_dim3A_199 : vector<128x1xf32> to vector<128x2048xf32>
    %mul3A_208 = arith.mulf %div3A_206, %mul3A_207 : vector<128x2048xf32>
    %add3A_209 = vector.broadcast %broadcast_in_dim3A_202 : vector<128x1xf32> to vector<128x2048xf32>
    %add3A_210 = arith.addf %mul3A_208, %add3A_209 : vector<128x2048xf32>
    %max3A_211 = arith.constant 0.000000e+00 : f32
    %max3A_212 = vector.broadcast %max3A_211 : f32 to vector<128x2048xf32>
    %max3A_213 = arith.maximumf %add3A_210, %max3A_212 : vector<128x2048xf32>
    %get3A_214 = arith.constant 0 : index
    %get3A_215 = arith.constant 0 : index
    %get3A_216 = arith.constant 2 : index
    %get3A_217 = arith.constant 0 : index
    %get3A_218 = vector.load %arg2[%get3A_214, %get3A_215, %get3A_216, %get3A_217] : memref<1x1x16x2048xf32, #tpu.memory_space<vmem>>, vector<1x1x1x2048xf32>
    %get3A_219 = vector.shape_cast %get3A_218 : vector<1x1x1x2048xf32> to vector<2048xf32>
    %broadcast_in_dim3A_220 = vector.shape_cast %get3A_219 : vector<2048xf32> to vector<1x2048xf32>
    %mul3A_221 = vector.broadcast %broadcast_in_dim3A_220 : vector<1x2048xf32> to vector<128x2048xf32>
    %mul3A_222 = arith.mulf %max3A_213, %mul3A_221 : vector<128x2048xf32>
    %add3A_223 = arith.addf %add3A_153, %mul3A_222 : vector<128x2048xf32>
    %get3A_224 = arith.constant 0 : index
    %get3A_225 = arith.constant 0 : index
    %get3A_226 = arith.constant 3 : index
    %get3A_227 = arith.constant 0 : index
    %get3A_228 = vector.load %arg1[%get3A_224, %get3A_225, %get3A_226, %get3A_227] : memref<1x3x16x2048xf32, #tpu.memory_space<vmem>>, vector<1x3x1x2048xf32>
    %get3A_229 = vector.shape_cast %get3A_228 : vector<1x3x1x2048xf32> to vector<3x2048xf32>
    %dot_general3A_230 = arith.constant dense<0.000000e+00> : vector<64x2048xf32>
    %dot_general3A_231 = tpu.matmul %get3A_1, %get3A_229, %dot_general3A_230 {dimension_numbers = #tpu.dot_dimension_numbers<[1], [0], [0], [1], [0, 0, 1, 1], [], []>, transpose_lhs_hint = false} : vector<64x3xf32>, vector<3x2048xf32>, vector<64x2048xf32> -> vector<64x2048xf32>
    %add3A_232 = vector.broadcast %get3A_4 : vector<64x1xf32> to vector<64x2048xf32>
    %add3A_233 = arith.addf %dot_general3A_231, %add3A_232 : vector<64x2048xf32>
    %slice3A_234 = vector.extract_strided_slice %get3A_15 {offsets = [0, 0], sizes = [1, 64], strides = [1, 1]} : vector<4x64xf32> to vector<1x64xf32>
    %squeeze3A_235 = vector.shape_cast %slice3A_234 : vector<1x64xf32> to vector<64xf32>
    %broadcast_in_dim3A_236 = vector.shape_cast %squeeze3A_235 : vector<64xf32> to vector<64x1xf32>
    %slice3A_237 = vector.extract_strided_slice %get3A_15 {offsets = [1, 0], sizes = [1, 64], strides = [1, 1]} : vector<4x64xf32> to vector<1x64xf32>
    %squeeze3A_238 = vector.shape_cast %slice3A_237 : vector<1x64xf32> to vector<64xf32>
    %broadcast_in_dim3A_239 = vector.shape_cast %squeeze3A_238 : vector<64xf32> to vector<64x1xf32>
    %slice3A_240 = vector.extract_strided_slice %get3A_15 {offsets = [2, 0], sizes = [1, 64], strides = [1, 1]} : vector<4x64xf32> to vector<1x64xf32>
    %squeeze3A_241 = vector.shape_cast %slice3A_240 : vector<1x64xf32> to vector<64xf32>
    %broadcast_in_dim3A_242 = vector.shape_cast %squeeze3A_241 : vector<64xf32> to vector<64x1xf32>
    %slice3A_243 = vector.extract_strided_slice %get3A_15 {offsets = [3, 0], sizes = [1, 64], strides = [1, 1]} : vector<4x64xf32> to vector<1x64xf32>
    %squeeze3A_244 = vector.shape_cast %slice3A_243 : vector<1x64xf32> to vector<64xf32>
    %broadcast_in_dim3A_245 = vector.shape_cast %squeeze3A_244 : vector<64xf32> to vector<64x1xf32>
    %sub3A_246 = vector.broadcast %broadcast_in_dim3A_236 : vector<64x1xf32> to vector<64x2048xf32>
    %sub3A_247 = arith.subf %add3A_233, %sub3A_246 : vector<64x2048xf32>
    %div3A_248 = vector.broadcast %broadcast_in_dim3A_239 : vector<64x1xf32> to vector<64x2048xf32>
    %div3A_249 = arith.divf %sub3A_247, %div3A_248 : vector<64x2048xf32>
    %mul3A_250 = vector.broadcast %broadcast_in_dim3A_242 : vector<64x1xf32> to vector<64x2048xf32>
    %mul3A_251 = arith.mulf %div3A_249, %mul3A_250 : vector<64x2048xf32>
    %add3A_252 = vector.broadcast %broadcast_in_dim3A_245 : vector<64x1xf32> to vector<64x2048xf32>
    %add3A_253 = arith.addf %mul3A_251, %add3A_252 : vector<64x2048xf32>
    %max3A_254 = arith.constant 0.000000e+00 : f32
    %max3A_255 = vector.broadcast %max3A_254 : f32 to vector<64x2048xf32>
    %max3A_256 = arith.maximumf %add3A_253, %max3A_255 : vector<64x2048xf32>
    %dot_general3A_257 = arith.constant dense<0.000000e+00> : vector<128x2048xf32>
    %dot_general3A_258 = tpu.matmul %get3A_7, %max3A_256, %dot_general3A_257 {dimension_numbers = #tpu.dot_dimension_numbers<[1], [0], [0], [1], [0, 0, 1, 1], [], []>, transpose_lhs_hint = false} : vector<128x64xf32>, vector<64x2048xf32>, vector<128x2048xf32> -> vector<128x2048xf32>
    %add3A_259 = vector.broadcast %get3A_10 : vector<128x1xf32> to vector<128x2048xf32>
    %add3A_260 = arith.addf %dot_general3A_258, %add3A_259 : vector<128x2048xf32>
    %slice3A_261 = vector.extract_strided_slice %get3A_20 {offsets = [0, 0], sizes = [1, 128], strides = [1, 1]} : vector<4x128xf32> to vector<1x128xf32>
    %squeeze3A_262 = vector.shape_cast %slice3A_261 : vector<1x128xf32> to vector<128xf32>
    %broadcast_in_dim3A_263 = vector.shape_cast %squeeze3A_262 : vector<128xf32> to vector<128x1xf32>
    %slice3A_264 = vector.extract_strided_slice %get3A_20 {offsets = [1, 0], sizes = [1, 128], strides = [1, 1]} : vector<4x128xf32> to vector<1x128xf32>
    %squeeze3A_265 = vector.shape_cast %slice3A_264 : vector<1x128xf32> to vector<128xf32>
    %broadcast_in_dim3A_266 = vector.shape_cast %squeeze3A_265 : vector<128xf32> to vector<128x1xf32>
    %slice3A_267 = vector.extract_strided_slice %get3A_20 {offsets = [2, 0], sizes = [1, 128], strides = [1, 1]} : vector<4x128xf32> to vector<1x128xf32>
    %squeeze3A_268 = vector.shape_cast %slice3A_267 : vector<1x128xf32> to vector<128xf32>
    %broadcast_in_dim3A_269 = vector.shape_cast %squeeze3A_268 : vector<128xf32> to vector<128x1xf32>
    %slice3A_270 = vector.extract_strided_slice %get3A_20 {offsets = [3, 0], sizes = [1, 128], strides = [1, 1]} : vector<4x128xf32> to vector<1x128xf32>
    %squeeze3A_271 = vector.shape_cast %slice3A_270 : vector<1x128xf32> to vector<128xf32>
    %broadcast_in_dim3A_272 = vector.shape_cast %squeeze3A_271 : vector<128xf32> to vector<128x1xf32>
    %sub3A_273 = vector.broadcast %broadcast_in_dim3A_263 : vector<128x1xf32> to vector<128x2048xf32>
    %sub3A_274 = arith.subf %add3A_260, %sub3A_273 : vector<128x2048xf32>
    %div3A_275 = vector.broadcast %broadcast_in_dim3A_266 : vector<128x1xf32> to vector<128x2048xf32>
    %div3A_276 = arith.divf %sub3A_274, %div3A_275 : vector<128x2048xf32>
    %mul3A_277 = vector.broadcast %broadcast_in_dim3A_269 : vector<128x1xf32> to vector<128x2048xf32>
    %mul3A_278 = arith.mulf %div3A_276, %mul3A_277 : vector<128x2048xf32>
    %add3A_279 = vector.broadcast %broadcast_in_dim3A_272 : vector<128x1xf32> to vector<128x2048xf32>
    %add3A_280 = arith.addf %mul3A_278, %add3A_279 : vector<128x2048xf32>
    %max3A_281 = arith.constant 0.000000e+00 : f32
    %max3A_282 = vector.broadcast %max3A_281 : f32 to vector<128x2048xf32>
    %max3A_283 = arith.maximumf %add3A_280, %max3A_282 : vector<128x2048xf32>
    %get3A_284 = arith.constant 0 : index
    %get3A_285 = arith.constant 0 : index
    %get3A_286 = arith.constant 3 : index
    %get3A_287 = arith.constant 0 : index
    %get3A_288 = vector.load %arg2[%get3A_284, %get3A_285, %get3A_286, %get3A_287] : memref<1x1x16x2048xf32, #tpu.memory_space<vmem>>, vector<1x1x1x2048xf32>
    %get3A_289 = vector.shape_cast %get3A_288 : vector<1x1x1x2048xf32> to vector<2048xf32>
    %broadcast_in_dim3A_290 = vector.shape_cast %get3A_289 : vector<2048xf32> to vector<1x2048xf32>
    %mul3A_291 = vector.broadcast %broadcast_in_dim3A_290 : vector<1x2048xf32> to vector<128x2048xf32>
    %mul3A_292 = arith.mulf %max3A_283, %mul3A_291 : vector<128x2048xf32>
    %add3A_293 = arith.addf %add3A_223, %mul3A_292 : vector<128x2048xf32>
    %get3A_294 = arith.constant 0 : index
    %get3A_295 = arith.constant 0 : index
    %get3A_296 = arith.constant 4 : index
    %get3A_297 = arith.constant 0 : index
    %get3A_298 = vector.load %arg1[%get3A_294, %get3A_295, %get3A_296, %get3A_297] : memref<1x3x16x2048xf32, #tpu.memory_space<vmem>>, vector<1x3x1x2048xf32>
    %get3A_299 = vector.shape_cast %get3A_298 : vector<1x3x1x2048xf32> to vector<3x2048xf32>
    %dot_general3A_300 = arith.constant dense<0.000000e+00> : vector<64x2048xf32>
    %dot_general3A_301 = tpu.matmul %get3A_1, %get3A_299, %dot_general3A_300 {dimension_numbers = #tpu.dot_dimension_numbers<[1], [0], [0], [1], [0, 0, 1, 1], [], []>, transpose_lhs_hint = false} : vector<64x3xf32>, vector<3x2048xf32>, vector<64x2048xf32> -> vector<64x2048xf32>
    %add3A_302 = vector.broadcast %get3A_4 : vector<64x1xf32> to vector<64x2048xf32>
    %add3A_303 = arith.addf %dot_general3A_301, %add3A_302 : vector<64x2048xf32>
    %slice3A_304 = vector.extract_strided_slice %get3A_15 {offsets = [0, 0], sizes = [1, 64], strides = [1, 1]} : vector<4x64xf32> to vector<1x64xf32>
    %squeeze3A_305 = vector.shape_cast %slice3A_304 : vector<1x64xf32> to vector<64xf32>
    %broadcast_in_dim3A_306 = vector.shape_cast %squeeze3A_305 : vector<64xf32> to vector<64x1xf32>
    %slice3A_307 = vector.extract_strided_slice %get3A_15 {offsets = [1, 0], sizes = [1, 64], strides = [1, 1]} : vector<4x64xf32> to vector<1x64xf32>
    %squeeze3A_308 = vector.shape_cast %slice3A_307 : vector<1x64xf32> to vector<64xf32>
    %broadcast_in_dim3A_309 = vector.shape_cast %squeeze3A_308 : vector<64xf32> to vector<64x1xf32>
    %slice3A_310 = vector.extract_strided_slice %get3A_15 {offsets = [2, 0], sizes = [1, 64], strides = [1, 1]} : vector<4x64xf32> to vector<1x64xf32>
    %squeeze3A_311 = vector.shape_cast %slice3A_310 : vector<1x64xf32> to vector<64xf32>
    %broadcast_in_dim3A_312 = vector.shape_cast %squeeze3A_311 : vector<64xf32> to vector<64x1xf32>
    %slice3A_313 = vector.extract_strided_slice %get3A_15 {offsets = [3, 0], sizes = [1, 64], strides = [1, 1]} : vector<4x64xf32> to vector<1x64xf32>
    %squeeze3A_314 = vector.shape_cast %slice3A_313 : vector<1x64xf32> to vector<64xf32>
    %broadcast_in_dim3A_315 = vector.shape_cast %squeeze3A_314 : vector<64xf32> to vector<64x1xf32>
    %sub3A_316 = vector.broadcast %broadcast_in_dim3A_306 : vector<64x1xf32> to vector<64x2048xf32>
    %sub3A_317 = arith.subf %add3A_303, %sub3A_316 : vector<64x2048xf32>
    %div3A_318 = vector.broadcast %broadcast_in_dim3A_309 : vector<64x1xf32> to vector<64x2048xf32>
    %div3A_319 = arith.divf %sub3A_317, %div3A_318 : vector<64x2048xf32>
    %mul3A_320 = vector.broadcast %broadcast_in_dim3A_312 : vector<64x1xf32> to vector<64x2048xf32>
    %mul3A_321 = arith.mulf %div3A_319, %mul3A_320 : vector<64x2048xf32>
    %add3A_322 = vector.broadcast %broadcast_in_dim3A_315 : vector<64x1xf32> to vector<64x2048xf32>
    %add3A_323 = arith.addf %mul3A_321, %add3A_322 : vector<64x2048xf32>
    %max3A_324 = arith.constant 0.000000e+00 : f32
    %max3A_325 = vector.broadcast %max3A_324 : f32 to vector<64x2048xf32>
    %max3A_326 = arith.maximumf %add3A_323, %max3A_325 : vector<64x2048xf32>
    %dot_general3A_327 = arith.constant dense<0.000000e+00> : vector<128x2048xf32>
    %dot_general3A_328 = tpu.matmul %get3A_7, %max3A_326, %dot_general3A_327 {dimension_numbers = #tpu.dot_dimension_numbers<[1], [0], [0], [1], [0, 0, 1, 1], [], []>, transpose_lhs_hint = false} : vector<128x64xf32>, vector<64x2048xf32>, vector<128x2048xf32> -> vector<128x2048xf32>
    %add3A_329 = vector.broadcast %get3A_10 : vector<128x1xf32> to vector<128x2048xf32>
    %add3A_330 = arith.addf %dot_general3A_328, %add3A_329 : vector<128x2048xf32>
    %slice3A_331 = vector.extract_strided_slice %get3A_20 {offsets = [0, 0], sizes = [1, 128], strides = [1, 1]} : vector<4x128xf32> to vector<1x128xf32>
    %squeeze3A_332 = vector.shape_cast %slice3A_331 : vector<1x128xf32> to vector<128xf32>
    %broadcast_in_dim3A_333 = vector.shape_cast %squeeze3A_332 : vector<128xf32> to vector<128x1xf32>
    %slice3A_334 = vector.extract_strided_slice %get3A_20 {offsets = [1, 0], sizes = [1, 128], strides = [1, 1]} : vector<4x128xf32> to vector<1x128xf32>
    %squeeze3A_335 = vector.shape_cast %slice3A_334 : vector<1x128xf32> to vector<128xf32>
    %broadcast_in_dim3A_336 = vector.shape_cast %squeeze3A_335 : vector<128xf32> to vector<128x1xf32>
    %slice3A_337 = vector.extract_strided_slice %get3A_20 {offsets = [2, 0], sizes = [1, 128], strides = [1, 1]} : vector<4x128xf32> to vector<1x128xf32>
    %squeeze3A_338 = vector.shape_cast %slice3A_337 : vector<1x128xf32> to vector<128xf32>
    %broadcast_in_dim3A_339 = vector.shape_cast %squeeze3A_338 : vector<128xf32> to vector<128x1xf32>
    %slice3A_340 = vector.extract_strided_slice %get3A_20 {offsets = [3, 0], sizes = [1, 128], strides = [1, 1]} : vector<4x128xf32> to vector<1x128xf32>
    %squeeze3A_341 = vector.shape_cast %slice3A_340 : vector<1x128xf32> to vector<128xf32>
    %broadcast_in_dim3A_342 = vector.shape_cast %squeeze3A_341 : vector<128xf32> to vector<128x1xf32>
    %sub3A_343 = vector.broadcast %broadcast_in_dim3A_333 : vector<128x1xf32> to vector<128x2048xf32>
    %sub3A_344 = arith.subf %add3A_330, %sub3A_343 : vector<128x2048xf32>
    %div3A_345 = vector.broadcast %broadcast_in_dim3A_336 : vector<128x1xf32> to vector<128x2048xf32>
    %div3A_346 = arith.divf %sub3A_344, %div3A_345 : vector<128x2048xf32>
    %mul3A_347 = vector.broadcast %broadcast_in_dim3A_339 : vector<128x1xf32> to vector<128x2048xf32>
    %mul3A_348 = arith.mulf %div3A_346, %mul3A_347 : vector<128x2048xf32>
    %add3A_349 = vector.broadcast %broadcast_in_dim3A_342 : vector<128x1xf32> to vector<128x2048xf32>
    %add3A_350 = arith.addf %mul3A_348, %add3A_349 : vector<128x2048xf32>
    %max3A_351 = arith.constant 0.000000e+00 : f32
    %max3A_352 = vector.broadcast %max3A_351 : f32 to vector<128x2048xf32>
    %max3A_353 = arith.maximumf %add3A_350, %max3A_352 : vector<128x2048xf32>
    %get3A_354 = arith.constant 0 : index
    %get3A_355 = arith.constant 0 : index
    %get3A_356 = arith.constant 4 : index
    %get3A_357 = arith.constant 0 : index
    %get3A_358 = vector.load %arg2[%get3A_354, %get3A_355, %get3A_356, %get3A_357] : memref<1x1x16x2048xf32, #tpu.memory_space<vmem>>, vector<1x1x1x2048xf32>
    %get3A_359 = vector.shape_cast %get3A_358 : vector<1x1x1x2048xf32> to vector<2048xf32>
    %broadcast_in_dim3A_360 = vector.shape_cast %get3A_359 : vector<2048xf32> to vector<1x2048xf32>
    %mul3A_361 = vector.broadcast %broadcast_in_dim3A_360 : vector<1x2048xf32> to vector<128x2048xf32>
    %mul3A_362 = arith.mulf %max3A_353, %mul3A_361 : vector<128x2048xf32>
    %add3A_363 = arith.addf %add3A_293, %mul3A_362 : vector<128x2048xf32>
    %get3A_364 = arith.constant 0 : index
    %get3A_365 = arith.constant 0 : index
    %get3A_366 = arith.constant 5 : index
    %get3A_367 = arith.constant 0 : index
    %get3A_368 = vector.load %arg1[%get3A_364, %get3A_365, %get3A_366, %get3A_367] : memref<1x3x16x2048xf32, #tpu.memory_space<vmem>>, vector<1x3x1x2048xf32>
    %get3A_369 = vector.shape_cast %get3A_368 : vector<1x3x1x2048xf32> to vector<3x2048xf32>
    %dot_general3A_370 = arith.constant dense<0.000000e+00> : vector<64x2048xf32>
    %dot_general3A_371 = tpu.matmul %get3A_1, %get3A_369, %dot_general3A_370 {dimension_numbers = #tpu.dot_dimension_numbers<[1], [0], [0], [1], [0, 0, 1, 1], [], []>, transpose_lhs_hint = false} : vector<64x3xf32>, vector<3x2048xf32>, vector<64x2048xf32> -> vector<64x2048xf32>
    %add3A_372 = vector.broadcast %get3A_4 : vector<64x1xf32> to vector<64x2048xf32>
    %add3A_373 = arith.addf %dot_general3A_371, %add3A_372 : vector<64x2048xf32>
    %slice3A_374 = vector.extract_strided_slice %get3A_15 {offsets = [0, 0], sizes = [1, 64], strides = [1, 1]} : vector<4x64xf32> to vector<1x64xf32>
    %squeeze3A_375 = vector.shape_cast %slice3A_374 : vector<1x64xf32> to vector<64xf32>
    %broadcast_in_dim3A_376 = vector.shape_cast %squeeze3A_375 : vector<64xf32> to vector<64x1xf32>
    %slice3A_377 = vector.extract_strided_slice %get3A_15 {offsets = [1, 0], sizes = [1, 64], strides = [1, 1]} : vector<4x64xf32> to vector<1x64xf32>
    %squeeze3A_378 = vector.shape_cast %slice3A_377 : vector<1x64xf32> to vector<64xf32>
    %broadcast_in_dim3A_379 = vector.shape_cast %squeeze3A_378 : vector<64xf32> to vector<64x1xf32>
    %slice3A_380 = vector.extract_strided_slice %get3A_15 {offsets = [2, 0], sizes = [1, 64], strides = [1, 1]} : vector<4x64xf32> to vector<1x64xf32>
    %squeeze3A_381 = vector.shape_cast %slice3A_380 : vector<1x64xf32> to vector<64xf32>
    %broadcast_in_dim3A_382 = vector.shape_cast %squeeze3A_381 : vector<64xf32> to vector<64x1xf32>
    %slice3A_383 = vector.extract_strided_slice %get3A_15 {offsets = [3, 0], sizes = [1, 64], strides = [1, 1]} : vector<4x64xf32> to vector<1x64xf32>
    %squeeze3A_384 = vector.shape_cast %slice3A_383 : vector<1x64xf32> to vector<64xf32>
    %broadcast_in_dim3A_385 = vector.shape_cast %squeeze3A_384 : vector<64xf32> to vector<64x1xf32>
    %sub3A_386 = vector.broadcast %broadcast_in_dim3A_376 : vector<64x1xf32> to vector<64x2048xf32>
    %sub3A_387 = arith.subf %add3A_373, %sub3A_386 : vector<64x2048xf32>
    %div3A_388 = vector.broadcast %broadcast_in_dim3A_379 : vector<64x1xf32> to vector<64x2048xf32>
    %div3A_389 = arith.divf %sub3A_387, %div3A_388 : vector<64x2048xf32>
    %mul3A_390 = vector.broadcast %broadcast_in_dim3A_382 : vector<64x1xf32> to vector<64x2048xf32>
    %mul3A_391 = arith.mulf %div3A_389, %mul3A_390 : vector<64x2048xf32>
    %add3A_392 = vector.broadcast %broadcast_in_dim3A_385 : vector<64x1xf32> to vector<64x2048xf32>
    %add3A_393 = arith.addf %mul3A_391, %add3A_392 : vector<64x2048xf32>
    %max3A_394 = arith.constant 0.000000e+00 : f32
    %max3A_395 = vector.broadcast %max3A_394 : f32 to vector<64x2048xf32>
    %max3A_396 = arith.maximumf %add3A_393, %max3A_395 : vector<64x2048xf32>
    %dot_general3A_397 = arith.constant dense<0.000000e+00> : vector<128x2048xf32>
    %dot_general3A_398 = tpu.matmul %get3A_7, %max3A_396, %dot_general3A_397 {dimension_numbers = #tpu.dot_dimension_numbers<[1], [0], [0], [1], [0, 0, 1, 1], [], []>, transpose_lhs_hint = false} : vector<128x64xf32>, vector<64x2048xf32>, vector<128x2048xf32> -> vector<128x2048xf32>
    %add3A_399 = vector.broadcast %get3A_10 : vector<128x1xf32> to vector<128x2048xf32>
    %add3A_400 = arith.addf %dot_general3A_398, %add3A_399 : vector<128x2048xf32>
    %slice3A_401 = vector.extract_strided_slice %get3A_20 {offsets = [0, 0], sizes = [1, 128], strides = [1, 1]} : vector<4x128xf32> to vector<1x128xf32>
    %squeeze3A_402 = vector.shape_cast %slice3A_401 : vector<1x128xf32> to vector<128xf32>
    %broadcast_in_dim3A_403 = vector.shape_cast %squeeze3A_402 : vector<128xf32> to vector<128x1xf32>
    %slice3A_404 = vector.extract_strided_slice %get3A_20 {offsets = [1, 0], sizes = [1, 128], strides = [1, 1]} : vector<4x128xf32> to vector<1x128xf32>
    %squeeze3A_405 = vector.shape_cast %slice3A_404 : vector<1x128xf32> to vector<128xf32>
    %broadcast_in_dim3A_406 = vector.shape_cast %squeeze3A_405 : vector<128xf32> to vector<128x1xf32>
    %slice3A_407 = vector.extract_strided_slice %get3A_20 {offsets = [2, 0], sizes = [1, 128], strides = [1, 1]} : vector<4x128xf32> to vector<1x128xf32>
    %squeeze3A_408 = vector.shape_cast %slice3A_407 : vector<1x128xf32> to vector<128xf32>
    %broadcast_in_dim3A_409 = vector.shape_cast %squeeze3A_408 : vector<128xf32> to vector<128x1xf32>
    %slice3A_410 = vector.extract_strided_slice %get3A_20 {offsets = [3, 0], sizes = [1, 128], strides = [1, 1]} : vector<4x128xf32> to vector<1x128xf32>
    %squeeze3A_411 = vector.shape_cast %slice3A_410 : vector<1x128xf32> to vector<128xf32>
    %broadcast_in_dim3A_412 = vector.shape_cast %squeeze3A_411 : vector<128xf32> to vector<128x1xf32>
    %sub3A_413 = vector.broadcast %broadcast_in_dim3A_403 : vector<128x1xf32> to vector<128x2048xf32>
    %sub3A_414 = arith.subf %add3A_400, %sub3A_413 : vector<128x2048xf32>
    %div3A_415 = vector.broadcast %broadcast_in_dim3A_406 : vector<128x1xf32> to vector<128x2048xf32>
    %div3A_416 = arith.divf %sub3A_414, %div3A_415 : vector<128x2048xf32>
    %mul3A_417 = vector.broadcast %broadcast_in_dim3A_409 : vector<128x1xf32> to vector<128x2048xf32>
    %mul3A_418 = arith.mulf %div3A_416, %mul3A_417 : vector<128x2048xf32>
    %add3A_419 = vector.broadcast %broadcast_in_dim3A_412 : vector<128x1xf32> to vector<128x2048xf32>
    %add3A_420 = arith.addf %mul3A_418, %add3A_419 : vector<128x2048xf32>
    %max3A_421 = arith.constant 0.000000e+00 : f32
    %max3A_422 = vector.broadcast %max3A_421 : f32 to vector<128x2048xf32>
    %max3A_423 = arith.maximumf %add3A_420, %max3A_422 : vector<128x2048xf32>
    %get3A_424 = arith.constant 0 : index
    %get3A_425 = arith.constant 0 : index
    %get3A_426 = arith.constant 5 : index
    %get3A_427 = arith.constant 0 : index
    %get3A_428 = vector.load %arg2[%get3A_424, %get3A_425, %get3A_426, %get3A_427] : memref<1x1x16x2048xf32, #tpu.memory_space<vmem>>, vector<1x1x1x2048xf32>
    %get3A_429 = vector.shape_cast %get3A_428 : vector<1x1x1x2048xf32> to vector<2048xf32>
    %broadcast_in_dim3A_430 = vector.shape_cast %get3A_429 : vector<2048xf32> to vector<1x2048xf32>
    %mul3A_431 = vector.broadcast %broadcast_in_dim3A_430 : vector<1x2048xf32> to vector<128x2048xf32>
    %mul3A_432 = arith.mulf %max3A_423, %mul3A_431 : vector<128x2048xf32>
    %add3A_433 = arith.addf %add3A_363, %mul3A_432 : vector<128x2048xf32>
    %get3A_434 = arith.constant 0 : index
    %get3A_435 = arith.constant 0 : index
    %get3A_436 = arith.constant 6 : index
    %get3A_437 = arith.constant 0 : index
    %get3A_438 = vector.load %arg1[%get3A_434, %get3A_435, %get3A_436, %get3A_437] : memref<1x3x16x2048xf32, #tpu.memory_space<vmem>>, vector<1x3x1x2048xf32>
    %get3A_439 = vector.shape_cast %get3A_438 : vector<1x3x1x2048xf32> to vector<3x2048xf32>
    %dot_general3A_440 = arith.constant dense<0.000000e+00> : vector<64x2048xf32>
    %dot_general3A_441 = tpu.matmul %get3A_1, %get3A_439, %dot_general3A_440 {dimension_numbers = #tpu.dot_dimension_numbers<[1], [0], [0], [1], [0, 0, 1, 1], [], []>, transpose_lhs_hint = false} : vector<64x3xf32>, vector<3x2048xf32>, vector<64x2048xf32> -> vector<64x2048xf32>
    %add3A_442 = vector.broadcast %get3A_4 : vector<64x1xf32> to vector<64x2048xf32>
    %add3A_443 = arith.addf %dot_general3A_441, %add3A_442 : vector<64x2048xf32>
    %slice3A_444 = vector.extract_strided_slice %get3A_15 {offsets = [0, 0], sizes = [1, 64], strides = [1, 1]} : vector<4x64xf32> to vector<1x64xf32>
    %squeeze3A_445 = vector.shape_cast %slice3A_444 : vector<1x64xf32> to vector<64xf32>
    %broadcast_in_dim3A_446 = vector.shape_cast %squeeze3A_445 : vector<64xf32> to vector<64x1xf32>
    %slice3A_447 = vector.extract_strided_slice %get3A_15 {offsets = [1, 0], sizes = [1, 64], strides = [1, 1]} : vector<4x64xf32> to vector<1x64xf32>
    %squeeze3A_448 = vector.shape_cast %slice3A_447 : vector<1x64xf32> to vector<64xf32>
    %broadcast_in_dim3A_449 = vector.shape_cast %squeeze3A_448 : vector<64xf32> to vector<64x1xf32>
    %slice3A_450 = vector.extract_strided_slice %get3A_15 {offsets = [2, 0], sizes = [1, 64], strides = [1, 1]} : vector<4x64xf32> to vector<1x64xf32>
    %squeeze3A_451 = vector.shape_cast %slice3A_450 : vector<1x64xf32> to vector<64xf32>
    %broadcast_in_dim3A_452 = vector.shape_cast %squeeze3A_451 : vector<64xf32> to vector<64x1xf32>
    %slice3A_453 = vector.extract_strided_slice %get3A_15 {offsets = [3, 0], sizes = [1, 64], strides = [1, 1]} : vector<4x64xf32> to vector<1x64xf32>
    %squeeze3A_454 = vector.shape_cast %slice3A_453 : vector<1x64xf32> to vector<64xf32>
    %broadcast_in_dim3A_455 = vector.shape_cast %squeeze3A_454 : vector<64xf32> to vector<64x1xf32>
    %sub3A_456 = vector.broadcast %broadcast_in_dim3A_446 : vector<64x1xf32> to vector<64x2048xf32>
    %sub3A_457 = arith.subf %add3A_443, %sub3A_456 : vector<64x2048xf32>
    %div3A_458 = vector.broadcast %broadcast_in_dim3A_449 : vector<64x1xf32> to vector<64x2048xf32>
    %div3A_459 = arith.divf %sub3A_457, %div3A_458 : vector<64x2048xf32>
    %mul3A_460 = vector.broadcast %broadcast_in_dim3A_452 : vector<64x1xf32> to vector<64x2048xf32>
    %mul3A_461 = arith.mulf %div3A_459, %mul3A_460 : vector<64x2048xf32>
    %add3A_462 = vector.broadcast %broadcast_in_dim3A_455 : vector<64x1xf32> to vector<64x2048xf32>
    %add3A_463 = arith.addf %mul3A_461, %add3A_462 : vector<64x2048xf32>
    %max3A_464 = arith.constant 0.000000e+00 : f32
    %max3A_465 = vector.broadcast %max3A_464 : f32 to vector<64x2048xf32>
    %max3A_466 = arith.maximumf %add3A_463, %max3A_465 : vector<64x2048xf32>
    %dot_general3A_467 = arith.constant dense<0.000000e+00> : vector<128x2048xf32>
    %dot_general3A_468 = tpu.matmul %get3A_7, %max3A_466, %dot_general3A_467 {dimension_numbers = #tpu.dot_dimension_numbers<[1], [0], [0], [1], [0, 0, 1, 1], [], []>, transpose_lhs_hint = false} : vector<128x64xf32>, vector<64x2048xf32>, vector<128x2048xf32> -> vector<128x2048xf32>
    %add3A_469 = vector.broadcast %get3A_10 : vector<128x1xf32> to vector<128x2048xf32>
    %add3A_470 = arith.addf %dot_general3A_468, %add3A_469 : vector<128x2048xf32>
    %slice3A_471 = vector.extract_strided_slice %get3A_20 {offsets = [0, 0], sizes = [1, 128], strides = [1, 1]} : vector<4x128xf32> to vector<1x128xf32>
    %squeeze3A_472 = vector.shape_cast %slice3A_471 : vector<1x128xf32> to vector<128xf32>
    %broadcast_in_dim3A_473 = vector.shape_cast %squeeze3A_472 : vector<128xf32> to vector<128x1xf32>
    %slice3A_474 = vector.extract_strided_slice %get3A_20 {offsets = [1, 0], sizes = [1, 128], strides = [1, 1]} : vector<4x128xf32> to vector<1x128xf32>
    %squeeze3A_475 = vector.shape_cast %slice3A_474 : vector<1x128xf32> to vector<128xf32>
    %broadcast_in_dim3A_476 = vector.shape_cast %squeeze3A_475 : vector<128xf32> to vector<128x1xf32>
    %slice3A_477 = vector.extract_strided_slice %get3A_20 {offsets = [2, 0], sizes = [1, 128], strides = [1, 1]} : vector<4x128xf32> to vector<1x128xf32>
    %squeeze3A_478 = vector.shape_cast %slice3A_477 : vector<1x128xf32> to vector<128xf32>
    %broadcast_in_dim3A_479 = vector.shape_cast %squeeze3A_478 : vector<128xf32> to vector<128x1xf32>
    %slice3A_480 = vector.extract_strided_slice %get3A_20 {offsets = [3, 0], sizes = [1, 128], strides = [1, 1]} : vector<4x128xf32> to vector<1x128xf32>
    %squeeze3A_481 = vector.shape_cast %slice3A_480 : vector<1x128xf32> to vector<128xf32>
    %broadcast_in_dim3A_482 = vector.shape_cast %squeeze3A_481 : vector<128xf32> to vector<128x1xf32>
    %sub3A_483 = vector.broadcast %broadcast_in_dim3A_473 : vector<128x1xf32> to vector<128x2048xf32>
    %sub3A_484 = arith.subf %add3A_470, %sub3A_483 : vector<128x2048xf32>
    %div3A_485 = vector.broadcast %broadcast_in_dim3A_476 : vector<128x1xf32> to vector<128x2048xf32>
    %div3A_486 = arith.divf %sub3A_484, %div3A_485 : vector<128x2048xf32>
    %mul3A_487 = vector.broadcast %broadcast_in_dim3A_479 : vector<128x1xf32> to vector<128x2048xf32>
    %mul3A_488 = arith.mulf %div3A_486, %mul3A_487 : vector<128x2048xf32>
    %add3A_489 = vector.broadcast %broadcast_in_dim3A_482 : vector<128x1xf32> to vector<128x2048xf32>
    %add3A_490 = arith.addf %mul3A_488, %add3A_489 : vector<128x2048xf32>
    %max3A_491 = arith.constant 0.000000e+00 : f32
    %max3A_492 = vector.broadcast %max3A_491 : f32 to vector<128x2048xf32>
    %max3A_493 = arith.maximumf %add3A_490, %max3A_492 : vector<128x2048xf32>
    %get3A_494 = arith.constant 0 : index
    %get3A_495 = arith.constant 0 : index
    %get3A_496 = arith.constant 6 : index
    %get3A_497 = arith.constant 0 : index
    %get3A_498 = vector.load %arg2[%get3A_494, %get3A_495, %get3A_496, %get3A_497] : memref<1x1x16x2048xf32, #tpu.memory_space<vmem>>, vector<1x1x1x2048xf32>
    %get3A_499 = vector.shape_cast %get3A_498 : vector<1x1x1x2048xf32> to vector<2048xf32>
    %broadcast_in_dim3A_500 = vector.shape_cast %get3A_499 : vector<2048xf32> to vector<1x2048xf32>
    %mul3A_501 = vector.broadcast %broadcast_in_dim3A_500 : vector<1x2048xf32> to vector<128x2048xf32>
    %mul3A_502 = arith.mulf %max3A_493, %mul3A_501 : vector<128x2048xf32>
    %add3A_503 = arith.addf %add3A_433, %mul3A_502 : vector<128x2048xf32>
    %get3A_504 = arith.constant 0 : index
    %get3A_505 = arith.constant 0 : index
    %get3A_506 = arith.constant 7 : index
    %get3A_507 = arith.constant 0 : index
    %get3A_508 = vector.load %arg1[%get3A_504, %get3A_505, %get3A_506, %get3A_507] : memref<1x3x16x2048xf32, #tpu.memory_space<vmem>>, vector<1x3x1x2048xf32>
    %get3A_509 = vector.shape_cast %get3A_508 : vector<1x3x1x2048xf32> to vector<3x2048xf32>
    %dot_general3A_510 = arith.constant dense<0.000000e+00> : vector<64x2048xf32>
    %dot_general3A_511 = tpu.matmul %get3A_1, %get3A_509, %dot_general3A_510 {dimension_numbers = #tpu.dot_dimension_numbers<[1], [0], [0], [1], [0, 0, 1, 1], [], []>, transpose_lhs_hint = false} : vector<64x3xf32>, vector<3x2048xf32>, vector<64x2048xf32> -> vector<64x2048xf32>
    %add3A_512 = vector.broadcast %get3A_4 : vector<64x1xf32> to vector<64x2048xf32>
    %add3A_513 = arith.addf %dot_general3A_511, %add3A_512 : vector<64x2048xf32>
    %slice3A_514 = vector.extract_strided_slice %get3A_15 {offsets = [0, 0], sizes = [1, 64], strides = [1, 1]} : vector<4x64xf32> to vector<1x64xf32>
    %squeeze3A_515 = vector.shape_cast %slice3A_514 : vector<1x64xf32> to vector<64xf32>
    %broadcast_in_dim3A_516 = vector.shape_cast %squeeze3A_515 : vector<64xf32> to vector<64x1xf32>
    %slice3A_517 = vector.extract_strided_slice %get3A_15 {offsets = [1, 0], sizes = [1, 64], strides = [1, 1]} : vector<4x64xf32> to vector<1x64xf32>
    %squeeze3A_518 = vector.shape_cast %slice3A_517 : vector<1x64xf32> to vector<64xf32>
    %broadcast_in_dim3A_519 = vector.shape_cast %squeeze3A_518 : vector<64xf32> to vector<64x1xf32>
    %slice3A_520 = vector.extract_strided_slice %get3A_15 {offsets = [2, 0], sizes = [1, 64], strides = [1, 1]} : vector<4x64xf32> to vector<1x64xf32>
    %squeeze3A_521 = vector.shape_cast %slice3A_520 : vector<1x64xf32> to vector<64xf32>
    %broadcast_in_dim3A_522 = vector.shape_cast %squeeze3A_521 : vector<64xf32> to vector<64x1xf32>
    %slice3A_523 = vector.extract_strided_slice %get3A_15 {offsets = [3, 0], sizes = [1, 64], strides = [1, 1]} : vector<4x64xf32> to vector<1x64xf32>
    %squeeze3A_524 = vector.shape_cast %slice3A_523 : vector<1x64xf32> to vector<64xf32>
    %broadcast_in_dim3A_525 = vector.shape_cast %squeeze3A_524 : vector<64xf32> to vector<64x1xf32>
    %sub3A_526 = vector.broadcast %broadcast_in_dim3A_516 : vector<64x1xf32> to vector<64x2048xf32>
    %sub3A_527 = arith.subf %add3A_513, %sub3A_526 : vector<64x2048xf32>
    %div3A_528 = vector.broadcast %broadcast_in_dim3A_519 : vector<64x1xf32> to vector<64x2048xf32>
    %div3A_529 = arith.divf %sub3A_527, %div3A_528 : vector<64x2048xf32>
    %mul3A_530 = vector.broadcast %broadcast_in_dim3A_522 : vector<64x1xf32> to vector<64x2048xf32>
    %mul3A_531 = arith.mulf %div3A_529, %mul3A_530 : vector<64x2048xf32>
    %add3A_532 = vector.broadcast %broadcast_in_dim3A_525 : vector<64x1xf32> to vector<64x2048xf32>
    %add3A_533 = arith.addf %mul3A_531, %add3A_532 : vector<64x2048xf32>
    %max3A_534 = arith.constant 0.000000e+00 : f32
    %max3A_535 = vector.broadcast %max3A_534 : f32 to vector<64x2048xf32>
    %max3A_536 = arith.maximumf %add3A_533, %max3A_535 : vector<64x2048xf32>
    %dot_general3A_537 = arith.constant dense<0.000000e+00> : vector<128x2048xf32>
    %dot_general3A_538 = tpu.matmul %get3A_7, %max3A_536, %dot_general3A_537 {dimension_numbers = #tpu.dot_dimension_numbers<[1], [0], [0], [1], [0, 0, 1, 1], [], []>, transpose_lhs_hint = false} : vector<128x64xf32>, vector<64x2048xf32>, vector<128x2048xf32> -> vector<128x2048xf32>
    %add3A_539 = vector.broadcast %get3A_10 : vector<128x1xf32> to vector<128x2048xf32>
    %add3A_540 = arith.addf %dot_general3A_538, %add3A_539 : vector<128x2048xf32>
    %slice3A_541 = vector.extract_strided_slice %get3A_20 {offsets = [0, 0], sizes = [1, 128], strides = [1, 1]} : vector<4x128xf32> to vector<1x128xf32>
    %squeeze3A_542 = vector.shape_cast %slice3A_541 : vector<1x128xf32> to vector<128xf32>
    %broadcast_in_dim3A_543 = vector.shape_cast %squeeze3A_542 : vector<128xf32> to vector<128x1xf32>
    %slice3A_544 = vector.extract_strided_slice %get3A_20 {offsets = [1, 0], sizes = [1, 128], strides = [1, 1]} : vector<4x128xf32> to vector<1x128xf32>
    %squeeze3A_545 = vector.shape_cast %slice3A_544 : vector<1x128xf32> to vector<128xf32>
    %broadcast_in_dim3A_546 = vector.shape_cast %squeeze3A_545 : vector<128xf32> to vector<128x1xf32>
    %slice3A_547 = vector.extract_strided_slice %get3A_20 {offsets = [2, 0], sizes = [1, 128], strides = [1, 1]} : vector<4x128xf32> to vector<1x128xf32>
    %squeeze3A_548 = vector.shape_cast %slice3A_547 : vector<1x128xf32> to vector<128xf32>
    %broadcast_in_dim3A_549 = vector.shape_cast %squeeze3A_548 : vector<128xf32> to vector<128x1xf32>
    %slice3A_550 = vector.extract_strided_slice %get3A_20 {offsets = [3, 0], sizes = [1, 128], strides = [1, 1]} : vector<4x128xf32> to vector<1x128xf32>
    %squeeze3A_551 = vector.shape_cast %slice3A_550 : vector<1x128xf32> to vector<128xf32>
    %broadcast_in_dim3A_552 = vector.shape_cast %squeeze3A_551 : vector<128xf32> to vector<128x1xf32>
    %sub3A_553 = vector.broadcast %broadcast_in_dim3A_543 : vector<128x1xf32> to vector<128x2048xf32>
    %sub3A_554 = arith.subf %add3A_540, %sub3A_553 : vector<128x2048xf32>
    %div3A_555 = vector.broadcast %broadcast_in_dim3A_546 : vector<128x1xf32> to vector<128x2048xf32>
    %div3A_556 = arith.divf %sub3A_554, %div3A_555 : vector<128x2048xf32>
    %mul3A_557 = vector.broadcast %broadcast_in_dim3A_549 : vector<128x1xf32> to vector<128x2048xf32>
    %mul3A_558 = arith.mulf %div3A_556, %mul3A_557 : vector<128x2048xf32>
    %add3A_559 = vector.broadcast %broadcast_in_dim3A_552 : vector<128x1xf32> to vector<128x2048xf32>
    %add3A_560 = arith.addf %mul3A_558, %add3A_559 : vector<128x2048xf32>
    %max3A_561 = arith.constant 0.000000e+00 : f32
    %max3A_562 = vector.broadcast %max3A_561 : f32 to vector<128x2048xf32>
    %max3A_563 = arith.maximumf %add3A_560, %max3A_562 : vector<128x2048xf32>
    %get3A_564 = arith.constant 0 : index
    %get3A_565 = arith.constant 0 : index
    %get3A_566 = arith.constant 7 : index
    %get3A_567 = arith.constant 0 : index
    %get3A_568 = vector.load %arg2[%get3A_564, %get3A_565, %get3A_566, %get3A_567] : memref<1x1x16x2048xf32, #tpu.memory_space<vmem>>, vector<1x1x1x2048xf32>
    %get3A_569 = vector.shape_cast %get3A_568 : vector<1x1x1x2048xf32> to vector<2048xf32>
    %broadcast_in_dim3A_570 = vector.shape_cast %get3A_569 : vector<2048xf32> to vector<1x2048xf32>
    %mul3A_571 = vector.broadcast %broadcast_in_dim3A_570 : vector<1x2048xf32> to vector<128x2048xf32>
    %mul3A_572 = arith.mulf %max3A_563, %mul3A_571 : vector<128x2048xf32>
    %add3A_573 = arith.addf %add3A_503, %mul3A_572 : vector<128x2048xf32>
    %get3A_574 = arith.constant 0 : index
    %get3A_575 = arith.constant 0 : index
    %get3A_576 = arith.constant 8 : index
    %get3A_577 = arith.constant 0 : index
    %get3A_578 = vector.load %arg1[%get3A_574, %get3A_575, %get3A_576, %get3A_577] : memref<1x3x16x2048xf32, #tpu.memory_space<vmem>>, vector<1x3x1x2048xf32>
    %get3A_579 = vector.shape_cast %get3A_578 : vector<1x3x1x2048xf32> to vector<3x2048xf32>
    %dot_general3A_580 = arith.constant dense<0.000000e+00> : vector<64x2048xf32>
    %dot_general3A_581 = tpu.matmul %get3A_1, %get3A_579, %dot_general3A_580 {dimension_numbers = #tpu.dot_dimension_numbers<[1], [0], [0], [1], [0, 0, 1, 1], [], []>, transpose_lhs_hint = false} : vector<64x3xf32>, vector<3x2048xf32>, vector<64x2048xf32> -> vector<64x2048xf32>
    %add3A_582 = vector.broadcast %get3A_4 : vector<64x1xf32> to vector<64x2048xf32>
    %add3A_583 = arith.addf %dot_general3A_581, %add3A_582 : vector<64x2048xf32>
    %slice3A_584 = vector.extract_strided_slice %get3A_15 {offsets = [0, 0], sizes = [1, 64], strides = [1, 1]} : vector<4x64xf32> to vector<1x64xf32>
    %squeeze3A_585 = vector.shape_cast %slice3A_584 : vector<1x64xf32> to vector<64xf32>
    %broadcast_in_dim3A_586 = vector.shape_cast %squeeze3A_585 : vector<64xf32> to vector<64x1xf32>
    %slice3A_587 = vector.extract_strided_slice %get3A_15 {offsets = [1, 0], sizes = [1, 64], strides = [1, 1]} : vector<4x64xf32> to vector<1x64xf32>
    %squeeze3A_588 = vector.shape_cast %slice3A_587 : vector<1x64xf32> to vector<64xf32>
    %broadcast_in_dim3A_589 = vector.shape_cast %squeeze3A_588 : vector<64xf32> to vector<64x1xf32>
    %slice3A_590 = vector.extract_strided_slice %get3A_15 {offsets = [2, 0], sizes = [1, 64], strides = [1, 1]} : vector<4x64xf32> to vector<1x64xf32>
    %squeeze3A_591 = vector.shape_cast %slice3A_590 : vector<1x64xf32> to vector<64xf32>
    %broadcast_in_dim3A_592 = vector.shape_cast %squeeze3A_591 : vector<64xf32> to vector<64x1xf32>
    %slice3A_593 = vector.extract_strided_slice %get3A_15 {offsets = [3, 0], sizes = [1, 64], strides = [1, 1]} : vector<4x64xf32> to vector<1x64xf32>
    %squeeze3A_594 = vector.shape_cast %slice3A_593 : vector<1x64xf32> to vector<64xf32>
    %broadcast_in_dim3A_595 = vector.shape_cast %squeeze3A_594 : vector<64xf32> to vector<64x1xf32>
    %sub3A_596 = vector.broadcast %broadcast_in_dim3A_586 : vector<64x1xf32> to vector<64x2048xf32>
    %sub3A_597 = arith.subf %add3A_583, %sub3A_596 : vector<64x2048xf32>
    %div3A_598 = vector.broadcast %broadcast_in_dim3A_589 : vector<64x1xf32> to vector<64x2048xf32>
    %div3A_599 = arith.divf %sub3A_597, %div3A_598 : vector<64x2048xf32>
    %mul3A_600 = vector.broadcast %broadcast_in_dim3A_592 : vector<64x1xf32> to vector<64x2048xf32>
    %mul3A_601 = arith.mulf %div3A_599, %mul3A_600 : vector<64x2048xf32>
    %add3A_602 = vector.broadcast %broadcast_in_dim3A_595 : vector<64x1xf32> to vector<64x2048xf32>
    %add3A_603 = arith.addf %mul3A_601, %add3A_602 : vector<64x2048xf32>
    %max3A_604 = arith.constant 0.000000e+00 : f32
    %max3A_605 = vector.broadcast %max3A_604 : f32 to vector<64x2048xf32>
    %max3A_606 = arith.maximumf %add3A_603, %max3A_605 : vector<64x2048xf32>
    %dot_general3A_607 = arith.constant dense<0.000000e+00> : vector<128x2048xf32>
    %dot_general3A_608 = tpu.matmul %get3A_7, %max3A_606, %dot_general3A_607 {dimension_numbers = #tpu.dot_dimension_numbers<[1], [0], [0], [1], [0, 0, 1, 1], [], []>, transpose_lhs_hint = false} : vector<128x64xf32>, vector<64x2048xf32>, vector<128x2048xf32> -> vector<128x2048xf32>
    %add3A_609 = vector.broadcast %get3A_10 : vector<128x1xf32> to vector<128x2048xf32>
    %add3A_610 = arith.addf %dot_general3A_608, %add3A_609 : vector<128x2048xf32>
    %slice3A_611 = vector.extract_strided_slice %get3A_20 {offsets = [0, 0], sizes = [1, 128], strides = [1, 1]} : vector<4x128xf32> to vector<1x128xf32>
    %squeeze3A_612 = vector.shape_cast %slice3A_611 : vector<1x128xf32> to vector<128xf32>
    %broadcast_in_dim3A_613 = vector.shape_cast %squeeze3A_612 : vector<128xf32> to vector<128x1xf32>
    %slice3A_614 = vector.extract_strided_slice %get3A_20 {offsets = [1, 0], sizes = [1, 128], strides = [1, 1]} : vector<4x128xf32> to vector<1x128xf32>
    %squeeze3A_615 = vector.shape_cast %slice3A_614 : vector<1x128xf32> to vector<128xf32>
    %broadcast_in_dim3A_616 = vector.shape_cast %squeeze3A_615 : vector<128xf32> to vector<128x1xf32>
    %slice3A_617 = vector.extract_strided_slice %get3A_20 {offsets = [2, 0], sizes = [1, 128], strides = [1, 1]} : vector<4x128xf32> to vector<1x128xf32>
    %squeeze3A_618 = vector.shape_cast %slice3A_617 : vector<1x128xf32> to vector<128xf32>
    %broadcast_in_dim3A_619 = vector.shape_cast %squeeze3A_618 : vector<128xf32> to vector<128x1xf32>
    %slice3A_620 = vector.extract_strided_slice %get3A_20 {offsets = [3, 0], sizes = [1, 128], strides = [1, 1]} : vector<4x128xf32> to vector<1x128xf32>
    %squeeze3A_621 = vector.shape_cast %slice3A_620 : vector<1x128xf32> to vector<128xf32>
    %broadcast_in_dim3A_622 = vector.shape_cast %squeeze3A_621 : vector<128xf32> to vector<128x1xf32>
    %sub3A_623 = vector.broadcast %broadcast_in_dim3A_613 : vector<128x1xf32> to vector<128x2048xf32>
    %sub3A_624 = arith.subf %add3A_610, %sub3A_623 : vector<128x2048xf32>
    %div3A_625 = vector.broadcast %broadcast_in_dim3A_616 : vector<128x1xf32> to vector<128x2048xf32>
    %div3A_626 = arith.divf %sub3A_624, %div3A_625 : vector<128x2048xf32>
    %mul3A_627 = vector.broadcast %broadcast_in_dim3A_619 : vector<128x1xf32> to vector<128x2048xf32>
    %mul3A_628 = arith.mulf %div3A_626, %mul3A_627 : vector<128x2048xf32>
    %add3A_629 = vector.broadcast %broadcast_in_dim3A_622 : vector<128x1xf32> to vector<128x2048xf32>
    %add3A_630 = arith.addf %mul3A_628, %add3A_629 : vector<128x2048xf32>
    %max3A_631 = arith.constant 0.000000e+00 : f32
    %max3A_632 = vector.broadcast %max3A_631 : f32 to vector<128x2048xf32>
    %max3A_633 = arith.maximumf %add3A_630, %max3A_632 : vector<128x2048xf32>
    %get3A_634 = arith.constant 0 : index
    %get3A_635 = arith.constant 0 : index
    %get3A_636 = arith.constant 8 : index
    %get3A_637 = arith.constant 0 : index
    %get3A_638 = vector.load %arg2[%get3A_634, %get3A_635, %get3A_636, %get3A_637] : memref<1x1x16x2048xf32, #tpu.memory_space<vmem>>, vector<1x1x1x2048xf32>
    %get3A_639 = vector.shape_cast %get3A_638 : vector<1x1x1x2048xf32> to vector<2048xf32>
    %broadcast_in_dim3A_640 = vector.shape_cast %get3A_639 : vector<2048xf32> to vector<1x2048xf32>
    %mul3A_641 = vector.broadcast %broadcast_in_dim3A_640 : vector<1x2048xf32> to vector<128x2048xf32>
    %mul3A_642 = arith.mulf %max3A_633, %mul3A_641 : vector<128x2048xf32>
    %add3A_643 = arith.addf %add3A_573, %mul3A_642 : vector<128x2048xf32>
    %get3A_644 = arith.constant 0 : index
    %get3A_645 = arith.constant 0 : index
    %get3A_646 = arith.constant 9 : index
    %get3A_647 = arith.constant 0 : index
    %get3A_648 = vector.load %arg1[%get3A_644, %get3A_645, %get3A_646, %get3A_647] : memref<1x3x16x2048xf32, #tpu.memory_space<vmem>>, vector<1x3x1x2048xf32>
    %get3A_649 = vector.shape_cast %get3A_648 : vector<1x3x1x2048xf32> to vector<3x2048xf32>
    %dot_general3A_650 = arith.constant dense<0.000000e+00> : vector<64x2048xf32>
    %dot_general3A_651 = tpu.matmul %get3A_1, %get3A_649, %dot_general3A_650 {dimension_numbers = #tpu.dot_dimension_numbers<[1], [0], [0], [1], [0, 0, 1, 1], [], []>, transpose_lhs_hint = false} : vector<64x3xf32>, vector<3x2048xf32>, vector<64x2048xf32> -> vector<64x2048xf32>
    %add3A_652 = vector.broadcast %get3A_4 : vector<64x1xf32> to vector<64x2048xf32>
    %add3A_653 = arith.addf %dot_general3A_651, %add3A_652 : vector<64x2048xf32>
    %slice3A_654 = vector.extract_strided_slice %get3A_15 {offsets = [0, 0], sizes = [1, 64], strides = [1, 1]} : vector<4x64xf32> to vector<1x64xf32>
    %squeeze3A_655 = vector.shape_cast %slice3A_654 : vector<1x64xf32> to vector<64xf32>
    %broadcast_in_dim3A_656 = vector.shape_cast %squeeze3A_655 : vector<64xf32> to vector<64x1xf32>
    %slice3A_657 = vector.extract_strided_slice %get3A_15 {offsets = [1, 0], sizes = [1, 64], strides = [1, 1]} : vector<4x64xf32> to vector<1x64xf32>
    %squeeze3A_658 = vector.shape_cast %slice3A_657 : vector<1x64xf32> to vector<64xf32>
    %broadcast_in_dim3A_659 = vector.shape_cast %squeeze3A_658 : vector<64xf32> to vector<64x1xf32>
    %slice3A_660 = vector.extract_strided_slice %get3A_15 {offsets = [2, 0], sizes = [1, 64], strides = [1, 1]} : vector<4x64xf32> to vector<1x64xf32>
    %squeeze3A_661 = vector.shape_cast %slice3A_660 : vector<1x64xf32> to vector<64xf32>
    %broadcast_in_dim3A_662 = vector.shape_cast %squeeze3A_661 : vector<64xf32> to vector<64x1xf32>
    %slice3A_663 = vector.extract_strided_slice %get3A_15 {offsets = [3, 0], sizes = [1, 64], strides = [1, 1]} : vector<4x64xf32> to vector<1x64xf32>
    %squeeze3A_664 = vector.shape_cast %slice3A_663 : vector<1x64xf32> to vector<64xf32>
    %broadcast_in_dim3A_665 = vector.shape_cast %squeeze3A_664 : vector<64xf32> to vector<64x1xf32>
    %sub3A_666 = vector.broadcast %broadcast_in_dim3A_656 : vector<64x1xf32> to vector<64x2048xf32>
    %sub3A_667 = arith.subf %add3A_653, %sub3A_666 : vector<64x2048xf32>
    %div3A_668 = vector.broadcast %broadcast_in_dim3A_659 : vector<64x1xf32> to vector<64x2048xf32>
    %div3A_669 = arith.divf %sub3A_667, %div3A_668 : vector<64x2048xf32>
    %mul3A_670 = vector.broadcast %broadcast_in_dim3A_662 : vector<64x1xf32> to vector<64x2048xf32>
    %mul3A_671 = arith.mulf %div3A_669, %mul3A_670 : vector<64x2048xf32>
    %add3A_672 = vector.broadcast %broadcast_in_dim3A_665 : vector<64x1xf32> to vector<64x2048xf32>
    %add3A_673 = arith.addf %mul3A_671, %add3A_672 : vector<64x2048xf32>
    %max3A_674 = arith.constant 0.000000e+00 : f32
    %max3A_675 = vector.broadcast %max3A_674 : f32 to vector<64x2048xf32>
    %max3A_676 = arith.maximumf %add3A_673, %max3A_675 : vector<64x2048xf32>
    %dot_general3A_677 = arith.constant dense<0.000000e+00> : vector<128x2048xf32>
    %dot_general3A_678 = tpu.matmul %get3A_7, %max3A_676, %dot_general3A_677 {dimension_numbers = #tpu.dot_dimension_numbers<[1], [0], [0], [1], [0, 0, 1, 1], [], []>, transpose_lhs_hint = false} : vector<128x64xf32>, vector<64x2048xf32>, vector<128x2048xf32> -> vector<128x2048xf32>
    %add3A_679 = vector.broadcast %get3A_10 : vector<128x1xf32> to vector<128x2048xf32>
    %add3A_680 = arith.addf %dot_general3A_678, %add3A_679 : vector<128x2048xf32>
    %slice3A_681 = vector.extract_strided_slice %get3A_20 {offsets = [0, 0], sizes = [1, 128], strides = [1, 1]} : vector<4x128xf32> to vector<1x128xf32>
    %squeeze3A_682 = vector.shape_cast %slice3A_681 : vector<1x128xf32> to vector<128xf32>
    %broadcast_in_dim3A_683 = vector.shape_cast %squeeze3A_682 : vector<128xf32> to vector<128x1xf32>
    %slice3A_684 = vector.extract_strided_slice %get3A_20 {offsets = [1, 0], sizes = [1, 128], strides = [1, 1]} : vector<4x128xf32> to vector<1x128xf32>
    %squeeze3A_685 = vector.shape_cast %slice3A_684 : vector<1x128xf32> to vector<128xf32>
    %broadcast_in_dim3A_686 = vector.shape_cast %squeeze3A_685 : vector<128xf32> to vector<128x1xf32>
    %slice3A_687 = vector.extract_strided_slice %get3A_20 {offsets = [2, 0], sizes = [1, 128], strides = [1, 1]} : vector<4x128xf32> to vector<1x128xf32>
    %squeeze3A_688 = vector.shape_cast %slice3A_687 : vector<1x128xf32> to vector<128xf32>
    %broadcast_in_dim3A_689 = vector.shape_cast %squeeze3A_688 : vector<128xf32> to vector<128x1xf32>
    %slice3A_690 = vector.extract_strided_slice %get3A_20 {offsets = [3, 0], sizes = [1, 128], strides = [1, 1]} : vector<4x128xf32> to vector<1x128xf32>
    %squeeze3A_691 = vector.shape_cast %slice3A_690 : vector<1x128xf32> to vector<128xf32>
    %broadcast_in_dim3A_692 = vector.shape_cast %squeeze3A_691 : vector<128xf32> to vector<128x1xf32>
    %sub3A_693 = vector.broadcast %broadcast_in_dim3A_683 : vector<128x1xf32> to vector<128x2048xf32>
    %sub3A_694 = arith.subf %add3A_680, %sub3A_693 : vector<128x2048xf32>
    %div3A_695 = vector.broadcast %broadcast_in_dim3A_686 : vector<128x1xf32> to vector<128x2048xf32>
    %div3A_696 = arith.divf %sub3A_694, %div3A_695 : vector<128x2048xf32>
    %mul3A_697 = vector.broadcast %broadcast_in_dim3A_689 : vector<128x1xf32> to vector<128x2048xf32>
    %mul3A_698 = arith.mulf %div3A_696, %mul3A_697 : vector<128x2048xf32>
    %add3A_699 = vector.broadcast %broadcast_in_dim3A_692 : vector<128x1xf32> to vector<128x2048xf32>
    %add3A_700 = arith.addf %mul3A_698, %add3A_699 : vector<128x2048xf32>
    %max3A_701 = arith.constant 0.000000e+00 : f32
    %max3A_702 = vector.broadcast %max3A_701 : f32 to vector<128x2048xf32>
    %max3A_703 = arith.maximumf %add3A_700, %max3A_702 : vector<128x2048xf32>
    %get3A_704 = arith.constant 0 : index
    %get3A_705 = arith.constant 0 : index
    %get3A_706 = arith.constant 9 : index
    %get3A_707 = arith.constant 0 : index
    %get3A_708 = vector.load %arg2[%get3A_704, %get3A_705, %get3A_706, %get3A_707] : memref<1x1x16x2048xf32, #tpu.memory_space<vmem>>, vector<1x1x1x2048xf32>
    %get3A_709 = vector.shape_cast %get3A_708 : vector<1x1x1x2048xf32> to vector<2048xf32>
    %broadcast_in_dim3A_710 = vector.shape_cast %get3A_709 : vector<2048xf32> to vector<1x2048xf32>
    %mul3A_711 = vector.broadcast %broadcast_in_dim3A_710 : vector<1x2048xf32> to vector<128x2048xf32>
    %mul3A_712 = arith.mulf %max3A_703, %mul3A_711 : vector<128x2048xf32>
    %add3A_713 = arith.addf %add3A_643, %mul3A_712 : vector<128x2048xf32>
    %get3A_714 = arith.constant 0 : index
    %get3A_715 = arith.constant 0 : index
    %get3A_716 = arith.constant 10 : index
    %get3A_717 = arith.constant 0 : index
    %get3A_718 = vector.load %arg1[%get3A_714, %get3A_715, %get3A_716, %get3A_717] : memref<1x3x16x2048xf32, #tpu.memory_space<vmem>>, vector<1x3x1x2048xf32>
    %get3A_719 = vector.shape_cast %get3A_718 : vector<1x3x1x2048xf32> to vector<3x2048xf32>
    %dot_general3A_720 = arith.constant dense<0.000000e+00> : vector<64x2048xf32>
    %dot_general3A_721 = tpu.matmul %get3A_1, %get3A_719, %dot_general3A_720 {dimension_numbers = #tpu.dot_dimension_numbers<[1], [0], [0], [1], [0, 0, 1, 1], [], []>, transpose_lhs_hint = false} : vector<64x3xf32>, vector<3x2048xf32>, vector<64x2048xf32> -> vector<64x2048xf32>
    %add3A_722 = vector.broadcast %get3A_4 : vector<64x1xf32> to vector<64x2048xf32>
    %add3A_723 = arith.addf %dot_general3A_721, %add3A_722 : vector<64x2048xf32>
    %slice3A_724 = vector.extract_strided_slice %get3A_15 {offsets = [0, 0], sizes = [1, 64], strides = [1, 1]} : vector<4x64xf32> to vector<1x64xf32>
    %squeeze3A_725 = vector.shape_cast %slice3A_724 : vector<1x64xf32> to vector<64xf32>
    %broadcast_in_dim3A_726 = vector.shape_cast %squeeze3A_725 : vector<64xf32> to vector<64x1xf32>
    %slice3A_727 = vector.extract_strided_slice %get3A_15 {offsets = [1, 0], sizes = [1, 64], strides = [1, 1]} : vector<4x64xf32> to vector<1x64xf32>
    %squeeze3A_728 = vector.shape_cast %slice3A_727 : vector<1x64xf32> to vector<64xf32>
    %broadcast_in_dim3A_729 = vector.shape_cast %squeeze3A_728 : vector<64xf32> to vector<64x1xf32>
    %slice3A_730 = vector.extract_strided_slice %get3A_15 {offsets = [2, 0], sizes = [1, 64], strides = [1, 1]} : vector<4x64xf32> to vector<1x64xf32>
    %squeeze3A_731 = vector.shape_cast %slice3A_730 : vector<1x64xf32> to vector<64xf32>
    %broadcast_in_dim3A_732 = vector.shape_cast %squeeze3A_731 : vector<64xf32> to vector<64x1xf32>
    %slice3A_733 = vector.extract_strided_slice %get3A_15 {offsets = [3, 0], sizes = [1, 64], strides = [1, 1]} : vector<4x64xf32> to vector<1x64xf32>
    %squeeze3A_734 = vector.shape_cast %slice3A_733 : vector<1x64xf32> to vector<64xf32>
    %broadcast_in_dim3A_735 = vector.shape_cast %squeeze3A_734 : vector<64xf32> to vector<64x1xf32>
    %sub3A_736 = vector.broadcast %broadcast_in_dim3A_726 : vector<64x1xf32> to vector<64x2048xf32>
    %sub3A_737 = arith.subf %add3A_723, %sub3A_736 : vector<64x2048xf32>
    %div3A_738 = vector.broadcast %broadcast_in_dim3A_729 : vector<64x1xf32> to vector<64x2048xf32>
    %div3A_739 = arith.divf %sub3A_737, %div3A_738 : vector<64x2048xf32>
    %mul3A_740 = vector.broadcast %broadcast_in_dim3A_732 : vector<64x1xf32> to vector<64x2048xf32>
    %mul3A_741 = arith.mulf %div3A_739, %mul3A_740 : vector<64x2048xf32>
    %add3A_742 = vector.broadcast %broadcast_in_dim3A_735 : vector<64x1xf32> to vector<64x2048xf32>
    %add3A_743 = arith.addf %mul3A_741, %add3A_742 : vector<64x2048xf32>
    %max3A_744 = arith.constant 0.000000e+00 : f32
    %max3A_745 = vector.broadcast %max3A_744 : f32 to vector<64x2048xf32>
    %max3A_746 = arith.maximumf %add3A_743, %max3A_745 : vector<64x2048xf32>
    %dot_general3A_747 = arith.constant dense<0.000000e+00> : vector<128x2048xf32>
    %dot_general3A_748 = tpu.matmul %get3A_7, %max3A_746, %dot_general3A_747 {dimension_numbers = #tpu.dot_dimension_numbers<[1], [0], [0], [1], [0, 0, 1, 1], [], []>, transpose_lhs_hint = false} : vector<128x64xf32>, vector<64x2048xf32>, vector<128x2048xf32> -> vector<128x2048xf32>
    %add3A_749 = vector.broadcast %get3A_10 : vector<128x1xf32> to vector<128x2048xf32>
    %add3A_750 = arith.addf %dot_general3A_748, %add3A_749 : vector<128x2048xf32>
    %slice3A_751 = vector.extract_strided_slice %get3A_20 {offsets = [0, 0], sizes = [1, 128], strides = [1, 1]} : vector<4x128xf32> to vector<1x128xf32>
    %squeeze3A_752 = vector.shape_cast %slice3A_751 : vector<1x128xf32> to vector<128xf32>
    %broadcast_in_dim3A_753 = vector.shape_cast %squeeze3A_752 : vector<128xf32> to vector<128x1xf32>
    %slice3A_754 = vector.extract_strided_slice %get3A_20 {offsets = [1, 0], sizes = [1, 128], strides = [1, 1]} : vector<4x128xf32> to vector<1x128xf32>
    %squeeze3A_755 = vector.shape_cast %slice3A_754 : vector<1x128xf32> to vector<128xf32>
    %broadcast_in_dim3A_756 = vector.shape_cast %squeeze3A_755 : vector<128xf32> to vector<128x1xf32>
    %slice3A_757 = vector.extract_strided_slice %get3A_20 {offsets = [2, 0], sizes = [1, 128], strides = [1, 1]} : vector<4x128xf32> to vector<1x128xf32>
    %squeeze3A_758 = vector.shape_cast %slice3A_757 : vector<1x128xf32> to vector<128xf32>
    %broadcast_in_dim3A_759 = vector.shape_cast %squeeze3A_758 : vector<128xf32> to vector<128x1xf32>
    %slice3A_760 = vector.extract_strided_slice %get3A_20 {offsets = [3, 0], sizes = [1, 128], strides = [1, 1]} : vector<4x128xf32> to vector<1x128xf32>
    %squeeze3A_761 = vector.shape_cast %slice3A_760 : vector<1x128xf32> to vector<128xf32>
    %broadcast_in_dim3A_762 = vector.shape_cast %squeeze3A_761 : vector<128xf32> to vector<128x1xf32>
    %sub3A_763 = vector.broadcast %broadcast_in_dim3A_753 : vector<128x1xf32> to vector<128x2048xf32>
    %sub3A_764 = arith.subf %add3A_750, %sub3A_763 : vector<128x2048xf32>
    %div3A_765 = vector.broadcast %broadcast_in_dim3A_756 : vector<128x1xf32> to vector<128x2048xf32>
    %div3A_766 = arith.divf %sub3A_764, %div3A_765 : vector<128x2048xf32>
    %mul3A_767 = vector.broadcast %broadcast_in_dim3A_759 : vector<128x1xf32> to vector<128x2048xf32>
    %mul3A_768 = arith.mulf %div3A_766, %mul3A_767 : vector<128x2048xf32>
    %add3A_769 = vector.broadcast %broadcast_in_dim3A_762 : vector<128x1xf32> to vector<128x2048xf32>
    %add3A_770 = arith.addf %mul3A_768, %add3A_769 : vector<128x2048xf32>
    %max3A_771 = arith.constant 0.000000e+00 : f32
    %max3A_772 = vector.broadcast %max3A_771 : f32 to vector<128x2048xf32>
    %max3A_773 = arith.maximumf %add3A_770, %max3A_772 : vector<128x2048xf32>
    %get3A_774 = arith.constant 0 : index
    %get3A_775 = arith.constant 0 : index
    %get3A_776 = arith.constant 10 : index
    %get3A_777 = arith.constant 0 : index
    %get3A_778 = vector.load %arg2[%get3A_774, %get3A_775, %get3A_776, %get3A_777] : memref<1x1x16x2048xf32, #tpu.memory_space<vmem>>, vector<1x1x1x2048xf32>
    %get3A_779 = vector.shape_cast %get3A_778 : vector<1x1x1x2048xf32> to vector<2048xf32>
    %broadcast_in_dim3A_780 = vector.shape_cast %get3A_779 : vector<2048xf32> to vector<1x2048xf32>
    %mul3A_781 = vector.broadcast %broadcast_in_dim3A_780 : vector<1x2048xf32> to vector<128x2048xf32>
    %mul3A_782 = arith.mulf %max3A_773, %mul3A_781 : vector<128x2048xf32>
    %add3A_783 = arith.addf %add3A_713, %mul3A_782 : vector<128x2048xf32>
    %get3A_784 = arith.constant 0 : index
    %get3A_785 = arith.constant 0 : index
    %get3A_786 = arith.constant 11 : index
    %get3A_787 = arith.constant 0 : index
    %get3A_788 = vector.load %arg1[%get3A_784, %get3A_785, %get3A_786, %get3A_787] : memref<1x3x16x2048xf32, #tpu.memory_space<vmem>>, vector<1x3x1x2048xf32>
    %get3A_789 = vector.shape_cast %get3A_788 : vector<1x3x1x2048xf32> to vector<3x2048xf32>
    %dot_general3A_790 = arith.constant dense<0.000000e+00> : vector<64x2048xf32>
    %dot_general3A_791 = tpu.matmul %get3A_1, %get3A_789, %dot_general3A_790 {dimension_numbers = #tpu.dot_dimension_numbers<[1], [0], [0], [1], [0, 0, 1, 1], [], []>, transpose_lhs_hint = false} : vector<64x3xf32>, vector<3x2048xf32>, vector<64x2048xf32> -> vector<64x2048xf32>
    %add3A_792 = vector.broadcast %get3A_4 : vector<64x1xf32> to vector<64x2048xf32>
    %add3A_793 = arith.addf %dot_general3A_791, %add3A_792 : vector<64x2048xf32>
    %slice3A_794 = vector.extract_strided_slice %get3A_15 {offsets = [0, 0], sizes = [1, 64], strides = [1, 1]} : vector<4x64xf32> to vector<1x64xf32>
    %squeeze3A_795 = vector.shape_cast %slice3A_794 : vector<1x64xf32> to vector<64xf32>
    %broadcast_in_dim3A_796 = vector.shape_cast %squeeze3A_795 : vector<64xf32> to vector<64x1xf32>
    %slice3A_797 = vector.extract_strided_slice %get3A_15 {offsets = [1, 0], sizes = [1, 64], strides = [1, 1]} : vector<4x64xf32> to vector<1x64xf32>
    %squeeze3A_798 = vector.shape_cast %slice3A_797 : vector<1x64xf32> to vector<64xf32>
    %broadcast_in_dim3A_799 = vector.shape_cast %squeeze3A_798 : vector<64xf32> to vector<64x1xf32>
    %slice3A_800 = vector.extract_strided_slice %get3A_15 {offsets = [2, 0], sizes = [1, 64], strides = [1, 1]} : vector<4x64xf32> to vector<1x64xf32>
    %squeeze3A_801 = vector.shape_cast %slice3A_800 : vector<1x64xf32> to vector<64xf32>
    %broadcast_in_dim3A_802 = vector.shape_cast %squeeze3A_801 : vector<64xf32> to vector<64x1xf32>
    %slice3A_803 = vector.extract_strided_slice %get3A_15 {offsets = [3, 0], sizes = [1, 64], strides = [1, 1]} : vector<4x64xf32> to vector<1x64xf32>
    %squeeze3A_804 = vector.shape_cast %slice3A_803 : vector<1x64xf32> to vector<64xf32>
    %broadcast_in_dim3A_805 = vector.shape_cast %squeeze3A_804 : vector<64xf32> to vector<64x1xf32>
    %sub3A_806 = vector.broadcast %broadcast_in_dim3A_796 : vector<64x1xf32> to vector<64x2048xf32>
    %sub3A_807 = arith.subf %add3A_793, %sub3A_806 : vector<64x2048xf32>
    %div3A_808 = vector.broadcast %broadcast_in_dim3A_799 : vector<64x1xf32> to vector<64x2048xf32>
    %div3A_809 = arith.divf %sub3A_807, %div3A_808 : vector<64x2048xf32>
    %mul3A_810 = vector.broadcast %broadcast_in_dim3A_802 : vector<64x1xf32> to vector<64x2048xf32>
    %mul3A_811 = arith.mulf %div3A_809, %mul3A_810 : vector<64x2048xf32>
    %add3A_812 = vector.broadcast %broadcast_in_dim3A_805 : vector<64x1xf32> to vector<64x2048xf32>
    %add3A_813 = arith.addf %mul3A_811, %add3A_812 : vector<64x2048xf32>
    %max3A_814 = arith.constant 0.000000e+00 : f32
    %max3A_815 = vector.broadcast %max3A_814 : f32 to vector<64x2048xf32>
    %max3A_816 = arith.maximumf %add3A_813, %max3A_815 : vector<64x2048xf32>
    %dot_general3A_817 = arith.constant dense<0.000000e+00> : vector<128x2048xf32>
    %dot_general3A_818 = tpu.matmul %get3A_7, %max3A_816, %dot_general3A_817 {dimension_numbers = #tpu.dot_dimension_numbers<[1], [0], [0], [1], [0, 0, 1, 1], [], []>, transpose_lhs_hint = false} : vector<128x64xf32>, vector<64x2048xf32>, vector<128x2048xf32> -> vector<128x2048xf32>
    %add3A_819 = vector.broadcast %get3A_10 : vector<128x1xf32> to vector<128x2048xf32>
    %add3A_820 = arith.addf %dot_general3A_818, %add3A_819 : vector<128x2048xf32>
    %slice3A_821 = vector.extract_strided_slice %get3A_20 {offsets = [0, 0], sizes = [1, 128], strides = [1, 1]} : vector<4x128xf32> to vector<1x128xf32>
    %squeeze3A_822 = vector.shape_cast %slice3A_821 : vector<1x128xf32> to vector<128xf32>
    %broadcast_in_dim3A_823 = vector.shape_cast %squeeze3A_822 : vector<128xf32> to vector<128x1xf32>
    %slice3A_824 = vector.extract_strided_slice %get3A_20 {offsets = [1, 0], sizes = [1, 128], strides = [1, 1]} : vector<4x128xf32> to vector<1x128xf32>
    %squeeze3A_825 = vector.shape_cast %slice3A_824 : vector<1x128xf32> to vector<128xf32>
    %broadcast_in_dim3A_826 = vector.shape_cast %squeeze3A_825 : vector<128xf32> to vector<128x1xf32>
    %slice3A_827 = vector.extract_strided_slice %get3A_20 {offsets = [2, 0], sizes = [1, 128], strides = [1, 1]} : vector<4x128xf32> to vector<1x128xf32>
    %squeeze3A_828 = vector.shape_cast %slice3A_827 : vector<1x128xf32> to vector<128xf32>
    %broadcast_in_dim3A_829 = vector.shape_cast %squeeze3A_828 : vector<128xf32> to vector<128x1xf32>
    %slice3A_830 = vector.extract_strided_slice %get3A_20 {offsets = [3, 0], sizes = [1, 128], strides = [1, 1]} : vector<4x128xf32> to vector<1x128xf32>
    %squeeze3A_831 = vector.shape_cast %slice3A_830 : vector<1x128xf32> to vector<128xf32>
    %broadcast_in_dim3A_832 = vector.shape_cast %squeeze3A_831 : vector<128xf32> to vector<128x1xf32>
    %sub3A_833 = vector.broadcast %broadcast_in_dim3A_823 : vector<128x1xf32> to vector<128x2048xf32>
    %sub3A_834 = arith.subf %add3A_820, %sub3A_833 : vector<128x2048xf32>
    %div3A_835 = vector.broadcast %broadcast_in_dim3A_826 : vector<128x1xf32> to vector<128x2048xf32>
    %div3A_836 = arith.divf %sub3A_834, %div3A_835 : vector<128x2048xf32>
    %mul3A_837 = vector.broadcast %broadcast_in_dim3A_829 : vector<128x1xf32> to vector<128x2048xf32>
    %mul3A_838 = arith.mulf %div3A_836, %mul3A_837 : vector<128x2048xf32>
    %add3A_839 = vector.broadcast %broadcast_in_dim3A_832 : vector<128x1xf32> to vector<128x2048xf32>
    %add3A_840 = arith.addf %mul3A_838, %add3A_839 : vector<128x2048xf32>
    %max3A_841 = arith.constant 0.000000e+00 : f32
    %max3A_842 = vector.broadcast %max3A_841 : f32 to vector<128x2048xf32>
    %max3A_843 = arith.maximumf %add3A_840, %max3A_842 : vector<128x2048xf32>
    %get3A_844 = arith.constant 0 : index
    %get3A_845 = arith.constant 0 : index
    %get3A_846 = arith.constant 11 : index
    %get3A_847 = arith.constant 0 : index
    %get3A_848 = vector.load %arg2[%get3A_844, %get3A_845, %get3A_846, %get3A_847] : memref<1x1x16x2048xf32, #tpu.memory_space<vmem>>, vector<1x1x1x2048xf32>
    %get3A_849 = vector.shape_cast %get3A_848 : vector<1x1x1x2048xf32> to vector<2048xf32>
    %broadcast_in_dim3A_850 = vector.shape_cast %get3A_849 : vector<2048xf32> to vector<1x2048xf32>
    %mul3A_851 = vector.broadcast %broadcast_in_dim3A_850 : vector<1x2048xf32> to vector<128x2048xf32>
    %mul3A_852 = arith.mulf %max3A_843, %mul3A_851 : vector<128x2048xf32>
    %add3A_853 = arith.addf %add3A_783, %mul3A_852 : vector<128x2048xf32>
    %get3A_854 = arith.constant 0 : index
    %get3A_855 = arith.constant 0 : index
    %get3A_856 = arith.constant 12 : index
    %get3A_857 = arith.constant 0 : index
    %get3A_858 = vector.load %arg1[%get3A_854, %get3A_855, %get3A_856, %get3A_857] : memref<1x3x16x2048xf32, #tpu.memory_space<vmem>>, vector<1x3x1x2048xf32>
    %get3A_859 = vector.shape_cast %get3A_858 : vector<1x3x1x2048xf32> to vector<3x2048xf32>
    %dot_general3A_860 = arith.constant dense<0.000000e+00> : vector<64x2048xf32>
    %dot_general3A_861 = tpu.matmul %get3A_1, %get3A_859, %dot_general3A_860 {dimension_numbers = #tpu.dot_dimension_numbers<[1], [0], [0], [1], [0, 0, 1, 1], [], []>, transpose_lhs_hint = false} : vector<64x3xf32>, vector<3x2048xf32>, vector<64x2048xf32> -> vector<64x2048xf32>
    %add3A_862 = vector.broadcast %get3A_4 : vector<64x1xf32> to vector<64x2048xf32>
    %add3A_863 = arith.addf %dot_general3A_861, %add3A_862 : vector<64x2048xf32>
    %slice3A_864 = vector.extract_strided_slice %get3A_15 {offsets = [0, 0], sizes = [1, 64], strides = [1, 1]} : vector<4x64xf32> to vector<1x64xf32>
    %squeeze3A_865 = vector.shape_cast %slice3A_864 : vector<1x64xf32> to vector<64xf32>
    %broadcast_in_dim3A_866 = vector.shape_cast %squeeze3A_865 : vector<64xf32> to vector<64x1xf32>
    %slice3A_867 = vector.extract_strided_slice %get3A_15 {offsets = [1, 0], sizes = [1, 64], strides = [1, 1]} : vector<4x64xf32> to vector<1x64xf32>
    %squeeze3A_868 = vector.shape_cast %slice3A_867 : vector<1x64xf32> to vector<64xf32>
    %broadcast_in_dim3A_869 = vector.shape_cast %squeeze3A_868 : vector<64xf32> to vector<64x1xf32>
    %slice3A_870 = vector.extract_strided_slice %get3A_15 {offsets = [2, 0], sizes = [1, 64], strides = [1, 1]} : vector<4x64xf32> to vector<1x64xf32>
    %squeeze3A_871 = vector.shape_cast %slice3A_870 : vector<1x64xf32> to vector<64xf32>
    %broadcast_in_dim3A_872 = vector.shape_cast %squeeze3A_871 : vector<64xf32> to vector<64x1xf32>
    %slice3A_873 = vector.extract_strided_slice %get3A_15 {offsets = [3, 0], sizes = [1, 64], strides = [1, 1]} : vector<4x64xf32> to vector<1x64xf32>
    %squeeze3A_874 = vector.shape_cast %slice3A_873 : vector<1x64xf32> to vector<64xf32>
    %broadcast_in_dim3A_875 = vector.shape_cast %squeeze3A_874 : vector<64xf32> to vector<64x1xf32>
    %sub3A_876 = vector.broadcast %broadcast_in_dim3A_866 : vector<64x1xf32> to vector<64x2048xf32>
    %sub3A_877 = arith.subf %add3A_863, %sub3A_876 : vector<64x2048xf32>
    %div3A_878 = vector.broadcast %broadcast_in_dim3A_869 : vector<64x1xf32> to vector<64x2048xf32>
    %div3A_879 = arith.divf %sub3A_877, %div3A_878 : vector<64x2048xf32>
    %mul3A_880 = vector.broadcast %broadcast_in_dim3A_872 : vector<64x1xf32> to vector<64x2048xf32>
    %mul3A_881 = arith.mulf %div3A_879, %mul3A_880 : vector<64x2048xf32>
    %add3A_882 = vector.broadcast %broadcast_in_dim3A_875 : vector<64x1xf32> to vector<64x2048xf32>
    %add3A_883 = arith.addf %mul3A_881, %add3A_882 : vector<64x2048xf32>
    %max3A_884 = arith.constant 0.000000e+00 : f32
    %max3A_885 = vector.broadcast %max3A_884 : f32 to vector<64x2048xf32>
    %max3A_886 = arith.maximumf %add3A_883, %max3A_885 : vector<64x2048xf32>
    %dot_general3A_887 = arith.constant dense<0.000000e+00> : vector<128x2048xf32>
    %dot_general3A_888 = tpu.matmul %get3A_7, %max3A_886, %dot_general3A_887 {dimension_numbers = #tpu.dot_dimension_numbers<[1], [0], [0], [1], [0, 0, 1, 1], [], []>, transpose_lhs_hint = false} : vector<128x64xf32>, vector<64x2048xf32>, vector<128x2048xf32> -> vector<128x2048xf32>
    %add3A_889 = vector.broadcast %get3A_10 : vector<128x1xf32> to vector<128x2048xf32>
    %add3A_890 = arith.addf %dot_general3A_888, %add3A_889 : vector<128x2048xf32>
    %slice3A_891 = vector.extract_strided_slice %get3A_20 {offsets = [0, 0], sizes = [1, 128], strides = [1, 1]} : vector<4x128xf32> to vector<1x128xf32>
    %squeeze3A_892 = vector.shape_cast %slice3A_891 : vector<1x128xf32> to vector<128xf32>
    %broadcast_in_dim3A_893 = vector.shape_cast %squeeze3A_892 : vector<128xf32> to vector<128x1xf32>
    %slice3A_894 = vector.extract_strided_slice %get3A_20 {offsets = [1, 0], sizes = [1, 128], strides = [1, 1]} : vector<4x128xf32> to vector<1x128xf32>
    %squeeze3A_895 = vector.shape_cast %slice3A_894 : vector<1x128xf32> to vector<128xf32>
    %broadcast_in_dim3A_896 = vector.shape_cast %squeeze3A_895 : vector<128xf32> to vector<128x1xf32>
    %slice3A_897 = vector.extract_strided_slice %get3A_20 {offsets = [2, 0], sizes = [1, 128], strides = [1, 1]} : vector<4x128xf32> to vector<1x128xf32>
    %squeeze3A_898 = vector.shape_cast %slice3A_897 : vector<1x128xf32> to vector<128xf32>
    %broadcast_in_dim3A_899 = vector.shape_cast %squeeze3A_898 : vector<128xf32> to vector<128x1xf32>
    %slice3A_900 = vector.extract_strided_slice %get3A_20 {offsets = [3, 0], sizes = [1, 128], strides = [1, 1]} : vector<4x128xf32> to vector<1x128xf32>
    %squeeze3A_901 = vector.shape_cast %slice3A_900 : vector<1x128xf32> to vector<128xf32>
    %broadcast_in_dim3A_902 = vector.shape_cast %squeeze3A_901 : vector<128xf32> to vector<128x1xf32>
    %sub3A_903 = vector.broadcast %broadcast_in_dim3A_893 : vector<128x1xf32> to vector<128x2048xf32>
    %sub3A_904 = arith.subf %add3A_890, %sub3A_903 : vector<128x2048xf32>
    %div3A_905 = vector.broadcast %broadcast_in_dim3A_896 : vector<128x1xf32> to vector<128x2048xf32>
    %div3A_906 = arith.divf %sub3A_904, %div3A_905 : vector<128x2048xf32>
    %mul3A_907 = vector.broadcast %broadcast_in_dim3A_899 : vector<128x1xf32> to vector<128x2048xf32>
    %mul3A_908 = arith.mulf %div3A_906, %mul3A_907 : vector<128x2048xf32>
    %add3A_909 = vector.broadcast %broadcast_in_dim3A_902 : vector<128x1xf32> to vector<128x2048xf32>
    %add3A_910 = arith.addf %mul3A_908, %add3A_909 : vector<128x2048xf32>
    %max3A_911 = arith.constant 0.000000e+00 : f32
    %max3A_912 = vector.broadcast %max3A_911 : f32 to vector<128x2048xf32>
    %max3A_913 = arith.maximumf %add3A_910, %max3A_912 : vector<128x2048xf32>
    %get3A_914 = arith.constant 0 : index
    %get3A_915 = arith.constant 0 : index
    %get3A_916 = arith.constant 12 : index
    %get3A_917 = arith.constant 0 : index
    %get3A_918 = vector.load %arg2[%get3A_914, %get3A_915, %get3A_916, %get3A_917] : memref<1x1x16x2048xf32, #tpu.memory_space<vmem>>, vector<1x1x1x2048xf32>
    %get3A_919 = vector.shape_cast %get3A_918 : vector<1x1x1x2048xf32> to vector<2048xf32>
    %broadcast_in_dim3A_920 = vector.shape_cast %get3A_919 : vector<2048xf32> to vector<1x2048xf32>
    %mul3A_921 = vector.broadcast %broadcast_in_dim3A_920 : vector<1x2048xf32> to vector<128x2048xf32>
    %mul3A_922 = arith.mulf %max3A_913, %mul3A_921 : vector<128x2048xf32>
    %add3A_923 = arith.addf %add3A_853, %mul3A_922 : vector<128x2048xf32>
    %get3A_924 = arith.constant 0 : index
    %get3A_925 = arith.constant 0 : index
    %get3A_926 = arith.constant 13 : index
    %get3A_927 = arith.constant 0 : index
    %get3A_928 = vector.load %arg1[%get3A_924, %get3A_925, %get3A_926, %get3A_927] : memref<1x3x16x2048xf32, #tpu.memory_space<vmem>>, vector<1x3x1x2048xf32>
    %get3A_929 = vector.shape_cast %get3A_928 : vector<1x3x1x2048xf32> to vector<3x2048xf32>
    %dot_general3A_930 = arith.constant dense<0.000000e+00> : vector<64x2048xf32>
    %dot_general3A_931 = tpu.matmul %get3A_1, %get3A_929, %dot_general3A_930 {dimension_numbers = #tpu.dot_dimension_numbers<[1], [0], [0], [1], [0, 0, 1, 1], [], []>, transpose_lhs_hint = false} : vector<64x3xf32>, vector<3x2048xf32>, vector<64x2048xf32> -> vector<64x2048xf32>
    %add3A_932 = vector.broadcast %get3A_4 : vector<64x1xf32> to vector<64x2048xf32>
    %add3A_933 = arith.addf %dot_general3A_931, %add3A_932 : vector<64x2048xf32>
    %slice3A_934 = vector.extract_strided_slice %get3A_15 {offsets = [0, 0], sizes = [1, 64], strides = [1, 1]} : vector<4x64xf32> to vector<1x64xf32>
    %squeeze3A_935 = vector.shape_cast %slice3A_934 : vector<1x64xf32> to vector<64xf32>
    %broadcast_in_dim3A_936 = vector.shape_cast %squeeze3A_935 : vector<64xf32> to vector<64x1xf32>
    %slice3A_937 = vector.extract_strided_slice %get3A_15 {offsets = [1, 0], sizes = [1, 64], strides = [1, 1]} : vector<4x64xf32> to vector<1x64xf32>
    %squeeze3A_938 = vector.shape_cast %slice3A_937 : vector<1x64xf32> to vector<64xf32>
    %broadcast_in_dim3A_939 = vector.shape_cast %squeeze3A_938 : vector<64xf32> to vector<64x1xf32>
    %slice3A_940 = vector.extract_strided_slice %get3A_15 {offsets = [2, 0], sizes = [1, 64], strides = [1, 1]} : vector<4x64xf32> to vector<1x64xf32>
    %squeeze3A_941 = vector.shape_cast %slice3A_940 : vector<1x64xf32> to vector<64xf32>
    %broadcast_in_dim3A_942 = vector.shape_cast %squeeze3A_941 : vector<64xf32> to vector<64x1xf32>
    %slice3A_943 = vector.extract_strided_slice %get3A_15 {offsets = [3, 0], sizes = [1, 64], strides = [1, 1]} : vector<4x64xf32> to vector<1x64xf32>
    %squeeze3A_944 = vector.shape_cast %slice3A_943 : vector<1x64xf32> to vector<64xf32>
    %broadcast_in_dim3A_945 = vector.shape_cast %squeeze3A_944 : vector<64xf32> to vector<64x1xf32>
    %sub3A_946 = vector.broadcast %broadcast_in_dim3A_936 : vector<64x1xf32> to vector<64x2048xf32>
    %sub3A_947 = arith.subf %add3A_933, %sub3A_946 : vector<64x2048xf32>
    %div3A_948 = vector.broadcast %broadcast_in_dim3A_939 : vector<64x1xf32> to vector<64x2048xf32>
    %div3A_949 = arith.divf %sub3A_947, %div3A_948 : vector<64x2048xf32>
    %mul3A_950 = vector.broadcast %broadcast_in_dim3A_942 : vector<64x1xf32> to vector<64x2048xf32>
    %mul3A_951 = arith.mulf %div3A_949, %mul3A_950 : vector<64x2048xf32>
    %add3A_952 = vector.broadcast %broadcast_in_dim3A_945 : vector<64x1xf32> to vector<64x2048xf32>
    %add3A_953 = arith.addf %mul3A_951, %add3A_952 : vector<64x2048xf32>
    %max3A_954 = arith.constant 0.000000e+00 : f32
    %max3A_955 = vector.broadcast %max3A_954 : f32 to vector<64x2048xf32>
    %max3A_956 = arith.maximumf %add3A_953, %max3A_955 : vector<64x2048xf32>
    %dot_general3A_957 = arith.constant dense<0.000000e+00> : vector<128x2048xf32>
    %dot_general3A_958 = tpu.matmul %get3A_7, %max3A_956, %dot_general3A_957 {dimension_numbers = #tpu.dot_dimension_numbers<[1], [0], [0], [1], [0, 0, 1, 1], [], []>, transpose_lhs_hint = false} : vector<128x64xf32>, vector<64x2048xf32>, vector<128x2048xf32> -> vector<128x2048xf32>
    %add3A_959 = vector.broadcast %get3A_10 : vector<128x1xf32> to vector<128x2048xf32>
    %add3A_960 = arith.addf %dot_general3A_958, %add3A_959 : vector<128x2048xf32>
    %slice3A_961 = vector.extract_strided_slice %get3A_20 {offsets = [0, 0], sizes = [1, 128], strides = [1, 1]} : vector<4x128xf32> to vector<1x128xf32>
    %squeeze3A_962 = vector.shape_cast %slice3A_961 : vector<1x128xf32> to vector<128xf32>
    %broadcast_in_dim3A_963 = vector.shape_cast %squeeze3A_962 : vector<128xf32> to vector<128x1xf32>
    %slice3A_964 = vector.extract_strided_slice %get3A_20 {offsets = [1, 0], sizes = [1, 128], strides = [1, 1]} : vector<4x128xf32> to vector<1x128xf32>
    %squeeze3A_965 = vector.shape_cast %slice3A_964 : vector<1x128xf32> to vector<128xf32>
    %broadcast_in_dim3A_966 = vector.shape_cast %squeeze3A_965 : vector<128xf32> to vector<128x1xf32>
    %slice3A_967 = vector.extract_strided_slice %get3A_20 {offsets = [2, 0], sizes = [1, 128], strides = [1, 1]} : vector<4x128xf32> to vector<1x128xf32>
    %squeeze3A_968 = vector.shape_cast %slice3A_967 : vector<1x128xf32> to vector<128xf32>
    %broadcast_in_dim3A_969 = vector.shape_cast %squeeze3A_968 : vector<128xf32> to vector<128x1xf32>
    %slice3A_970 = vector.extract_strided_slice %get3A_20 {offsets = [3, 0], sizes = [1, 128], strides = [1, 1]} : vector<4x128xf32> to vector<1x128xf32>
    %squeeze3A_971 = vector.shape_cast %slice3A_970 : vector<1x128xf32> to vector<128xf32>
    %broadcast_in_dim3A_972 = vector.shape_cast %squeeze3A_971 : vector<128xf32> to vector<128x1xf32>
    %sub3A_973 = vector.broadcast %broadcast_in_dim3A_963 : vector<128x1xf32> to vector<128x2048xf32>
    %sub3A_974 = arith.subf %add3A_960, %sub3A_973 : vector<128x2048xf32>
    %div3A_975 = vector.broadcast %broadcast_in_dim3A_966 : vector<128x1xf32> to vector<128x2048xf32>
    %div3A_976 = arith.divf %sub3A_974, %div3A_975 : vector<128x2048xf32>
    %mul3A_977 = vector.broadcast %broadcast_in_dim3A_969 : vector<128x1xf32> to vector<128x2048xf32>
    %mul3A_978 = arith.mulf %div3A_976, %mul3A_977 : vector<128x2048xf32>
    %add3A_979 = vector.broadcast %broadcast_in_dim3A_972 : vector<128x1xf32> to vector<128x2048xf32>
    %add3A_980 = arith.addf %mul3A_978, %add3A_979 : vector<128x2048xf32>
    %max3A_981 = arith.constant 0.000000e+00 : f32
    %max3A_982 = vector.broadcast %max3A_981 : f32 to vector<128x2048xf32>
    %max3A_983 = arith.maximumf %add3A_980, %max3A_982 : vector<128x2048xf32>
    %get3A_984 = arith.constant 0 : index
    %get3A_985 = arith.constant 0 : index
    %get3A_986 = arith.constant 13 : index
    %get3A_987 = arith.constant 0 : index
    %get3A_988 = vector.load %arg2[%get3A_984, %get3A_985, %get3A_986, %get3A_987] : memref<1x1x16x2048xf32, #tpu.memory_space<vmem>>, vector<1x1x1x2048xf32>
    %get3A_989 = vector.shape_cast %get3A_988 : vector<1x1x1x2048xf32> to vector<2048xf32>
    %broadcast_in_dim3A_990 = vector.shape_cast %get3A_989 : vector<2048xf32> to vector<1x2048xf32>
    %mul3A_991 = vector.broadcast %broadcast_in_dim3A_990 : vector<1x2048xf32> to vector<128x2048xf32>
    %mul3A_992 = arith.mulf %max3A_983, %mul3A_991 : vector<128x2048xf32>
    %add3A_993 = arith.addf %add3A_923, %mul3A_992 : vector<128x2048xf32>
    %get3A_994 = arith.constant 0 : index
    %get3A_995 = arith.constant 0 : index
    %get3A_996 = arith.constant 14 : index
    %get3A_997 = arith.constant 0 : index
    %get3A_998 = vector.load %arg1[%get3A_994, %get3A_995, %get3A_996, %get3A_997] : memref<1x3x16x2048xf32, #tpu.memory_space<vmem>>, vector<1x3x1x2048xf32>
    %get3A_999 = vector.shape_cast %get3A_998 : vector<1x3x1x2048xf32> to vector<3x2048xf32>
    %dot_general3A_1000 = arith.constant dense<0.000000e+00> : vector<64x2048xf32>
    %dot_general3A_1001 = tpu.matmul %get3A_1, %get3A_999, %dot_general3A_1000 {dimension_numbers = #tpu.dot_dimension_numbers<[1], [0], [0], [1], [0, 0, 1, 1], [], []>, transpose_lhs_hint = false} : vector<64x3xf32>, vector<3x2048xf32>, vector<64x2048xf32> -> vector<64x2048xf32>
    %add3A_1002 = vector.broadcast %get3A_4 : vector<64x1xf32> to vector<64x2048xf32>
    %add3A_1003 = arith.addf %dot_general3A_1001, %add3A_1002 : vector<64x2048xf32>
    %slice3A_1004 = vector.extract_strided_slice %get3A_15 {offsets = [0, 0], sizes = [1, 64], strides = [1, 1]} : vector<4x64xf32> to vector<1x64xf32>
    %squeeze3A_1005 = vector.shape_cast %slice3A_1004 : vector<1x64xf32> to vector<64xf32>
    %broadcast_in_dim3A_1006 = vector.shape_cast %squeeze3A_1005 : vector<64xf32> to vector<64x1xf32>
    %slice3A_1007 = vector.extract_strided_slice %get3A_15 {offsets = [1, 0], sizes = [1, 64], strides = [1, 1]} : vector<4x64xf32> to vector<1x64xf32>
    %squeeze3A_1008 = vector.shape_cast %slice3A_1007 : vector<1x64xf32> to vector<64xf32>
    %broadcast_in_dim3A_1009 = vector.shape_cast %squeeze3A_1008 : vector<64xf32> to vector<64x1xf32>
    %slice3A_1010 = vector.extract_strided_slice %get3A_15 {offsets = [2, 0], sizes = [1, 64], strides = [1, 1]} : vector<4x64xf32> to vector<1x64xf32>
    %squeeze3A_1011 = vector.shape_cast %slice3A_1010 : vector<1x64xf32> to vector<64xf32>
    %broadcast_in_dim3A_1012 = vector.shape_cast %squeeze3A_1011 : vector<64xf32> to vector<64x1xf32>
    %slice3A_1013 = vector.extract_strided_slice %get3A_15 {offsets = [3, 0], sizes = [1, 64], strides = [1, 1]} : vector<4x64xf32> to vector<1x64xf32>
    %squeeze3A_1014 = vector.shape_cast %slice3A_1013 : vector<1x64xf32> to vector<64xf32>
    %broadcast_in_dim3A_1015 = vector.shape_cast %squeeze3A_1014 : vector<64xf32> to vector<64x1xf32>
    %sub3A_1016 = vector.broadcast %broadcast_in_dim3A_1006 : vector<64x1xf32> to vector<64x2048xf32>
    %sub3A_1017 = arith.subf %add3A_1003, %sub3A_1016 : vector<64x2048xf32>
    %div3A_1018 = vector.broadcast %broadcast_in_dim3A_1009 : vector<64x1xf32> to vector<64x2048xf32>
    %div3A_1019 = arith.divf %sub3A_1017, %div3A_1018 : vector<64x2048xf32>
    %mul3A_1020 = vector.broadcast %broadcast_in_dim3A_1012 : vector<64x1xf32> to vector<64x2048xf32>
    %mul3A_1021 = arith.mulf %div3A_1019, %mul3A_1020 : vector<64x2048xf32>
    %add3A_1022 = vector.broadcast %broadcast_in_dim3A_1015 : vector<64x1xf32> to vector<64x2048xf32>
    %add3A_1023 = arith.addf %mul3A_1021, %add3A_1022 : vector<64x2048xf32>
    %max3A_1024 = arith.constant 0.000000e+00 : f32
    %max3A_1025 = vector.broadcast %max3A_1024 : f32 to vector<64x2048xf32>
    %max3A_1026 = arith.maximumf %add3A_1023, %max3A_1025 : vector<64x2048xf32>
    %dot_general3A_1027 = arith.constant dense<0.000000e+00> : vector<128x2048xf32>
    %dot_general3A_1028 = tpu.matmul %get3A_7, %max3A_1026, %dot_general3A_1027 {dimension_numbers = #tpu.dot_dimension_numbers<[1], [0], [0], [1], [0, 0, 1, 1], [], []>, transpose_lhs_hint = false} : vector<128x64xf32>, vector<64x2048xf32>, vector<128x2048xf32> -> vector<128x2048xf32>
    %add3A_1029 = vector.broadcast %get3A_10 : vector<128x1xf32> to vector<128x2048xf32>
    %add3A_1030 = arith.addf %dot_general3A_1028, %add3A_1029 : vector<128x2048xf32>
    %slice3A_1031 = vector.extract_strided_slice %get3A_20 {offsets = [0, 0], sizes = [1, 128], strides = [1, 1]} : vector<4x128xf32> to vector<1x128xf32>
    %squeeze3A_1032 = vector.shape_cast %slice3A_1031 : vector<1x128xf32> to vector<128xf32>
    %broadcast_in_dim3A_1033 = vector.shape_cast %squeeze3A_1032 : vector<128xf32> to vector<128x1xf32>
    %slice3A_1034 = vector.extract_strided_slice %get3A_20 {offsets = [1, 0], sizes = [1, 128], strides = [1, 1]} : vector<4x128xf32> to vector<1x128xf32>
    %squeeze3A_1035 = vector.shape_cast %slice3A_1034 : vector<1x128xf32> to vector<128xf32>
    %broadcast_in_dim3A_1036 = vector.shape_cast %squeeze3A_1035 : vector<128xf32> to vector<128x1xf32>
    %slice3A_1037 = vector.extract_strided_slice %get3A_20 {offsets = [2, 0], sizes = [1, 128], strides = [1, 1]} : vector<4x128xf32> to vector<1x128xf32>
    %squeeze3A_1038 = vector.shape_cast %slice3A_1037 : vector<1x128xf32> to vector<128xf32>
    %broadcast_in_dim3A_1039 = vector.shape_cast %squeeze3A_1038 : vector<128xf32> to vector<128x1xf32>
    %slice3A_1040 = vector.extract_strided_slice %get3A_20 {offsets = [3, 0], sizes = [1, 128], strides = [1, 1]} : vector<4x128xf32> to vector<1x128xf32>
    %squeeze3A_1041 = vector.shape_cast %slice3A_1040 : vector<1x128xf32> to vector<128xf32>
    %broadcast_in_dim3A_1042 = vector.shape_cast %squeeze3A_1041 : vector<128xf32> to vector<128x1xf32>
    %sub3A_1043 = vector.broadcast %broadcast_in_dim3A_1033 : vector<128x1xf32> to vector<128x2048xf32>
    %sub3A_1044 = arith.subf %add3A_1030, %sub3A_1043 : vector<128x2048xf32>
    %div3A_1045 = vector.broadcast %broadcast_in_dim3A_1036 : vector<128x1xf32> to vector<128x2048xf32>
    %div3A_1046 = arith.divf %sub3A_1044, %div3A_1045 : vector<128x2048xf32>
    %mul3A_1047 = vector.broadcast %broadcast_in_dim3A_1039 : vector<128x1xf32> to vector<128x2048xf32>
    %mul3A_1048 = arith.mulf %div3A_1046, %mul3A_1047 : vector<128x2048xf32>
    %add3A_1049 = vector.broadcast %broadcast_in_dim3A_1042 : vector<128x1xf32> to vector<128x2048xf32>
    %add3A_1050 = arith.addf %mul3A_1048, %add3A_1049 : vector<128x2048xf32>
    %max3A_1051 = arith.constant 0.000000e+00 : f32
    %max3A_1052 = vector.broadcast %max3A_1051 : f32 to vector<128x2048xf32>
    %max3A_1053 = arith.maximumf %add3A_1050, %max3A_1052 : vector<128x2048xf32>
    %get3A_1054 = arith.constant 0 : index
    %get3A_1055 = arith.constant 0 : index
    %get3A_1056 = arith.constant 14 : index
    %get3A_1057 = arith.constant 0 : index
    %get3A_1058 = vector.load %arg2[%get3A_1054, %get3A_1055, %get3A_1056, %get3A_1057] : memref<1x1x16x2048xf32, #tpu.memory_space<vmem>>, vector<1x1x1x2048xf32>
    %get3A_1059 = vector.shape_cast %get3A_1058 : vector<1x1x1x2048xf32> to vector<2048xf32>
    %broadcast_in_dim3A_1060 = vector.shape_cast %get3A_1059 : vector<2048xf32> to vector<1x2048xf32>
    %mul3A_1061 = vector.broadcast %broadcast_in_dim3A_1060 : vector<1x2048xf32> to vector<128x2048xf32>
    %mul3A_1062 = arith.mulf %max3A_1053, %mul3A_1061 : vector<128x2048xf32>
    %add3A_1063 = arith.addf %add3A_993, %mul3A_1062 : vector<128x2048xf32>
    %get3A_1064 = arith.constant 0 : index
    %get3A_1065 = arith.constant 0 : index
    %get3A_1066 = arith.constant 15 : index
    %get3A_1067 = arith.constant 0 : index
    %get3A_1068 = vector.load %arg1[%get3A_1064, %get3A_1065, %get3A_1066, %get3A_1067] : memref<1x3x16x2048xf32, #tpu.memory_space<vmem>>, vector<1x3x1x2048xf32>
    %get3A_1069 = vector.shape_cast %get3A_1068 : vector<1x3x1x2048xf32> to vector<3x2048xf32>
    %dot_general3A_1070 = arith.constant dense<0.000000e+00> : vector<64x2048xf32>
    %dot_general3A_1071 = tpu.matmul %get3A_1, %get3A_1069, %dot_general3A_1070 {dimension_numbers = #tpu.dot_dimension_numbers<[1], [0], [0], [1], [0, 0, 1, 1], [], []>, transpose_lhs_hint = false} : vector<64x3xf32>, vector<3x2048xf32>, vector<64x2048xf32> -> vector<64x2048xf32>
    %add3A_1072 = vector.broadcast %get3A_4 : vector<64x1xf32> to vector<64x2048xf32>
    %add3A_1073 = arith.addf %dot_general3A_1071, %add3A_1072 : vector<64x2048xf32>
    %slice3A_1074 = vector.extract_strided_slice %get3A_15 {offsets = [0, 0], sizes = [1, 64], strides = [1, 1]} : vector<4x64xf32> to vector<1x64xf32>
    %squeeze3A_1075 = vector.shape_cast %slice3A_1074 : vector<1x64xf32> to vector<64xf32>
    %broadcast_in_dim3A_1076 = vector.shape_cast %squeeze3A_1075 : vector<64xf32> to vector<64x1xf32>
    %slice3A_1077 = vector.extract_strided_slice %get3A_15 {offsets = [1, 0], sizes = [1, 64], strides = [1, 1]} : vector<4x64xf32> to vector<1x64xf32>
    %squeeze3A_1078 = vector.shape_cast %slice3A_1077 : vector<1x64xf32> to vector<64xf32>
    %broadcast_in_dim3A_1079 = vector.shape_cast %squeeze3A_1078 : vector<64xf32> to vector<64x1xf32>
    %slice3A_1080 = vector.extract_strided_slice %get3A_15 {offsets = [2, 0], sizes = [1, 64], strides = [1, 1]} : vector<4x64xf32> to vector<1x64xf32>
    %squeeze3A_1081 = vector.shape_cast %slice3A_1080 : vector<1x64xf32> to vector<64xf32>
    %broadcast_in_dim3A_1082 = vector.shape_cast %squeeze3A_1081 : vector<64xf32> to vector<64x1xf32>
    %slice3A_1083 = vector.extract_strided_slice %get3A_15 {offsets = [3, 0], sizes = [1, 64], strides = [1, 1]} : vector<4x64xf32> to vector<1x64xf32>
    %squeeze3A_1084 = vector.shape_cast %slice3A_1083 : vector<1x64xf32> to vector<64xf32>
    %broadcast_in_dim3A_1085 = vector.shape_cast %squeeze3A_1084 : vector<64xf32> to vector<64x1xf32>
    %sub3A_1086 = vector.broadcast %broadcast_in_dim3A_1076 : vector<64x1xf32> to vector<64x2048xf32>
    %sub3A_1087 = arith.subf %add3A_1073, %sub3A_1086 : vector<64x2048xf32>
    %div3A_1088 = vector.broadcast %broadcast_in_dim3A_1079 : vector<64x1xf32> to vector<64x2048xf32>
    %div3A_1089 = arith.divf %sub3A_1087, %div3A_1088 : vector<64x2048xf32>
    %mul3A_1090 = vector.broadcast %broadcast_in_dim3A_1082 : vector<64x1xf32> to vector<64x2048xf32>
    %mul3A_1091 = arith.mulf %div3A_1089, %mul3A_1090 : vector<64x2048xf32>
    %add3A_1092 = vector.broadcast %broadcast_in_dim3A_1085 : vector<64x1xf32> to vector<64x2048xf32>
    %add3A_1093 = arith.addf %mul3A_1091, %add3A_1092 : vector<64x2048xf32>
    %max3A_1094 = arith.constant 0.000000e+00 : f32
    %max3A_1095 = vector.broadcast %max3A_1094 : f32 to vector<64x2048xf32>
    %max3A_1096 = arith.maximumf %add3A_1093, %max3A_1095 : vector<64x2048xf32>
    %dot_general3A_1097 = arith.constant dense<0.000000e+00> : vector<128x2048xf32>
    %dot_general3A_1098 = tpu.matmul %get3A_7, %max3A_1096, %dot_general3A_1097 {dimension_numbers = #tpu.dot_dimension_numbers<[1], [0], [0], [1], [0, 0, 1, 1], [], []>, transpose_lhs_hint = false} : vector<128x64xf32>, vector<64x2048xf32>, vector<128x2048xf32> -> vector<128x2048xf32>
    %add3A_1099 = vector.broadcast %get3A_10 : vector<128x1xf32> to vector<128x2048xf32>
    %add3A_1100 = arith.addf %dot_general3A_1098, %add3A_1099 : vector<128x2048xf32>
    %slice3A_1101 = vector.extract_strided_slice %get3A_20 {offsets = [0, 0], sizes = [1, 128], strides = [1, 1]} : vector<4x128xf32> to vector<1x128xf32>
    %squeeze3A_1102 = vector.shape_cast %slice3A_1101 : vector<1x128xf32> to vector<128xf32>
    %broadcast_in_dim3A_1103 = vector.shape_cast %squeeze3A_1102 : vector<128xf32> to vector<128x1xf32>
    %slice3A_1104 = vector.extract_strided_slice %get3A_20 {offsets = [1, 0], sizes = [1, 128], strides = [1, 1]} : vector<4x128xf32> to vector<1x128xf32>
    %squeeze3A_1105 = vector.shape_cast %slice3A_1104 : vector<1x128xf32> to vector<128xf32>
    %broadcast_in_dim3A_1106 = vector.shape_cast %squeeze3A_1105 : vector<128xf32> to vector<128x1xf32>
    %slice3A_1107 = vector.extract_strided_slice %get3A_20 {offsets = [2, 0], sizes = [1, 128], strides = [1, 1]} : vector<4x128xf32> to vector<1x128xf32>
    %squeeze3A_1108 = vector.shape_cast %slice3A_1107 : vector<1x128xf32> to vector<128xf32>
    %broadcast_in_dim3A_1109 = vector.shape_cast %squeeze3A_1108 : vector<128xf32> to vector<128x1xf32>
    %slice3A_1110 = vector.extract_strided_slice %get3A_20 {offsets = [3, 0], sizes = [1, 128], strides = [1, 1]} : vector<4x128xf32> to vector<1x128xf32>
    %squeeze3A_1111 = vector.shape_cast %slice3A_1110 : vector<1x128xf32> to vector<128xf32>
    %broadcast_in_dim3A_1112 = vector.shape_cast %squeeze3A_1111 : vector<128xf32> to vector<128x1xf32>
    %sub3A_1113 = vector.broadcast %broadcast_in_dim3A_1103 : vector<128x1xf32> to vector<128x2048xf32>
    %sub3A_1114 = arith.subf %add3A_1100, %sub3A_1113 : vector<128x2048xf32>
    %div3A_1115 = vector.broadcast %broadcast_in_dim3A_1106 : vector<128x1xf32> to vector<128x2048xf32>
    %div3A_1116 = arith.divf %sub3A_1114, %div3A_1115 : vector<128x2048xf32>
    %mul3A_1117 = vector.broadcast %broadcast_in_dim3A_1109 : vector<128x1xf32> to vector<128x2048xf32>
    %mul3A_1118 = arith.mulf %div3A_1116, %mul3A_1117 : vector<128x2048xf32>
    %add3A_1119 = vector.broadcast %broadcast_in_dim3A_1112 : vector<128x1xf32> to vector<128x2048xf32>
    %add3A_1120 = arith.addf %mul3A_1118, %add3A_1119 : vector<128x2048xf32>
    %max3A_1121 = arith.constant 0.000000e+00 : f32
    %max3A_1122 = vector.broadcast %max3A_1121 : f32 to vector<128x2048xf32>
    %max3A_1123 = arith.maximumf %add3A_1120, %max3A_1122 : vector<128x2048xf32>
    %get3A_1124 = arith.constant 0 : index
    %get3A_1125 = arith.constant 0 : index
    %get3A_1126 = arith.constant 15 : index
    %get3A_1127 = arith.constant 0 : index
    %get3A_1128 = vector.load %arg2[%get3A_1124, %get3A_1125, %get3A_1126, %get3A_1127] : memref<1x1x16x2048xf32, #tpu.memory_space<vmem>>, vector<1x1x1x2048xf32>
    %get3A_1129 = vector.shape_cast %get3A_1128 : vector<1x1x1x2048xf32> to vector<2048xf32>
    %broadcast_in_dim3A_1130 = vector.shape_cast %get3A_1129 : vector<2048xf32> to vector<1x2048xf32>
    %mul3A_1131 = vector.broadcast %broadcast_in_dim3A_1130 : vector<1x2048xf32> to vector<128x2048xf32>
    %mul3A_1132 = arith.mulf %max3A_1123, %mul3A_1131 : vector<128x2048xf32>
    %add3A_1133 = arith.addf %add3A_1063, %mul3A_1132 : vector<128x2048xf32>
    %get3A_1134 = arith.constant 0 : index
    %get3A_1135 = arith.constant 0 : index
    %get3A_1136 = arith.constant 0 : index
    %get3A_1137 = vector.load %arg3[%get3A_1134, %get3A_1135, %get3A_1136] : memref<1x128x2048xf32, #tpu.memory_space<vmem>>, vector<1x128x2048xf32>
    %get3A_1138 = vector.shape_cast %get3A_1137 : vector<1x128x2048xf32> to vector<128x2048xf32>
    %mul3A_1139 = arith.constant 6.250000e-02 : f32
    %mul3A_1140 = vector.broadcast %mul3A_1139 : f32 to vector<128x2048xf32>
    %mul3A_1141 = arith.mulf %add3A_1133, %mul3A_1140 : vector<128x2048xf32>
    %add3A_1142 = arith.addf %get3A_1138, %mul3A_1141 : vector<128x2048xf32>
    %swap3A = arith.constant 0 : index
    %swap3A_1143 = arith.constant 0 : index
    %swap3A_1144 = arith.constant 0 : index
    %swap3A_1145 = vector.load %arg10[%swap3A, %swap3A_1143, %swap3A_1144] : memref<1x128x2048xf32, #tpu.memory_space<vmem>>, vector<1x128x2048xf32>
    %swap3A_1146 = vector.shape_cast %swap3A_1145 : vector<1x128x2048xf32> to vector<128x2048xf32>
    %swap3A_1147 = vector.shape_cast %add3A_1142 : vector<128x2048xf32> to vector<1x128x2048xf32>
    tpu.vector_store %arg10[%swap3A, %swap3A_1143, %swap3A_1144], %swap3A_1147 {strides = array<i32>} : memref<1x128x2048xf32, #tpu.memory_space<vmem>>, vector<1x128x2048xf32>,
    return
  }
  func.func @transform_0(%arg0: i32) -> (i32, i32, i32, i32) {
    %c0_i32 = arith.constant 0 : i32
    %c0_i32_0 = arith.constant 0 : i32
    %c0_i32_1 = arith.constant 0 : i32
    %c0_i32_2 = arith.constant 0 : i32
    return %arg0, %c0_i32, %c0_i32_0, %c0_i32_1 : i32, i32, i32, i32
  }
  func.func @transform_1(%arg0: i32) -> (i32, i32, i32, i32) {
    %c0_i32 = arith.constant 0 : i32
    %c0_i32_0 = arith.constant 0 : i32
    %c0_i32_1 = arith.constant 0 : i32
    %c0_i32_2 = arith.constant 0 : i32
    return %arg0, %c0_i32, %c0_i32_0, %c0_i32_1 : i32, i32, i32, i32
  }
  func.func @transform_2(%arg0: i32) -> (i32, i32, i32) {
    %c0_i32 = arith.constant 0 : i32
    %c0_i32_0 = arith.constant 0 : i32
    %c0_i32_1 = arith.constant 0 : i32
    return %arg0, %c0_i32, %c0_i32_0 : i32, i32, i32
  }
  func.func @transform_3(%arg0: i32) -> (i32, i32) {
    %c0_i32 = arith.constant 0 : i32
    %c0_i32_0 = arith.constant 0 : i32
    %c0_i32_1 = arith.constant 0 : i32
    return %c0_i32, %c0_i32_0 : i32, i32
  }
  func.func @transform_4(%arg0: i32) -> (i32, i32) {
    %c0_i32 = arith.constant 0 : i32
    %c0_i32_0 = arith.constant 0 : i32
    %c0_i32_1 = arith.constant 0 : i32
    return %c0_i32, %c0_i32_0 : i32, i32
  }
  func.func @transform_5(%arg0: i32) -> (i32, i32, i32) {
    %jit3A = arith.constant 4 : i32
    %div3A = arith.divsi %arg0, %jit3A : i32
    %sign3A = arith.constant 0 : i32
    %sign3A_0 = arith.cmpi sgt, %arg0, %sign3A : i32
    %sign3A_1 = arith.extui %sign3A_0 : i1 to i32
    %sign3A_2 = arith.constant 0 : i32
    %sign3A_3 = arith.cmpi slt, %arg0, %sign3A_2 : i32
    %sign3A_4 = arith.extui %sign3A_3 : i1 to i32
    %sign3A_5 = arith.subi %sign3A_1, %sign3A_4 : i32
    %sign3A_6 = arith.constant 0 : i32
    %sign3A_7 = arith.cmpi sgt, %jit3A, %sign3A_6 : i32
    %sign3A_8 = arith.extui %sign3A_7 : i1 to i32
    %sign3A_9 = arith.constant 0 : i32
    %sign3A_10 = arith.cmpi slt, %jit3A, %sign3A_9 : i32
    %sign3A_11 = arith.extui %sign3A_10 : i1 to i32
    %sign3A_12 = arith.subi %sign3A_8, %sign3A_11 : i32
    %ne3A = arith.cmpi ne, %sign3A_5, %sign3A_12 : i32
    %rem3A = arith.remsi %arg0, %jit3A : i32
    %ne3A_13 = arith.constant 0 : i32
    %ne3A_14 = arith.cmpi ne, %rem3A, %ne3A_13 : i32
    %and3A = arith.andi %ne3A, %ne3A_14 : i1
    %sub3A = arith.constant 1 : i32
    %sub3A_15 = arith.subi %div3A, %sub3A : i32
    %select_n3A = arith.select %and3A, %sub3A_15, %div3A : i32
    %c0_i32 = arith.constant 0 : i32
    %c0_i32_16 = arith.constant 0 : i32
    %c0_i32_17 = arith.constant 0 : i32
    return %select_n3A, %c0_i32, %c0_i32_16 : i32, i32, i32
  }
  func.func @transform_6(%arg0: i32) -> (i32, i32) {
    %c0_i32 = arith.constant 0 : i32
    %c0_i32_0 = arith.constant 0 : i32
    %c0_i32_1 = arith.constant 0 : i32
    return %c0_i32, %c0_i32_0 : i32, i32
  }
  func.func @transform_7(%arg0: i32) -> (i32, i32) {
    %c0_i32 = arith.constant 0 : i32
    %c0_i32_0 = arith.constant 0 : i32
    %c0_i32_1 = arith.constant 0 : i32
    return %c0_i32, %c0_i32_0 : i32, i32
  }
  func.func @transform_8(%arg0: i32) -> (i32, i32, i32) {
    %jit3A = arith.constant 4 : i32
    %div3A = arith.divsi %arg0, %jit3A : i32
    %sign3A = arith.constant 0 : i32
    %sign3A_0 = arith.cmpi sgt, %arg0, %sign3A : i32
    %sign3A_1 = arith.extui %sign3A_0 : i1 to i32
    %sign3A_2 = arith.constant 0 : i32
    %sign3A_3 = arith.cmpi slt, %arg0, %sign3A_2 : i32
    %sign3A_4 = arith.extui %sign3A_3 : i1 to i32
    %sign3A_5 = arith.subi %sign3A_1, %sign3A_4 : i32
    %sign3A_6 = arith.constant 0 : i32
    %sign3A_7 = arith.cmpi sgt, %jit3A, %sign3A_6 : i32
    %sign3A_8 = arith.extui %sign3A_7 : i1 to i32
    %sign3A_9 = arith.constant 0 : i32
    %sign3A_10 = arith.cmpi slt, %jit3A, %sign3A_9 : i32
    %sign3A_11 = arith.extui %sign3A_10 : i1 to i32
    %sign3A_12 = arith.subi %sign3A_8, %sign3A_11 : i32
    %ne3A = arith.cmpi ne, %sign3A_5, %sign3A_12 : i32
    %rem3A = arith.remsi %arg0, %jit3A : i32
    %ne3A_13 = arith.constant 0 : i32
    %ne3A_14 = arith.cmpi ne, %rem3A, %ne3A_13 : i32
    %and3A = arith.andi %ne3A, %ne3A_14 : i1
    %sub3A = arith.constant 1 : i32
    %sub3A_15 = arith.subi %div3A, %sub3A : i32
    %select_n3A = arith.select %and3A, %sub3A_15, %div3A : i32
    %c0_i32 = arith.constant 0 : i32
    %c0_i32_16 = arith.constant 0 : i32
    %c0_i32_17 = arith.constant 0 : i32
    return %select_n3A, %c0_i32, %c0_i32_16 : i32, i32, i32
  }
  func.func @transform_9(%arg0: i32) -> (i32, i32, i32) {
    %c0_i32 = arith.constant 0 : i32
    %c0_i32_0 = arith.constant 0 : i32
    %c0_i32_1 = arith.constant 0 : i32
    return %arg0, %c0_i32, %c0_i32_0 : i32, i32, i32
  }
}

module attributes {stable_mosaic.version = 14 : i64} {
  func.func @_final_conv_body(%arg0: i32, %arg1: memref<1x128x2048xf32, #tpu.memory_space<vmem>>, %arg2: memref<3x128xf32, #tpu.memory_space<vmem>>, %arg3: memref<3xf32, #tpu.memory_space<vmem>>, %arg4: memref<1x3x2048xf32, #tpu.memory_space<vmem>>) attributes {dimension_semantics = [#tpu.dimension_semantics<arbitrary>], iteration_bounds = array<i64: 4>, scalar_prefetch = 0 : i64, scratch_operands = 0 : i64, tpu.core_type = #tpu.core_type<tc>, window_params = [{transform_indices = @transform_0, window_bounds = array<i64: 1, 128, 2048>}, {pipeline_mode = #tpu.pipeline_mode<synchronous>, transform_indices = @transform_1, window_bounds = array<i64: 3, 128>}, {pipeline_mode = #tpu.pipeline_mode<synchronous>, transform_indices = @transform_2, window_bounds = array<i64: 3>}, {transform_indices = @transform_3, window_bounds = array<i64: 1, 3, 2048>}]} {
    %get3A = arith.constant 0 : index
    %get3A_0 = arith.constant 0 : index
    %get3A_1 = arith.constant 0 : index
    %get3A_2 = vector.load %arg1[%get3A, %get3A_0, %get3A_1] : memref<1x128x2048xf32, #tpu.memory_space<vmem>>, vector<1x128x2048xf32>
    %get3A_3 = vector.shape_cast %get3A_2 : vector<1x128x2048xf32> to vector<128x2048xf32>
    %get3A_4 = arith.constant 0 : index
    %get3A_5 = arith.constant 0 : index
    %get3A_6 = vector.load %arg2[%get3A_4, %get3A_5] : memref<3x128xf32, #tpu.memory_space<vmem>>, vector<3x128xf32>
    %dot_general3A = arith.constant dense<0.000000e+00> : vector<3x2048xf32>
    %dot_general3A_7 = tpu.matmul %get3A_6, %get3A_3, %dot_general3A {dimension_numbers = #tpu.dot_dimension_numbers<[1], [0], [0], [1], [0, 0, 1, 1], [], []>, transpose_lhs_hint = false} : vector<3x128xf32>, vector<128x2048xf32>, vector<3x2048xf32> -> vector<3x2048xf32>
    %get3A_8 = arith.constant 0 : index
    %get3A_9 = vector.load %arg3[%get3A_8] : memref<3xf32, #tpu.memory_space<vmem>>, vector<3xf32>
    %broadcast_in_dim3A = vector.shape_cast %get3A_9 : vector<3xf32> to vector<3x1xf32>
    %add3A = vector.broadcast %broadcast_in_dim3A : vector<3x1xf32> to vector<3x2048xf32>
    %add3A_10 = arith.addf %dot_general3A_7, %add3A : vector<3x2048xf32>
    %swap3A = arith.constant 0 : index
    %swap3A_11 = arith.constant 0 : index
    %swap3A_12 = arith.constant 0 : index
    %swap3A_13 = vector.load %arg4[%swap3A, %swap3A_11, %swap3A_12] : memref<1x3x2048xf32, #tpu.memory_space<vmem>>, vector<1x3x2048xf32>
    %swap3A_14 = vector.shape_cast %swap3A_13 : vector<1x3x2048xf32> to vector<3x2048xf32>
    %swap3A_15 = vector.shape_cast %add3A_10 : vector<3x2048xf32> to vector<1x3x2048xf32>
    tpu.vector_store %arg4[%swap3A, %swap3A_11, %swap3A_12], %swap3A_15 {strides = array<i32>} : memref<1x3x2048xf32, #tpu.memory_space<vmem>>, vector<1x3x2048xf32>,
    return
  }
  func.func @transform_0(%arg0: i32) -> (i32, i32, i32) {
    %c0_i32 = arith.constant 0 : i32
    %c0_i32_0 = arith.constant 0 : i32
    %c0_i32_1 = arith.constant 0 : i32
    return %arg0, %c0_i32, %c0_i32_0 : i32, i32, i32
  }
  func.func @transform_1(%arg0: i32) -> (i32, i32) {
    %c0_i32 = arith.constant 0 : i32
    %c0_i32_0 = arith.constant 0 : i32
    %c0_i32_1 = arith.constant 0 : i32
    return %c0_i32, %c0_i32_0 : i32, i32
  }
  func.func @transform_2(%arg0: i32) -> i32 {
    %c0_i32 = arith.constant 0 : i32
    %c0_i32_0 = arith.constant 0 : i32
    return %c0_i32 : i32
  }
  func.func @transform_3(%arg0: i32) -> (i32, i32, i32) {
    %c0_i32 = arith.constant 0 : i32
    %c0_i32_0 = arith.constant 0 : i32
    %c0_i32_1 = arith.constant 0 : i32
    return %arg0, %c0_i32, %c0_i32_0 : i32, i32, i32
  }
}

</mosaic_0001>

<sc_bundles>
// kernel: gather_offload_async_start
scs
__scs_entry_jumppad:
0x0: {  	(pc) =	sbr.rel $0x88, $3  }
0x1: {  	(tag) =	ssettag $0x0;
	lr =	simm.s32 $0x1  }
0x2: {  	[smem:$0x3F43] =	sst lr;
	_ =	strace $0xD0000000  }
0x3: {  	_ = 	snop  }
0x4: {  	_ = 	snop  }
0x5: {  	_ = 	snop  }
0x6: {  	_ = 	snop  }
0x7: {  	_ = 	snop  }
__scs_overlays_trampoline_lowered:
0x8: {  	[smem:$0x3F52] =	sst s0  }
0x9: {  	[smem:$0x3F53] =	sst s1  }
0xa: {  	[smem:$0x3F54] =	sst s2  }
0xb: {  	[smem:$0x3F55] =	sst s3  }
0xc: {  	[smem:$0x3F56] =	sst s4  }
0xd: {  	[smem:$0x3F57] =	sst s5  }
0xe: {  	[smem:$0x3F58] =	sst s6  }
0xf: {  	[smem:$0x3F59] =	sst s7  }
0x10: {  	[smem:$0x3F5A] =	sst s8  }
0x11: {  	[smem:$0x3F5B] =	sst s9;
	s0 =	simm.s32 @!p0 $0x0  }
0x12: {  	s1 =	sld [smem:$0x3F41];
	s0 =	simm.s32 @p0 $0x1  }
0x13: {  	[smem:$0x3F5C] =	sst s0;
	s0 =	simm.s32 @!p1 $0x0  }
0x14: {  	s2 =	sld [smem:$0x3F40];
	s0 =	simm.s32 @p1 $0x1  }
0x15: {  	[smem:$0x3F5D] =	sst s0;
	s0 =	simm.s32 @!p2 $0x0  }
0x16: {  	s3 =	sld [smem:$0x3FDB];
	s0 =	simm.s32 @p2 $0x1  }
0x17: {  	s4 =	simm.s32 $0x1BF5;
	[smem:$0x3F5F] =	sst s0  }
0x18: {  	s0 =	sld [smem:$0x3F42];
	_ =	swait.ge [sflag:s4], $0x0  }
0x19: {  	s7 =	sld [smem:$0x3F43]  }
0x1a: {  	s8 =	sadd.s32 $0xFFFFE003, lr  }
0x1b: {  	s9 =	sadd.s32 $0xFFFFFEF7, lr;
	s5 =	simm.s32 $0xFFFFFFFF;
	p2 =	slt.u32 s8, $0xFFFFF086  }
0x1c: {  	p1 =	slt.u32 s9, $0xF7A;
	s5 =	simm.s32 @!p2 $0x0  }
0x1d: {  	s5 =	simm.s32 @p1 $0x1;
	p0 =	seq.s32 s7, s2  }
0x1e: {  	s7 =	smul.u32 @!p0 $0xF7A, s2;
	p2 =	seq.s32 @!p0 s5, $0x0  }
0x1f: {  	s9 =	smul.u32 $0xF7A, s1;
	s8 =	simm.s32 @!p0 $0x1BF5;
	p2 =	por !p2, p0  }
0x20: {  	[sflag:s8] =	ssyncset.s32 @!p0 $0xFFFFF086;
	s6 =	sadd.s32 @!p0 s3, s7;
	s7 =	simm.s32 @!p0 $0x108  }
0x21: {  	s3 =	sadd.s32 s3, s9;
	s6 =	sadd.s32 @!p0 $0x88, s6;
	s7 =	simm.s32 @p2 $0x1082  }
0x22: {  	[simem:s7], [sflag:s8] =	dma.local @!p0 [hbm:s6], $0xF7A  }
0x23: {  	s9 =	sor.u32 $0xD0000000, s2;
	s6 =	simm.s32 $0x108;
	_ =	swait.ge @!p0 [sflag:s8], $0x0  }
0x24: {  	s3 =	sadd.s32 $0x88, s3;
	s6 =	simm.s32 @!p1 $0x1082;
	[sflag:s4] =	ssyncset.s32 $0xFFFFF086  }
0x25: {  	[simem:s6], [sflag:s4] =	dma.local [hbm:s3], $0xF7A  }
0x26: {  	[smem:$0x3F43] =	sst s1;
	(tag) =	ssettag s2;
	_ =	strace s9  }
0x27: {  	s1 =	sld [smem:$0x3F53]  }
0x28: {  	s2 =	sld [smem:$0x3F54]  }
0x29: {  	s4 =	sld [smem:$0x3F56]  }
0x2a: {  	p0 =	seq.s32 s5, $0x0;
	s5 =	sld [smem:$0x3F57]  }
0x2b: {  	s6 =	sld [smem:$0x3F58]  }
0x2c: {  	s7 =	sld [smem:$0x3F59]  }
0x2d: {  	s3 =	simm.s32 $0x108;
	s8 =	sld [smem:$0x3F5A]  }
0x2e: {  	s3 =	simm.s32 @!p0 $0x1082;
	s9 =	sld [smem:$0x3F5B]  }
0x2f: {  	lr =	sadd.s32 s0, s3;
	s0 =	sld [smem:$0x3F52]  }
0x30: {  	s3 =	sld [smem:$0x3F55]  }
0x31: {  	[smem:$0x3F5E] =	sst s10  }
0x32: {  	s10 =	sld [smem:$0x3F5C];
	_ =	sdelay $0x3  }
0x33: {  	p0 =	seq.s32 s10, $0x1;
	s10 =	sld [smem:$0x3F5E];
	_ =	sdelay $0x3  }
0x34: {  	[smem:$0x3F5E] =	sst s10  }
0x35: {  	s10 =	sld [smem:$0x3F5D];
	_ =	sdelay $0x3  }
0x36: {  	p1 =	seq.s32 s10, $0x1;
	s10 =	sld [smem:$0x3F5E];
	_ =	sdelay $0x3  }
0x37: {  	[smem:$0x3F5E] =	sst s10  }
0x38: {  	s10 =	sld [smem:$0x3F5F]  }
0x39: {  	_ = 	snop;
	(pc) =	sbr.ind lr, $3  }
0x3a: {  	_ = 	snop  }
0x3b: {  	_ = 	snop  }
0x3c: {  	p2 =	seq.s32 s10, $0x1;
	s10 =	sld [smem:$0x3F5E]  }
0x3d: {  	_ =	shalt  }
0x3e: {  	_ =	shalt  }
0x3f: {  	_ =	shalt  }
0x40: {  	_ =	shalt  }
0x41: {  	_ =	shalt  }
0x42: {  	_ =	shalt  }
0x43: {  	_ =	shalt  }
0x44: {  	_ =	shalt  }
0x45: {  	_ =	shalt  }
0x46: {  	_ =	shalt  }
0x47: {  	_ =	shalt  }
0x48: {  	_ =	shalt  }
0x49: {  	_ =	shalt  }
0x4a: {  	_ =	shalt  }
0x4b: {  	_ =	shalt  }
0x4c: {  	_ =	shalt  }
0x4d: {  	_ =	shalt  }
0x4e: {  	_ =	shalt  }
0x4f: {  	_ =	shalt  }
0x50: {  	_ =	shalt  }
0x51: {  	_ =	shalt  }
0x52: {  	_ =	shalt  }
0x53: {  	_ =	shalt  }
0x54: {  	_ =	shalt  }
0x55: {  	_ =	shalt  }
0x56: {  	_ =	shalt  }
0x57: {  	_ =	shalt  }
0x58: {  	_ =	shalt  }
0x59: {  	_ =	shalt  }
0x5a: {  	_ =	shalt  }
0x5b: {  	_ =	shalt  }
0x5c: {  	_ =	shalt  }
0x5d: {  	_ =	shalt  }
0x5e: {  	_ =	shalt  }
0x5f: {  	_ =	shalt  }
0x60: {  	_ =	shalt  }
0x61: {  	_ =	shalt  }
0x62: {  	_ =	shalt  }
0x63: {  	_ =	shalt  }
0x64: {  	_ =	shalt  }
0x65: {  	_ =	shalt  }
0x66: {  	_ =	shalt  }
0x67: {  	_ =	shalt  }
0x68: {  	_ =	shalt  }
0x69: {  	_ =	shalt  }
0x6a: {  	_ =	shalt  }
0x6b: {  	_ =	shalt  }
0x6c: {  	_ =	shalt  }
0x6d: {  	_ =	shalt  }
0x6e: {  	_ =	shalt  }
0x6f: {  	_ =	shalt  }
0x70: {  	_ =	shalt  }
0x71: {  	_ =	shalt  }
0x72: {  	_ =	shalt  }
0x73: {  	_ =	shalt  }
0x74: {  	_ =	shalt  }
0x75: {  	_ =	shalt  }
0x76: {  	_ =	shalt  }
0x77: {  	_ =	shalt  }
0x78: {  	_ =	shalt  }
0x79: {  	_ =	shalt  }
0x7a: {  	_ =	shalt  }
0x7b: {  	_ =	shalt  }
0x7c: {  	_ =	shalt  }
0x7d: {  	_ =	shalt  }
0x7e: {  	_ =	shalt  }
0x7f: {  	_ =	shalt  }
0x80: {  	_ =	shalt  }
0x81: {  	_ =	shalt  }
0x82: {  	_ =	shalt  }
0x83: {  	_ =	shalt  }
0x84: {  	_ =	shalt  }
0x85: {  	_ =	shalt  }
0x86: {  	_ =	shalt  }
0x87: {  	_ =	shalt  }
.Lfunc_end0:
.L_simem_size_0:
called_computation.1_lowered:
.L_overlay_start_0:
0x88: {  	s2 =	sld [smem:$0x3FD9]  }
0x89: {  	s3 =	sld [smem:$0x3FFE];
	_ =	sdelay $0x1  }
0x8a: {  	s1 =	srdreg.scid  }
0x8b: {  	s0 =	sand.u32 $0x1, s1  }
0x8c: {  	s16 =	sshll.u32 s0, $0xA;
	s2 =	sadd.s32 s3, s2  }
0x8d: {  	s2 =	sadd.s32 s2, s16  }
0x8e: {  	[smem:$0x3F6A] =	sst s2  }
0x8f: {  	_ = 	snop  }
0x90: {  	(tm) =	ssettm $0x1  }
0x91: {  	s17 =	sld [smem:$0x3FFB];
	_ =	sdelay $0x3  }
0x92: {  	_ =	strace s17  }
0x93: {  	s2 =	sld [smem:$0x3FFC];
	_ =	sdelay $0x3  }
0x94: {  	_ =	strace s2  }
0x95: {  	s2 =	sld [smem:$0x3FFD];
	_ =	sdelay $0x3  }
0x96: {  	_ =	strace s2  }
0x97: {  	_ =	strace $0x8FFFFFFF  }
0x98: {  	s18 =	sld [smem:$0x3FDB];
	_ =	sdelay $0x1  }
0x99: {  	s19 =	simm.s32 $_scs_section_size  }
0x9a: {  	s4 =	simm.s32 $_size__tile_overlayer_lowered;
	s5 =	simm.s32 $_tile_overlayer_lowered  }
0x9b: {  	s22 =	simm.s32 $0x1BFF;
	s21 =	sshll.u32 s5, $0x1;
	s2 =	sadd.s32 s19, s18  }
0x9c: {  	s6 =	simm.s32 $0x0;
	s20 =	sshll.u32 s4, $0x1;
	s4 =	sadd.s32 s21, s2  }
0x9d: {  	[timem:s6], [sflag:s22] =	dma.local [hbm:s4], s20  }
0x9e: {  	_ =	swait.ge [sflag:s22], s20  }
0x9f: {  	s3 =	ssub.s32 $0x0, s20;
	[sflag:s22] =	ssyncset.done $0x0  }
0xa0: {  	[sflag:s22] =	ssyncadd.s32 s3;
	_ =	sdelay $0x1  }
0xa1: {  	s23 =	simm.s32 $0x1B8B  }
0xa2: {  	_ =	swait.ge [sflag:s23], $0x1  }
0xa3: {  	[sflag:s23] =	ssyncset.done $0x0  }
0xa4: {  	s25 =	simm.s32 $0x1B8E;
	s24 =	sld [smem:$0x3FFE];
	[sflag:s23] =	ssyncadd.s32 $0xFFFFFFFF  }
0xa5: {  	s26 =	simm.s32 $execute0_lowered;
	[smem:$0x3FD2] =	sst s25  }
0xa6: {  	s4 =	sshll.u32 s26, $0x1;
	_ =	strace $0x80000046;
	[dreg:$0x1] =	wrdreg $0xFFFFFFFF  }
0xa7: {  	s28 =	simm.s32 $_size_execute0_lowered;
	s2 =	sadd.s32 s2, s4;
	[dreg:$0x0] =	wrdreg $0x0  }
0xa8: {  	s4 =	sshll.u32 s28, $0x1;
	[dreg:$0x2] =	wrdreg s2  }
0xa9: {  	[dreg:$0x3] =	wrdreg s4  }
0xaa: {  	[dreg:$0x4] =	wrdreg $0xC0  }
0xab: {  	_ =	task [dreg:s6], $0x5FFFF  }
0xac: {  	[dreg:$0x1] =	wrdreg $0xFFFFFFFF  }
0xad: {  	[dreg:$0x0] =	wrdreg $0x60  }
0xae: {  	[dreg:$0x2] =	wrdreg s24  }
0xaf: {  	[dreg:$0x3] =	wrdreg $0x9  }
0xb0: {  	_ =	task.clear_ibuf [dreg:s6], $0x4FFFF;
	_ =	strace $0x90000046  }
0xb1: {  	s29 =	simm.s32 $0x9;
	_ =	strace $0x80000048  }
0xb2: {  	_ =	swait.ge [sflag:s29], $0x1  }
0xb3: {  	[sflag:s29] =	ssyncadd.s32 $0xFFFFFFFF  }
0xb4: {  	_ =	strace $0x90000048  }
0xb5: {  	_ =	sfence  }
0xb6: {  	s30 =	sld [smem:$0x0];
	_ =	sdelay $0x2  }
0xb7: {  	s31 =	sshll.u32 s1, $0xD;
	s1 =	sshrl.u32 s1, $0x2  }
0xb8: {  	s3 =	sand.u32 $0x4000, s31;
	s1 =	sadd.s32 s1, s30  }
0xb9: {  	s0 =	sor.u32 s3, s0;
	s1 =	sshll.u32 s1, $0x11  }
0xba: {  	s0 =	sor.u32 s1, s0  }
0xbb: {  	s0 =	sadd.s32 $0x8F2B, s0  }
0xbc: {  	[sflag:s0] =	ssyncadd.remote.s32 $0x1  }
0xbd: {  	_ =	sfence.sel $0xFFFF  }
0xbe: {  	[dreg:$0x0] =	wrdreg $0xFFFFFFFF;
	(pc) =	sbr.abs _section_cstart, $3  }
0xbf: {  	[dreg:$0x1] =	wrdreg $0xFFFFFFFF  }
0xc0: {  	_ =	task.clear_ibuf [dreg:s6], $0x2FFFF;
	_ =	strace $0x9FFFFFFF  }
0xc1: {  	(tm) =	ssettm $0x7FFFFFFF  }
tec
execute0_lowered:
.L_overlay_start_1:
0x0: {  	(tag) =	ssettag $0x1  }
0x1: {  	s2 =	rddreg [dreg:$0x0]  }
0x2: {  	s0 =	rddreg [dreg:$0x1]  }
0x3: {  	s1 =	srdreg.scid;
	_ =	strace $0x80000047;
	s4 =	simm.s32 $0x1  }
0x4: {  	s9 =	simm.s32 $0x3;
	s12 =	simm.s32 $0x0;
	s5 =	sshll.u32 s1, $0x4  }
.Ltmp0:
0x5: {  	s1 =	stileid.u32;
	s5 =	sand.u32 $0x10, s5;
	(pc) =	sbr.rel .LBB2_1-.Ltmp0, $4  }
0x6: {  	s10 =	simm.s32 $0x0;
	s3 =	sadd.s32 $0x20400, s2;
	s6 =	sor.u32 s1, s5  }
0x7: {  	[sflag:s4] =	ssyncpa.u1 $0x0;
	s5 =	simm.s32 $0x2;
	s6 =	sshll.u32 s6, $0x8  }
0x8: {  	s7 =	sadd.s32 $0x20C00, s2;
	[sflag:s5] =	ssyncpa.u1 $0x0;
	s8 =	sadd.s32 $0x100, s6  }
0x9: {  	vm0 =	vmmov $0xff;
	vm1 =	vcmask $0x3F20;
	[sflag:s9] =	ssyncpa.u1 $0x0;
	s9 =	simm.s32 $0x100;
	s11 =	smov.u32 s6  }
.LBB2_9:
0xa: {  	p0 =	seq.s32 s10, $0x2  }
.Ltmp1:
0xb: {  	_ = 	snop;
	(pc) =	sbr.rel @p0 .LBB2_11-.Ltmp1, $1  }
0xc: {  	_ =	sdelay $0x3  }
.LBB2_10:
0xd: {  	s12 =	sadd.s32 $0x100, s11  }
0xe: {  	s13 =	smov.u32 s6;
	p0 =	slt.s32 s12, s8  }
0xf: {  	s13 =	smov.u32 @p0 s12  }
0x10: {  	s10 =	sadd.s32 $0x1, s10;
	s12 =	smov.u32 s11;
	s11 =	smov.u32 s13  }
.LBB2_1:
0x11: {  	p0 =	sne.s32 s10, $0x0  }
.Ltmp2:
0x12: {  	_ = 	snop;
	(pc) =	sbr.rel @!p0 .LBB2_2-.Ltmp2, $1  }
0x13: {  	_ =	sdelay $0x3  }
0x14: {  	s13 =	sand.u32 $0x1, s10  }
0x15: {  	p0 =	seq.s32 s13, $0x0  }
.Ltmp3:
0x16: {  	_ = 	snop;
	(pc) =	sbr.rel @p0 .LBB2_9-.Ltmp3, $1  }
0x17: {  	_ =	sdelay $0x3  }
0x18: {  	_ =	swait.ge [sflag:s5], $0x100  }
0x19: {  	[sflag:s5] =	ssyncset.done $0x0  }
0x1a: {  	s13 =	simm.s32 $0x0;
	[sflag:s5] =	ssyncadd.s32 $0xFFFFFF00  }
0x1b: {  	v0 =	vld.msk [tilespmem:s13+$0x100 ss:$0x1], $0xffff;
	_ =	sdelay $0x4  }
0x1c: {  	v1 =	vshll.u32 v0, $0x5  }
0x1d: {  	vm2 =	veq.s32 v0, $0x80000000;
	v0 =	vshll.u32 v0, $0x12;
	v1 =	vand.u32 $0x3FF80, v1  }
0x1e: {  	v0 =	vand.u32 $0xC0000, v0;
	v1 =	vsel vm2, $0xFFFFFF80, v1  }
0x1f: {  	v0 =	vsel vm2, $0xFFFC0000, v0;
	v2 =	vand.u32 $0xFFFFFC00, v1  }
0x20: {  	v1 =	vand.u32 $0x380, v1;
	v0 =	vadd.s32 v0, v2  }
0x21: {  	v0 =	vor.u32 v1, v0  }
0x22: {  	v0 =	vshrl.u32 v0, $0x3;
	_ =	sdelay $0x3  }
0x23: {  	s13 =	simm.s32 $0x8200  }
0x24: {  	[tilespmem:s13], [sflag:$0x1] =	stream.indirect_vreg.gather [hbm:s2], $0x80, v0, vm0, $0x38;
	[tilespmem:$0x10200] =	vst v63  }
0x25: {  	s14 =	simm.s32 $0x8600;
	s31 =	simm.s32 $0x10  }
0x26: {  	[tilespmem:s14], [sflag:$0x1] =	stream.indirect_vreg.gather [hbm:s2], $0x80, v0, vm1, $0x38;
	[tilespmem:$0x10200] =	vst v63  }
0x27: {  	s14 =	simm.s32 $0x80;
	v0 =	vld.msk [tilespmem:s31+$0x100 ss:$0x1], $0xffff  }
.LBB2_5:
0x28: {  	p0 =	sne.s32 s14, $0x3C0;
	_ =	sdelay $0x4  }
0x29: {  	v1 =	vshll.u32 v0, $0x5  }
0x2a: {  	vm2 =	veq.s32 v0, $0x80000000;
	v0 =	vshll.u32 v0, $0x12;
	v1 =	vand.u32 $0x3FF80, v1  }
0x2b: {  	v0 =	vand.u32 $0xC0000, v0;
	v1 =	vsel vm2, $0xFFFFFF80, v1  }
0x2c: {  	v0 =	vsel vm2, $0xFFFC0000, v0;
	v2 =	vand.u32 $0xFFFFFC00, v1  }
0x2d: {  	v1 =	vand.u32 $0x380, v1;
	v0 =	vadd.s32 v0, v2  }
0x2e: {  	v0 =	vor.u32 v1, v0  }
0x2f: {  	v0 =	vshrl.u32 v0, $0x3;
	_ =	sdelay $0x3  }
.Ltmp4:
0x30: {  	s13 =	sadd.s32 $0x800, s13;
	(pc) =	sbr.rel @p0 .LBB2_5-.Ltmp4, $4  }
0x31: {  	[tilespmem:s13], [sflag:$0x1] =	stream.indirect_vreg.gather [hbm:s2], $0x80, v0, vm0, $0x38;
	[tilespmem:$0x10200] =	vst v63  }
0x32: {  	s15 =	sshra.s32 s14, $0x2;
	s16 =	sadd.s32 $0x400, s13  }
0x33: {  	[tilespmem:s16], [sflag:$0x1] =	stream.indirect_vreg.gather [hbm:s2], $0x80, v0, vm1, $0x38;
	[tilespmem:$0x10200] =	vst v63  }
0x34: {  	s14 =	sadd.s32 $0x40, s14;
	v0 =	vld.msk [tilespmem:s15+$0x100 ss:$0x1], $0xffff  }
0x35: {  	_ =	sdelay $0x3  }
0x36: {  	v1 =	vshll.u32 v0, $0x5  }
0x37: {  	vm2 =	veq.s32 v0, $0x80000000;
	v63 =	vshll.u32 v0, $0x12;
	v1 =	vand.u32 $0x3FF80, v1  }
0x38: {  	v0 =	vand.u32 $0xC0000, v63;
	v1 =	vsel vm2, $0xFFFFFF80, v1  }
0x39: {  	v0 =	vsel vm2, $0xFFFC0000, v0;
	v2 =	vand.u32 $0xFFFFFC00, v1  }
0x3a: {  	v1 =	vand.u32 $0x380, v1;
	v0 =	vadd.s32 v0, v2  }
0x3b: {  	v0 =	vor.u32 v1, v0  }
0x3c: {  	v0 =	vshrl.u32 v0, $0x3;
	_ =	sdelay $0x3  }
0x3d: {  	s13 =	sadd.s32 $0x800, s13  }
0x3e: {  	[tilespmem:s13], [sflag:$0x1] =	stream.indirect_vreg.gather [hbm:s2], $0x80, v0, vm0, $0x38;
	[tilespmem:$0x10200] =	vst v63  }
0x3f: {  	s13 =	sadd.s32 $0x400, s13  }
0x40: {  	[tilespmem:s13], [sflag:$0x1] =	stream.indirect_vreg.gather [hbm:s2], $0x80, v0, vm1, $0x38;
	[tilespmem:$0x10200] =	vst v63  }
0x41: {  	s12 =	sshll.u32 s12, $0x4;
	s14 =	simm.s32 $0x80;
	_ =	swait.ge [sflag:s4], $0x8000  }
0x42: {  	s15 =	simm.s32 $0x8600;
	s12 =	sadd.s32 s12, s7;
	[sflag:s4] =	ssyncset.done $0x0  }
0x43: {  	s16 =	sadd.s32 $0x0, s12;
	s13 =	simm.s32 $0x8200;
	[sflag:s4] =	ssyncadd.s32 $0xFFFF8000  }
.LBB2_7:
0x44: {  	[hbm:s16] =	stream.linear.scatter [tilespmem:s13], [sflag:$0x3], $0x400, $0x38;
	[tilespmem:$0x10200] =	vst v63  }
0x45: {  	s16 =	smov.u32 s14;
	s13 =	smov.u32 s15;
	p0 =	sne.s32 s14, $0xF80  }
.Ltmp5:
0x46: {  	s14 =	sadd.s32 $0x80, s14;
	(pc) =	sbr.rel @p0 .LBB2_7-.Ltmp5, $2  }
0x47: {  	_ =	sdelay $0x2  }
0x48: {  	s15 =	sadd.s32 $0x400, s15;
	s16 =	sadd.s32 s16, s12  }
.Ltmp6:
0x49: {  	(pc) =	sbr.rel .LBB2_9-.Ltmp6, $2  }
0x4a: {  	_ =	sdelay $0x2  }
0x4b: {  	[hbm:s16] =	stream.linear.scatter [tilespmem:s13], [sflag:$0x3], $0x400, $0x38;
	[tilespmem:$0x10200] =	vst v63  }
.LBB2_2:
.Ltmp7:
0x4c: {  	(pc) =	sbr.rel .LBB2_10-.Ltmp7, $4  }
0x4d: {  	_ = 	snop  }
0x4e: {  	s12 =	sshrl.u32 s11, $0x3  }
0x4f: {  	s13 =	sand.u32 $0x7, s11;
	s12 =	sadd.s32 s3, s12  }
0x50: {  	[tilespmem:s9], [sflag:$0x2] =	stream.linear.gather [hbm4b:s12+s13], $0x100, $0x38;
	[tilespmem:$0x10200] =	vst v63  }
.LBB2_11:
0x51: {  	s2 =	simm.s32 $0x3  }
0x52: {  	_ =	swait.ge [sflag:s2], $0x8000  }
0x53: {  	[sflag:s2] =	ssyncset.done $0x0  }
0x54: {  	[sflag:s2] =	ssyncadd.s32 $0xFFFF8000  }
0x55: {  	_ =	sfence.sel $0x180000  }
0x56: {  	s3 =	simm.s32 $0x2;
	[bflag:$0x0] =	sbarrier.arrive $0xFFFF  }
0x57: {  	[sflag:s3] =	ssyncpa.u1 $0x1  }
0x58: {  	s31 =	simm.s32 $0x1;
	[sflag:s2] =	ssyncpa.u1 $0x1  }
0x59: {  	[sflag:s31] =	ssyncpa.u1 $0x1  }
0x5a: {  	p0 =	sne.s32 s1, $0x0;
	_ =	strace $0x90000047  }
0x5b: {  	s0 =	sadd.s32 @!p0 $0x100000, s0;
	[bflag:$0x2] =	sbarrier.arrive $0xFFFF  }
0x5c: {  	[sflag:s0] =	ssyncadd.tile.s32 @!p0 $0x1;
	_ =	shalt  }
.Lfunc_end2:
_tile_overlayer_lowered:
.L_overlay_start_2:
0x5d: {  	(tag) =	ssettag $0x2  }
0x5e: {  	s0 =	rddreg [dreg:$0x0];
	s2 =	stileid.u32  }
0x5f: {  	s1 =	rddreg [dreg:$0x1];
	p0 =	sne.s32 s2, $0x0  }
0x60: {  	s3 =	rddreg [dreg:$0x2];
	[bflag:$0x3] =	sbarrier.arrive $0xFFFF;
	s2 =	simm.s32 @!p0 $0x1C01  }
0x61: {  	[timem:s3], [sflag:s2] =	dma.local @!p0 [hbm:s0], s1  }
0x62: {  	s0 =	simm.s32 @!p0 $0x1  }
0x63: {  	_ =	swait.ge @!p0 [sflag:s0], s1  }
0x64: {  	s1 =	ssub.s32 @!p0 $0x0, s1;
	[sflag:s0] =	ssyncset.done @!p0 $0x0  }
0x65: {  	[sflag:s0] =	ssyncadd.s32 @!p0 s1  }
0x66: {  	[bflag:$0x3] =	sbarrier.arrive $0xFFFF  }
0x67: {  	_ =	shalt  }

// kernel: kernel.24.cloned.1.call-start
scs
__scs_entry_jumppad:
0x0: {  	(pc) =	sbr.rel $0x88, $3  }
0x1: {  	(tag) =	ssettag $0x0;
	lr =	simm.s32 $0x1  }
0x2: {  	[smem:$0x3F43] =	sst lr;
	_ =	strace $0xD0000000  }
0x3: {  	_ = 	snop  }
0x4: {  	_ = 	snop  }
0x5: {  	_ = 	snop  }
0x6: {  	_ = 	snop  }
0x7: {  	_ = 	snop  }
__scs_overlays_trampoline_lowered:
0x8: {  	[smem:$0x3F52] =	sst s0  }
0x9: {  	[smem:$0x3F53] =	sst s1  }
0xa: {  	[smem:$0x3F54] =	sst s2  }
0xb: {  	[smem:$0x3F55] =	sst s3  }
0xc: {  	[smem:$0x3F56] =	sst s4  }
0xd: {  	[smem:$0x3F57] =	sst s5  }
0xe: {  	[smem:$0x3F58] =	sst s6  }
0xf: {  	[smem:$0x3F59] =	sst s7  }
0x10: {  	[smem:$0x3F5A] =	sst s8  }
0x11: {  	[smem:$0x3F5B] =	sst s9;
	s0 =	simm.s32 @!p0 $0x0  }
0x12: {  	s1 =	sld [smem:$0x3F41];
	s0 =	simm.s32 @p0 $0x1  }
0x13: {  	[smem:$0x3F5C] =	sst s0;
	s0 =	simm.s32 @!p1 $0x0  }
0x14: {  	s2 =	sld [smem:$0x3F40];
	s0 =	simm.s32 @p1 $0x1  }
0x15: {  	[smem:$0x3F5D] =	sst s0;
	s0 =	simm.s32 @!p2 $0x0  }
0x16: {  	s3 =	sld [smem:$0x3FDB];
	s0 =	simm.s32 @p2 $0x1  }
0x17: {  	s4 =	simm.s32 $0x1BF5;
	[smem:$0x3F5F] =	sst s0  }
0x18: {  	s0 =	sld [smem:$0x3F42];
	_ =	swait.ge [sflag:s4], $0x0  }
0x19: {  	s7 =	sld [smem:$0x3F43]  }
0x1a: {  	s8 =	sadd.s32 $0xFFFFE003, lr  }
0x1b: {  	s9 =	sadd.s32 $0xFFFFFEF7, lr;
	s5 =	simm.s32 $0xFFFFFFFF;
	p2 =	slt.u32 s8, $0xFFFFF086  }
0x1c: {  	p1 =	slt.u32 s9, $0xF7A;
	s5 =	simm.s32 @!p2 $0x0  }
0x1d: {  	s5 =	simm.s32 @p1 $0x1;
	p0 =	seq.s32 s7, s2  }
0x1e: {  	s7 =	smul.u32 @!p0 $0xF7A, s2;
	p2 =	seq.s32 @!p0 s5, $0x0  }
0x1f: {  	s9 =	smul.u32 $0xF7A, s1;
	s8 =	simm.s32 @!p0 $0x1BF5;
	p2 =	por !p2, p0  }
0x20: {  	[sflag:s8] =	ssyncset.s32 @!p0 $0xFFFFF086;
	s6 =	sadd.s32 @!p0 s3, s7;
	s7 =	simm.s32 @!p0 $0x108  }
0x21: {  	s3 =	sadd.s32 s3, s9;
	s6 =	sadd.s32 @!p0 $0x88, s6;
	s7 =	simm.s32 @p2 $0x1082  }
0x22: {  	[simem:s7], [sflag:s8] =	dma.local @!p0 [hbm:s6], $0xF7A  }
0x23: {  	s9 =	sor.u32 $0xD0000000, s2;
	s6 =	simm.s32 $0x108;
	_ =	swait.ge @!p0 [sflag:s8], $0x0  }
0x24: {  	s3 =	sadd.s32 $0x88, s3;
	s6 =	simm.s32 @!p1 $0x1082;
	[sflag:s4] =	ssyncset.s32 $0xFFFFF086  }
0x25: {  	[simem:s6], [sflag:s4] =	dma.local [hbm:s3], $0xF7A  }
0x26: {  	[smem:$0x3F43] =	sst s1;
	(tag) =	ssettag s2;
	_ =	strace s9  }
0x27: {  	s1 =	sld [smem:$0x3F53]  }
0x28: {  	s2 =	sld [smem:$0x3F54]  }
0x29: {  	s4 =	sld [smem:$0x3F56]  }
0x2a: {  	p0 =	seq.s32 s5, $0x0;
	s5 =	sld [smem:$0x3F57]  }
0x2b: {  	s6 =	sld [smem:$0x3F58]  }
0x2c: {  	s7 =	sld [smem:$0x3F59]  }
0x2d: {  	s3 =	simm.s32 $0x108;
	s8 =	sld [smem:$0x3F5A]  }
0x2e: {  	s3 =	simm.s32 @!p0 $0x1082;
	s9 =	sld [smem:$0x3F5B]  }
0x2f: {  	lr =	sadd.s32 s0, s3;
	s0 =	sld [smem:$0x3F52]  }
0x30: {  	s3 =	sld [smem:$0x3F55]  }
0x31: {  	[smem:$0x3F5E] =	sst s10  }
0x32: {  	s10 =	sld [smem:$0x3F5C];
	_ =	sdelay $0x3  }
0x33: {  	p0 =	seq.s32 s10, $0x1;
	s10 =	sld [smem:$0x3F5E];
	_ =	sdelay $0x3  }
0x34: {  	[smem:$0x3F5E] =	sst s10  }
0x35: {  	s10 =	sld [smem:$0x3F5D];
	_ =	sdelay $0x3  }
0x36: {  	p1 =	seq.s32 s10, $0x1;
	s10 =	sld [smem:$0x3F5E];
	_ =	sdelay $0x3  }
0x37: {  	[smem:$0x3F5E] =	sst s10  }
0x38: {  	s10 =	sld [smem:$0x3F5F]  }
0x39: {  	_ = 	snop;
	(pc) =	sbr.ind lr, $3  }
0x3a: {  	_ = 	snop  }
0x3b: {  	_ = 	snop  }
0x3c: {  	p2 =	seq.s32 s10, $0x1;
	s10 =	sld [smem:$0x3F5E]  }
0x3d: {  	_ =	shalt  }
0x3e: {  	_ =	shalt  }
0x3f: {  	_ =	shalt  }
0x40: {  	_ =	shalt  }
0x41: {  	_ =	shalt  }
0x42: {  	_ =	shalt  }
0x43: {  	_ =	shalt  }
0x44: {  	_ =	shalt  }
0x45: {  	_ =	shalt  }
0x46: {  	_ =	shalt  }
0x47: {  	_ =	shalt  }
0x48: {  	_ =	shalt  }
0x49: {  	_ =	shalt  }
0x4a: {  	_ =	shalt  }
0x4b: {  	_ =	shalt  }
0x4c: {  	_ =	shalt  }
0x4d: {  	_ =	shalt  }
0x4e: {  	_ =	shalt  }
0x4f: {  	_ =	shalt  }
0x50: {  	_ =	shalt  }
0x51: {  	_ =	shalt  }
0x52: {  	_ =	shalt  }
0x53: {  	_ =	shalt  }
0x54: {  	_ =	shalt  }
0x55: {  	_ =	shalt  }
0x56: {  	_ =	shalt  }
0x57: {  	_ =	shalt  }
0x58: {  	_ =	shalt  }
0x59: {  	_ =	shalt  }
0x5a: {  	_ =	shalt  }
0x5b: {  	_ =	shalt  }
0x5c: {  	_ =	shalt  }
0x5d: {  	_ =	shalt  }
0x5e: {  	_ =	shalt  }
0x5f: {  	_ =	shalt  }
0x60: {  	_ =	shalt  }
0x61: {  	_ =	shalt  }
0x62: {  	_ =	shalt  }
0x63: {  	_ =	shalt  }
0x64: {  	_ =	shalt  }
0x65: {  	_ =	shalt  }
0x66: {  	_ =	shalt  }
0x67: {  	_ =	shalt  }
0x68: {  	_ =	shalt  }
0x69: {  	_ =	shalt  }
0x6a: {  	_ =	shalt  }
0x6b: {  	_ =	shalt  }
0x6c: {  	_ =	shalt  }
0x6d: {  	_ =	shalt  }
0x6e: {  	_ =	shalt  }
0x6f: {  	_ =	shalt  }
0x70: {  	_ =	shalt  }
0x71: {  	_ =	shalt  }
0x72: {  	_ =	shalt  }
0x73: {  	_ =	shalt  }
0x74: {  	_ =	shalt  }
0x75: {  	_ =	shalt  }
0x76: {  	_ =	shalt  }
0x77: {  	_ =	shalt  }
0x78: {  	_ =	shalt  }
0x79: {  	_ =	shalt  }
0x7a: {  	_ =	shalt  }
0x7b: {  	_ =	shalt  }
0x7c: {  	_ =	shalt  }
0x7d: {  	_ =	shalt  }
0x7e: {  	_ =	shalt  }
0x7f: {  	_ =	shalt  }
0x80: {  	_ =	shalt  }
0x81: {  	_ =	shalt  }
0x82: {  	_ =	shalt  }
0x83: {  	_ =	shalt  }
0x84: {  	_ =	shalt  }
0x85: {  	_ =	shalt  }
0x86: {  	_ =	shalt  }
0x87: {  	_ =	shalt  }
.Lfunc_end0:
.L_simem_size_0:
called_computation.2_lowered:
.L_overlay_start_0:
0x88: {  	s2 =	sld [smem:$0x3FD9]  }
0x89: {  	s3 =	sld [smem:$0x3FFE];
	_ =	sdelay $0x1  }
0x8a: {  	s1 =	srdreg.scid  }
0x8b: {  	s0 =	sand.u32 $0x1, s1  }
0x8c: {  	s17 =	sshll.u32 s0, $0xA;
	s2 =	sadd.s32 s3, s2  }
0x8d: {  	s2 =	sadd.s32 s2, s17  }
0x8e: {  	[smem:$0x3F6A] =	sst s2  }
0x8f: {  	_ = 	snop  }
0x90: {  	s2 =	sld [smem:$0x3FD0];
	(tm) =	ssettm $0x1  }
0x91: {  	s18 =	sld [smem:$0x3FFB];
	_ =	sdelay $0x3  }
0x92: {  	_ =	strace s18  }
0x93: {  	s3 =	sld [smem:$0x3FFC];
	_ =	sdelay $0x3  }
0x94: {  	_ =	strace s3  }
0x95: {  	s3 =	sld [smem:$0x3FFD];
	_ =	sdelay $0x3  }
0x96: {  	_ =	strace s3  }
0x97: {  	_ =	strace $0x8FFFFFFF  }
0x98: {  	s19 =	sld [smem:$0x3FDB];
	_ =	sdelay $0x1  }
0x99: {  	s4 =	simm.s32 $_scs_section_size  }
0x9a: {  	s5 =	simm.s32 $_size__tile_overlayer_lowered;
	s6 =	simm.s32 $_tile_overlayer_lowered  }
0x9b: {  	s22 =	simm.s32 $0x1BFF;
	s21 =	sshll.u32 s6, $0x1;
	s3 =	sadd.s32 s4, s19  }
0x9c: {  	s7 =	simm.s32 $0x0;
	s20 =	sshll.u32 s5, $0x1;
	s5 =	sadd.s32 s21, s3  }
0x9d: {  	[timem:s7], [sflag:s22] =	dma.local [hbm:s5], s20  }
0x9e: {  	_ =	swait.ge [sflag:s22], s20  }
0x9f: {  	s4 =	ssub.s32 $0x0, s20;
	[sflag:s22] =	ssyncset.done $0x0  }
0xa0: {  	[sflag:s22] =	ssyncadd.s32 s4;
	_ =	sdelay $0x1  }
0xa1: {  	s23 =	simm.s32 $0x1B8B  }
0xa2: {  	_ =	swait.ge [sflag:s23], $0x1  }
0xa3: {  	[sflag:s23] =	ssyncset.done $0x0  }
0xa4: {  	s25 =	simm.s32 $0x1B8E;
	s24 =	sld [smem:$0x3FFE];
	[sflag:s23] =	ssyncadd.s32 $0xFFFFFFFF  }
0xa5: {  	s26 =	simm.s32 $execute0_lowered;
	[smem:$0x3FD2] =	sst s25  }
0xa6: {  	s5 =	sshll.u32 s26, $0x1;
	_ =	strace $0x8000004C;
	[dreg:$0x1] =	wrdreg $0xFFFFFFFF  }
0xa7: {  	s28 =	simm.s32 $_size_execute0_lowered;
	s3 =	sadd.s32 s3, s5;
	[dreg:$0x0] =	wrdreg $0x0  }
0xa8: {  	s5 =	sshll.u32 s28, $0x1;
	[dreg:$0x2] =	wrdreg s3  }
0xa9: {  	[dreg:$0x3] =	wrdreg s5  }
0xaa: {  	[dreg:$0x4] =	wrdreg $0xC0  }
0xab: {  	_ =	task [dreg:s7], $0x5FFFF  }
0xac: {  	[dreg:$0x1] =	wrdreg $0xFFFFFFFF  }
0xad: {  	[dreg:$0x0] =	wrdreg $0x60  }
0xae: {  	[dreg:$0x2] =	wrdreg s2  }
0xaf: {  	[dreg:$0x3] =	wrdreg s24  }
0xb0: {  	[dreg:$0x4] =	wrdreg $0x9  }
0xb1: {  	_ =	task.clear_ibuf [dreg:s7], $0x5FFFF;
	_ =	strace $0x9000004C  }
0xb2: {  	s29 =	simm.s32 $0x9;
	_ =	strace $0x8000004E  }
0xb3: {  	_ =	swait.ge [sflag:s29], $0x1  }
0xb4: {  	[sflag:s29] =	ssyncadd.s32 $0xFFFFFFFF  }
0xb5: {  	_ =	strace $0x9000004E  }
0xb6: {  	_ =	sfence  }
0xb7: {  	s30 =	sld [smem:$0x0];
	_ =	sdelay $0x2  }
0xb8: {  	s31 =	sshll.u32 s1, $0xD;
	s1 =	sshrl.u32 s1, $0x2  }
0xb9: {  	s3 =	sand.u32 $0x4000, s31;
	s1 =	sadd.s32 s1, s30  }
0xba: {  	s0 =	sor.u32 s3, s0;
	s1 =	sshll.u32 s1, $0x11  }
0xbb: {  	s0 =	sor.u32 s1, s0  }
0xbc: {  	s0 =	sadd.s32 $0x8F2B, s0  }
0xbd: {  	[sflag:s0] =	ssyncadd.remote.s32 $0x1  }
0xbe: {  	_ =	sfence.sel $0xFFFF  }
0xbf: {  	[dreg:$0x0] =	wrdreg $0xFFFFFFFF;
	(pc) =	sbr.abs _section_cstart, $3  }
0xc0: {  	[dreg:$0x1] =	wrdreg $0xFFFFFFFF  }
0xc1: {  	_ =	task.clear_ibuf [dreg:s7], $0x2FFFF;
	_ =	strace $0x9FFFFFFF  }
0xc2: {  	(tm) =	ssettm $0x7FFFFFFF  }
0xc3: {  	_ =	shalt  }
tec
execute0_lowered:
.L_overlay_start_1:
0x0: {  	(tag) =	ssettag $0x1  }
0x1: {  	s2 =	rddreg [dreg:$0x0]  }
0x2: {  	s4 =	rddreg [dreg:$0x1];
	s3 =	srdreg.scid  }
0x3: {  	s0 =	rddreg [dreg:$0x2];
	s1 =	stileid.u32;
	s8 =	simm.s32 $0x80  }
0x4: {  	s9 =	simm.s32 $0x1;
	s10 =	simm.s32 $0x2000;
	s11 =	simm.s32 $0x0  }
0x5: {  	s5 =	sand.u32 $0x1, s3;
	s3 =	simm.s32 $0x0;
	s6 =	sshll.u32 s1, $0xB  }
0x6: {  	s7 =	sshll.u32 s5, $0xA;
	[smem:$0x7FF] =	sst s3;
	s5 =	ssub.s32 $0x2, s5  }
0x7: {  	s6 =	sor.u32 s7, s6;
	_ =	strace $0x8000004D;
	s30 =	sshrl.u32 s5, $0x1  }
0x8: {  	s7 =	simm.s32 $0x2;
	s6 =	sadd.s32 s6, s4;
	s31 =	ssub.s32 s5, s30  }
0x9: {  	s4 =	sadd.s32 $0x21C00, s6;
	s5 =	sadd.s32 $0x29C00, s6;
	s6 =	smax.u32 s31, $0x1  }
.LBB2_1:
0xa: {  	[tilespmem:s3], [sflag:$0x2] =	stream.linear.gather [hbm4b:s4+s3], $0x2000, $0x38;
	[tilespmem:$0x4000] =	vst v63  }
0xb: {  	_ =	swait.ge [sflag:s7], $0x2000  }
0xc: {  	[sflag:s7] =	ssyncset.done $0x0  }
0xd: {  	s12 =	simm.s32 $0x0;
	s13 =	simm.s32 $0x2000;
	[sflag:s7] =	ssyncadd.s32 $0xFFFFE000  }
0xe: {  	[tilespmem:s13], [sflag:$0x1] =	stream.indirect.gather [hbm4b:s2+s8], $0x1, s12, s8, $0xb8;
	[tilespmem:$0x4000] =	vst v63  }
0xf: {  	s12 =	simm.s32 $0x200;
	_ =	swait.ge [sflag:s9], $0x80  }
.LBB2_2:
0x10: {  	s13 =	sshra.s32 s12, $0x2;
	[sflag:s9] =	ssyncset.done $0x0;
	p0 =	sne.s32 s12, $0x7E00  }
.Ltmp0:
0x11: {  	s14 =	sadd.s32 $0x2000, s13;
	[sflag:s9] =	ssyncadd.s32 $0xFFFFFF80;
	(pc) =	sbr.rel @p0 .LBB2_2-.Ltmp0, $3  }
0x12: {  	[tilespmem:s14], [sflag:$0x1] =	stream.indirect.gather [hbm4b:s2+s8], $0x1, s13, s8, $0xb8;
	[tilespmem:$0x4000] =	vst v63  }
0x13: {  	s12 =	sadd.s32 $0x200, s12;
	_ =	sdelay $0x1  }
0x14: {  	_ =	swait.ge [sflag:s9], $0x80  }
0x15: {  	s11 =	sadd.s32 $0x1, s11  }
0x16: {  	[sflag:s9] =	ssyncset.done $0x0;
	p0 =	sne.s32 s11, s6  }
.Ltmp1:
0x17: {  	[sflag:s9] =	ssyncadd.s32 $0xFFFFFF80;
	(pc) =	sbr.rel @p0 .LBB2_1-.Ltmp1, $4  }
0x18: {  	[hbm4b:s5+s3] =	stream.linear.scatter [tilespmem:s10], [sflag:$0x2], $0x2000, $0x38;
	[tilespmem:$0x4000] =	vst v63  }
0x19: {  	_ =	swait.ge [sflag:s7], $0x2000  }
0x1a: {  	[sflag:s7] =	ssyncset.done $0x0  }
0x1b: {  	[sflag:s7] =	ssyncadd.s32 $0xFFFFE000  }
0x1c: {  	_ =	sfence.sel $0x180000  }
0x1d: {  	[bflag:$0x0] =	sbarrier.arrive $0xFFFF  }
0x1e: {  	p0 =	sne.s32 s1, $0x0;
	_ =	strace $0x9000004D  }
0x1f: {  	s0 =	sadd.s32 @!p0 $0x100000, s0;
	[bflag:$0x2] =	sbarrier.arrive $0xFFFF  }
0x20: {  	[sflag:s0] =	ssyncadd.tile.s32 @!p0 $0x1;
	_ =	shalt  }
.Lfunc_end2:
_tile_overlayer_lowered:
.L_overlay_start_2:
0x21: {  	(tag) =	ssettag $0x2  }
0x22: {  	s0 =	rddreg [dreg:$0x0];
	s2 =	stileid.u32  }
0x23: {  	s1 =	rddreg [dreg:$0x1];
	p0 =	sne.s32 s2, $0x0  }
0x24: {  	s3 =	rddreg [dreg:$0x2];
	[bflag:$0x3] =	sbarrier.arrive $0xFFFF;
	s2 =	simm.s32 @!p0 $0x1C02  }
0x25: {  	[timem:s3], [sflag:s2] =	dma.local @!p0 [hbm:s0], s1  }
0x26: {  	s0 =	simm.s32 @!p0 $0x2  }
0x27: {  	_ =	swait.ge @!p0 [sflag:s0], s1  }
0x28: {  	s1 =	ssub.s32 @!p0 $0x0, s1;
	[sflag:s0] =	ssyncset.done @!p0 $0x0  }
0x29: {  	[sflag:s0] =	ssyncadd.s32 @!p0 s1  }
0x2a: {  	[bflag:$0x3] =	sbarrier.arrive $0xFFFF  }
0x2b: {  	_ =	shalt  }

// kernel: kernel.27.cloned.1.call-start
scs
__scs_entry_jumppad:
0x0: {  	(pc) =	sbr.rel $0x88, $3  }
0x1: {  	(tag) =	ssettag $0x0;
	lr =	simm.s32 $0x1  }
0x2: {  	[smem:$0x3F43] =	sst lr;
	_ =	strace $0xD0000000  }
0x3: {  	_ = 	snop  }
0x4: {  	_ = 	snop  }
0x5: {  	_ = 	snop  }
0x6: {  	_ = 	snop  }
0x7: {  	_ = 	snop  }
__scs_overlays_trampoline_lowered:
0x8: {  	[smem:$0x3F52] =	sst s0  }
0x9: {  	[smem:$0x3F53] =	sst s1  }
0xa: {  	[smem:$0x3F54] =	sst s2  }
0xb: {  	[smem:$0x3F55] =	sst s3  }
0xc: {  	[smem:$0x3F56] =	sst s4  }
0xd: {  	[smem:$0x3F57] =	sst s5  }
0xe: {  	[smem:$0x3F58] =	sst s6  }
0xf: {  	[smem:$0x3F59] =	sst s7  }
0x10: {  	[smem:$0x3F5A] =	sst s8  }
0x11: {  	[smem:$0x3F5B] =	sst s9;
	s0 =	simm.s32 @!p0 $0x0  }
0x12: {  	s1 =	sld [smem:$0x3F41];
	s0 =	simm.s32 @p0 $0x1  }
0x13: {  	[smem:$0x3F5C] =	sst s0;
	s0 =	simm.s32 @!p1 $0x0  }
0x14: {  	s2 =	sld [smem:$0x3F40];
	s0 =	simm.s32 @p1 $0x1  }
0x15: {  	[smem:$0x3F5D] =	sst s0;
	s0 =	simm.s32 @!p2 $0x0  }
0x16: {  	s3 =	sld [smem:$0x3FDB];
	s0 =	simm.s32 @p2 $0x1  }
0x17: {  	s4 =	simm.s32 $0x1BF5;
	[smem:$0x3F5F] =	sst s0  }
0x18: {  	s0 =	sld [smem:$0x3F42];
	_ =	swait.ge [sflag:s4], $0x0  }
0x19: {  	s7 =	sld [smem:$0x3F43]  }
0x1a: {  	s8 =	sadd.s32 $0xFFFFE003, lr  }
0x1b: {  	s9 =	sadd.s32 $0xFFFFFEF7, lr;
	s5 =	simm.s32 $0xFFFFFFFF;
	p2 =	slt.u32 s8, $0xFFFFF086  }
0x1c: {  	p1 =	slt.u32 s9, $0xF7A;
	s5 =	simm.s32 @!p2 $0x0  }
0x1d: {  	s5 =	simm.s32 @p1 $0x1;
	p0 =	seq.s32 s7, s2  }
0x1e: {  	s7 =	smul.u32 @!p0 $0xF7A, s2;
	p2 =	seq.s32 @!p0 s5, $0x0  }
0x1f: {  	s9 =	smul.u32 $0xF7A, s1;
	s8 =	simm.s32 @!p0 $0x1BF5;
	p2 =	por !p2, p0  }
0x20: {  	[sflag:s8] =	ssyncset.s32 @!p0 $0xFFFFF086;
	s6 =	sadd.s32 @!p0 s3, s7;
	s7 =	simm.s32 @!p0 $0x108  }
0x21: {  	s3 =	sadd.s32 s3, s9;
	s6 =	sadd.s32 @!p0 $0x88, s6;
	s7 =	simm.s32 @p2 $0x1082  }
0x22: {  	[simem:s7], [sflag:s8] =	dma.local @!p0 [hbm:s6], $0xF7A  }
0x23: {  	s9 =	sor.u32 $0xD0000000, s2;
	s6 =	simm.s32 $0x108;
	_ =	swait.ge @!p0 [sflag:s8], $0x0  }
0x24: {  	s3 =	sadd.s32 $0x88, s3;
	s6 =	simm.s32 @!p1 $0x1082;
	[sflag:s4] =	ssyncset.s32 $0xFFFFF086  }
0x25: {  	[simem:s6], [sflag:s4] =	dma.local [hbm:s3], $0xF7A  }
0x26: {  	[smem:$0x3F43] =	sst s1;
	(tag) =	ssettag s2;
	_ =	strace s9  }
0x27: {  	s1 =	sld [smem:$0x3F53]  }
0x28: {  	s2 =	sld [smem:$0x3F54]  }
0x29: {  	s4 =	sld [smem:$0x3F56]  }
0x2a: {  	p0 =	seq.s32 s5, $0x0;
	s5 =	sld [smem:$0x3F57]  }
0x2b: {  	s6 =	sld [smem:$0x3F58]  }
0x2c: {  	s7 =	sld [smem:$0x3F59]  }
0x2d: {  	s3 =	simm.s32 $0x108;
	s8 =	sld [smem:$0x3F5A]  }
0x2e: {  	s3 =	simm.s32 @!p0 $0x1082;
	s9 =	sld [smem:$0x3F5B]  }
0x2f: {  	lr =	sadd.s32 s0, s3;
	s0 =	sld [smem:$0x3F52]  }
0x30: {  	s3 =	sld [smem:$0x3F55]  }
0x31: {  	[smem:$0x3F5E] =	sst s10  }
0x32: {  	s10 =	sld [smem:$0x3F5C];
	_ =	sdelay $0x3  }
0x33: {  	p0 =	seq.s32 s10, $0x1;
	s10 =	sld [smem:$0x3F5E];
	_ =	sdelay $0x3  }
0x34: {  	[smem:$0x3F5E] =	sst s10  }
0x35: {  	s10 =	sld [smem:$0x3F5D];
	_ =	sdelay $0x3  }
0x36: {  	p1 =	seq.s32 s10, $0x1;
	s10 =	sld [smem:$0x3F5E];
	_ =	sdelay $0x3  }
0x37: {  	[smem:$0x3F5E] =	sst s10  }
0x38: {  	s10 =	sld [smem:$0x3F5F]  }
0x39: {  	_ = 	snop;
	(pc) =	sbr.ind lr, $3  }
0x3a: {  	_ = 	snop  }
0x3b: {  	_ = 	snop  }
0x3c: {  	p2 =	seq.s32 s10, $0x1;
	s10 =	sld [smem:$0x3F5E]  }
0x3d: {  	_ =	shalt  }
0x3e: {  	_ =	shalt  }
0x3f: {  	_ =	shalt  }
0x40: {  	_ =	shalt  }
0x41: {  	_ =	shalt  }
0x42: {  	_ =	shalt  }
0x43: {  	_ =	shalt  }
0x44: {  	_ =	shalt  }
0x45: {  	_ =	shalt  }
0x46: {  	_ =	shalt  }
0x47: {  	_ =	shalt  }
0x48: {  	_ =	shalt  }
0x49: {  	_ =	shalt  }
0x4a: {  	_ =	shalt  }
0x4b: {  	_ =	shalt  }
0x4c: {  	_ =	shalt  }
0x4d: {  	_ =	shalt  }
0x4e: {  	_ =	shalt  }
0x4f: {  	_ =	shalt  }
0x50: {  	_ =	shalt  }
0x51: {  	_ =	shalt  }
0x52: {  	_ =	shalt  }
0x53: {  	_ =	shalt  }
0x54: {  	_ =	shalt  }
0x55: {  	_ =	shalt  }
0x56: {  	_ =	shalt  }
0x57: {  	_ =	shalt  }
0x58: {  	_ =	shalt  }
0x59: {  	_ =	shalt  }
0x5a: {  	_ =	shalt  }
0x5b: {  	_ =	shalt  }
0x5c: {  	_ =	shalt  }
0x5d: {  	_ =	shalt  }
0x5e: {  	_ =	shalt  }
0x5f: {  	_ =	shalt  }
0x60: {  	_ =	shalt  }
0x61: {  	_ =	shalt  }
0x62: {  	_ =	shalt  }
0x63: {  	_ =	shalt  }
0x64: {  	_ =	shalt  }
0x65: {  	_ =	shalt  }
0x66: {  	_ =	shalt  }
0x67: {  	_ =	shalt  }
0x68: {  	_ =	shalt  }
0x69: {  	_ =	shalt  }
0x6a: {  	_ =	shalt  }
0x6b: {  	_ =	shalt  }
0x6c: {  	_ =	shalt  }
0x6d: {  	_ =	shalt  }
0x6e: {  	_ =	shalt  }
0x6f: {  	_ =	shalt  }
0x70: {  	_ =	shalt  }
0x71: {  	_ =	shalt  }
0x72: {  	_ =	shalt  }
0x73: {  	_ =	shalt  }
0x74: {  	_ =	shalt  }
0x75: {  	_ =	shalt  }
0x76: {  	_ =	shalt  }
0x77: {  	_ =	shalt  }
0x78: {  	_ =	shalt  }
0x79: {  	_ =	shalt  }
0x7a: {  	_ =	shalt  }
0x7b: {  	_ =	shalt  }
0x7c: {  	_ =	shalt  }
0x7d: {  	_ =	shalt  }
0x7e: {  	_ =	shalt  }
0x7f: {  	_ =	shalt  }
0x80: {  	_ =	shalt  }
0x81: {  	_ =	shalt  }
0x82: {  	_ =	shalt  }
0x83: {  	_ =	shalt  }
0x84: {  	_ =	shalt  }
0x85: {  	_ =	shalt  }
0x86: {  	_ =	shalt  }
0x87: {  	_ =	shalt  }
.Lfunc_end0:
.L_simem_size_0:
called_computation.3_lowered:
.L_overlay_start_0:
0x88: {  	s2 =	sld [smem:$0x3FD9]  }
0x89: {  	s3 =	sld [smem:$0x3FFE];
	_ =	sdelay $0x1  }
0x8a: {  	s1 =	srdreg.scid  }
0x8b: {  	s0 =	sand.u32 $0x1, s1  }
0x8c: {  	s17 =	sshll.u32 s0, $0xA;
	s2 =	sadd.s32 s3, s2  }
0x8d: {  	s2 =	sadd.s32 s2, s17  }
0x8e: {  	[smem:$0x3F6A] =	sst s2  }
0x8f: {  	_ = 	snop  }
0x90: {  	s2 =	sld [smem:$0x3FD0];
	(tm) =	ssettm $0x1  }
0x91: {  	s18 =	sld [smem:$0x3FFB];
	_ =	sdelay $0x3  }
0x92: {  	_ =	strace s18  }
0x93: {  	s3 =	sld [smem:$0x3FFC];
	_ =	sdelay $0x3  }
0x94: {  	_ =	strace s3  }
0x95: {  	s3 =	sld [smem:$0x3FFD];
	_ =	sdelay $0x3  }
0x96: {  	_ =	strace s3  }
0x97: {  	_ =	strace $0x8FFFFFFF  }
0x98: {  	s19 =	sld [smem:$0x3FDB];
	_ =	sdelay $0x1  }
0x99: {  	s4 =	simm.s32 $_scs_section_size  }
0x9a: {  	s5 =	simm.s32 $_size__tile_overlayer_lowered;
	s6 =	simm.s32 $_tile_overlayer_lowered  }
0x9b: {  	s22 =	simm.s32 $0x1BFF;
	s21 =	sshll.u32 s6, $0x1;
	s3 =	sadd.s32 s4, s19  }
0x9c: {  	s7 =	simm.s32 $0x0;
	s20 =	sshll.u32 s5, $0x1;
	s5 =	sadd.s32 s21, s3  }
0x9d: {  	[timem:s7], [sflag:s22] =	dma.local [hbm:s5], s20  }
0x9e: {  	_ =	swait.ge [sflag:s22], s20  }
0x9f: {  	s4 =	ssub.s32 $0x0, s20;
	[sflag:s22] =	ssyncset.done $0x0  }
0xa0: {  	[sflag:s22] =	ssyncadd.s32 s4;
	_ =	sdelay $0x1  }
0xa1: {  	s23 =	simm.s32 $0x1B8B  }
0xa2: {  	_ =	swait.ge [sflag:s23], $0x1  }
0xa3: {  	[sflag:s23] =	ssyncset.done $0x0  }
0xa4: {  	s25 =	simm.s32 $0x1B8E;
	s24 =	sld [smem:$0x3FFE];
	[sflag:s23] =	ssyncadd.s32 $0xFFFFFFFF  }
0xa5: {  	s26 =	simm.s32 $execute0_lowered;
	[smem:$0x3FD2] =	sst s25  }
0xa6: {  	s5 =	sshll.u32 s26, $0x1;
	_ =	strace $0x8000004F;
	[dreg:$0x1] =	wrdreg $0xFFFFFFFF  }
0xa7: {  	s28 =	simm.s32 $_size_execute0_lowered;
	s3 =	sadd.s32 s3, s5;
	[dreg:$0x0] =	wrdreg $0x0  }
0xa8: {  	s5 =	sshll.u32 s28, $0x1;
	[dreg:$0x2] =	wrdreg s3  }
0xa9: {  	[dreg:$0x3] =	wrdreg s5  }
0xaa: {  	[dreg:$0x4] =	wrdreg $0xC0  }
0xab: {  	_ =	task [dreg:s7], $0x5FFFF  }
0xac: {  	[dreg:$0x1] =	wrdreg $0xFFFFFFFF  }
0xad: {  	[dreg:$0x0] =	wrdreg $0x60  }
0xae: {  	[dreg:$0x2] =	wrdreg s2  }
0xaf: {  	[dreg:$0x3] =	wrdreg s24  }
0xb0: {  	[dreg:$0x4] =	wrdreg $0x9  }
0xb1: {  	_ =	task.clear_ibuf [dreg:s7], $0x5FFFF;
	_ =	strace $0x9000004F  }
0xb2: {  	s29 =	simm.s32 $0x9;
	_ =	strace $0x80000051  }
0xb3: {  	_ =	swait.ge [sflag:s29], $0x1  }
0xb4: {  	[sflag:s29] =	ssyncadd.s32 $0xFFFFFFFF  }
0xb5: {  	_ =	strace $0x90000051  }
0xb6: {  	_ =	sfence  }
0xb7: {  	s30 =	sld [smem:$0x0];
	_ =	sdelay $0x2  }
0xb8: {  	s31 =	sshll.u32 s1, $0xD;
	s1 =	sshrl.u32 s1, $0x2  }
0xb9: {  	s3 =	sand.u32 $0x4000, s31;
	s1 =	sadd.s32 s1, s30  }
0xba: {  	s0 =	sor.u32 s3, s0;
	s1 =	sshll.u32 s1, $0x11  }
0xbb: {  	s0 =	sor.u32 s1, s0  }
0xbc: {  	s0 =	sadd.s32 $0x8F2B, s0  }
0xbd: {  	[sflag:s0] =	ssyncadd.remote.s32 $0x1  }
0xbe: {  	_ =	sfence.sel $0xFFFF  }
0xbf: {  	[dreg:$0x0] =	wrdreg $0xFFFFFFFF;
	(pc) =	sbr.abs _section_cstart, $3  }
0xc0: {  	[dreg:$0x1] =	wrdreg $0xFFFFFFFF  }
0xc1: {  	_ =	task.clear_ibuf [dreg:s7], $0x2FFFF;
	_ =	strace $0x9FFFFFFF  }
0xc2: {  	(tm) =	ssettm $0x7FFFFFFF  }
0xc3: {  	_ =	shalt  }
tec
execute0_lowered:
.L_overlay_start_1:
0x0: {  	(tag) =	ssettag $0x1  }
0x1: {  	s2 =	rddreg [dreg:$0x0];
	s0 =	srdreg.scid  }
0x2: {  	s4 =	rddreg [dreg:$0x1];
	s1 =	stileid.u32;
	s3 =	simm.s32 $0x0  }
0x3: {  	s8 =	simm.s32 $0x80;
	s9 =	simm.s32 $0x1;
	s10 =	simm.s32 $0x2000  }
0x4: {  	s11 =	simm.s32 $0x0;
	s5 =	sand.u32 $0x1, s0;
	s0 =	rddreg [dreg:$0x2]  }
0x5: {  	s6 =	sshll.u32 s1, $0xB;
	s7 =	sshll.u32 s5, $0xA;
	s5 =	ssub.s32 $0x2, s5  }
0x6: {  	[smem:$0x7FF] =	sst s3;
	s6 =	sor.u32 s7, s6;
	s30 =	sshrl.u32 s5, $0x1  }
0x7: {  	_ =	strace $0x80000050;
	s4 =	sadd.s32 s4, s6;
	s31 =	ssub.s32 s5, s30  }
0x8: {  	s7 =	simm.s32 $0x2;
	s5 =	sadd.s32 $0x21C00, s4;
	s6 =	smax.u32 s31, $0x1  }
.LBB2_1:
0x9: {  	[tilespmem:s3], [sflag:$0x2] =	stream.linear.gather [hbm4b:s5+s3], $0x2000, $0x38;
	[tilespmem:$0x4000] =	vst v63  }
0xa: {  	_ =	swait.ge [sflag:s7], $0x2000  }
0xb: {  	[sflag:s7] =	ssyncset.done $0x0  }
0xc: {  	s12 =	simm.s32 $0x0;
	s13 =	simm.s32 $0x2000;
	[sflag:s7] =	ssyncadd.s32 $0xFFFFE000  }
0xd: {  	[tilespmem:s13], [sflag:$0x1] =	stream.indirect.gather [hbm4b:s2+s8], $0x1, s12, s8, $0xb8;
	[tilespmem:$0x4000] =	vst v63  }
0xe: {  	s12 =	simm.s32 $0x200;
	_ =	swait.ge [sflag:s9], $0x80  }
.LBB2_2:
0xf: {  	s13 =	sshra.s32 s12, $0x2;
	[sflag:s9] =	ssyncset.done $0x0;
	p0 =	sne.s32 s12, $0x7E00  }
.Ltmp0:
0x10: {  	s14 =	sadd.s32 $0x2000, s13;
	[sflag:s9] =	ssyncadd.s32 $0xFFFFFF80;
	(pc) =	sbr.rel @p0 .LBB2_2-.Ltmp0, $3  }
0x11: {  	[tilespmem:s14], [sflag:$0x1] =	stream.indirect.gather [hbm4b:s2+s8], $0x1, s13, s8, $0xb8;
	[tilespmem:$0x4000] =	vst v63  }
0x12: {  	s12 =	sadd.s32 $0x200, s12;
	_ =	sdelay $0x1  }
0x13: {  	_ =	swait.ge [sflag:s9], $0x80  }
0x14: {  	s11 =	sadd.s32 $0x1, s11  }
0x15: {  	[sflag:s9] =	ssyncset.done $0x0;
	p0 =	sne.s32 s11, s6  }
.Ltmp1:
0x16: {  	[sflag:s9] =	ssyncadd.s32 $0xFFFFFF80;
	(pc) =	sbr.rel @p0 .LBB2_1-.Ltmp1, $4  }
0x17: {  	[hbm4b:s4+s3] =	stream.linear.scatter [tilespmem:s10], [sflag:$0x2], $0x2000, $0x38;
	[tilespmem:$0x4000] =	vst v63  }
0x18: {  	_ =	swait.ge [sflag:s7], $0x2000  }
0x19: {  	[sflag:s7] =	ssyncset.done $0x0  }
0x1a: {  	[sflag:s7] =	ssyncadd.s32 $0xFFFFE000  }
0x1b: {  	_ =	sfence.sel $0x180000  }
0x1c: {  	[bflag:$0x0] =	sbarrier.arrive $0xFFFF  }
0x1d: {  	p0 =	sne.s32 s1, $0x0;
	_ =	strace $0x90000050  }
0x1e: {  	s0 =	sadd.s32 @!p0 $0x100000, s0;
	[bflag:$0x2] =	sbarrier.arrive $0xFFFF  }
0x1f: {  	[sflag:s0] =	ssyncadd.tile.s32 @!p0 $0x1;
	_ =	shalt  }
.Lfunc_end2:
_tile_overlayer_lowered:
.L_overlay_start_2:
0x20: {  	(tag) =	ssettag $0x2  }
0x21: {  	s0 =	rddreg [dreg:$0x0];
	s2 =	stileid.u32  }
0x22: {  	s1 =	rddreg [dreg:$0x1];
	p0 =	sne.s32 s2, $0x0  }
0x23: {  	s3 =	rddreg [dreg:$0x2];
	[bflag:$0x3] =	sbarrier.arrive $0xFFFF;
	s2 =	simm.s32 @!p0 $0x1C02  }
0x24: {  	[timem:s3], [sflag:s2] =	dma.local @!p0 [hbm:s0], s1  }
0x25: {  	s0 =	simm.s32 @!p0 $0x2  }
0x26: {  	_ =	swait.ge @!p0 [sflag:s0], s1  }
0x27: {  	s1 =	ssub.s32 @!p0 $0x0, s1;
	[sflag:s0] =	ssyncset.done @!p0 $0x0  }
0x28: {  	[sflag:s0] =	ssyncadd.s32 @!p0 s1  }
0x29: {  	[bflag:$0x3] =	sbarrier.arrive $0xFFFF  }
0x2a: {  	_ =	shalt  }

// kernel: kernel.30.cloned.1.call-start
scs
__scs_entry_jumppad:
0x0: {  	(pc) =	sbr.rel $0x88, $3  }
0x1: {  	(tag) =	ssettag $0x0;
	lr =	simm.s32 $0x1  }
0x2: {  	[smem:$0x3F43] =	sst lr;
	_ =	strace $0xD0000000  }
0x3: {  	_ = 	snop  }
0x4: {  	_ = 	snop  }
0x5: {  	_ = 	snop  }
0x6: {  	_ = 	snop  }
0x7: {  	_ = 	snop  }
__scs_overlays_trampoline_lowered:
0x8: {  	[smem:$0x3F52] =	sst s0  }
0x9: {  	[smem:$0x3F53] =	sst s1  }
0xa: {  	[smem:$0x3F54] =	sst s2  }
0xb: {  	[smem:$0x3F55] =	sst s3  }
0xc: {  	[smem:$0x3F56] =	sst s4  }
0xd: {  	[smem:$0x3F57] =	sst s5  }
0xe: {  	[smem:$0x3F58] =	sst s6  }
0xf: {  	[smem:$0x3F59] =	sst s7  }
0x10: {  	[smem:$0x3F5A] =	sst s8  }
0x11: {  	[smem:$0x3F5B] =	sst s9;
	s0 =	simm.s32 @!p0 $0x0  }
0x12: {  	s1 =	sld [smem:$0x3F41];
	s0 =	simm.s32 @p0 $0x1  }
0x13: {  	[smem:$0x3F5C] =	sst s0;
	s0 =	simm.s32 @!p1 $0x0  }
0x14: {  	s2 =	sld [smem:$0x3F40];
	s0 =	simm.s32 @p1 $0x1  }
0x15: {  	[smem:$0x3F5D] =	sst s0;
	s0 =	simm.s32 @!p2 $0x0  }
0x16: {  	s3 =	sld [smem:$0x3FDB];
	s0 =	simm.s32 @p2 $0x1  }
0x17: {  	s4 =	simm.s32 $0x1BF5;
	[smem:$0x3F5F] =	sst s0  }
0x18: {  	s0 =	sld [smem:$0x3F42];
	_ =	swait.ge [sflag:s4], $0x0  }
0x19: {  	s7 =	sld [smem:$0x3F43]  }
0x1a: {  	s8 =	sadd.s32 $0xFFFFE003, lr  }
0x1b: {  	s9 =	sadd.s32 $0xFFFFFEF7, lr;
	s5 =	simm.s32 $0xFFFFFFFF;
	p2 =	slt.u32 s8, $0xFFFFF086  }
0x1c: {  	p1 =	slt.u32 s9, $0xF7A;
	s5 =	simm.s32 @!p2 $0x0  }
0x1d: {  	s5 =	simm.s32 @p1 $0x1;
	p0 =	seq.s32 s7, s2  }
0x1e: {  	s7 =	smul.u32 @!p0 $0xF7A, s2;
	p2 =	seq.s32 @!p0 s5, $0x0  }
0x1f: {  	s9 =	smul.u32 $0xF7A, s1;
	s8 =	simm.s32 @!p0 $0x1BF5;
	p2 =	por !p2, p0  }
0x20: {  	[sflag:s8] =	ssyncset.s32 @!p0 $0xFFFFF086;
	s6 =	sadd.s32 @!p0 s3, s7;
	s7 =	simm.s32 @!p0 $0x108  }
0x21: {  	s3 =	sadd.s32 s3, s9;
	s6 =	sadd.s32 @!p0 $0x88, s6;
	s7 =	simm.s32 @p2 $0x1082  }
0x22: {  	[simem:s7], [sflag:s8] =	dma.local @!p0 [hbm:s6], $0xF7A  }
0x23: {  	s9 =	sor.u32 $0xD0000000, s2;
	s6 =	simm.s32 $0x108;
	_ =	swait.ge @!p0 [sflag:s8], $0x0  }
0x24: {  	s3 =	sadd.s32 $0x88, s3;
	s6 =	simm.s32 @!p1 $0x1082;
	[sflag:s4] =	ssyncset.s32 $0xFFFFF086  }
0x25: {  	[simem:s6], [sflag:s4] =	dma.local [hbm:s3], $0xF7A  }
0x26: {  	[smem:$0x3F43] =	sst s1;
	(tag) =	ssettag s2;
	_ =	strace s9  }
0x27: {  	s1 =	sld [smem:$0x3F53]  }
0x28: {  	s2 =	sld [smem:$0x3F54]  }
0x29: {  	s4 =	sld [smem:$0x3F56]  }
0x2a: {  	p0 =	seq.s32 s5, $0x0;
	s5 =	sld [smem:$0x3F57]  }
0x2b: {  	s6 =	sld [smem:$0x3F58]  }
0x2c: {  	s7 =	sld [smem:$0x3F59]  }
0x2d: {  	s3 =	simm.s32 $0x108;
	s8 =	sld [smem:$0x3F5A]  }
0x2e: {  	s3 =	simm.s32 @!p0 $0x1082;
	s9 =	sld [smem:$0x3F5B]  }
0x2f: {  	lr =	sadd.s32 s0, s3;
	s0 =	sld [smem:$0x3F52]  }
0x30: {  	s3 =	sld [smem:$0x3F55]  }
0x31: {  	[smem:$0x3F5E] =	sst s10  }
0x32: {  	s10 =	sld [smem:$0x3F5C];
	_ =	sdelay $0x3  }
0x33: {  	p0 =	seq.s32 s10, $0x1;
	s10 =	sld [smem:$0x3F5E];
	_ =	sdelay $0x3  }
0x34: {  	[smem:$0x3F5E] =	sst s10  }
0x35: {  	s10 =	sld [smem:$0x3F5D];
	_ =	sdelay $0x3  }
0x36: {  	p1 =	seq.s32 s10, $0x1;
	s10 =	sld [smem:$0x3F5E];
	_ =	sdelay $0x3  }
0x37: {  	[smem:$0x3F5E] =	sst s10  }
0x38: {  	s10 =	sld [smem:$0x3F5F]  }
0x39: {  	_ = 	snop;
	(pc) =	sbr.ind lr, $3  }
0x3a: {  	_ = 	snop  }
0x3b: {  	_ = 	snop  }
0x3c: {  	p2 =	seq.s32 s10, $0x1;
	s10 =	sld [smem:$0x3F5E]  }
0x3d: {  	_ =	shalt  }
0x3e: {  	_ =	shalt  }
0x3f: {  	_ =	shalt  }
0x40: {  	_ =	shalt  }
0x41: {  	_ =	shalt  }
0x42: {  	_ =	shalt  }
0x43: {  	_ =	shalt  }
0x44: {  	_ =	shalt  }
0x45: {  	_ =	shalt  }
0x46: {  	_ =	shalt  }
0x47: {  	_ =	shalt  }
0x48: {  	_ =	shalt  }
0x49: {  	_ =	shalt  }
0x4a: {  	_ =	shalt  }
0x4b: {  	_ =	shalt  }
0x4c: {  	_ =	shalt  }
0x4d: {  	_ =	shalt  }
0x4e: {  	_ =	shalt  }
0x4f: {  	_ =	shalt  }
0x50: {  	_ =	shalt  }
0x51: {  	_ =	shalt  }
0x52: {  	_ =	shalt  }
0x53: {  	_ =	shalt  }
0x54: {  	_ =	shalt  }
0x55: {  	_ =	shalt  }
0x56: {  	_ =	shalt  }
0x57: {  	_ =	shalt  }
0x58: {  	_ =	shalt  }
0x59: {  	_ =	shalt  }
0x5a: {  	_ =	shalt  }
0x5b: {  	_ =	shalt  }
0x5c: {  	_ =	shalt  }
0x5d: {  	_ =	shalt  }
0x5e: {  	_ =	shalt  }
0x5f: {  	_ =	shalt  }
0x60: {  	_ =	shalt  }
0x61: {  	_ =	shalt  }
0x62: {  	_ =	shalt  }
0x63: {  	_ =	shalt  }
0x64: {  	_ =	shalt  }
0x65: {  	_ =	shalt  }
0x66: {  	_ =	shalt  }
0x67: {  	_ =	shalt  }
0x68: {  	_ =	shalt  }
0x69: {  	_ =	shalt  }
0x6a: {  	_ =	shalt  }
0x6b: {  	_ =	shalt  }
0x6c: {  	_ =	shalt  }
0x6d: {  	_ =	shalt  }
0x6e: {  	_ =	shalt  }
0x6f: {  	_ =	shalt  }
0x70: {  	_ =	shalt  }
0x71: {  	_ =	shalt  }
0x72: {  	_ =	shalt  }
0x73: {  	_ =	shalt  }
0x74: {  	_ =	shalt  }
0x75: {  	_ =	shalt  }
0x76: {  	_ =	shalt  }
0x77: {  	_ =	shalt  }
0x78: {  	_ =	shalt  }
0x79: {  	_ =	shalt  }
0x7a: {  	_ =	shalt  }
0x7b: {  	_ =	shalt  }
0x7c: {  	_ =	shalt  }
0x7d: {  	_ =	shalt  }
0x7e: {  	_ =	shalt  }
0x7f: {  	_ =	shalt  }
0x80: {  	_ =	shalt  }
0x81: {  	_ =	shalt  }
0x82: {  	_ =	shalt  }
0x83: {  	_ =	shalt  }
0x84: {  	_ =	shalt  }
0x85: {  	_ =	shalt  }
0x86: {  	_ =	shalt  }
0x87: {  	_ =	shalt  }
.Lfunc_end0:
.L_simem_size_0:
called_computation.4_lowered:
.L_overlay_start_0:
0x88: {  	s2 =	sld [smem:$0x3FD9]  }
0x89: {  	s3 =	sld [smem:$0x3FFE];
	_ =	sdelay $0x1  }
0x8a: {  	s1 =	srdreg.scid  }
0x8b: {  	s0 =	sand.u32 $0x1, s1  }
0x8c: {  	s17 =	sshll.u32 s0, $0xA;
	s2 =	sadd.s32 s3, s2  }
0x8d: {  	s2 =	sadd.s32 s2, s17  }
0x8e: {  	[smem:$0x3F6A] =	sst s2  }
0x8f: {  	_ = 	snop  }
0x90: {  	s2 =	sld [smem:$0x3FD0];
	(tm) =	ssettm $0x1  }
0x91: {  	s18 =	sld [smem:$0x3FFB];
	_ =	sdelay $0x3  }
0x92: {  	_ =	strace s18  }
0x93: {  	s3 =	sld [smem:$0x3FFC];
	_ =	sdelay $0x3  }
0x94: {  	_ =	strace s3  }
0x95: {  	s3 =	sld [smem:$0x3FFD];
	_ =	sdelay $0x3  }
0x96: {  	_ =	strace s3  }
0x97: {  	_ =	strace $0x8FFFFFFF  }
0x98: {  	s19 =	sld [smem:$0x3FDB];
	_ =	sdelay $0x1  }
0x99: {  	s4 =	simm.s32 $_scs_section_size  }
0x9a: {  	s5 =	simm.s32 $_size__tile_overlayer_lowered;
	s6 =	simm.s32 $_tile_overlayer_lowered  }
0x9b: {  	s22 =	simm.s32 $0x1BFF;
	s21 =	sshll.u32 s6, $0x1;
	s3 =	sadd.s32 s4, s19  }
0x9c: {  	s7 =	simm.s32 $0x0;
	s20 =	sshll.u32 s5, $0x1;
	s5 =	sadd.s32 s21, s3  }
0x9d: {  	[timem:s7], [sflag:s22] =	dma.local [hbm:s5], s20  }
0x9e: {  	_ =	swait.ge [sflag:s22], s20  }
0x9f: {  	s4 =	ssub.s32 $0x0, s20;
	[sflag:s22] =	ssyncset.done $0x0  }
0xa0: {  	[sflag:s22] =	ssyncadd.s32 s4;
	_ =	sdelay $0x1  }
0xa1: {  	s23 =	simm.s32 $0x1B8B  }
0xa2: {  	_ =	swait.ge [sflag:s23], $0x1  }
0xa3: {  	[sflag:s23] =	ssyncset.done $0x0  }
0xa4: {  	s25 =	simm.s32 $0x1B8E;
	s24 =	sld [smem:$0x3FFE];
	[sflag:s23] =	ssyncadd.s32 $0xFFFFFFFF  }
0xa5: {  	s26 =	simm.s32 $execute0_lowered;
	[smem:$0x3FD2] =	sst s25  }
0xa6: {  	s5 =	sshll.u32 s26, $0x1;
	_ =	strace $0x80000052;
	[dreg:$0x1] =	wrdreg $0xFFFFFFFF  }
0xa7: {  	s28 =	simm.s32 $_size_execute0_lowered;
	s3 =	sadd.s32 s3, s5;
	[dreg:$0x0] =	wrdreg $0x0  }
0xa8: {  	s5 =	sshll.u32 s28, $0x1;
	[dreg:$0x2] =	wrdreg s3  }
0xa9: {  	[dreg:$0x3] =	wrdreg s5  }
0xaa: {  	[dreg:$0x4] =	wrdreg $0xC0  }
0xab: {  	_ =	task [dreg:s7], $0x5FFFF  }
0xac: {  	[dreg:$0x1] =	wrdreg $0xFFFFFFFF  }
0xad: {  	[dreg:$0x0] =	wrdreg $0x60  }
0xae: {  	[dreg:$0x2] =	wrdreg s2  }
0xaf: {  	[dreg:$0x3] =	wrdreg s24  }
0xb0: {  	[dreg:$0x4] =	wrdreg $0x9  }
0xb1: {  	_ =	task.clear_ibuf [dreg:s7], $0x5FFFF;
	_ =	strace $0x90000052  }
0xb2: {  	s29 =	simm.s32 $0x9;
	_ =	strace $0x80000054  }
0xb3: {  	_ =	swait.ge [sflag:s29], $0x1  }
0xb4: {  	[sflag:s29] =	ssyncadd.s32 $0xFFFFFFFF  }
0xb5: {  	_ =	strace $0x90000054  }
0xb6: {  	_ =	sfence  }
0xb7: {  	s30 =	sld [smem:$0x0];
	_ =	sdelay $0x2  }
0xb8: {  	s31 =	sshll.u32 s1, $0xD;
	s1 =	sshrl.u32 s1, $0x2  }
0xb9: {  	s3 =	sand.u32 $0x4000, s31;
	s1 =	sadd.s32 s1, s30  }
0xba: {  	s0 =	sor.u32 s3, s0;
	s1 =	sshll.u32 s1, $0x11  }
0xbb: {  	s0 =	sor.u32 s1, s0  }
0xbc: {  	s0 =	sadd.s32 $0x8F2B, s0  }
0xbd: {  	[sflag:s0] =	ssyncadd.remote.s32 $0x1  }
0xbe: {  	_ =	sfence.sel $0xFFFF  }
0xbf: {  	[dreg:$0x0] =	wrdreg $0xFFFFFFFF;
	(pc) =	sbr.abs _section_cstart, $3  }
0xc0: {  	[dreg:$0x1] =	wrdreg $0xFFFFFFFF  }
0xc1: {  	_ =	task.clear_ibuf [dreg:s7], $0x2FFFF;
	_ =	strace $0x9FFFFFFF  }
0xc2: {  	(tm) =	ssettm $0x7FFFFFFF  }
0xc3: {  	_ =	shalt  }
tec
execute0_lowered:
.L_overlay_start_1:
0x0: {  	(tag) =	ssettag $0x1  }
0x1: {  	s2 =	rddreg [dreg:$0x0];
	s0 =	srdreg.scid  }
0x2: {  	s4 =	rddreg [dreg:$0x1];
	s1 =	stileid.u32;
	s3 =	simm.s32 $0x0  }
0x3: {  	s8 =	simm.s32 $0x80;
	s9 =	simm.s32 $0x1;
	s10 =	simm.s32 $0x2000  }
0x4: {  	s11 =	simm.s32 $0x0;
	s5 =	sand.u32 $0x1, s0;
	s0 =	rddreg [dreg:$0x2]  }
0x5: {  	s6 =	sshll.u32 s1, $0xB;
	s7 =	sshll.u32 s5, $0xA;
	s5 =	ssub.s32 $0x2, s5  }
0x6: {  	[smem:$0x7FF] =	sst s3;
	s6 =	sor.u32 s7, s6;
	s30 =	sshrl.u32 s5, $0x1  }
0x7: {  	_ =	strace $0x80000053;
	s4 =	sadd.s32 s4, s6;
	s31 =	ssub.s32 s5, s30  }
0x8: {  	s7 =	simm.s32 $0x2;
	s5 =	sadd.s32 $0x21C00, s4;
	s6 =	smax.u32 s31, $0x1  }
.LBB2_1:
0x9: {  	[tilespmem:s3], [sflag:$0x2] =	stream.linear.gather [hbm4b:s5+s3], $0x2000, $0x38;
	[tilespmem:$0x4000] =	vst v63  }
0xa: {  	_ =	swait.ge [sflag:s7], $0x2000  }
0xb: {  	[sflag:s7] =	ssyncset.done $0x0  }
0xc: {  	s12 =	simm.s32 $0x0;
	s13 =	simm.s32 $0x2000;
	[sflag:s7] =	ssyncadd.s32 $0xFFFFE000  }
0xd: {  	[tilespmem:s13], [sflag:$0x1] =	stream.indirect.gather [hbm4b:s2+s8], $0x1, s12, s8, $0xb8;
	[tilespmem:$0x4000] =	vst v63  }
0xe: {  	s12 =	simm.s32 $0x200;
	_ =	swait.ge [sflag:s9], $0x80  }
.LBB2_2:
0xf: {  	s13 =	sshra.s32 s12, $0x2;
	[sflag:s9] =	ssyncset.done $0x0;
	p0 =	sne.s32 s12, $0x7E00  }
.Ltmp0:
0x10: {  	s14 =	sadd.s32 $0x2000, s13;
	[sflag:s9] =	ssyncadd.s32 $0xFFFFFF80;
	(pc) =	sbr.rel @p0 .LBB2_2-.Ltmp0, $3  }
0x11: {  	[tilespmem:s14], [sflag:$0x1] =	stream.indirect.gather [hbm4b:s2+s8], $0x1, s13, s8, $0xb8;
	[tilespmem:$0x4000] =	vst v63  }
0x12: {  	s12 =	sadd.s32 $0x200, s12;
	_ =	sdelay $0x1  }
0x13: {  	_ =	swait.ge [sflag:s9], $0x80  }
0x14: {  	s11 =	sadd.s32 $0x1, s11  }
0x15: {  	[sflag:s9] =	ssyncset.done $0x0;
	p0 =	sne.s32 s11, s6  }
.Ltmp1:
0x16: {  	[sflag:s9] =	ssyncadd.s32 $0xFFFFFF80;
	(pc) =	sbr.rel @p0 .LBB2_1-.Ltmp1, $4  }
0x17: {  	[hbm4b:s4+s3] =	stream.linear.scatter [tilespmem:s10], [sflag:$0x2], $0x2000, $0x38;
	[tilespmem:$0x4000] =	vst v63  }
0x18: {  	_ =	swait.ge [sflag:s7], $0x2000  }
0x19: {  	[sflag:s7] =	ssyncset.done $0x0  }
0x1a: {  	[sflag:s7] =	ssyncadd.s32 $0xFFFFE000  }
0x1b: {  	_ =	sfence.sel $0x180000  }
0x1c: {  	[bflag:$0x0] =	sbarrier.arrive $0xFFFF  }
0x1d: {  	p0 =	sne.s32 s1, $0x0;
	_ =	strace $0x90000053  }
0x1e: {  	s0 =	sadd.s32 @!p0 $0x100000, s0;
	[bflag:$0x2] =	sbarrier.arrive $0xFFFF  }
0x1f: {  	[sflag:s0] =	ssyncadd.tile.s32 @!p0 $0x1;
	_ =	shalt  }
.Lfunc_end2:
_tile_overlayer_lowered:
.L_overlay_start_2:
0x20: {  	(tag) =	ssettag $0x2  }
0x21: {  	s0 =	rddreg [dreg:$0x0];
	s2 =	stileid.u32  }
0x22: {  	s1 =	rddreg [dreg:$0x1];
	p0 =	sne.s32 s2, $0x0  }
0x23: {  	s3 =	rddreg [dreg:$0x2];
	[bflag:$0x3] =	sbarrier.arrive $0xFFFF;
	s2 =	simm.s32 @!p0 $0x1C02  }
0x24: {  	[timem:s3], [sflag:s2] =	dma.local @!p0 [hbm:s0], s1  }
0x25: {  	s0 =	simm.s32 @!p0 $0x2  }
0x26: {  	_ =	swait.ge @!p0 [sflag:s0], s1  }
0x27: {  	s1 =	ssub.s32 @!p0 $0x0, s1;
	[sflag:s0] =	ssyncset.done @!p0 $0x0  }
0x28: {  	[sflag:s0] =	ssyncadd.s32 @!p0 s1  }
0x29: {  	[bflag:$0x3] =	sbarrier.arrive $0xFFFF  }
0x2a: {  	_ =	shalt  }

// kernel: kernel.33.cloned.1.call-start
scs
__scs_entry_jumppad:
0x0: {  	(pc) =	sbr.rel $0x88, $3  }
0x1: {  	(tag) =	ssettag $0x0;
	lr =	simm.s32 $0x1  }
0x2: {  	[smem:$0x3F43] =	sst lr;
	_ =	strace $0xD0000000  }
0x3: {  	_ = 	snop  }
0x4: {  	_ = 	snop  }
0x5: {  	_ = 	snop  }
0x6: {  	_ = 	snop  }
0x7: {  	_ = 	snop  }
__scs_overlays_trampoline_lowered:
0x8: {  	[smem:$0x3F52] =	sst s0  }
0x9: {  	[smem:$0x3F53] =	sst s1  }
0xa: {  	[smem:$0x3F54] =	sst s2  }
0xb: {  	[smem:$0x3F55] =	sst s3  }
0xc: {  	[smem:$0x3F56] =	sst s4  }
0xd: {  	[smem:$0x3F57] =	sst s5  }
0xe: {  	[smem:$0x3F58] =	sst s6  }
0xf: {  	[smem:$0x3F59] =	sst s7  }
0x10: {  	[smem:$0x3F5A] =	sst s8  }
0x11: {  	[smem:$0x3F5B] =	sst s9;
	s0 =	simm.s32 @!p0 $0x0  }
0x12: {  	s1 =	sld [smem:$0x3F41];
	s0 =	simm.s32 @p0 $0x1  }
0x13: {  	[smem:$0x3F5C] =	sst s0;
	s0 =	simm.s32 @!p1 $0x0  }
0x14: {  	s2 =	sld [smem:$0x3F40];
	s0 =	simm.s32 @p1 $0x1  }
0x15: {  	[smem:$0x3F5D] =	sst s0;
	s0 =	simm.s32 @!p2 $0x0  }
0x16: {  	s3 =	sld [smem:$0x3FDB];
	s0 =	simm.s32 @p2 $0x1  }
0x17: {  	s4 =	simm.s32 $0x1BF5;
	[smem:$0x3F5F] =	sst s0  }
0x18: {  	s0 =	sld [smem:$0x3F42];
	_ =	swait.ge [sflag:s4], $0x0  }
0x19: {  	s7 =	sld [smem:$0x3F43]  }
0x1a: {  	s8 =	sadd.s32 $0xFFFFE003, lr  }
0x1b: {  	s9 =	sadd.s32 $0xFFFFFEF7, lr;
	s5 =	simm.s32 $0xFFFFFFFF;
	p2 =	slt.u32 s8, $0xFFFFF086  }
0x1c: {  	p1 =	slt.u32 s9, $0xF7A;
	s5 =	simm.s32 @!p2 $0x0  }
0x1d: {  	s5 =	simm.s32 @p1 $0x1;
	p0 =	seq.s32 s7, s2  }
0x1e: {  	s7 =	smul.u32 @!p0 $0xF7A, s2;
	p2 =	seq.s32 @!p0 s5, $0x0  }
0x1f: {  	s9 =	smul.u32 $0xF7A, s1;
	s8 =	simm.s32 @!p0 $0x1BF5;
	p2 =	por !p2, p0  }
0x20: {  	[sflag:s8] =	ssyncset.s32 @!p0 $0xFFFFF086;
	s6 =	sadd.s32 @!p0 s3, s7;
	s7 =	simm.s32 @!p0 $0x108  }
0x21: {  	s3 =	sadd.s32 s3, s9;
	s6 =	sadd.s32 @!p0 $0x88, s6;
	s7 =	simm.s32 @p2 $0x1082  }
0x22: {  	[simem:s7], [sflag:s8] =	dma.local @!p0 [hbm:s6], $0xF7A  }
0x23: {  	s9 =	sor.u32 $0xD0000000, s2;
	s6 =	simm.s32 $0x108;
	_ =	swait.ge @!p0 [sflag:s8], $0x0  }
0x24: {  	s3 =	sadd.s32 $0x88, s3;
	s6 =	simm.s32 @!p1 $0x1082;
	[sflag:s4] =	ssyncset.s32 $0xFFFFF086  }
0x25: {  	[simem:s6], [sflag:s4] =	dma.local [hbm:s3], $0xF7A  }
0x26: {  	[smem:$0x3F43] =	sst s1;
	(tag) =	ssettag s2;
	_ =	strace s9  }
0x27: {  	s1 =	sld [smem:$0x3F53]  }
0x28: {  	s2 =	sld [smem:$0x3F54]  }
0x29: {  	s4 =	sld [smem:$0x3F56]  }
0x2a: {  	p0 =	seq.s32 s5, $0x0;
	s5 =	sld [smem:$0x3F57]  }
0x2b: {  	s6 =	sld [smem:$0x3F58]  }
0x2c: {  	s7 =	sld [smem:$0x3F59]  }
0x2d: {  	s3 =	simm.s32 $0x108;
	s8 =	sld [smem:$0x3F5A]  }
0x2e: {  	s3 =	simm.s32 @!p0 $0x1082;
	s9 =	sld [smem:$0x3F5B]  }
0x2f: {  	lr =	sadd.s32 s0, s3;
	s0 =	sld [smem:$0x3F52]  }
0x30: {  	s3 =	sld [smem:$0x3F55]  }
0x31: {  	[smem:$0x3F5E] =	sst s10  }
0x32: {  	s10 =	sld [smem:$0x3F5C];
	_ =	sdelay $0x3  }
0x33: {  	p0 =	seq.s32 s10, $0x1;
	s10 =	sld [smem:$0x3F5E];
	_ =	sdelay $0x3  }
0x34: {  	[smem:$0x3F5E] =	sst s10  }
0x35: {  	s10 =	sld [smem:$0x3F5D];
	_ =	sdelay $0x3  }
0x36: {  	p1 =	seq.s32 s10, $0x1;
	s10 =	sld [smem:$0x3F5E];
	_ =	sdelay $0x3  }
0x37: {  	[smem:$0x3F5E] =	sst s10  }
0x38: {  	s10 =	sld [smem:$0x3F5F]  }
0x39: {  	_ = 	snop;
	(pc) =	sbr.ind lr, $3  }
0x3a: {  	_ = 	snop  }
0x3b: {  	_ = 	snop  }
0x3c: {  	p2 =	seq.s32 s10, $0x1;
	s10 =	sld [smem:$0x3F5E]  }
0x3d: {  	_ =	shalt  }
0x3e: {  	_ =	shalt  }
0x3f: {  	_ =	shalt  }
0x40: {  	_ =	shalt  }
0x41: {  	_ =	shalt  }
0x42: {  	_ =	shalt  }
0x43: {  	_ =	shalt  }
0x44: {  	_ =	shalt  }
0x45: {  	_ =	shalt  }
0x46: {  	_ =	shalt  }
0x47: {  	_ =	shalt  }
0x48: {  	_ =	shalt  }
0x49: {  	_ =	shalt  }
0x4a: {  	_ =	shalt  }
0x4b: {  	_ =	shalt  }
0x4c: {  	_ =	shalt  }
0x4d: {  	_ =	shalt  }
0x4e: {  	_ =	shalt  }
0x4f: {  	_ =	shalt  }
0x50: {  	_ =	shalt  }
0x51: {  	_ =	shalt  }
0x52: {  	_ =	shalt  }
0x53: {  	_ =	shalt  }
0x54: {  	_ =	shalt  }
0x55: {  	_ =	shalt  }
0x56: {  	_ =	shalt  }
0x57: {  	_ =	shalt  }
0x58: {  	_ =	shalt  }
0x59: {  	_ =	shalt  }
0x5a: {  	_ =	shalt  }
0x5b: {  	_ =	shalt  }
0x5c: {  	_ =	shalt  }
0x5d: {  	_ =	shalt  }
0x5e: {  	_ =	shalt  }
0x5f: {  	_ =	shalt  }
0x60: {  	_ =	shalt  }
0x61: {  	_ =	shalt  }
0x62: {  	_ =	shalt  }
0x63: {  	_ =	shalt  }
0x64: {  	_ =	shalt  }
0x65: {  	_ =	shalt  }
0x66: {  	_ =	shalt  }
0x67: {  	_ =	shalt  }
0x68: {  	_ =	shalt  }
0x69: {  	_ =	shalt  }
0x6a: {  	_ =	shalt  }
0x6b: {  	_ =	shalt  }
0x6c: {  	_ =	shalt  }
0x6d: {  	_ =	shalt  }
0x6e: {  	_ =	shalt  }
0x6f: {  	_ =	shalt  }
0x70: {  	_ =	shalt  }
0x71: {  	_ =	shalt  }
0x72: {  	_ =	shalt  }
0x73: {  	_ =	shalt  }
0x74: {  	_ =	shalt  }
0x75: {  	_ =	shalt  }
0x76: {  	_ =	shalt  }
0x77: {  	_ =	shalt  }
0x78: {  	_ =	shalt  }
0x79: {  	_ =	shalt  }
0x7a: {  	_ =	shalt  }
0x7b: {  	_ =	shalt  }
0x7c: {  	_ =	shalt  }
0x7d: {  	_ =	shalt  }
0x7e: {  	_ =	shalt  }
0x7f: {  	_ =	shalt  }
0x80: {  	_ =	shalt  }
0x81: {  	_ =	shalt  }
0x82: {  	_ =	shalt  }
0x83: {  	_ =	shalt  }
0x84: {  	_ =	shalt  }
0x85: {  	_ =	shalt  }
0x86: {  	_ =	shalt  }
0x87: {  	_ =	shalt  }
.Lfunc_end0:
.L_simem_size_0:
called_computation.5_lowered:
.L_overlay_start_0:
0x88: {  	s2 =	sld [smem:$0x3FD9]  }
0x89: {  	s3 =	sld [smem:$0x3FFE];
	_ =	sdelay $0x1  }
0x8a: {  	s1 =	srdreg.scid  }
0x8b: {  	s0 =	sand.u32 $0x1, s1  }
0x8c: {  	s17 =	sshll.u32 s0, $0xA;
	s2 =	sadd.s32 s3, s2  }
0x8d: {  	s2 =	sadd.s32 s2, s17  }
0x8e: {  	[smem:$0x3F6A] =	sst s2  }
0x8f: {  	_ = 	snop  }
0x90: {  	s2 =	sld [smem:$0x3FD0];
	(tm) =	ssettm $0x1  }
0x91: {  	s18 =	sld [smem:$0x3FFB];
	_ =	sdelay $0x3  }
0x92: {  	_ =	strace s18  }
0x93: {  	s3 =	sld [smem:$0x3FFC];
	_ =	sdelay $0x3  }
0x94: {  	_ =	strace s3  }
0x95: {  	s3 =	sld [smem:$0x3FFD];
	_ =	sdelay $0x3  }
0x96: {  	_ =	strace s3  }
0x97: {  	_ =	strace $0x8FFFFFFF  }
0x98: {  	s19 =	sld [smem:$0x3FDB];
	_ =	sdelay $0x1  }
0x99: {  	s4 =	simm.s32 $_scs_section_size  }
0x9a: {  	s5 =	simm.s32 $_size__tile_overlayer_lowered;
	s6 =	simm.s32 $_tile_overlayer_lowered  }
0x9b: {  	s22 =	simm.s32 $0x1BFF;
	s21 =	sshll.u32 s6, $0x1;
	s3 =	sadd.s32 s4, s19  }
0x9c: {  	s7 =	simm.s32 $0x0;
	s20 =	sshll.u32 s5, $0x1;
	s5 =	sadd.s32 s21, s3  }
0x9d: {  	[timem:s7], [sflag:s22] =	dma.local [hbm:s5], s20  }
0x9e: {  	_ =	swait.ge [sflag:s22], s20  }
0x9f: {  	s4 =	ssub.s32 $0x0, s20;
	[sflag:s22] =	ssyncset.done $0x0  }
0xa0: {  	[sflag:s22] =	ssyncadd.s32 s4;
	_ =	sdelay $0x1  }
0xa1: {  	s23 =	simm.s32 $0x1B8B  }
0xa2: {  	_ =	swait.ge [sflag:s23], $0x1  }
0xa3: {  	[sflag:s23] =	ssyncset.done $0x0  }
0xa4: {  	s25 =	simm.s32 $0x1B8E;
	s24 =	sld [smem:$0x3FFE];
	[sflag:s23] =	ssyncadd.s32 $0xFFFFFFFF  }
0xa5: {  	s26 =	simm.s32 $execute0_lowered;
	[smem:$0x3FD2] =	sst s25  }
0xa6: {  	s5 =	sshll.u32 s26, $0x1;
	_ =	strace $0x80000055;
	[dreg:$0x1] =	wrdreg $0xFFFFFFFF  }
0xa7: {  	s28 =	simm.s32 $_size_execute0_lowered;
	s3 =	sadd.s32 s3, s5;
	[dreg:$0x0] =	wrdreg $0x0  }
0xa8: {  	s5 =	sshll.u32 s28, $0x1;
	[dreg:$0x2] =	wrdreg s3  }
0xa9: {  	[dreg:$0x3] =	wrdreg s5  }
0xaa: {  	[dreg:$0x4] =	wrdreg $0xC0  }
0xab: {  	_ =	task [dreg:s7], $0x5FFFF  }
0xac: {  	[dreg:$0x1] =	wrdreg $0xFFFFFFFF  }
0xad: {  	[dreg:$0x0] =	wrdreg $0x60  }
0xae: {  	[dreg:$0x2] =	wrdreg s2  }
0xaf: {  	[dreg:$0x3] =	wrdreg s24  }
0xb0: {  	[dreg:$0x4] =	wrdreg $0x9  }
0xb1: {  	_ =	task.clear_ibuf [dreg:s7], $0x5FFFF;
	_ =	strace $0x90000055  }
0xb2: {  	s29 =	simm.s32 $0x9;
	_ =	strace $0x80000057  }
0xb3: {  	_ =	swait.ge [sflag:s29], $0x1  }
0xb4: {  	[sflag:s29] =	ssyncadd.s32 $0xFFFFFFFF  }
0xb5: {  	_ =	strace $0x90000057  }
0xb6: {  	_ =	sfence  }
0xb7: {  	s30 =	sld [smem:$0x0];
	_ =	sdelay $0x2  }
0xb8: {  	s31 =	sshll.u32 s1, $0xD;
	s1 =	sshrl.u32 s1, $0x2  }
0xb9: {  	s3 =	sand.u32 $0x4000, s31;
	s1 =	sadd.s32 s1, s30  }
0xba: {  	s0 =	sor.u32 s3, s0;
	s1 =	sshll.u32 s1, $0x11  }
0xbb: {  	s0 =	sor.u32 s1, s0  }
0xbc: {  	s0 =	sadd.s32 $0x8F2B, s0  }
0xbd: {  	[sflag:s0] =	ssyncadd.remote.s32 $0x1  }
0xbe: {  	_ =	sfence.sel $0xFFFF  }
0xbf: {  	[dreg:$0x0] =	wrdreg $0xFFFFFFFF;
	(pc) =	sbr.abs _section_cstart, $3  }
0xc0: {  	[dreg:$0x1] =	wrdreg $0xFFFFFFFF  }
0xc1: {  	_ =	task.clear_ibuf [dreg:s7], $0x2FFFF;
	_ =	strace $0x9FFFFFFF  }
0xc2: {  	(tm) =	ssettm $0x7FFFFFFF  }
0xc3: {  	_ =	shalt  }
tec
execute0_lowered:
.L_overlay_start_1:
0x0: {  	(tag) =	ssettag $0x1  }
0x1: {  	s2 =	rddreg [dreg:$0x0];
	s0 =	srdreg.scid  }
0x2: {  	s4 =	rddreg [dreg:$0x1];
	s1 =	stileid.u32;
	s3 =	simm.s32 $0x0  }
0x3: {  	s8 =	simm.s32 $0x80;
	s9 =	simm.s32 $0x1;
	s10 =	simm.s32 $0x2000  }
0x4: {  	s11 =	simm.s32 $0x0;
	s5 =	sand.u32 $0x1, s0;
	s0 =	rddreg [dreg:$0x2]  }
0x5: {  	s6 =	sshll.u32 s1, $0xB;
	s7 =	sshll.u32 s5, $0xA;
	s5 =	ssub.s32 $0x2, s5  }
0x6: {  	[smem:$0x7FF] =	sst s3;
	s6 =	sor.u32 s7, s6;
	s30 =	sshrl.u32 s5, $0x1  }
0x7: {  	_ =	strace $0x80000056;
	s4 =	sadd.s32 s4, s6;
	s31 =	ssub.s32 s5, s30  }
0x8: {  	s7 =	simm.s32 $0x2;
	s5 =	sadd.s32 $0x21C00, s4;
	s6 =	smax.u32 s31, $0x1  }
.LBB2_1:
0x9: {  	[tilespmem:s3], [sflag:$0x2] =	stream.linear.gather [hbm4b:s5+s3], $0x2000, $0x38;
	[tilespmem:$0x4000] =	vst v63  }
0xa: {  	_ =	swait.ge [sflag:s7], $0x2000  }
0xb: {  	[sflag:s7] =	ssyncset.done $0x0  }
0xc: {  	s12 =	simm.s32 $0x0;
	s13 =	simm.s32 $0x2000;
	[sflag:s7] =	ssyncadd.s32 $0xFFFFE000  }
0xd: {  	[tilespmem:s13], [sflag:$0x1] =	stream.indirect.gather [hbm4b:s2+s8], $0x1, s12, s8, $0xb8;
	[tilespmem:$0x4000] =	vst v63  }
0xe: {  	s12 =	simm.s32 $0x200;
	_ =	swait.ge [sflag:s9], $0x80  }
.LBB2_2:
0xf: {  	s13 =	sshra.s32 s12, $0x2;
	[sflag:s9] =	ssyncset.done $0x0;
	p0 =	sne.s32 s12, $0x7E00  }
.Ltmp0:
0x10: {  	s14 =	sadd.s32 $0x2000, s13;
	[sflag:s9] =	ssyncadd.s32 $0xFFFFFF80;
	(pc) =	sbr.rel @p0 .LBB2_2-.Ltmp0, $3  }
0x11: {  	[tilespmem:s14], [sflag:$0x1] =	stream.indirect.gather [hbm4b:s2+s8], $0x1, s13, s8, $0xb8;
	[tilespmem:$0x4000] =	vst v63  }
0x12: {  	s12 =	sadd.s32 $0x200, s12;
	_ =	sdelay $0x1  }
0x13: {  	_ =	swait.ge [sflag:s9], $0x80  }
0x14: {  	s11 =	sadd.s32 $0x1, s11  }
0x15: {  	[sflag:s9] =	ssyncset.done $0x0;
	p0 =	sne.s32 s11, s6  }
.Ltmp1:
0x16: {  	[sflag:s9] =	ssyncadd.s32 $0xFFFFFF80;
	(pc) =	sbr.rel @p0 .LBB2_1-.Ltmp1, $4  }
0x17: {  	[hbm4b:s4+s3] =	stream.linear.scatter [tilespmem:s10], [sflag:$0x2], $0x2000, $0x38;
	[tilespmem:$0x4000] =	vst v63  }
0x18: {  	_ =	swait.ge [sflag:s7], $0x2000  }
0x19: {  	[sflag:s7] =	ssyncset.done $0x0  }
0x1a: {  	[sflag:s7] =	ssyncadd.s32 $0xFFFFE000  }
0x1b: {  	_ =	sfence.sel $0x180000  }
0x1c: {  	[bflag:$0x0] =	sbarrier.arrive $0xFFFF  }
0x1d: {  	p0 =	sne.s32 s1, $0x0;
	_ =	strace $0x90000056  }
0x1e: {  	s0 =	sadd.s32 @!p0 $0x100000, s0;
	[bflag:$0x2] =	sbarrier.arrive $0xFFFF  }
0x1f: {  	[sflag:s0] =	ssyncadd.tile.s32 @!p0 $0x1;
	_ =	shalt  }
.Lfunc_end2:
_tile_overlayer_lowered:
.L_overlay_start_2:
0x20: {  	(tag) =	ssettag $0x2  }
0x21: {  	s0 =	rddreg [dreg:$0x0];
	s2 =	stileid.u32  }
0x22: {  	s1 =	rddreg [dreg:$0x1];
	p0 =	sne.s32 s2, $0x0  }
0x23: {  	s3 =	rddreg [dreg:$0x2];
	[bflag:$0x3] =	sbarrier.arrive $0xFFFF;
	s2 =	simm.s32 @!p0 $0x1C02  }
0x24: {  	[timem:s3], [sflag:s2] =	dma.local @!p0 [hbm:s0], s1  }
0x25: {  	s0 =	simm.s32 @!p0 $0x2  }
0x26: {  	_ =	swait.ge @!p0 [sflag:s0], s1  }
0x27: {  	s1 =	ssub.s32 @!p0 $0x0, s1;
	[sflag:s0] =	ssyncset.done @!p0 $0x0  }
0x28: {  	[sflag:s0] =	ssyncadd.s32 @!p0 s1  }
0x29: {  	[bflag:$0x3] =	sbarrier.arrive $0xFFFF  }
0x2a: {  	_ =	shalt  }

// kernel: kernel.36.cloned.1.call-start
scs
__scs_entry_jumppad:
0x0: {  	(pc) =	sbr.rel $0x88, $3  }
0x1: {  	(tag) =	ssettag $0x0;
	lr =	simm.s32 $0x1  }
0x2: {  	[smem:$0x3F43] =	sst lr;
	_ =	strace $0xD0000000  }
0x3: {  	_ = 	snop  }
0x4: {  	_ = 	snop  }
0x5: {  	_ = 	snop  }
0x6: {  	_ = 	snop  }
0x7: {  	_ = 	snop  }
__scs_overlays_trampoline_lowered:
0x8: {  	[smem:$0x3F52] =	sst s0  }
0x9: {  	[smem:$0x3F53] =	sst s1  }
0xa: {  	[smem:$0x3F54] =	sst s2  }
0xb: {  	[smem:$0x3F55] =	sst s3  }
0xc: {  	[smem:$0x3F56] =	sst s4  }
0xd: {  	[smem:$0x3F57] =	sst s5  }
0xe: {  	[smem:$0x3F58] =	sst s6  }
0xf: {  	[smem:$0x3F59] =	sst s7  }
0x10: {  	[smem:$0x3F5A] =	sst s8  }
0x11: {  	[smem:$0x3F5B] =	sst s9;
	s0 =	simm.s32 @!p0 $0x0  }
0x12: {  	s1 =	sld [smem:$0x3F41];
	s0 =	simm.s32 @p0 $0x1  }
0x13: {  	[smem:$0x3F5C] =	sst s0;
	s0 =	simm.s32 @!p1 $0x0  }
0x14: {  	s2 =	sld [smem:$0x3F40];
	s0 =	simm.s32 @p1 $0x1  }
0x15: {  	[smem:$0x3F5D] =	sst s0;
	s0 =	simm.s32 @!p2 $0x0  }
0x16: {  	s3 =	sld [smem:$0x3FDB];
	s0 =	simm.s32 @p2 $0x1  }
0x17: {  	s4 =	simm.s32 $0x1BF5;
	[smem:$0x3F5F] =	sst s0  }
0x18: {  	s0 =	sld [smem:$0x3F42];
	_ =	swait.ge [sflag:s4], $0x0  }
0x19: {  	s7 =	sld [smem:$0x3F43]  }
0x1a: {  	s8 =	sadd.s32 $0xFFFFE003, lr  }
0x1b: {  	s9 =	sadd.s32 $0xFFFFFEF7, lr;
	s5 =	simm.s32 $0xFFFFFFFF;
	p2 =	slt.u32 s8, $0xFFFFF086  }
0x1c: {  	p1 =	slt.u32 s9, $0xF7A;
	s5 =	simm.s32 @!p2 $0x0  }
0x1d: {  	s5 =	simm.s32 @p1 $0x1;
	p0 =	seq.s32 s7, s2  }
0x1e: {  	s7 =	smul.u32 @!p0 $0xF7A, s2;
	p2 =	seq.s32 @!p0 s5, $0x0  }
0x1f: {  	s9 =	smul.u32 $0xF7A, s1;
	s8 =	simm.s32 @!p0 $0x1BF5;
	p2 =	por !p2, p0  }
0x20: {  	[sflag:s8] =	ssyncset.s32 @!p0 $0xFFFFF086;
	s6 =	sadd.s32 @!p0 s3, s7;
	s7 =	simm.s32 @!p0 $0x108  }
0x21: {  	s3 =	sadd.s32 s3, s9;
	s6 =	sadd.s32 @!p0 $0x88, s6;
	s7 =	simm.s32 @p2 $0x1082  }
0x22: {  	[simem:s7], [sflag:s8] =	dma.local @!p0 [hbm:s6], $0xF7A  }
0x23: {  	s9 =	sor.u32 $0xD0000000, s2;
	s6 =	simm.s32 $0x108;
	_ =	swait.ge @!p0 [sflag:s8], $0x0  }
0x24: {  	s3 =	sadd.s32 $0x88, s3;
	s6 =	simm.s32 @!p1 $0x1082;
	[sflag:s4] =	ssyncset.s32 $0xFFFFF086  }
0x25: {  	[simem:s6], [sflag:s4] =	dma.local [hbm:s3], $0xF7A  }
0x26: {  	[smem:$0x3F43] =	sst s1;
	(tag) =	ssettag s2;
	_ =	strace s9  }
0x27: {  	s1 =	sld [smem:$0x3F53]  }
0x28: {  	s2 =	sld [smem:$0x3F54]  }
0x29: {  	s4 =	sld [smem:$0x3F56]  }
0x2a: {  	p0 =	seq.s32 s5, $0x0;
	s5 =	sld [smem:$0x3F57]  }
0x2b: {  	s6 =	sld [smem:$0x3F58]  }
0x2c: {  	s7 =	sld [smem:$0x3F59]  }
0x2d: {  	s3 =	simm.s32 $0x108;
	s8 =	sld [smem:$0x3F5A]  }
0x2e: {  	s3 =	simm.s32 @!p0 $0x1082;
	s9 =	sld [smem:$0x3F5B]  }
0x2f: {  	lr =	sadd.s32 s0, s3;
	s0 =	sld [smem:$0x3F52]  }
0x30: {  	s3 =	sld [smem:$0x3F55]  }
0x31: {  	[smem:$0x3F5E] =	sst s10  }
0x32: {  	s10 =	sld [smem:$0x3F5C];
	_ =	sdelay $0x3  }
0x33: {  	p0 =	seq.s32 s10, $0x1;
	s10 =	sld [smem:$0x3F5E];
	_ =	sdelay $0x3  }
0x34: {  	[smem:$0x3F5E] =	sst s10  }
0x35: {  	s10 =	sld [smem:$0x3F5D];
	_ =	sdelay $0x3  }
0x36: {  	p1 =	seq.s32 s10, $0x1;
	s10 =	sld [smem:$0x3F5E];
	_ =	sdelay $0x3  }
0x37: {  	[smem:$0x3F5E] =	sst s10  }
0x38: {  	s10 =	sld [smem:$0x3F5F]  }
0x39: {  	_ = 	snop;
	(pc) =	sbr.ind lr, $3  }
0x3a: {  	_ = 	snop  }
0x3b: {  	_ = 	snop  }
0x3c: {  	p2 =	seq.s32 s10, $0x1;
	s10 =	sld [smem:$0x3F5E]  }
0x3d: {  	_ =	shalt  }
0x3e: {  	_ =	shalt  }
0x3f: {  	_ =	shalt  }
0x40: {  	_ =	shalt  }
0x41: {  	_ =	shalt  }
0x42: {  	_ =	shalt  }
0x43: {  	_ =	shalt  }
0x44: {  	_ =	shalt  }
0x45: {  	_ =	shalt  }
0x46: {  	_ =	shalt  }
0x47: {  	_ =	shalt  }
0x48: {  	_ =	shalt  }
0x49: {  	_ =	shalt  }
0x4a: {  	_ =	shalt  }
0x4b: {  	_ =	shalt  }
0x4c: {  	_ =	shalt  }
0x4d: {  	_ =	shalt  }
0x4e: {  	_ =	shalt  }
0x4f: {  	_ =	shalt  }
0x50: {  	_ =	shalt  }
0x51: {  	_ =	shalt  }
0x52: {  	_ =	shalt  }
0x53: {  	_ =	shalt  }
0x54: {  	_ =	shalt  }
0x55: {  	_ =	shalt  }
0x56: {  	_ =	shalt  }
0x57: {  	_ =	shalt  }
0x58: {  	_ =	shalt  }
0x59: {  	_ =	shalt  }
0x5a: {  	_ =	shalt  }
0x5b: {  	_ =	shalt  }
0x5c: {  	_ =	shalt  }
0x5d: {  	_ =	shalt  }
0x5e: {  	_ =	shalt  }
0x5f: {  	_ =	shalt  }
0x60: {  	_ =	shalt  }
0x61: {  	_ =	shalt  }
0x62: {  	_ =	shalt  }
0x63: {  	_ =	shalt  }
0x64: {  	_ =	shalt  }
0x65: {  	_ =	shalt  }
0x66: {  	_ =	shalt  }
0x67: {  	_ =	shalt  }
0x68: {  	_ =	shalt  }
0x69: {  	_ =	shalt  }
0x6a: {  	_ =	shalt  }
0x6b: {  	_ =	shalt  }
0x6c: {  	_ =	shalt  }
0x6d: {  	_ =	shalt  }
0x6e: {  	_ =	shalt  }
0x6f: {  	_ =	shalt  }
0x70: {  	_ =	shalt  }
0x71: {  	_ =	shalt  }
0x72: {  	_ =	shalt  }
0x73: {  	_ =	shalt  }
0x74: {  	_ =	shalt  }
0x75: {  	_ =	shalt  }
0x76: {  	_ =	shalt  }
0x77: {  	_ =	shalt  }
0x78: {  	_ =	shalt  }
0x79: {  	_ =	shalt  }
0x7a: {  	_ =	shalt  }
0x7b: {  	_ =	shalt  }
0x7c: {  	_ =	shalt  }
0x7d: {  	_ =	shalt  }
0x7e: {  	_ =	shalt  }
0x7f: {  	_ =	shalt  }
0x80: {  	_ =	shalt  }
0x81: {  	_ =	shalt  }
0x82: {  	_ =	shalt  }
0x83: {  	_ =	shalt  }
0x84: {  	_ =	shalt  }
0x85: {  	_ =	shalt  }
0x86: {  	_ =	shalt  }
0x87: {  	_ =	shalt  }
.Lfunc_end0:
.L_simem_size_0:
called_computation.6_lowered:
.L_overlay_start_0:
0x88: {  	s2 =	sld [smem:$0x3FD9]  }
0x89: {  	s3 =	sld [smem:$0x3FFE];
	_ =	sdelay $0x1  }
0x8a: {  	s1 =	srdreg.scid  }
0x8b: {  	s0 =	sand.u32 $0x1, s1  }
0x8c: {  	s17 =	sshll.u32 s0, $0xA;
	s2 =	sadd.s32 s3, s2  }
0x8d: {  	s2 =	sadd.s32 s2, s17  }
0x8e: {  	[smem:$0x3F6A] =	sst s2  }
0x8f: {  	_ = 	snop  }
0x90: {  	s2 =	sld [smem:$0x3FD0];
	(tm) =	ssettm $0x1  }
0x91: {  	s18 =	sld [smem:$0x3FFB];
	_ =	sdelay $0x3  }
0x92: {  	_ =	strace s18  }
0x93: {  	s3 =	sld [smem:$0x3FFC];
	_ =	sdelay $0x3  }
0x94: {  	_ =	strace s3  }
0x95: {  	s3 =	sld [smem:$0x3FFD];
	_ =	sdelay $0x3  }
0x96: {  	_ =	strace s3  }
0x97: {  	_ =	strace $0x8FFFFFFF  }
0x98: {  	s19 =	sld [smem:$0x3FDB];
	_ =	sdelay $0x1  }
0x99: {  	s4 =	simm.s32 $_scs_section_size  }
0x9a: {  	s5 =	simm.s32 $_size__tile_overlayer_lowered;
	s6 =	simm.s32 $_tile_overlayer_lowered  }
0x9b: {  	s22 =	simm.s32 $0x1BFF;
	s21 =	sshll.u32 s6, $0x1;
	s3 =	sadd.s32 s4, s19  }
0x9c: {  	s7 =	simm.s32 $0x0;
	s20 =	sshll.u32 s5, $0x1;
	s5 =	sadd.s32 s21, s3  }
0x9d: {  	[timem:s7], [sflag:s22] =	dma.local [hbm:s5], s20  }
0x9e: {  	_ =	swait.ge [sflag:s22], s20  }
0x9f: {  	s4 =	ssub.s32 $0x0, s20;
	[sflag:s22] =	ssyncset.done $0x0  }
0xa0: {  	[sflag:s22] =	ssyncadd.s32 s4;
	_ =	sdelay $0x1  }
0xa1: {  	s23 =	simm.s32 $0x1B8B  }
0xa2: {  	_ =	swait.ge [sflag:s23], $0x1  }
0xa3: {  	[sflag:s23] =	ssyncset.done $0x0  }
0xa4: {  	s25 =	simm.s32 $0x1B8E;
	s24 =	sld [smem:$0x3FFE];
	[sflag:s23] =	ssyncadd.s32 $0xFFFFFFFF  }
0xa5: {  	s26 =	simm.s32 $execute0_lowered;
	[smem:$0x3FD2] =	sst s25  }
0xa6: {  	s5 =	sshll.u32 s26, $0x1;
	_ =	strace $0x80000058;
	[dreg:$0x1] =	wrdreg $0xFFFFFFFF  }
0xa7: {  	s28 =	simm.s32 $_size_execute0_lowered;
	s3 =	sadd.s32 s3, s5;
	[dreg:$0x0] =	wrdreg $0x0  }
0xa8: {  	s5 =	sshll.u32 s28, $0x1;
	[dreg:$0x2] =	wrdreg s3  }
0xa9: {  	[dreg:$0x3] =	wrdreg s5  }
0xaa: {  	[dreg:$0x4] =	wrdreg $0xC0  }
0xab: {  	_ =	task [dreg:s7], $0x5FFFF  }
0xac: {  	[dreg:$0x1] =	wrdreg $0xFFFFFFFF  }
0xad: {  	[dreg:$0x0] =	wrdreg $0x60  }
0xae: {  	[dreg:$0x2] =	wrdreg s2  }
0xaf: {  	[dreg:$0x3] =	wrdreg s24  }
0xb0: {  	[dreg:$0x4] =	wrdreg $0x9  }
0xb1: {  	_ =	task.clear_ibuf [dreg:s7], $0x5FFFF;
	_ =	strace $0x90000058  }
0xb2: {  	s29 =	simm.s32 $0x9;
	_ =	strace $0x8000005A  }
0xb3: {  	_ =	swait.ge [sflag:s29], $0x1  }
0xb4: {  	[sflag:s29] =	ssyncadd.s32 $0xFFFFFFFF  }
0xb5: {  	_ =	strace $0x9000005A  }
0xb6: {  	_ =	sfence  }
0xb7: {  	s30 =	sld [smem:$0x0];
	_ =	sdelay $0x2  }
0xb8: {  	s31 =	sshll.u32 s1, $0xD;
	s1 =	sshrl.u32 s1, $0x2  }
0xb9: {  	s3 =	sand.u32 $0x4000, s31;
	s1 =	sadd.s32 s1, s30  }
0xba: {  	s0 =	sor.u32 s3, s0;
	s1 =	sshll.u32 s1, $0x11  }
0xbb: {  	s0 =	sor.u32 s1, s0  }
0xbc: {  	s0 =	sadd.s32 $0x8F2B, s0  }
0xbd: {  	[sflag:s0] =	ssyncadd.remote.s32 $0x1  }
0xbe: {  	_ =	sfence.sel $0xFFFF  }
0xbf: {  	[dreg:$0x0] =	wrdreg $0xFFFFFFFF;
	(pc) =	sbr.abs _section_cstart, $3  }
0xc0: {  	[dreg:$0x1] =	wrdreg $0xFFFFFFFF  }
0xc1: {  	_ =	task.clear_ibuf [dreg:s7], $0x2FFFF;
	_ =	strace $0x9FFFFFFF  }
0xc2: {  	(tm) =	ssettm $0x7FFFFFFF  }
0xc3: {  	_ =	shalt  }
tec
execute0_lowered:
.L_overlay_start_1:
0x0: {  	(tag) =	ssettag $0x1  }
0x1: {  	s2 =	rddreg [dreg:$0x0];
	s0 =	srdreg.scid  }
0x2: {  	s4 =	rddreg [dreg:$0x1];
	s1 =	stileid.u32;
	s3 =	simm.s32 $0x0  }
0x3: {  	s8 =	simm.s32 $0x80;
	s9 =	simm.s32 $0x1;
	s10 =	simm.s32 $0x2000  }
0x4: {  	s11 =	simm.s32 $0x0;
	s5 =	sand.u32 $0x1, s0;
	s0 =	rddreg [dreg:$0x2]  }
0x5: {  	s6 =	sshll.u32 s1, $0xB;
	s7 =	sshll.u32 s5, $0xA;
	s5 =	ssub.s32 $0x2, s5  }
0x6: {  	[smem:$0x7FF] =	sst s3;
	s6 =	sor.u32 s7, s6;
	s30 =	sshrl.u32 s5, $0x1  }
0x7: {  	_ =	strace $0x80000059;
	s4 =	sadd.s32 s4, s6;
	s31 =	ssub.s32 s5, s30  }
0x8: {  	s7 =	simm.s32 $0x2;
	s5 =	sadd.s32 $0x21C00, s4;
	s6 =	smax.u32 s31, $0x1  }
.LBB2_1:
0x9: {  	[tilespmem:s3], [sflag:$0x2] =	stream.linear.gather [hbm4b:s5+s3], $0x2000, $0x38;
	[tilespmem:$0x4000] =	vst v63  }
0xa: {  	_ =	swait.ge [sflag:s7], $0x2000  }
0xb: {  	[sflag:s7] =	ssyncset.done $0x0  }
0xc: {  	s12 =	simm.s32 $0x0;
	s13 =	simm.s32 $0x2000;
	[sflag:s7] =	ssyncadd.s32 $0xFFFFE000  }
0xd: {  	[tilespmem:s13], [sflag:$0x1] =	stream.indirect.gather [hbm4b:s2+s8], $0x1, s12, s8, $0xb8;
	[tilespmem:$0x4000] =	vst v63  }
0xe: {  	s12 =	simm.s32 $0x200;
	_ =	swait.ge [sflag:s9], $0x80  }
.LBB2_2:
0xf: {  	s13 =	sshra.s32 s12, $0x2;
	[sflag:s9] =	ssyncset.done $0x0;
	p0 =	sne.s32 s12, $0x7E00  }
.Ltmp0:
0x10: {  	s14 =	sadd.s32 $0x2000, s13;
	[sflag:s9] =	ssyncadd.s32 $0xFFFFFF80;
	(pc) =	sbr.rel @p0 .LBB2_2-.Ltmp0, $3  }
0x11: {  	[tilespmem:s14], [sflag:$0x1] =	stream.indirect.gather [hbm4b:s2+s8], $0x1, s13, s8, $0xb8;
	[tilespmem:$0x4000] =	vst v63  }
0x12: {  	s12 =	sadd.s32 $0x200, s12;
	_ =	sdelay $0x1  }
0x13: {  	_ =	swait.ge [sflag:s9], $0x80  }
0x14: {  	s11 =	sadd.s32 $0x1, s11  }
0x15: {  	[sflag:s9] =	ssyncset.done $0x0;
	p0 =	sne.s32 s11, s6  }
.Ltmp1:
0x16: {  	[sflag:s9] =	ssyncadd.s32 $0xFFFFFF80;
	(pc) =	sbr.rel @p0 .LBB2_1-.Ltmp1, $4  }
0x17: {  	[hbm4b:s4+s3] =	stream.linear.scatter [tilespmem:s10], [sflag:$0x2], $0x2000, $0x38;
	[tilespmem:$0x4000] =	vst v63  }
0x18: {  	_ =	swait.ge [sflag:s7], $0x2000  }
0x19: {  	[sflag:s7] =	ssyncset.done $0x0  }
0x1a: {  	[sflag:s7] =	ssyncadd.s32 $0xFFFFE000  }
0x1b: {  	_ =	sfence.sel $0x180000  }
0x1c: {  	[bflag:$0x0] =	sbarrier.arrive $0xFFFF  }
0x1d: {  	p0 =	sne.s32 s1, $0x0;
	_ =	strace $0x90000059  }
0x1e: {  	s0 =	sadd.s32 @!p0 $0x100000, s0;
	[bflag:$0x2] =	sbarrier.arrive $0xFFFF  }
0x1f: {  	[sflag:s0] =	ssyncadd.tile.s32 @!p0 $0x1;
	_ =	shalt  }
.Lfunc_end2:
_tile_overlayer_lowered:
.L_overlay_start_2:
0x20: {  	(tag) =	ssettag $0x2  }
0x21: {  	s0 =	rddreg [dreg:$0x0];
	s2 =	stileid.u32  }
0x22: {  	s1 =	rddreg [dreg:$0x1];
	p0 =	sne.s32 s2, $0x0  }
0x23: {  	s3 =	rddreg [dreg:$0x2];
	[bflag:$0x3] =	sbarrier.arrive $0xFFFF;
	s2 =	simm.s32 @!p0 $0x1C02  }
0x24: {  	[timem:s3], [sflag:s2] =	dma.local @!p0 [hbm:s0], s1  }
0x25: {  	s0 =	simm.s32 @!p0 $0x2  }
0x26: {  	_ =	swait.ge @!p0 [sflag:s0], s1  }
0x27: {  	s1 =	ssub.s32 @!p0 $0x0, s1;
	[sflag:s0] =	ssyncset.done @!p0 $0x0  }
0x28: {  	[sflag:s0] =	ssyncadd.s32 @!p0 s1  }
0x29: {  	[bflag:$0x3] =	sbarrier.arrive $0xFFFF  }
0x2a: {  	_ =	shalt  }

// kernel: kernel.39.cloned.1.call-start
scs
__scs_entry_jumppad:
0x0: {  	(pc) =	sbr.rel $0x88, $3  }
0x1: {  	(tag) =	ssettag $0x0;
	lr =	simm.s32 $0x1  }
0x2: {  	[smem:$0x3F43] =	sst lr;
	_ =	strace $0xD0000000  }
0x3: {  	_ = 	snop  }
0x4: {  	_ = 	snop  }
0x5: {  	_ = 	snop  }
0x6: {  	_ = 	snop  }
0x7: {  	_ = 	snop  }
__scs_overlays_trampoline_lowered:
0x8: {  	[smem:$0x3F52] =	sst s0  }
0x9: {  	[smem:$0x3F53] =	sst s1  }
0xa: {  	[smem:$0x3F54] =	sst s2  }
0xb: {  	[smem:$0x3F55] =	sst s3  }
0xc: {  	[smem:$0x3F56] =	sst s4  }
0xd: {  	[smem:$0x3F57] =	sst s5  }
0xe: {  	[smem:$0x3F58] =	sst s6  }
0xf: {  	[smem:$0x3F59] =	sst s7  }
0x10: {  	[smem:$0x3F5A] =	sst s8  }
0x11: {  	[smem:$0x3F5B] =	sst s9;
	s0 =	simm.s32 @!p0 $0x0  }
0x12: {  	s1 =	sld [smem:$0x3F41];
	s0 =	simm.s32 @p0 $0x1  }
0x13: {  	[smem:$0x3F5C] =	sst s0;
	s0 =	simm.s32 @!p1 $0x0  }
0x14: {  	s2 =	sld [smem:$0x3F40];
	s0 =	simm.s32 @p1 $0x1  }
0x15: {  	[smem:$0x3F5D] =	sst s0;
	s0 =	simm.s32 @!p2 $0x0  }
0x16: {  	s3 =	sld [smem:$0x3FDB];
	s0 =	simm.s32 @p2 $0x1  }
0x17: {  	s4 =	simm.s32 $0x1BF5;
	[smem:$0x3F5F] =	sst s0  }
0x18: {  	s0 =	sld [smem:$0x3F42];
	_ =	swait.ge [sflag:s4], $0x0  }
0x19: {  	s7 =	sld [smem:$0x3F43]  }
0x1a: {  	s8 =	sadd.s32 $0xFFFFE003, lr  }
0x1b: {  	s9 =	sadd.s32 $0xFFFFFEF7, lr;
	s5 =	simm.s32 $0xFFFFFFFF;
	p2 =	slt.u32 s8, $0xFFFFF086  }
0x1c: {  	p1 =	slt.u32 s9, $0xF7A;
	s5 =	simm.s32 @!p2 $0x0  }
0x1d: {  	s5 =	simm.s32 @p1 $0x1;
	p0 =	seq.s32 s7, s2  }
0x1e: {  	s7 =	smul.u32 @!p0 $0xF7A, s2;
	p2 =	seq.s32 @!p0 s5, $0x0  }
0x1f: {  	s9 =	smul.u32 $0xF7A, s1;
	s8 =	simm.s32 @!p0 $0x1BF5;
	p2 =	por !p2, p0  }
0x20: {  	[sflag:s8] =	ssyncset.s32 @!p0 $0xFFFFF086;
	s6 =	sadd.s32 @!p0 s3, s7;
	s7 =	simm.s32 @!p0 $0x108  }
0x21: {  	s3 =	sadd.s32 s3, s9;
	s6 =	sadd.s32 @!p0 $0x88, s6;
	s7 =	simm.s32 @p2 $0x1082  }
0x22: {  	[simem:s7], [sflag:s8] =	dma.local @!p0 [hbm:s6], $0xF7A  }
0x23: {  	s9 =	sor.u32 $0xD0000000, s2;
	s6 =	simm.s32 $0x108;
	_ =	swait.ge @!p0 [sflag:s8], $0x0  }
0x24: {  	s3 =	sadd.s32 $0x88, s3;
	s6 =	simm.s32 @!p1 $0x1082;
	[sflag:s4] =	ssyncset.s32 $0xFFFFF086  }
0x25: {  	[simem:s6], [sflag:s4] =	dma.local [hbm:s3], $0xF7A  }
0x26: {  	[smem:$0x3F43] =	sst s1;
	(tag) =	ssettag s2;
	_ =	strace s9  }
0x27: {  	s1 =	sld [smem:$0x3F53]  }
0x28: {  	s2 =	sld [smem:$0x3F54]  }
0x29: {  	s4 =	sld [smem:$0x3F56]  }
0x2a: {  	p0 =	seq.s32 s5, $0x0;
	s5 =	sld [smem:$0x3F57]  }
0x2b: {  	s6 =	sld [smem:$0x3F58]  }
0x2c: {  	s7 =	sld [smem:$0x3F59]  }
0x2d: {  	s3 =	simm.s32 $0x108;
	s8 =	sld [smem:$0x3F5A]  }
0x2e: {  	s3 =	simm.s32 @!p0 $0x1082;
	s9 =	sld [smem:$0x3F5B]  }
0x2f: {  	lr =	sadd.s32 s0, s3;
	s0 =	sld [smem:$0x3F52]  }
0x30: {  	s3 =	sld [smem:$0x3F55]  }
0x31: {  	[smem:$0x3F5E] =	sst s10  }
0x32: {  	s10 =	sld [smem:$0x3F5C];
	_ =	sdelay $0x3  }
0x33: {  	p0 =	seq.s32 s10, $0x1;
	s10 =	sld [smem:$0x3F5E];
	_ =	sdelay $0x3  }
0x34: {  	[smem:$0x3F5E] =	sst s10  }
0x35: {  	s10 =	sld [smem:$0x3F5D];
	_ =	sdelay $0x3  }
0x36: {  	p1 =	seq.s32 s10, $0x1;
	s10 =	sld [smem:$0x3F5E];
	_ =	sdelay $0x3  }
0x37: {  	[smem:$0x3F5E] =	sst s10  }
0x38: {  	s10 =	sld [smem:$0x3F5F]  }
0x39: {  	_ = 	snop;
	(pc) =	sbr.ind lr, $3  }
0x3a: {  	_ = 	snop  }
0x3b: {  	_ = 	snop  }
0x3c: {  	p2 =	seq.s32 s10, $0x1;
	s10 =	sld [smem:$0x3F5E]  }
0x3d: {  	_ =	shalt  }
0x3e: {  	_ =	shalt  }
0x3f: {  	_ =	shalt  }
0x40: {  	_ =	shalt  }
0x41: {  	_ =	shalt  }
0x42: {  	_ =	shalt  }
0x43: {  	_ =	shalt  }
0x44: {  	_ =	shalt  }
0x45: {  	_ =	shalt  }
0x46: {  	_ =	shalt  }
0x47: {  	_ =	shalt  }
0x48: {  	_ =	shalt  }
0x49: {  	_ =	shalt  }
0x4a: {  	_ =	shalt  }
0x4b: {  	_ =	shalt  }
0x4c: {  	_ =	shalt  }
0x4d: {  	_ =	shalt  }
0x4e: {  	_ =	shalt  }
0x4f: {  	_ =	shalt  }
0x50: {  	_ =	shalt  }
0x51: {  	_ =	shalt  }
0x52: {  	_ =	shalt  }
0x53: {  	_ =	shalt  }
0x54: {  	_ =	shalt  }
0x55: {  	_ =	shalt  }
0x56: {  	_ =	shalt  }
0x57: {  	_ =	shalt  }
0x58: {  	_ =	shalt  }
0x59: {  	_ =	shalt  }
0x5a: {  	_ =	shalt  }
0x5b: {  	_ =	shalt  }
0x5c: {  	_ =	shalt  }
0x5d: {  	_ =	shalt  }
0x5e: {  	_ =	shalt  }
0x5f: {  	_ =	shalt  }
0x60: {  	_ =	shalt  }
0x61: {  	_ =	shalt  }
0x62: {  	_ =	shalt  }
0x63: {  	_ =	shalt  }
0x64: {  	_ =	shalt  }
0x65: {  	_ =	shalt  }
0x66: {  	_ =	shalt  }
0x67: {  	_ =	shalt  }
0x68: {  	_ =	shalt  }
0x69: {  	_ =	shalt  }
0x6a: {  	_ =	shalt  }
0x6b: {  	_ =	shalt  }
0x6c: {  	_ =	shalt  }
0x6d: {  	_ =	shalt  }
0x6e: {  	_ =	shalt  }
0x6f: {  	_ =	shalt  }
0x70: {  	_ =	shalt  }
0x71: {  	_ =	shalt  }
0x72: {  	_ =	shalt  }
0x73: {  	_ =	shalt  }
0x74: {  	_ =	shalt  }
0x75: {  	_ =	shalt  }
0x76: {  	_ =	shalt  }
0x77: {  	_ =	shalt  }
0x78: {  	_ =	shalt  }
0x79: {  	_ =	shalt  }
0x7a: {  	_ =	shalt  }
0x7b: {  	_ =	shalt  }
0x7c: {  	_ =	shalt  }
0x7d: {  	_ =	shalt  }
0x7e: {  	_ =	shalt  }
0x7f: {  	_ =	shalt  }
0x80: {  	_ =	shalt  }
0x81: {  	_ =	shalt  }
0x82: {  	_ =	shalt  }
0x83: {  	_ =	shalt  }
0x84: {  	_ =	shalt  }
0x85: {  	_ =	shalt  }
0x86: {  	_ =	shalt  }
0x87: {  	_ =	shalt  }
.Lfunc_end0:
.L_simem_size_0:
called_computation.7_lowered:
.L_overlay_start_0:
0x88: {  	s2 =	sld [smem:$0x3FD9]  }
0x89: {  	s3 =	sld [smem:$0x3FFE];
	_ =	sdelay $0x1  }
0x8a: {  	s1 =	srdreg.scid  }
0x8b: {  	s0 =	sand.u32 $0x1, s1  }
0x8c: {  	s17 =	sshll.u32 s0, $0xA;
	s2 =	sadd.s32 s3, s2  }
0x8d: {  	s2 =	sadd.s32 s2, s17  }
0x8e: {  	[smem:$0x3F6A] =	sst s2  }
0x8f: {  	_ = 	snop  }
0x90: {  	s2 =	sld [smem:$0x3FD0];
	(tm) =	ssettm $0x1  }
0x91: {  	s18 =	sld [smem:$0x3FFB];
	_ =	sdelay $0x3  }
0x92: {  	_ =	strace s18  }
0x93: {  	s3 =	sld [smem:$0x3FFC];
	_ =	sdelay $0x3  }
0x94: {  	_ =	strace s3  }
0x95: {  	s3 =	sld [smem:$0x3FFD];
	_ =	sdelay $0x3  }
0x96: {  	_ =	strace s3  }
0x97: {  	_ =	strace $0x8FFFFFFF  }
0x98: {  	s19 =	sld [smem:$0x3FDB];
	_ =	sdelay $0x1  }
0x99: {  	s4 =	simm.s32 $_scs_section_size  }
0x9a: {  	s5 =	simm.s32 $_size__tile_overlayer_lowered;
	s6 =	simm.s32 $_tile_overlayer_lowered  }
0x9b: {  	s22 =	simm.s32 $0x1BFF;
	s21 =	sshll.u32 s6, $0x1;
	s3 =	sadd.s32 s4, s19  }
0x9c: {  	s7 =	simm.s32 $0x0;
	s20 =	sshll.u32 s5, $0x1;
	s5 =	sadd.s32 s21, s3  }
0x9d: {  	[timem:s7], [sflag:s22] =	dma.local [hbm:s5], s20  }
0x9e: {  	_ =	swait.ge [sflag:s22], s20  }
0x9f: {  	s4 =	ssub.s32 $0x0, s20;
	[sflag:s22] =	ssyncset.done $0x0  }
0xa0: {  	[sflag:s22] =	ssyncadd.s32 s4;
	_ =	sdelay $0x1  }
0xa1: {  	s23 =	simm.s32 $0x1B8B  }
0xa2: {  	_ =	swait.ge [sflag:s23], $0x1  }
0xa3: {  	[sflag:s23] =	ssyncset.done $0x0  }
0xa4: {  	s25 =	simm.s32 $0x1B8E;
	s24 =	sld [smem:$0x3FFE];
	[sflag:s23] =	ssyncadd.s32 $0xFFFFFFFF  }
0xa5: {  	s26 =	simm.s32 $execute0_lowered;
	[smem:$0x3FD2] =	sst s25  }
0xa6: {  	s5 =	sshll.u32 s26, $0x1;
	_ =	strace $0x8000005B;
	[dreg:$0x1] =	wrdreg $0xFFFFFFFF  }
0xa7: {  	s28 =	simm.s32 $_size_execute0_lowered;
	s3 =	sadd.s32 s3, s5;
	[dreg:$0x0] =	wrdreg $0x0  }
0xa8: {  	s5 =	sshll.u32 s28, $0x1;
	[dreg:$0x2] =	wrdreg s3  }
0xa9: {  	[dreg:$0x3] =	wrdreg s5  }
0xaa: {  	[dreg:$0x4] =	wrdreg $0xC0  }
0xab: {  	_ =	task [dreg:s7], $0x5FFFF  }
0xac: {  	[dreg:$0x1] =	wrdreg $0xFFFFFFFF  }
0xad: {  	[dreg:$0x0] =	wrdreg $0x60  }
0xae: {  	[dreg:$0x2] =	wrdreg s2  }
0xaf: {  	[dreg:$0x3] =	wrdreg s24  }
0xb0: {  	[dreg:$0x4] =	wrdreg $0x9  }
0xb1: {  	_ =	task.clear_ibuf [dreg:s7], $0x5FFFF;
	_ =	strace $0x9000005B  }
0xb2: {  	s29 =	simm.s32 $0x9;
	_ =	strace $0x8000005D  }
0xb3: {  	_ =	swait.ge [sflag:s29], $0x1  }
0xb4: {  	[sflag:s29] =	ssyncadd.s32 $0xFFFFFFFF  }
0xb5: {  	_ =	strace $0x9000005D  }
0xb6: {  	_ =	sfence  }
0xb7: {  	s30 =	sld [smem:$0x0];
	_ =	sdelay $0x2  }
0xb8: {  	s31 =	sshll.u32 s1, $0xD;
	s1 =	sshrl.u32 s1, $0x2  }
0xb9: {  	s3 =	sand.u32 $0x4000, s31;
	s1 =	sadd.s32 s1, s30  }
0xba: {  	s0 =	sor.u32 s3, s0;
	s1 =	sshll.u32 s1, $0x11  }
0xbb: {  	s0 =	sor.u32 s1, s0  }
0xbc: {  	s0 =	sadd.s32 $0x8F2B, s0  }
0xbd: {  	[sflag:s0] =	ssyncadd.remote.s32 $0x1  }
0xbe: {  	_ =	sfence.sel $0xFFFF  }
0xbf: {  	[dreg:$0x0] =	wrdreg $0xFFFFFFFF;
	(pc) =	sbr.abs _section_cstart, $3  }
0xc0: {  	[dreg:$0x1] =	wrdreg $0xFFFFFFFF  }
0xc1: {  	_ =	task.clear_ibuf [dreg:s7], $0x2FFFF;
	_ =	strace $0x9FFFFFFF  }
0xc2: {  	(tm) =	ssettm $0x7FFFFFFF  }
0xc3: {  	_ =	shalt  }
tec
execute0_lowered:
.L_overlay_start_1:
0x0: {  	(tag) =	ssettag $0x1  }
0x1: {  	s2 =	rddreg [dreg:$0x0];
	s0 =	srdreg.scid  }
0x2: {  	s4 =	rddreg [dreg:$0x1];
	s1 =	stileid.u32;
	s3 =	simm.s32 $0x0  }
0x3: {  	s8 =	simm.s32 $0x80;
	s9 =	simm.s32 $0x1;
	s10 =	simm.s32 $0x2000  }
0x4: {  	s11 =	simm.s32 $0x0;
	s5 =	sand.u32 $0x1, s0;
	s0 =	rddreg [dreg:$0x2]  }
0x5: {  	s6 =	sshll.u32 s1, $0xB;
	s7 =	sshll.u32 s5, $0xA;
	s5 =	ssub.s32 $0x2, s5  }
0x6: {  	[smem:$0x7FF] =	sst s3;
	s6 =	sor.u32 s7, s6;
	s30 =	sshrl.u32 s5, $0x1  }
0x7: {  	_ =	strace $0x8000005C;
	s4 =	sadd.s32 s4, s6;
	s31 =	ssub.s32 s5, s30  }
0x8: {  	s7 =	simm.s32 $0x2;
	s5 =	sadd.s32 $0x21C00, s4;
	s6 =	smax.u32 s31, $0x1  }
.LBB2_1:
0x9: {  	[tilespmem:s3], [sflag:$0x2] =	stream.linear.gather [hbm4b:s5+s3], $0x2000, $0x38;
	[tilespmem:$0x4000] =	vst v63  }
0xa: {  	_ =	swait.ge [sflag:s7], $0x2000  }
0xb: {  	[sflag:s7] =	ssyncset.done $0x0  }
0xc: {  	s12 =	simm.s32 $0x0;
	s13 =	simm.s32 $0x2000;
	[sflag:s7] =	ssyncadd.s32 $0xFFFFE000  }
0xd: {  	[tilespmem:s13], [sflag:$0x1] =	stream.indirect.gather [hbm4b:s2+s8], $0x1, s12, s8, $0xb8;
	[tilespmem:$0x4000] =	vst v63  }
0xe: {  	s12 =	simm.s32 $0x200;
	_ =	swait.ge [sflag:s9], $0x80  }
.LBB2_2:
0xf: {  	s13 =	sshra.s32 s12, $0x2;
	[sflag:s9] =	ssyncset.done $0x0;
	p0 =	sne.s32 s12, $0x7E00  }
.Ltmp0:
0x10: {  	s14 =	sadd.s32 $0x2000, s13;
	[sflag:s9] =	ssyncadd.s32 $0xFFFFFF80;
	(pc) =	sbr.rel @p0 .LBB2_2-.Ltmp0, $3  }
0x11: {  	[tilespmem:s14], [sflag:$0x1] =	stream.indirect.gather [hbm4b:s2+s8], $0x1, s13, s8, $0xb8;
	[tilespmem:$0x4000] =	vst v63  }
0x12: {  	s12 =	sadd.s32 $0x200, s12;
	_ =	sdelay $0x1  }
0x13: {  	_ =	swait.ge [sflag:s9], $0x80  }
0x14: {  	s11 =	sadd.s32 $0x1, s11  }
0x15: {  	[sflag:s9] =	ssyncset.done $0x0;
	p0 =	sne.s32 s11, s6  }
.Ltmp1:
0x16: {  	[sflag:s9] =	ssyncadd.s32 $0xFFFFFF80;
	(pc) =	sbr.rel @p0 .LBB2_1-.Ltmp1, $4  }
0x17: {  	[hbm4b:s4+s3] =	stream.linear.scatter [tilespmem:s10], [sflag:$0x2], $0x2000, $0x38;
	[tilespmem:$0x4000] =	vst v63  }
0x18: {  	_ =	swait.ge [sflag:s7], $0x2000  }
0x19: {  	[sflag:s7] =	ssyncset.done $0x0  }
0x1a: {  	[sflag:s7] =	ssyncadd.s32 $0xFFFFE000  }
0x1b: {  	_ =	sfence.sel $0x180000  }
0x1c: {  	[bflag:$0x0] =	sbarrier.arrive $0xFFFF  }
0x1d: {  	p0 =	sne.s32 s1, $0x0;
	_ =	strace $0x9000005C  }
0x1e: {  	s0 =	sadd.s32 @!p0 $0x100000, s0;
	[bflag:$0x2] =	sbarrier.arrive $0xFFFF  }
0x1f: {  	[sflag:s0] =	ssyncadd.tile.s32 @!p0 $0x1;
	_ =	shalt  }
.Lfunc_end2:
_tile_overlayer_lowered:
.L_overlay_start_2:
0x20: {  	(tag) =	ssettag $0x2  }
0x21: {  	s0 =	rddreg [dreg:$0x0];
	s2 =	stileid.u32  }
0x22: {  	s1 =	rddreg [dreg:$0x1];
	p0 =	sne.s32 s2, $0x0  }
0x23: {  	s3 =	rddreg [dreg:$0x2];
	[bflag:$0x3] =	sbarrier.arrive $0xFFFF;
	s2 =	simm.s32 @!p0 $0x1C02  }
0x24: {  	[timem:s3], [sflag:s2] =	dma.local @!p0 [hbm:s0], s1  }
0x25: {  	s0 =	simm.s32 @!p0 $0x2  }
0x26: {  	_ =	swait.ge @!p0 [sflag:s0], s1  }
0x27: {  	s1 =	ssub.s32 @!p0 $0x0, s1;
	[sflag:s0] =	ssyncset.done @!p0 $0x0  }
0x28: {  	[sflag:s0] =	ssyncadd.s32 @!p0 s1  }
0x29: {  	[bflag:$0x3] =	sbarrier.arrive $0xFFFF  }
0x2a: {  	_ =	shalt  }

// kernel: kernel.42.cloned.1.call-start
scs
__scs_entry_jumppad:
0x0: {  	(pc) =	sbr.rel $0x88, $3  }
0x1: {  	(tag) =	ssettag $0x0;
	lr =	simm.s32 $0x1  }
0x2: {  	[smem:$0x3F43] =	sst lr;
	_ =	strace $0xD0000000  }
0x3: {  	_ = 	snop  }
0x4: {  	_ = 	snop  }
0x5: {  	_ = 	snop  }
0x6: {  	_ = 	snop  }
0x7: {  	_ = 	snop  }
__scs_overlays_trampoline_lowered:
0x8: {  	[smem:$0x3F52] =	sst s0  }
0x9: {  	[smem:$0x3F53] =	sst s1  }
0xa: {  	[smem:$0x3F54] =	sst s2  }
0xb: {  	[smem:$0x3F55] =	sst s3  }
0xc: {  	[smem:$0x3F56] =	sst s4  }
0xd: {  	[smem:$0x3F57] =	sst s5  }
0xe: {  	[smem:$0x3F58] =	sst s6  }
0xf: {  	[smem:$0x3F59] =	sst s7  }
0x10: {  	[smem:$0x3F5A] =	sst s8  }
0x11: {  	[smem:$0x3F5B] =	sst s9;
	s0 =	simm.s32 @!p0 $0x0  }
0x12: {  	s1 =	sld [smem:$0x3F41];
	s0 =	simm.s32 @p0 $0x1  }
0x13: {  	[smem:$0x3F5C] =	sst s0;
	s0 =	simm.s32 @!p1 $0x0  }
0x14: {  	s2 =	sld [smem:$0x3F40];
	s0 =	simm.s32 @p1 $0x1  }
0x15: {  	[smem:$0x3F5D] =	sst s0;
	s0 =	simm.s32 @!p2 $0x0  }
0x16: {  	s3 =	sld [smem:$0x3FDB];
	s0 =	simm.s32 @p2 $0x1  }
0x17: {  	s4 =	simm.s32 $0x1BF5;
	[smem:$0x3F5F] =	sst s0  }
0x18: {  	s0 =	sld [smem:$0x3F42];
	_ =	swait.ge [sflag:s4], $0x0  }
0x19: {  	s7 =	sld [smem:$0x3F43]  }
0x1a: {  	s8 =	sadd.s32 $0xFFFFE003, lr  }
0x1b: {  	s9 =	sadd.s32 $0xFFFFFEF7, lr;
	s5 =	simm.s32 $0xFFFFFFFF;
	p2 =	slt.u32 s8, $0xFFFFF086  }
0x1c: {  	p1 =	slt.u32 s9, $0xF7A;
	s5 =	simm.s32 @!p2 $0x0  }
0x1d: {  	s5 =	simm.s32 @p1 $0x1;
	p0 =	seq.s32 s7, s2  }
0x1e: {  	s7 =	smul.u32 @!p0 $0xF7A, s2;
	p2 =	seq.s32 @!p0 s5, $0x0  }
0x1f: {  	s9 =	smul.u32 $0xF7A, s1;
	s8 =	simm.s32 @!p0 $0x1BF5;
	p2 =	por !p2, p0  }
0x20: {  	[sflag:s8] =	ssyncset.s32 @!p0 $0xFFFFF086;
	s6 =	sadd.s32 @!p0 s3, s7;
	s7 =	simm.s32 @!p0 $0x108  }
0x21: {  	s3 =	sadd.s32 s3, s9;
	s6 =	sadd.s32 @!p0 $0x88, s6;
	s7 =	simm.s32 @p2 $0x1082  }
0x22: {  	[simem:s7], [sflag:s8] =	dma.local @!p0 [hbm:s6], $0xF7A  }
0x23: {  	s9 =	sor.u32 $0xD0000000, s2;
	s6 =	simm.s32 $0x108;
	_ =	swait.ge @!p0 [sflag:s8], $0x0  }
0x24: {  	s3 =	sadd.s32 $0x88, s3;
	s6 =	simm.s32 @!p1 $0x1082;
	[sflag:s4] =	ssyncset.s32 $0xFFFFF086  }
0x25: {  	[simem:s6], [sflag:s4] =	dma.local [hbm:s3], $0xF7A  }
0x26: {  	[smem:$0x3F43] =	sst s1;
	(tag) =	ssettag s2;
	_ =	strace s9  }
0x27: {  	s1 =	sld [smem:$0x3F53]  }
0x28: {  	s2 =	sld [smem:$0x3F54]  }
0x29: {  	s4 =	sld [smem:$0x3F56]  }
0x2a: {  	p0 =	seq.s32 s5, $0x0;
	s5 =	sld [smem:$0x3F57]  }
0x2b: {  	s6 =	sld [smem:$0x3F58]  }
0x2c: {  	s7 =	sld [smem:$0x3F59]  }
0x2d: {  	s3 =	simm.s32 $0x108;
	s8 =	sld [smem:$0x3F5A]  }
0x2e: {  	s3 =	simm.s32 @!p0 $0x1082;
	s9 =	sld [smem:$0x3F5B]  }
0x2f: {  	lr =	sadd.s32 s0, s3;
	s0 =	sld [smem:$0x3F52]  }
0x30: {  	s3 =	sld [smem:$0x3F55]  }
0x31: {  	[smem:$0x3F5E] =	sst s10  }
0x32: {  	s10 =	sld [smem:$0x3F5C];
	_ =	sdelay $0x3  }
0x33: {  	p0 =	seq.s32 s10, $0x1;
	s10 =	sld [smem:$0x3F5E];
	_ =	sdelay $0x3  }
0x34: {  	[smem:$0x3F5E] =	sst s10  }
0x35: {  	s10 =	sld [smem:$0x3F5D];
	_ =	sdelay $0x3  }
0x36: {  	p1 =	seq.s32 s10, $0x1;
	s10 =	sld [smem:$0x3F5E];
	_ =	sdelay $0x3  }
0x37: {  	[smem:$0x3F5E] =	sst s10  }
0x38: {  	s10 =	sld [smem:$0x3F5F]  }
0x39: {  	_ = 	snop;
	(pc) =	sbr.ind lr, $3  }
0x3a: {  	_ = 	snop  }
0x3b: {  	_ = 	snop  }
0x3c: {  	p2 =	seq.s32 s10, $0x1;
	s10 =	sld [smem:$0x3F5E]  }
0x3d: {  	_ =	shalt  }
0x3e: {  	_ =	shalt  }
0x3f: {  	_ =	shalt  }
0x40: {  	_ =	shalt  }
0x41: {  	_ =	shalt  }
0x42: {  	_ =	shalt  }
0x43: {  	_ =	shalt  }
0x44: {  	_ =	shalt  }
0x45: {  	_ =	shalt  }
0x46: {  	_ =	shalt  }
0x47: {  	_ =	shalt  }
0x48: {  	_ =	shalt  }
0x49: {  	_ =	shalt  }
0x4a: {  	_ =	shalt  }
0x4b: {  	_ =	shalt  }
0x4c: {  	_ =	shalt  }
0x4d: {  	_ =	shalt  }
0x4e: {  	_ =	shalt  }
0x4f: {  	_ =	shalt  }
0x50: {  	_ =	shalt  }
0x51: {  	_ =	shalt  }
0x52: {  	_ =	shalt  }
0x53: {  	_ =	shalt  }
0x54: {  	_ =	shalt  }
0x55: {  	_ =	shalt  }
0x56: {  	_ =	shalt  }
0x57: {  	_ =	shalt  }
0x58: {  	_ =	shalt  }
0x59: {  	_ =	shalt  }
0x5a: {  	_ =	shalt  }
0x5b: {  	_ =	shalt  }
0x5c: {  	_ =	shalt  }
0x5d: {  	_ =	shalt  }
0x5e: {  	_ =	shalt  }
0x5f: {  	_ =	shalt  }
0x60: {  	_ =	shalt  }
0x61: {  	_ =	shalt  }
0x62: {  	_ =	shalt  }
0x63: {  	_ =	shalt  }
0x64: {  	_ =	shalt  }
0x65: {  	_ =	shalt  }
0x66: {  	_ =	shalt  }
0x67: {  	_ =	shalt  }
0x68: {  	_ =	shalt  }
0x69: {  	_ =	shalt  }
0x6a: {  	_ =	shalt  }
0x6b: {  	_ =	shalt  }
0x6c: {  	_ =	shalt  }
0x6d: {  	_ =	shalt  }
0x6e: {  	_ =	shalt  }
0x6f: {  	_ =	shalt  }
0x70: {  	_ =	shalt  }
0x71: {  	_ =	shalt  }
0x72: {  	_ =	shalt  }
0x73: {  	_ =	shalt  }
0x74: {  	_ =	shalt  }
0x75: {  	_ =	shalt  }
0x76: {  	_ =	shalt  }
0x77: {  	_ =	shalt  }
0x78: {  	_ =	shalt  }
0x79: {  	_ =	shalt  }
0x7a: {  	_ =	shalt  }
0x7b: {  	_ =	shalt  }
0x7c: {  	_ =	shalt  }
0x7d: {  	_ =	shalt  }
0x7e: {  	_ =	shalt  }
0x7f: {  	_ =	shalt  }
0x80: {  	_ =	shalt  }
0x81: {  	_ =	shalt  }
0x82: {  	_ =	shalt  }
0x83: {  	_ =	shalt  }
0x84: {  	_ =	shalt  }
0x85: {  	_ =	shalt  }
0x86: {  	_ =	shalt  }
0x87: {  	_ =	shalt  }
.Lfunc_end0:
.L_simem_size_0:
called_computation.8_lowered:
.L_overlay_start_0:
0x88: {  	s2 =	sld [smem:$0x3FD9]  }
0x89: {  	s3 =	sld [smem:$0x3FFE];
	_ =	sdelay $0x1  }
0x8a: {  	s1 =	srdreg.scid  }
0x8b: {  	s0 =	sand.u32 $0x1, s1  }
0x8c: {  	s17 =	sshll.u32 s0, $0xA;
	s2 =	sadd.s32 s3, s2  }
0x8d: {  	s2 =	sadd.s32 s2, s17  }
0x8e: {  	[smem:$0x3F6A] =	sst s2  }
0x8f: {  	_ = 	snop  }
0x90: {  	s2 =	sld [smem:$0x3FD0];
	(tm) =	ssettm $0x1  }
0x91: {  	s18 =	sld [smem:$0x3FFB];
	_ =	sdelay $0x3  }
0x92: {  	_ =	strace s18  }
0x93: {  	s3 =	sld [smem:$0x3FFC];
	_ =	sdelay $0x3  }
0x94: {  	_ =	strace s3  }
0x95: {  	s3 =	sld [smem:$0x3FFD];
	_ =	sdelay $0x3  }
0x96: {  	_ =	strace s3  }
0x97: {  	_ =	strace $0x8FFFFFFF  }
0x98: {  	s19 =	sld [smem:$0x3FDB];
	_ =	sdelay $0x1  }
0x99: {  	s4 =	simm.s32 $_scs_section_size  }
0x9a: {  	s5 =	simm.s32 $_size__tile_overlayer_lowered;
	s6 =	simm.s32 $_tile_overlayer_lowered  }
0x9b: {  	s22 =	simm.s32 $0x1BFF;
	s21 =	sshll.u32 s6, $0x1;
	s3 =	sadd.s32 s4, s19  }
0x9c: {  	s7 =	simm.s32 $0x0;
	s20 =	sshll.u32 s5, $0x1;
	s5 =	sadd.s32 s21, s3  }
0x9d: {  	[timem:s7], [sflag:s22] =	dma.local [hbm:s5], s20  }
0x9e: {  	_ =	swait.ge [sflag:s22], s20  }
0x9f: {  	s4 =	ssub.s32 $0x0, s20;
	[sflag:s22] =	ssyncset.done $0x0  }
0xa0: {  	[sflag:s22] =	ssyncadd.s32 s4;
	_ =	sdelay $0x1  }
0xa1: {  	s23 =	simm.s32 $0x1B8B  }
0xa2: {  	_ =	swait.ge [sflag:s23], $0x1  }
0xa3: {  	[sflag:s23] =	ssyncset.done $0x0  }
0xa4: {  	s25 =	simm.s32 $0x1B8E;
	s24 =	sld [smem:$0x3FFE];
	[sflag:s23] =	ssyncadd.s32 $0xFFFFFFFF  }
0xa5: {  	s26 =	simm.s32 $execute0_lowered;
	[smem:$0x3FD2] =	sst s25  }
0xa6: {  	s5 =	sshll.u32 s26, $0x1;
	_ =	strace $0x8000005E;
	[dreg:$0x1] =	wrdreg $0xFFFFFFFF  }
0xa7: {  	s28 =	simm.s32 $_size_execute0_lowered;
	s3 =	sadd.s32 s3, s5;
	[dreg:$0x0] =	wrdreg $0x0  }
0xa8: {  	s5 =	sshll.u32 s28, $0x1;
	[dreg:$0x2] =	wrdreg s3  }
0xa9: {  	[dreg:$0x3] =	wrdreg s5  }
0xaa: {  	[dreg:$0x4] =	wrdreg $0xC0  }
0xab: {  	_ =	task [dreg:s7], $0x5FFFF  }
0xac: {  	[dreg:$0x1] =	wrdreg $0xFFFFFFFF  }
0xad: {  	[dreg:$0x0] =	wrdreg $0x60  }
0xae: {  	[dreg:$0x2] =	wrdreg s2  }
0xaf: {  	[dreg:$0x3] =	wrdreg s24  }
0xb0: {  	[dreg:$0x4] =	wrdreg $0x9  }
0xb1: {  	_ =	task.clear_ibuf [dreg:s7], $0x5FFFF;
	_ =	strace $0x9000005E  }
0xb2: {  	s29 =	simm.s32 $0x9;
	_ =	strace $0x80000060  }
0xb3: {  	_ =	swait.ge [sflag:s29], $0x1  }
0xb4: {  	[sflag:s29] =	ssyncadd.s32 $0xFFFFFFFF  }
0xb5: {  	_ =	strace $0x90000060  }
0xb6: {  	_ =	sfence  }
0xb7: {  	s30 =	sld [smem:$0x0];
	_ =	sdelay $0x2  }
0xb8: {  	s31 =	sshll.u32 s1, $0xD;
	s1 =	sshrl.u32 s1, $0x2  }
0xb9: {  	s3 =	sand.u32 $0x4000, s31;
	s1 =	sadd.s32 s1, s30  }
0xba: {  	s0 =	sor.u32 s3, s0;
	s1 =	sshll.u32 s1, $0x11  }
0xbb: {  	s0 =	sor.u32 s1, s0  }
0xbc: {  	s0 =	sadd.s32 $0x8F2B, s0  }
0xbd: {  	[sflag:s0] =	ssyncadd.remote.s32 $0x1  }
0xbe: {  	_ =	sfence.sel $0xFFFF  }
0xbf: {  	[dreg:$0x0] =	wrdreg $0xFFFFFFFF;
	(pc) =	sbr.abs _section_cstart, $3  }
0xc0: {  	[dreg:$0x1] =	wrdreg $0xFFFFFFFF  }
0xc1: {  	_ =	task.clear_ibuf [dreg:s7], $0x2FFFF;
	_ =	strace $0x9FFFFFFF  }
0xc2: {  	(tm) =	ssettm $0x7FFFFFFF  }
0xc3: {  	_ =	shalt  }
tec
execute0_lowered:
.L_overlay_start_1:
0x0: {  	(tag) =	ssettag $0x1  }
0x1: {  	s2 =	rddreg [dreg:$0x0];
	s0 =	srdreg.scid  }
0x2: {  	s4 =	rddreg [dreg:$0x1];
	s1 =	stileid.u32;
	s3 =	simm.s32 $0x0  }
0x3: {  	s8 =	simm.s32 $0x80;
	s9 =	simm.s32 $0x1;
	s10 =	simm.s32 $0x2000  }
0x4: {  	s11 =	simm.s32 $0x0;
	s5 =	sand.u32 $0x1, s0;
	s0 =	rddreg [dreg:$0x2]  }
0x5: {  	s6 =	sshll.u32 s1, $0xB;
	s7 =	sshll.u32 s5, $0xA;
	s5 =	ssub.s32 $0x2, s5  }
0x6: {  	[smem:$0x7FF] =	sst s3;
	s6 =	sor.u32 s7, s6;
	s30 =	sshrl.u32 s5, $0x1  }
0x7: {  	_ =	strace $0x8000005F;
	s4 =	sadd.s32 s4, s6;
	s31 =	ssub.s32 s5, s30  }
0x8: {  	s7 =	simm.s32 $0x2;
	s5 =	sadd.s32 $0x21C00, s4;
	s6 =	smax.u32 s31, $0x1  }
.LBB2_1:
0x9: {  	[tilespmem:s3], [sflag:$0x2] =	stream.linear.gather [hbm4b:s5+s3], $0x2000, $0x38;
	[tilespmem:$0x4000] =	vst v63  }
0xa: {  	_ =	swait.ge [sflag:s7], $0x2000  }
0xb: {  	[sflag:s7] =	ssyncset.done $0x0  }
0xc: {  	s12 =	simm.s32 $0x0;
	s13 =	simm.s32 $0x2000;
	[sflag:s7] =	ssyncadd.s32 $0xFFFFE000  }
0xd: {  	[tilespmem:s13], [sflag:$0x1] =	stream.indirect.gather [hbm4b:s2+s8], $0x1, s12, s8, $0xb8;
	[tilespmem:$0x4000] =	vst v63  }
0xe: {  	s12 =	simm.s32 $0x200;
	_ =	swait.ge [sflag:s9], $0x80  }
.LBB2_2:
0xf: {  	s13 =	sshra.s32 s12, $0x2;
	[sflag:s9] =	ssyncset.done $0x0;
	p0 =	sne.s32 s12, $0x7E00  }
.Ltmp0:
0x10: {  	s14 =	sadd.s32 $0x2000, s13;
	[sflag:s9] =	ssyncadd.s32 $0xFFFFFF80;
	(pc) =	sbr.rel @p0 .LBB2_2-.Ltmp0, $3  }
0x11: {  	[tilespmem:s14], [sflag:$0x1] =	stream.indirect.gather [hbm4b:s2+s8], $0x1, s13, s8, $0xb8;
	[tilespmem:$0x4000] =	vst v63  }
0x12: {  	s12 =	sadd.s32 $0x200, s12;
	_ =	sdelay $0x1  }
0x13: {  	_ =	swait.ge [sflag:s9], $0x80  }
0x14: {  	s11 =	sadd.s32 $0x1, s11  }
0x15: {  	[sflag:s9] =	ssyncset.done $0x0;
	p0 =	sne.s32 s11, s6  }
.Ltmp1:
0x16: {  	[sflag:s9] =	ssyncadd.s32 $0xFFFFFF80;
	(pc) =	sbr.rel @p0 .LBB2_1-.Ltmp1, $4  }
0x17: {  	[hbm4b:s4+s3] =	stream.linear.scatter [tilespmem:s10], [sflag:$0x2], $0x2000, $0x38;
	[tilespmem:$0x4000] =	vst v63  }
0x18: {  	_ =	swait.ge [sflag:s7], $0x2000  }
0x19: {  	[sflag:s7] =	ssyncset.done $0x0  }
0x1a: {  	[sflag:s7] =	ssyncadd.s32 $0xFFFFE000  }
0x1b: {  	_ =	sfence.sel $0x180000  }
0x1c: {  	[bflag:$0x0] =	sbarrier.arrive $0xFFFF  }
0x1d: {  	p0 =	sne.s32 s1, $0x0;
	_ =	strace $0x9000005F  }
0x1e: {  	s0 =	sadd.s32 @!p0 $0x100000, s0;
	[bflag:$0x2] =	sbarrier.arrive $0xFFFF  }
0x1f: {  	[sflag:s0] =	ssyncadd.tile.s32 @!p0 $0x1;
	_ =	shalt  }
.Lfunc_end2:
_tile_overlayer_lowered:
.L_overlay_start_2:
0x20: {  	(tag) =	ssettag $0x2  }
0x21: {  	s0 =	rddreg [dreg:$0x0];
	s2 =	stileid.u32  }
0x22: {  	s1 =	rddreg [dreg:$0x1];
	p0 =	sne.s32 s2, $0x0  }
0x23: {  	s3 =	rddreg [dreg:$0x2];
	[bflag:$0x3] =	sbarrier.arrive $0xFFFF;
	s2 =	simm.s32 @!p0 $0x1C02  }
0x24: {  	[timem:s3], [sflag:s2] =	dma.local @!p0 [hbm:s0], s1  }
0x25: {  	s0 =	simm.s32 @!p0 $0x2  }
0x26: {  	_ =	swait.ge @!p0 [sflag:s0], s1  }
0x27: {  	s1 =	ssub.s32 @!p0 $0x0, s1;
	[sflag:s0] =	ssyncset.done @!p0 $0x0  }
0x28: {  	[sflag:s0] =	ssyncadd.s32 @!p0 s1  }
0x29: {  	[bflag:$0x3] =	sbarrier.arrive $0xFFFF  }
0x2a: {  	_ =	shalt  }

// kernel: kernel.45.cloned.1.call-start
scs
__scs_entry_jumppad:
0x0: {  	(pc) =	sbr.rel $0x88, $3  }
0x1: {  	(tag) =	ssettag $0x0;
	lr =	simm.s32 $0x1  }
0x2: {  	[smem:$0x3F43] =	sst lr;
	_ =	strace $0xD0000000  }
0x3: {  	_ = 	snop  }
0x4: {  	_ = 	snop  }
0x5: {  	_ = 	snop  }
0x6: {  	_ = 	snop  }
0x7: {  	_ = 	snop  }
__scs_overlays_trampoline_lowered:
0x8: {  	[smem:$0x3F52] =	sst s0  }
0x9: {  	[smem:$0x3F53] =	sst s1  }
0xa: {  	[smem:$0x3F54] =	sst s2  }
0xb: {  	[smem:$0x3F55] =	sst s3  }
0xc: {  	[smem:$0x3F56] =	sst s4  }
0xd: {  	[smem:$0x3F57] =	sst s5  }
0xe: {  	[smem:$0x3F58] =	sst s6  }
0xf: {  	[smem:$0x3F59] =	sst s7  }
0x10: {  	[smem:$0x3F5A] =	sst s8  }
0x11: {  	[smem:$0x3F5B] =	sst s9;
	s0 =	simm.s32 @!p0 $0x0  }
0x12: {  	s1 =	sld [smem:$0x3F41];
	s0 =	simm.s32 @p0 $0x1  }
0x13: {  	[smem:$0x3F5C] =	sst s0;
	s0 =	simm.s32 @!p1 $0x0  }
0x14: {  	s2 =	sld [smem:$0x3F40];
	s0 =	simm.s32 @p1 $0x1  }
0x15: {  	[smem:$0x3F5D] =	sst s0;
	s0 =	simm.s32 @!p2 $0x0  }
0x16: {  	s3 =	sld [smem:$0x3FDB];
	s0 =	simm.s32 @p2 $0x1  }
0x17: {  	s4 =	simm.s32 $0x1BF5;
	[smem:$0x3F5F] =	sst s0  }
0x18: {  	s0 =	sld [smem:$0x3F42];
	_ =	swait.ge [sflag:s4], $0x0  }
0x19: {  	s7 =	sld [smem:$0x3F43]  }
0x1a: {  	s8 =	sadd.s32 $0xFFFFE003, lr  }
0x1b: {  	s9 =	sadd.s32 $0xFFFFFEF7, lr;
	s5 =	simm.s32 $0xFFFFFFFF;
	p2 =	slt.u32 s8, $0xFFFFF086  }
0x1c: {  	p1 =	slt.u32 s9, $0xF7A;
	s5 =	simm.s32 @!p2 $0x0  }
0x1d: {  	s5 =	simm.s32 @p1 $0x1;
	p0 =	seq.s32 s7, s2  }
0x1e: {  	s7 =	smul.u32 @!p0 $0xF7A, s2;
	p2 =	seq.s32 @!p0 s5, $0x0  }
0x1f: {  	s9 =	smul.u32 $0xF7A, s1;
	s8 =	simm.s32 @!p0 $0x1BF5;
	p2 =	por !p2, p0  }
0x20: {  	[sflag:s8] =	ssyncset.s32 @!p0 $0xFFFFF086;
	s6 =	sadd.s32 @!p0 s3, s7;
	s7 =	simm.s32 @!p0 $0x108  }
0x21: {  	s3 =	sadd.s32 s3, s9;
	s6 =	sadd.s32 @!p0 $0x88, s6;
	s7 =	simm.s32 @p2 $0x1082  }
0x22: {  	[simem:s7], [sflag:s8] =	dma.local @!p0 [hbm:s6], $0xF7A  }
0x23: {  	s9 =	sor.u32 $0xD0000000, s2;
	s6 =	simm.s32 $0x108;
	_ =	swait.ge @!p0 [sflag:s8], $0x0  }
0x24: {  	s3 =	sadd.s32 $0x88, s3;
	s6 =	simm.s32 @!p1 $0x1082;
	[sflag:s4] =	ssyncset.s32 $0xFFFFF086  }
0x25: {  	[simem:s6], [sflag:s4] =	dma.local [hbm:s3], $0xF7A  }
0x26: {  	[smem:$0x3F43] =	sst s1;
	(tag) =	ssettag s2;
	_ =	strace s9  }
0x27: {  	s1 =	sld [smem:$0x3F53]  }
0x28: {  	s2 =	sld [smem:$0x3F54]  }
0x29: {  	s4 =	sld [smem:$0x3F56]  }
0x2a: {  	p0 =	seq.s32 s5, $0x0;
	s5 =	sld [smem:$0x3F57]  }
0x2b: {  	s6 =	sld [smem:$0x3F58]  }
0x2c: {  	s7 =	sld [smem:$0x3F59]  }
0x2d: {  	s3 =	simm.s32 $0x108;
	s8 =	sld [smem:$0x3F5A]  }
0x2e: {  	s3 =	simm.s32 @!p0 $0x1082;
	s9 =	sld [smem:$0x3F5B]  }
0x2f: {  	lr =	sadd.s32 s0, s3;
	s0 =	sld [smem:$0x3F52]  }
0x30: {  	s3 =	sld [smem:$0x3F55]  }
0x31: {  	[smem:$0x3F5E] =	sst s10  }
0x32: {  	s10 =	sld [smem:$0x3F5C];
	_ =	sdelay $0x3  }
0x33: {  	p0 =	seq.s32 s10, $0x1;
	s10 =	sld [smem:$0x3F5E];
	_ =	sdelay $0x3  }
0x34: {  	[smem:$0x3F5E] =	sst s10  }
0x35: {  	s10 =	sld [smem:$0x3F5D];
	_ =	sdelay $0x3  }
0x36: {  	p1 =	seq.s32 s10, $0x1;
	s10 =	sld [smem:$0x3F5E];
	_ =	sdelay $0x3  }
0x37: {  	[smem:$0x3F5E] =	sst s10  }
0x38: {  	s10 =	sld [smem:$0x3F5F]  }
0x39: {  	_ = 	snop;
	(pc) =	sbr.ind lr, $3  }
0x3a: {  	_ = 	snop  }
0x3b: {  	_ = 	snop  }
0x3c: {  	p2 =	seq.s32 s10, $0x1;
	s10 =	sld [smem:$0x3F5E]  }
0x3d: {  	_ =	shalt  }
0x3e: {  	_ =	shalt  }
0x3f: {  	_ =	shalt  }
0x40: {  	_ =	shalt  }
0x41: {  	_ =	shalt  }
0x42: {  	_ =	shalt  }
0x43: {  	_ =	shalt  }
0x44: {  	_ =	shalt  }
0x45: {  	_ =	shalt  }
0x46: {  	_ =	shalt  }
0x47: {  	_ =	shalt  }
0x48: {  	_ =	shalt  }
0x49: {  	_ =	shalt  }
0x4a: {  	_ =	shalt  }
0x4b: {  	_ =	shalt  }
0x4c: {  	_ =	shalt  }
0x4d: {  	_ =	shalt  }
0x4e: {  	_ =	shalt  }
0x4f: {  	_ =	shalt  }
0x50: {  	_ =	shalt  }
0x51: {  	_ =	shalt  }
0x52: {  	_ =	shalt  }
0x53: {  	_ =	shalt  }
0x54: {  	_ =	shalt  }
0x55: {  	_ =	shalt  }
0x56: {  	_ =	shalt  }
0x57: {  	_ =	shalt  }
0x58: {  	_ =	shalt  }
0x59: {  	_ =	shalt  }
0x5a: {  	_ =	shalt  }
0x5b: {  	_ =	shalt  }
0x5c: {  	_ =	shalt  }
0x5d: {  	_ =	shalt  }
0x5e: {  	_ =	shalt  }
0x5f: {  	_ =	shalt  }
0x60: {  	_ =	shalt  }
0x61: {  	_ =	shalt  }
0x62: {  	_ =	shalt  }
0x63: {  	_ =	shalt  }
0x64: {  	_ =	shalt  }
0x65: {  	_ =	shalt  }
0x66: {  	_ =	shalt  }
0x67: {  	_ =	shalt  }
0x68: {  	_ =	shalt  }
0x69: {  	_ =	shalt  }
0x6a: {  	_ =	shalt  }
0x6b: {  	_ =	shalt  }
0x6c: {  	_ =	shalt  }
0x6d: {  	_ =	shalt  }
0x6e: {  	_ =	shalt  }
0x6f: {  	_ =	shalt  }
0x70: {  	_ =	shalt  }
0x71: {  	_ =	shalt  }
0x72: {  	_ =	shalt  }
0x73: {  	_ =	shalt  }
0x74: {  	_ =	shalt  }
0x75: {  	_ =	shalt  }
0x76: {  	_ =	shalt  }
0x77: {  	_ =	shalt  }
0x78: {  	_ =	shalt  }
0x79: {  	_ =	shalt  }
0x7a: {  	_ =	shalt  }
0x7b: {  	_ =	shalt  }
0x7c: {  	_ =	shalt  }
0x7d: {  	_ =	shalt  }
0x7e: {  	_ =	shalt  }
0x7f: {  	_ =	shalt  }
0x80: {  	_ =	shalt  }
0x81: {  	_ =	shalt  }
0x82: {  	_ =	shalt  }
0x83: {  	_ =	shalt  }
0x84: {  	_ =	shalt  }
0x85: {  	_ =	shalt  }
0x86: {  	_ =	shalt  }
0x87: {  	_ =	shalt  }
.Lfunc_end0:
.L_simem_size_0:
called_computation.9_lowered:
.L_overlay_start_0:
0x88: {  	s2 =	sld [smem:$0x3FD9]  }
0x89: {  	s3 =	sld [smem:$0x3FFE];
	_ =	sdelay $0x1  }
0x8a: {  	s1 =	srdreg.scid  }
0x8b: {  	s0 =	sand.u32 $0x1, s1  }
0x8c: {  	s17 =	sshll.u32 s0, $0xA;
	s2 =	sadd.s32 s3, s2  }
0x8d: {  	s2 =	sadd.s32 s2, s17  }
0x8e: {  	[smem:$0x3F6A] =	sst s2  }
0x8f: {  	_ = 	snop  }
0x90: {  	s2 =	sld [smem:$0x3FD0];
	(tm) =	ssettm $0x1  }
0x91: {  	s18 =	sld [smem:$0x3FFB];
	_ =	sdelay $0x3  }
0x92: {  	_ =	strace s18  }
0x93: {  	s3 =	sld [smem:$0x3FFC];
	_ =	sdelay $0x3  }
0x94: {  	_ =	strace s3  }
0x95: {  	s3 =	sld [smem:$0x3FFD];
	_ =	sdelay $0x3  }
0x96: {  	_ =	strace s3  }
0x97: {  	_ =	strace $0x8FFFFFFF  }
0x98: {  	s19 =	sld [smem:$0x3FDB];
	_ =	sdelay $0x1  }
0x99: {  	s4 =	simm.s32 $_scs_section_size  }
0x9a: {  	s5 =	simm.s32 $_size__tile_overlayer_lowered;
	s6 =	simm.s32 $_tile_overlayer_lowered  }
0x9b: {  	s22 =	simm.s32 $0x1BFF;
	s21 =	sshll.u32 s6, $0x1;
	s3 =	sadd.s32 s4, s19  }
0x9c: {  	s7 =	simm.s32 $0x0;
	s20 =	sshll.u32 s5, $0x1;
	s5 =	sadd.s32 s21, s3  }
0x9d: {  	[timem:s7], [sflag:s22] =	dma.local [hbm:s5], s20  }
0x9e: {  	_ =	swait.ge [sflag:s22], s20  }
0x9f: {  	s4 =	ssub.s32 $0x0, s20;
	[sflag:s22] =	ssyncset.done $0x0  }
0xa0: {  	[sflag:s22] =	ssyncadd.s32 s4;
	_ =	sdelay $0x1  }
0xa1: {  	s23 =	simm.s32 $0x1B8B  }
0xa2: {  	_ =	swait.ge [sflag:s23], $0x1  }
0xa3: {  	[sflag:s23] =	ssyncset.done $0x0  }
0xa4: {  	s25 =	simm.s32 $0x1B8E;
	s24 =	sld [smem:$0x3FFE];
	[sflag:s23] =	ssyncadd.s32 $0xFFFFFFFF  }
0xa5: {  	s26 =	simm.s32 $execute0_lowered;
	[smem:$0x3FD2] =	sst s25  }
0xa6: {  	s5 =	sshll.u32 s26, $0x1;
	_ =	strace $0x80000061;
	[dreg:$0x1] =	wrdreg $0xFFFFFFFF  }
0xa7: {  	s28 =	simm.s32 $_size_execute0_lowered;
	s3 =	sadd.s32 s3, s5;
	[dreg:$0x0] =	wrdreg $0x0  }
0xa8: {  	s5 =	sshll.u32 s28, $0x1;
	[dreg:$0x2] =	wrdreg s3  }
0xa9: {  	[dreg:$0x3] =	wrdreg s5  }
0xaa: {  	[dreg:$0x4] =	wrdreg $0xC0  }
0xab: {  	_ =	task [dreg:s7], $0x5FFFF  }
0xac: {  	[dreg:$0x1] =	wrdreg $0xFFFFFFFF  }
0xad: {  	[dreg:$0x0] =	wrdreg $0x60  }
0xae: {  	[dreg:$0x2] =	wrdreg s2  }
0xaf: {  	[dreg:$0x3] =	wrdreg s24  }
0xb0: {  	[dreg:$0x4] =	wrdreg $0x9  }
0xb1: {  	_ =	task.clear_ibuf [dreg:s7], $0x5FFFF;
	_ =	strace $0x90000061  }
0xb2: {  	s29 =	simm.s32 $0x9;
	_ =	strace $0x80000063  }
0xb3: {  	_ =	swait.ge [sflag:s29], $0x1  }
0xb4: {  	[sflag:s29] =	ssyncadd.s32 $0xFFFFFFFF  }
0xb5: {  	_ =	strace $0x90000063  }
0xb6: {  	_ =	sfence  }
0xb7: {  	s30 =	sld [smem:$0x0];
	_ =	sdelay $0x2  }
0xb8: {  	s31 =	sshll.u32 s1, $0xD;
	s1 =	sshrl.u32 s1, $0x2  }
0xb9: {  	s3 =	sand.u32 $0x4000, s31;
	s1 =	sadd.s32 s1, s30  }
0xba: {  	s0 =	sor.u32 s3, s0;
	s1 =	sshll.u32 s1, $0x11  }
0xbb: {  	s0 =	sor.u32 s1, s0  }
0xbc: {  	s0 =	sadd.s32 $0x8F2B, s0  }
0xbd: {  	[sflag:s0] =	ssyncadd.remote.s32 $0x1  }
0xbe: {  	_ =	sfence.sel $0xFFFF  }
0xbf: {  	[dreg:$0x0] =	wrdreg $0xFFFFFFFF;
	(pc) =	sbr.abs _section_cstart, $3  }
0xc0: {  	[dreg:$0x1] =	wrdreg $0xFFFFFFFF  }
0xc1: {  	_ =	task.clear_ibuf [dreg:s7], $0x2FFFF;
	_ =	strace $0x9FFFFFFF  }
0xc2: {  	(tm) =	ssettm $0x7FFFFFFF  }
0xc3: {  	_ =	shalt  }
tec
execute0_lowered:
.L_overlay_start_1:
0x0: {  	(tag) =	ssettag $0x1  }
0x1: {  	s2 =	rddreg [dreg:$0x0];
	s0 =	srdreg.scid  }
0x2: {  	s4 =	rddreg [dreg:$0x1];
	s1 =	stileid.u32;
	s3 =	simm.s32 $0x0  }
0x3: {  	s8 =	simm.s32 $0x80;
	s9 =	simm.s32 $0x1;
	s10 =	simm.s32 $0x2000  }
0x4: {  	s11 =	simm.s32 $0x0;
	s5 =	sand.u32 $0x1, s0;
	s0 =	rddreg [dreg:$0x2]  }
0x5: {  	s6 =	sshll.u32 s1, $0xB;
	s7 =	sshll.u32 s5, $0xA;
	s5 =	ssub.s32 $0x2, s5  }
0x6: {  	[smem:$0x7FF] =	sst s3;
	s6 =	sor.u32 s7, s6;
	s30 =	sshrl.u32 s5, $0x1  }
0x7: {  	_ =	strace $0x80000062;
	s4 =	sadd.s32 s4, s6;
	s31 =	ssub.s32 s5, s30  }
0x8: {  	s7 =	simm.s32 $0x2;
	s5 =	sadd.s32 $0x21C00, s4;
	s6 =	smax.u32 s31, $0x1  }
.LBB2_1:
0x9: {  	[tilespmem:s3], [sflag:$0x2] =	stream.linear.gather [hbm4b:s5+s3], $0x2000, $0x38;
	[tilespmem:$0x4000] =	vst v63  }
0xa: {  	_ =	swait.ge [sflag:s7], $0x2000  }
0xb: {  	[sflag:s7] =	ssyncset.done $0x0  }
0xc: {  	s12 =	simm.s32 $0x0;
	s13 =	simm.s32 $0x2000;
	[sflag:s7] =	ssyncadd.s32 $0xFFFFE000  }
0xd: {  	[tilespmem:s13], [sflag:$0x1] =	stream.indirect.gather [hbm4b:s2+s8], $0x1, s12, s8, $0xb8;
	[tilespmem:$0x4000] =	vst v63  }
0xe: {  	s12 =	simm.s32 $0x200;
	_ =	swait.ge [sflag:s9], $0x80  }
.LBB2_2:
0xf: {  	s13 =	sshra.s32 s12, $0x2;
	[sflag:s9] =	ssyncset.done $0x0;
	p0 =	sne.s32 s12, $0x7E00  }
.Ltmp0:
0x10: {  	s14 =	sadd.s32 $0x2000, s13;
	[sflag:s9] =	ssyncadd.s32 $0xFFFFFF80;
	(pc) =	sbr.rel @p0 .LBB2_2-.Ltmp0, $3  }
0x11: {  	[tilespmem:s14], [sflag:$0x1] =	stream.indirect.gather [hbm4b:s2+s8], $0x1, s13, s8, $0xb8;
	[tilespmem:$0x4000] =	vst v63  }
0x12: {  	s12 =	sadd.s32 $0x200, s12;
	_ =	sdelay $0x1  }
0x13: {  	_ =	swait.ge [sflag:s9], $0x80  }
0x14: {  	s11 =	sadd.s32 $0x1, s11  }
0x15: {  	[sflag:s9] =	ssyncset.done $0x0;
	p0 =	sne.s32 s11, s6  }
.Ltmp1:
0x16: {  	[sflag:s9] =	ssyncadd.s32 $0xFFFFFF80;
	(pc) =	sbr.rel @p0 .LBB2_1-.Ltmp1, $4  }
0x17: {  	[hbm4b:s4+s3] =	stream.linear.scatter [tilespmem:s10], [sflag:$0x2], $0x2000, $0x38;
	[tilespmem:$0x4000] =	vst v63  }
0x18: {  	_ =	swait.ge [sflag:s7], $0x2000  }
0x19: {  	[sflag:s7] =	ssyncset.done $0x0  }
0x1a: {  	[sflag:s7] =	ssyncadd.s32 $0xFFFFE000  }
0x1b: {  	_ =	sfence.sel $0x180000  }
0x1c: {  	[bflag:$0x0] =	sbarrier.arrive $0xFFFF  }
0x1d: {  	p0 =	sne.s32 s1, $0x0;
	_ =	strace $0x90000062  }
0x1e: {  	s0 =	sadd.s32 @!p0 $0x100000, s0;
	[bflag:$0x2] =	sbarrier.arrive $0xFFFF  }
0x1f: {  	[sflag:s0] =	ssyncadd.tile.s32 @!p0 $0x1;
	_ =	shalt  }
.Lfunc_end2:
_tile_overlayer_lowered:
.L_overlay_start_2:
0x20: {  	(tag) =	ssettag $0x2  }
0x21: {  	s0 =	rddreg [dreg:$0x0];
	s2 =	stileid.u32  }
0x22: {  	s1 =	rddreg [dreg:$0x1];
	p0 =	sne.s32 s2, $0x0  }
0x23: {  	s3 =	rddreg [dreg:$0x2];
	[bflag:$0x3] =	sbarrier.arrive $0xFFFF;
	s2 =	simm.s32 @!p0 $0x1C02  }
0x24: {  	[timem:s3], [sflag:s2] =	dma.local @!p0 [hbm:s0], s1  }
0x25: {  	s0 =	simm.s32 @!p0 $0x2  }
0x26: {  	_ =	swait.ge @!p0 [sflag:s0], s1  }
0x27: {  	s1 =	ssub.s32 @!p0 $0x0, s1;
	[sflag:s0] =	ssyncset.done @!p0 $0x0  }
0x28: {  	[sflag:s0] =	ssyncadd.s32 @!p0 s1  }
0x29: {  	[bflag:$0x3] =	sbarrier.arrive $0xFFFF  }
0x2a: {  	_ =	shalt  }

// kernel: sparse-core-data-format-call.cloned.1.call-start
scs
called_computation_lowered:
.L_overlay_start_0:
0x0: {  	s1 =	sld [smem:$0x3FD9]  }
0x1: {  	s2 =	sld [smem:$0x3FFE];
	_ =	sdelay $0x1  }
0x2: {  	s3 =	srdreg.scid  }
0x3: {  	s0 =	sand.u32 $0x1, s3  }
0x4: {  	s17 =	sshll.u32 s0, $0xA;
	s1 =	sadd.s32 s2, s1  }
0x5: {  	s1 =	sadd.s32 s1, s17  }
0x6: {  	[smem:$0x3F6A] =	sst s1  }
0x7: {  	_ = 	snop  }
0x8: {  	(tm) =	ssettm $0x1  }
0x9: {  	s18 =	sld [smem:$0x3FFB];
	_ =	sdelay $0x3  }
0xa: {  	_ =	strace s18  }
0xb: {  	s1 =	sld [smem:$0x3FFC];
	_ =	sdelay $0x3  }
0xc: {  	_ =	strace s1  }
0xd: {  	s1 =	sld [smem:$0x3FFD];
	_ =	sdelay $0x3  }
0xe: {  	_ =	strace s1  }
0xf: {  	_ =	strace $0x8FFFFFFF  }
0x10: {  	s19 =	sld [smem:$0x3FDB];
	_ =	sdelay $0x1  }
0x11: {  	s20 =	simm.s32 $_scs_section_size  }
0x12: {  	s4 =	simm.s32 $_size__tile_overlayer_lowered;
	s5 =	simm.s32 $_tile_overlayer_lowered  }
0x13: {  	s23 =	simm.s32 $0x1BFF;
	s22 =	sshll.u32 s5, $0x1;
	s1 =	sadd.s32 s20, s19  }
0x14: {  	s6 =	simm.s32 $0x0;
	s21 =	sshll.u32 s4, $0x1;
	s4 =	sadd.s32 s22, s1  }
0x15: {  	[timem:s6], [sflag:s23] =	dma.local [hbm:s4], s21  }
0x16: {  	_ =	swait.ge [sflag:s23], s21  }
0x17: {  	s2 =	ssub.s32 $0x0, s21;
	[sflag:s23] =	ssyncset.done $0x0  }
0x18: {  	[sflag:s23] =	ssyncadd.s32 s2;
	_ =	sdelay $0x1  }
0x19: {  	s24 =	simm.s32 $0x1B8B  }
0x1a: {  	_ =	swait.ge [sflag:s24], $0x1  }
0x1b: {  	[sflag:s24] =	ssyncset.done $0x0  }
0x1c: {  	s26 =	simm.s32 $0x1B8E;
	s25 =	sld [smem:$0x3FFE];
	[sflag:s24] =	ssyncadd.s32 $0xFFFFFFFF  }
0x1d: {  	s27 =	simm.s32 $execute0_lowered;
	[smem:$0x3FD2] =	sst s26  }
0x1e: {  	s4 =	sshll.u32 s27, $0x1;
	_ =	strace $0x80000049;
	[dreg:$0x1] =	wrdreg $0xFFFFFFFF  }
0x1f: {  	s28 =	simm.s32 $_size_execute0_lowered;
	s1 =	sadd.s32 s1, s4;
	[dreg:$0x0] =	wrdreg $0x0  }
0x20: {  	s4 =	sshll.u32 s28, $0x1;
	[dreg:$0x2] =	wrdreg s1  }
0x21: {  	[dreg:$0x3] =	wrdreg s4  }
0x22: {  	[dreg:$0x4] =	wrdreg $0xC0  }
0x23: {  	_ =	task [dreg:s6], $0x5FFFF  }
0x24: {  	[dreg:$0x1] =	wrdreg $0xFFFFFFFF  }
0x25: {  	[dreg:$0x0] =	wrdreg $0x60  }
0x26: {  	[dreg:$0x2] =	wrdreg s25  }
0x27: {  	[dreg:$0x3] =	wrdreg $0x9  }
0x28: {  	_ =	task.clear_ibuf [dreg:s6], $0x4FFFF;
	_ =	strace $0x90000049  }
0x29: {  	s29 =	simm.s32 $0x9;
	_ =	strace $0x8000004B  }
0x2a: {  	_ =	swait.ge [sflag:s29], $0x1  }
0x2b: {  	[sflag:s29] =	ssyncadd.s32 $0xFFFFFFFF  }
0x2c: {  	_ =	strace $0x9000004B  }
0x2d: {  	_ =	sfence  }
0x2e: {  	s30 =	sld [smem:$0x0];
	_ =	sdelay $0x2  }
0x2f: {  	s31 =	sshll.u32 s3, $0xD;
	s3 =	sshrl.u32 s3, $0x2  }
0x30: {  	s2 =	sand.u32 $0x4000, s31;
	s1 =	sadd.s32 s3, s30  }
0x31: {  	s0 =	sor.u32 s2, s0;
	s1 =	sshll.u32 s1, $0x11  }
0x32: {  	s0 =	sor.u32 s1, s0  }
0x33: {  	s0 =	sadd.s32 $0x8F2B, s0  }
0x34: {  	[sflag:s0] =	ssyncadd.remote.s32 $0x1  }
0x35: {  	_ =	sfence.sel $0xFFFF  }
0x36: {  	[dreg:$0x0] =	wrdreg $0xFFFFFFFF;
	(pc) =	sbr.abs _section_cstart, $3  }
0x37: {  	[dreg:$0x1] =	wrdreg $0xFFFFFFFF  }
0x38: {  	_ =	task.clear_ibuf [dreg:s6], $0x2FFFF;
	_ =	strace $0x9FFFFFFF  }
0x39: {  	(tm) =	ssettm $0x7FFFFFFF  }
tec
execute0_lowered:
.L_overlay_start_1:
0x0: {  	(tag) =	ssettag $0x1  }
0x1: {  	s0 =	stileid.u32;
	s1 =	srdreg.scid  }
0x2: {  	s4 =	rddreg [dreg:$0x0];
	s7 =	simm.s32 $0x1;
	s31 =	simm.s32 $0x2  }
0x3: {  	s16 =	simm.s32 $0x0;
	s2 =	sshll.u32 s0, $0x5;
	s1 =	sshll.u32 s1, $0x9  }
0x4: {  	s9 =	simm.s32 $0x4000;
	s14 =	simm.s32 $0x0;
	s1 =	sor.u32 s2, s1  }
0x5: {  	s15 =	simm.s32 $0x0;
	s10 =	simm.s32 $0x0;
	s2 =	sand.u32 $0x380, s1  }
0x6: {  	s13 =	simm.s32 $0x0;
	s3 =	sadd.s32 $0x60E00, s4;
	s5 =	ssub.s32 $0x800, s2  }
0x7: {  	s4 =	sadd.s32 $0x260E00, s4;
	s1 =	rddreg [dreg:$0x1];
	s6 =	sand.u32 $0x380, s5  }
.Ltmp0:
0x8: {  	_ =	strace $0x8000004A;
	p0 =	sne.s32 s6, $0x0;
	(pc) =	sbr.rel .LBB1_1-.Ltmp0, $4  }
0x9: {  	s11 =	smov.u32 s2;
	s8 =	sshrl.u32 s5, $0xA;
	s7 =	simm.s32 @!p0 $0x0  }
0xa: {  	s5 =	sand.u32 $0x3, s0;
	s6 =	simm.s32 $0x1;
	s7 =	sadd.s32 s7, s8  }
0xb: {  	s12 =	smov.u32 s5;
	[sflag:s6] =	ssyncpa.u1 $0x0;
	s7 =	sshll.u32 s7, $0x4  }
0xc: {  	p0 =	por $0x0, $0x0;
	[sflag:s31] =	ssyncpa.u1 $0x0;
	s8 =	sor.u32 $0x1, s7  }
.LBB1_4:
0xd: {  	v5 =	vld [tilespmem:s19+$0xFFFFFFD0]  }
0xe: {  	[tilespmem:s20+$0x2040 ss:$0x81] =	vst.msk $0xffff, v1;
	v58 =	vld [tilespmem:s19+$0xFFFFFFE0]  }
0xf: {  	[tilespmem:s20+$0x2850 ss:$0x81] =	vst.msk $0xffff, v2;
	v59 =	vld [tilespmem:s19+$0xFFFFFFF0]  }
0x10: {  	s21 =	sshra.s32 s21, $0x2;
	[tilespmem:s20+$0x3060 ss:$0x81] =	vst.msk $0xffff, v3;
	v60 =	vld [tilespmem:s19+$0x0]  }
0x11: {  	[tilespmem:s20+$0x0 ss:$0x81] =	vst.msk $0xffff, v0;
	v61 =	vld [tilespmem:s19+$0x10];
	s18 =	sadd.s32 s21, s18  }
0x12: {  	s26 =	sshll.u32 s16, $0xB;
	v62 =	vld [tilespmem:s19+$0x20];
	[tilespmem:s18+$0x3870 ss:$0x81] =	vst.msk $0xffff, v4  }
0x13: {  	s27 =	sand.u32 $0x78, s14;
	s22 =	sshll.u32 s14, $0x3;
	v63 =	vld [tilespmem:s19+$0xFFFFFFC0];
	s29 =	sshll.u32 s16, $0x7;
	[tilespmem:s18+$0x810 ss:$0x81] =	vst.msk $0xffff, v5  }
0x14: {  	s15 =	sshll.u32 s15, $0x13;
	s20 =	sand.u32 $0x3FC000, s26;
	s28 =	sand.u32 $0x3FFC00, s22;
	[tilespmem:s18+$0x1020 ss:$0x81] =	vst.msk $0xffff, v58  }
0x15: {  	s31 =	sand.u32 $0x7, s14;
	s22 =	sand.u32 $0x400, s22;
	s19 =	sadd.s32 s28, s20;
	[tilespmem:s18+$0x1830 ss:$0x81] =	vst.msk $0xffff, v59  }
0x16: {  	s16 =	sand.u32 $0x380, s29;
	s30 =	sor.u32 s27, s22;
	s19 =	sshrl.u32 s19, $0x3;
	[tilespmem:s18+$0x2040 ss:$0x81] =	vst.msk $0xffff, v60  }
0x17: {  	s15 =	sadd.s32 s4, s15;
	s16 =	sor.u32 s16, s30;
	s19 =	sand.u32 $0x7FF00, s19;
	[tilespmem:s18+$0x2850 ss:$0x81] =	vst.msk $0xffff, v61  }
0x18: {  	s14 =	sshll.u32 s31, $0x12;
	s16 =	sshrl.u32 s16, $0x3;
	[tilespmem:s18+$0x3060 ss:$0x81] =	vst.msk $0xffff, v62;
	s15 =	sadd.s32 s19, s15  }
0x19: {  	s14 =	sor.u32 $0x400, s14;
	[tilespmem:s18+$0x0 ss:$0x81] =	vst.msk $0xffff, v63;
	s15 =	sadd.s32 s16, s15  }
0x1a: {  	[hbm4b:s15+s14] =	stream.strided.scatter [tilespmem:s17], [sflag:$0x2], $0x4000, s9, s14, $0x20;
	[tilespmem:$0x10100] =	vst v63  }
.LBB1_5:
0x1b: {  	s17 =	sadd.s32 $0x80, s10  }
0x1c: {  	s14 =	sadd.s32 $0x400, s11;
	s18 =	smov.u32 s11;
	p2 =	sgt.s32 s17, $0x7FF  }
0x1d: {  	s18 =	smov.u32 @p2 s14  }
0x1e: {  	s20 =	smov.u32 s12;
	s14 =	sadd.s32 $0x4, s12;
	p3 =	sgt.s32 s18, $0x7FF  }
0x1f: {  	s20 =	smov.u32 @p3 s14  }
0x20: {  	s17 =	simm.s32 @p2 $0x0;
	p2 =	sgt.s32 s20, $0x3  }
0x21: {  	p1 =	slt.u32 s13, $0x2;
	s20 =	smov.u32 @p2 s5;
	p2 =	sne.s32 s13, s8  }
.Ltmp1:
0x22: {  	s19 =	simm.s32 @!p1 $0x2;
	(pc) =	sbr.rel @!p2 .LBB1_6-.Ltmp1, $4  }
0x23: {  	s16 =	smov.u32 s10;
	s15 =	smov.u32 s12;
	_ =	swait.ge @!p1 [sflag:s19], $0x4000  }
0x24: {  	p0 =	por !p0, !p0;
	[sflag:s19] =	ssyncset.done @!p1 $0x0;
	s10 =	smov.u32 s17  }
0x25: {  	s18 =	smov.u32 @p3 s2;
	s14 =	smov.u32 s11;
	[sflag:s19] =	ssyncadd.s32 @!p1 $0xFFFFC000  }
0x26: {  	s11 =	smov.u32 s18;
	s13 =	sadd.s32 $0x1, s13;
	s12 =	smov.u32 s20  }
.LBB1_1:
0x27: {  	p1 =	sge.u32 s13, s7;
	s31 =	sadd.s32 $0xFFFFFFFF, s13  }
0x28: {  	s17 =	sxor.u32 @!p1 $0xFFFFFFFF, s13;
	s18 =	sand.u32 @!p1 $0x78, s10;
	s19 =	sshll.u32 @!p1 s11, $0xB  }
0x29: {  	s20 =	sshll.u32 @!p1 s11, $0x7;
	s21 =	sshll.u32 @!p1 s10, $0x3;
	s17 =	sshll.u32 @!p1 s17, $0xE  }
0x2a: {  	s19 =	sand.u32 @!p1 $0x3FC000, s19;
	s20 =	sand.u32 @!p1 $0x380, s20;
	s17 =	sand.u32 @!p1 $0x4000, s17  }
0x2b: {  	s19 =	sadd.s32 @!p1 s19, s21;
	s21 =	sand.u32 @!p1 $0x400, s21;
	s18 =	sor.u32 @!p1 s20, s18  }
0x2c: {  	s20 =	sshll.u32 @!p1 s12, $0x13;
	s18 =	sor.u32 @!p1 s21, s18;
	s19 =	sshrl.u32 @!p1 s19, $0x3  }
0x2d: {  	s20 =	sadd.s32 @!p1 s3, s20;
	s21 =	sand.u32 @!p1 $0x7, s10;
	s19 =	sand.u32 @!p1 $0x7FF00, s19  }
0x2e: {  	s18 =	sshrl.u32 @!p1 s18, $0x3;
	s19 =	sadd.s32 @!p1 s19, s20;
	s20 =	sshll.u32 @!p1 s21, $0x12  }
0x2f: {  	s18 =	sadd.s32 @!p1 s18, s19;
	s19 =	sor.u32 @!p1 $0x400, s20;
	s20 =	simm.s32 @!p1 $0x4000  }
0x30: {  	[tilespmem:s17], [sflag:$0x1] =	stream.strided.gather @!p1 [hbm4b:s18+s19], $0x4000, s20, s19, $0x38;
	[tilespmem:$0x10100] =	vst v63  }
0x31: {  	p1 =	sge.u32 s31, s7  }
.Ltmp2:
0x32: {  	_ = 	snop;
	(pc) =	sbr.rel @p1 .LBB1_5-.Ltmp2, $1  }
0x33: {  	_ =	sdelay $0x3  }
0x34: {  	s17 =	simm.s32 $0x1  }
0x35: {  	_ =	swait.ge [sflag:s6], $0x4000;
	s17 =	simm.s32 @!p0 $0x0  }
0x36: {  	[sflag:s6] =	ssyncset.done $0x0;
	s18 =	sshll.u32 s17, $0xE  }
0x37: {  	[sflag:s6] =	ssyncadd.s32 $0xFFFFC000;
	s19 =	sor.u32 $0x40, s18  }
0x38: {  	s17 =	smul.u32 $0x10200, s17;
	v0 =	vld [tilespmem:s19+$0x30]  }
0x39: {  	v3 =	vld [tilespmem:s19+$0xFFFFFFD0]  }
0x3a: {  	s17 =	sshrl.u32 s17, $0x2;
	v4 =	vld [tilespmem:s19+$0xFFFFFFE0]  }
0x3b: {  	v5 =	vld [tilespmem:s19+$0xFFFFFFF0];
	s18 =	sor.u32 $0x8000, s17  }
0x3c: {  	s31 =	sand.u32 $0x1, s13;
	v1 =	vld [tilespmem:s19+$0x0];
	s20 =	sadd.s32 $0x0, s18  }
0x3d: {  	v2 =	vld [tilespmem:s19+$0x10];
	s17 =	smul.u32 $0x10200, s31;
	[tilespmem:s20+$0x3870 ss:$0x81] =	vst.msk $0xffff, v0  }
0x3e: {  	[tilespmem:s20+$0x810 ss:$0x81] =	vst.msk $0xffff, v3;
	v3 =	vld [tilespmem:s19+$0x20]  }
0x3f: {  	s17 =	sshrl.u32 s17, $0x2;
	v0 =	vld [tilespmem:s19+$0xFFFFFFC0];
	[tilespmem:s20+$0x1020 ss:$0x81] =	vst.msk $0xffff, v4;
	s19 =	sadd.s32 $0x80, s19  }
0x40: {  	s21 =	simm.s32 $0x4;
	s22 =	simm.s32 $0x8;
	s17 =	sor.u32 $0x8000, s17;
	[tilespmem:s20+$0x1830 ss:$0x81] =	vst.msk $0xffff, v5;
	v4 =	vld [tilespmem:s19+$0x30]  }
.LBB1_3:
0x41: {  	p1 =	sne.s32 s22, $0x1FC;
	v5 =	vld [tilespmem:s19+$0xFFFFFFD0];
	[tilespmem:s20+$0x2040 ss:$0x81] =	vst.msk $0xffff, v1  }
0x42: {  	v6 =	vld [tilespmem:s19+$0xFFFFFFE0];
	[tilespmem:s20+$0x2850 ss:$0x81] =	vst.msk $0xffff, v2  }
0x43: {  	s23 =	sshra.s32 s21, $0x2;
	s21 =	smov.u32 s22;
	v7 =	vld [tilespmem:s19+$0xFFFFFFF0];
	[tilespmem:s20+$0x3060 ss:$0x81] =	vst.msk $0xffff, v3  }
.Ltmp3:
0x44: {  	v1 =	vld [tilespmem:s19+$0x0];
	[tilespmem:s20+$0x0 ss:$0x81] =	vst.msk $0xffff, v0;
	s20 =	sadd.s32 s23, s18;
	(pc) =	sbr.rel @p1 .LBB1_3-.Ltmp3, $4  }
0x45: {  	v2 =	vld [tilespmem:s19+$0x10];
	[tilespmem:s20+$0x3870 ss:$0x81] =	vst.msk $0xffff, v4  }
0x46: {  	[tilespmem:s20+$0x810 ss:$0x81] =	vst.msk $0xffff, v5;
	v3 =	vld [tilespmem:s19+$0x20]  }
0x47: {  	v0 =	vld [tilespmem:s19+$0xFFFFFFC0];
	[tilespmem:s20+$0x1020 ss:$0x81] =	vst.msk $0xffff, v6;
	s19 =	sadd.s32 $0x80, s19  }
0x48: {  	s22 =	sadd.s32 $0x4, s22;
	v4 =	vld [tilespmem:s19+$0x30];
	[tilespmem:s20+$0x1830 ss:$0x81] =	vst.msk $0xffff, v7  }
.Ltmp4:
0x49: {  	_ = 	snop;
	(pc) =	sbr.rel .LBB1_4-.Ltmp4, $1  }
0x4a: {  	_ =	sdelay $0x3  }
.LBB1_6:
0x4b: {  	_ =	sfence.sel $0x180000  }
0x4c: {  	s2 =	simm.s32 $0x1;
	[bflag:$0x0] =	sbarrier.arrive $0xFFFF  }
0x4d: {  	s31 =	simm.s32 $0x2;
	[sflag:s2] =	ssyncpa.u1 $0x1  }
0x4e: {  	[sflag:s31] =	ssyncpa.u1 $0x1  }
0x4f: {  	p0 =	sne.s32 s0, $0x0;
	_ =	strace $0x9000004A  }
0x50: {  	s0 =	sadd.s32 @!p0 $0x100000, s1;
	[bflag:$0x2] =	sbarrier.arrive $0xFFFF  }
0x51: {  	[sflag:s0] =	ssyncadd.tile.s32 @!p0 $0x1;
	_ =	shalt  }
.Lfunc_end1:
_tile_overlayer_lowered:
.L_overlay_start_2:
0x52: {  	(tag) =	ssettag $0x2  }
0x53: {  	s0 =	rddreg [dreg:$0x0];
	s2 =	stileid.u32  }
0x54: {  	s1 =	rddreg [dreg:$0x1];
	p0 =	sne.s32 s2, $0x0  }
0x55: {  	s3 =	rddreg [dreg:$0x2];
	[bflag:$0x3] =	sbarrier.arrive $0xFFFF;
	s2 =	simm.s32 @!p0 $0x1C01  }
0x56: {  	[timem:s3], [sflag:s2] =	dma.local @!p0 [hbm:s0], s1  }
0x57: {  	s0 =	simm.s32 @!p0 $0x1  }
0x58: {  	_ =	swait.ge @!p0 [sflag:s0], s1  }
0x59: {  	s1 =	ssub.s32 @!p0 $0x0, s1;
	[sflag:s0] =	ssyncset.done @!p0 $0x0  }
0x5a: {  	[sflag:s0] =	ssyncadd.s32 @!p0 s1  }
0x5b: {  	[bflag:$0x3] =	sbarrier.arrive $0xFFFF  }
0x5c: {  	_ =	shalt  }

</sc_bundles>
